<compile_context>
chip_gen: v7x
topology: tpu7x:2x2x1
jax: 0.10.2.dev20260603
libtpu: 0.0.44.dev20260713+nightly
codegen_flags: <defaults>
</compile_context>

<pallas_src>
import functools
import jax, jax.numpy as jnp
from jax import lax
from jax.experimental import pallas as pl
from jax.experimental.pallas import tpu as pltpu
from jax.experimental.pallas import tpu_sc as plsc

N, E, G, HEADS = 10000, 320000, 64, 8
LAT = [32, 32, 32]
NP = 10112
C2 = 4096
C1 = 98304
S1CAP = C2 - G + G
SNP1 = 4224
SNP2 = 128
NC, NS = 2, 16
NW = NC * NS
EPW = E // NW
ROWS_T = NP // NS

_mesh = functools.partial(plsc.VectorSubcoreMesh,
                          core_axis_name="c", subcore_axis_name="s")


def _worker():
    c = lax.axis_index("c")
    t = lax.axis_index("s")
    return c, t, c * NS + t


DCH = 200

@functools.partial(
    pl.kernel, mesh=_mesh(),
    out_type=jax.ShapeDtypeStruct((NC * NP, 128), jnp.float32),
    scratch_types=[pltpu.VMEM((DCH,), jnp.int32),
                   pltpu.VMEM((DCH, 128), jnp.float32),
                   pltpu.VMEM_SHARED((NP, 128), jnp.float32)],
)
def _k_deg(d_hbm, ones_hbm, zeros_hbm, out_hbm, didx_v, ones_v, acc_sh):
    c, t, w = _worker()
    pltpu.sync_copy(zeros_hbm.at[pl.ds(t * ROWS_T, ROWS_T)],
                    acc_sh.at[pl.ds(t * ROWS_T, ROWS_T)])
    pltpu.sync_copy(ones_hbm, ones_v)
    plsc.subcore_barrier()
    base = w * EPW

    def chunk(i, carry):
        pltpu.sync_copy(d_hbm.at[pl.ds(base + i * DCH, DCH)], didx_v)
        pltpu.sync_copy(ones_v, acc_sh.at[didx_v], add=True)
        return carry

    lax.fori_loop(0, EPW // DCH, chunk, 0)
    plsc.subcore_barrier()
    pltpu.sync_copy(acc_sh.at[pl.ds(t * ROWS_T, ROWS_T)],
                    out_hbm.at[pl.ds(c * NP + t * ROWS_T, ROWS_T)])


GCH = 200

@functools.partial(
    pl.kernel, mesh=_mesh(),
    out_type=jax.ShapeDtypeStruct((NC * NP, 128), jnp.float32),
    scratch_types=[pltpu.VMEM((GCH,), jnp.int32),
                   pltpu.VMEM((GCH,), jnp.int32),
                   pltpu.VMEM((GCH, 128), jnp.float32),
                   pltpu.VMEM_SHARED((NP, 128), jnp.float32),
                   pltpu.SemaphoreType.DMA],
)
def _k_gcn(s_hbm, d_hbm, xwd_hbm, zeros_hbm, out_hbm,
           sidx_v, didx_v, rows_v, acc_sh, sem):
    c, t, w = _worker()
    sl = pl.ds(t * ROWS_T, ROWS_T)
    pltpu.sync_copy(zeros_hbm.at[sl], acc_sh.at[sl])
    plsc.subcore_barrier()
    base = w * EPW

    def chunk(i, carry):
        pltpu.sync_copy(s_hbm.at[pl.ds(base + i * GCH, GCH)], sidx_v)
        pltpu.async_copy(xwd_hbm.at[sidx_v], rows_v, sem).wait()
        pltpu.sync_copy(d_hbm.at[pl.ds(base + i * GCH, GCH)], didx_v)
        pltpu.sync_copy(rows_v, acc_sh.at[didx_v], add=True)
        return carry

    lax.fori_loop(0, EPW // GCH, chunk, 0)
    plsc.subcore_barrier()
    pltpu.sync_copy(acc_sh.at[sl],
                    out_hbm.at[pl.ds(c * NP + t * ROWS_T, ROWS_T)])


def _make_gat(CE, SNP, HROWS, CH):
    EPT = CE // NS
    DRT = SNP // NS

    @functools.partial(
        pl.kernel, mesh=_mesh(),
        out_type=jax.ShapeDtypeStruct((NC * SNP, 128), jnp.float32),
        scratch_types=[pltpu.VMEM((CH,), jnp.int32),
                       pltpu.VMEM((CH,), jnp.int32),
                       pltpu.VMEM((CH,), jnp.int32),
                       pltpu.VMEM((CH, 128), jnp.float32),
                       pltpu.VMEM((CH, 128), jnp.float32),
                       pltpu.VMEM((CH, 128), jnp.float32),
                       pltpu.VMEM((CH, 128), jnp.float32),
                       pltpu.VMEM((CH, 128), jnp.float32),
                       pltpu.VMEM((16, 128), jnp.float32),
                       pltpu.VMEM_SHARED((SNP, 128), jnp.float32),
                       pltpu.VMEM_SHARED((SNP, 128), jnp.float32),
                       pltpu.SemaphoreType.DMA],
    )
    def k(s_hbm, dc_hbm, asb_hbm, adb_hbm, mb_hbm, h_hbm, z128_hbm,
          num_hbm,
          sidx_v, dcidx_v, aidx_v, asg_v, adg_v, exb_v,
          deng_v, hg_v, mb_v, den_sh, num_sh, sem):
        c, t, w = _worker()
        sl0 = pl.ds(t * DRT, DRT)
        pltpu.sync_copy(z128_hbm.at[sl0], den_sh.at[sl0])
        pltpu.sync_copy(z128_hbm.at[sl0], num_sh.at[sl0])
        ci = jnp.broadcast_to(c, (16,)).astype(jnp.int32)
        pltpu.async_copy(mb_hbm.at[ci], mb_v, sem).wait()
        plsc.subcore_barrier()
        mb = [mb_v[0, pl.ds(kk * 16, 16)] for kk in range(8)]
        base0 = t * EPT

        def adj_src(j, carry2):
            sl = pl.ds(j * 16, 16)
            aidx_v[sl] = sidx_v[sl] + c * HROWS
            return carry2

        def adj_dst(j, carry2):
            sl = pl.ds(j * 16, 16)
            aidx_v[sl] = dcidx_v[sl] + c * SNP
            return carry2

        def pass_a(i, carry):
            b = base0 + i * CH
            pltpu.sync_copy(s_hbm.at[pl.ds(b, CH)], sidx_v)
            pltpu.sync_copy(dc_hbm.at[pl.ds(b, CH)], dcidx_v)
            lax.fori_loop(0, CH // 16, adj_src, 0)
            pltpu.async_copy(asb_hbm.at[aidx_v], asg_v, sem).wait()
            lax.fori_loop(0, CH // 16, adj_dst, 0)
            pltpu.async_copy(adb_hbm.at[aidx_v], adg_v, sem).wait()

            def row(e, carry2):
                for kk in range(8):
                    csl = pl.ds(kk * 16, 16)
                    v = asg_v[e, csl] + adg_v[e, csl]
                    v = jnp.maximum(v, 0.2 * v)
                    exb_v[e, csl] = jnp.exp(v - mb[kk])
                return carry2

            lax.fori_loop(0, CH, row, 0)
            pltpu.sync_copy(exb_v, den_sh.at[dcidx_v], add=True)
            return carry

        lax.fori_loop(0, EPT // CH, pass_a, 0)
        plsc.subcore_barrier()

        def pass_b(i, carry):
            b = base0 + i * CH
            pltpu.sync_copy(s_hbm.at[pl.ds(b, CH)], sidx_v)
            pltpu.sync_copy(dc_hbm.at[pl.ds(b, CH)], dcidx_v)
            lax.fori_loop(0, CH // 16, adj_src, 0)
            pltpu.async_copy(h_hbm.at[aidx_v], hg_v, sem).wait()
            pltpu.async_copy(asb_hbm.at[aidx_v], asg_v, sem).wait()
            lax.fori_loop(0, CH // 16, adj_dst, 0)
            pltpu.async_copy(adb_hbm.at[aidx_v], adg_v, sem).wait()
            pltpu.sync_copy(den_sh.at[dcidx_v], deng_v)

            def row(e, carry2):
                for kk in range(8):
                    csl = pl.ds(kk * 16, 16)
                    v = asg_v[e, csl] + adg_v[e, csl]
                    v = jnp.maximum(v, 0.2 * v)
                    ex = jnp.exp(v - mb[kk])
                    al = ex / (deng_v[e, csl] + 1e-16)
                    hg_v[e, csl] = hg_v[e, csl] * al
                return carry2

            lax.fori_loop(0, CH, row, 0)
            pltpu.sync_copy(hg_v, num_sh.at[dcidx_v], add=True)
            return carry

        lax.fori_loop(0, EPT // CH, pass_b, 0)
        plsc.subcore_barrier()
        pltpu.sync_copy(num_sh.at[sl0],
                        num_hbm.at[pl.ds(c * SNP + t * DRT, DRT)])

    return k


_k_gat1 = _make_gat(C1, SNP1, NP, 64)
_k_gat2 = _make_gat(C2, SNP2, SNP1, 64)


def _core_rep(a):
    return jnp.concatenate(
        [jnp.repeat(a[:, :4], 32, axis=1), jnp.repeat(a[:, 4:], 32, axis=1)], 0)


def _expand_att(a):
    ch = a.shape[1]
    eye = jnp.eye(HEADS, dtype=a.dtype)
    return (a[:, :, None] * eye[:, None, :]).reshape(HEADS * ch, HEADS)


def kernel(x, edge_index, batch, y, W_gcn, b_gcn, W1, as1, ad1, b1g, W2, as2, ad2, b2g, Wl1, bl1, Wl2, bl2):
    src, dst = edge_index[0], edge_index[1]
    ones128 = jnp.ones((DCH, 128), jnp.float32)
    zeros128n = jnp.zeros((NP, 128), jnp.float32)

    deg_p = _k_deg(dst, ones128, zeros128n)
    deg = deg_p[:NP, 0] + deg_p[NP:, 0] + 1.0
    dinv = deg ** -0.5
    xw = x @ W_gcn
    xwp = jnp.zeros((NP, 32), jnp.float32).at[:N].set(xw)
    xwd = xwp * dinv[:, None]
    xwd128 = jnp.zeros((NP, 128), jnp.float32).at[:, :32].set(xwd)
    agg_p = _k_gcn(src, dst, xwd128, zeros128n)
    agg = agg_p[:NP, :32] + agg_p[NP:, :32] + xwd
    x1 = jax.nn.elu(dinv[:, None] * agg + b_gcn)

    idx = jnp.searchsorted(batch, jnp.arange(G, dtype=batch.dtype)).astype(jnp.int32)
    mark0 = jnp.zeros(N, bool).at[idx].set(True)
    sel2 = mark0[dst]
    e2 = jnp.nonzero(sel2, size=C2 - G, fill_value=E)[0]
    v2 = e2 < E
    e2c = jnp.minimum(e2, E - 1)
    s2o = jnp.where(v2, src[e2c], 0).astype(jnp.int32)
    d2o = jnp.where(v2, dst[e2c], N).astype(jnp.int32)
    s2o = jnp.concatenate([s2o, idx])
    d2o = jnp.concatenate([d2o, idx])
    mark1 = mark0.at[jnp.where(v2, s2o[:C2 - G], N)].set(True, mode="drop")
    sel1 = mark1[dst]
    e1 = jnp.nonzero(sel1, size=C1 - S1CAP, fill_value=E)[0]
    v1 = e1 < E
    e1c = jnp.minimum(e1, E - 1)
    s1o = jnp.where(v1, src[e1c], 0).astype(jnp.int32)
    d1o = jnp.where(v1, dst[e1c], N).astype(jnp.int32)
    n1 = jnp.nonzero(mark1, size=S1CAP, fill_value=N)[0].astype(jnp.int32)
    nv1 = n1 < N
    n1c = jnp.where(nv1, n1, 0)
    s1o = jnp.concatenate([s1o, n1c])
    d1o = jnp.concatenate([d1o, jnp.where(nv1, n1, N)])
    d1c = jnp.searchsorted(n1, d1o).astype(jnp.int32)
    s2c = jnp.searchsorted(n1, jnp.minimum(s2o, N - 1)).astype(jnp.int32)
    d2c = jnp.searchsorted(idx, d2o).astype(jnp.int32)

    h1 = x1 @ W1
    a_s1 = h1 @ _expand_att(as1)
    a_d1 = h1 @ _expand_att(ad1)
    M1 = a_s1.max(0) + a_d1.max(0)
    asb1 = _core_rep(a_s1)
    ad1t = jnp.zeros((SNP1, 8), jnp.float32).at[:S1CAP].set(a_d1[n1c])
    adb1 = _core_rep(ad1t)
    mb1 = _core_rep(M1[None, :])
    hcat1 = jnp.concatenate([h1[:, :128], h1[:, 128:]], 0)
    z128a = jnp.zeros((SNP1, 128), jnp.float32)
    num1 = _k_gat1(s1o, d1c, asb1, adb1, mb1, hcat1, z128a)
    x2c = jax.nn.elu(jnp.concatenate([num1[:SNP1], num1[SNP1:]], 1) + b1g)

    h2 = x2c @ W2
    a_s2 = h2 @ _expand_att(as2)
    a_d2 = h2 @ _expand_att(ad2)
    idx_c = jnp.searchsorted(n1, idx).astype(jnp.int32)
    ns1 = jnp.sum(nv1)
    vrow = (jnp.arange(SNP1) < ns1)[:, None]
    M2 = jnp.where(vrow, a_s2, -jnp.inf).max(0) + a_d2[idx_c].max(0)
    asb2 = _core_rep(a_s2)
    ad2t = jnp.zeros((SNP2, 8), jnp.float32).at[:G].set(a_d2[idx_c])
    adb2 = _core_rep(ad2t)
    mb2 = _core_rep(M2[None, :])
    hcat2 = jnp.concatenate([h2[:, :128], h2[:, 128:]], 0)
    z128b = jnp.zeros((SNP2, 128), jnp.float32)
    num2 = _k_gat2(s2c, d2c, asb2, adb2, mb2, hcat2, z128b)
    x3c = jax.nn.elu(jnp.concatenate([num2[:SNP2], num2[SNP2:]], 1) + b2g)

    pos = jnp.searchsorted(idx, idx).astype(jnp.int32)
    cat = jnp.concatenate([x1[idx], x2c[idx_c], x3c[pos]], axis=1)
    feat = cat @ Wl1 + bl1
    h = jax.nn.elu(feat)
    logits = h @ Wl2 + bl2
    logp = jax.nn.log_softmax(logits, axis=1)
    prob = jax.nn.softmax(logits, axis=1)
    loss = -jnp.mean(logp[jnp.arange(G), y])
    pred = jnp.argmax(logp, axis=1)
    return (logp, loss, pred, prob, feat)

# --- scband reference (transcript-rebuilt; emitter-appended) ---
"""Pipeline reference for scband-net-88029649699335 (READ-ONLY COPY).

The authoritative reference and input builder live on the scoring server;
editing this copy changes nothing except your own understanding.
"""

import jax, jax.numpy as jnp
import numpy as np

N = 10000
E = 320000
G = 64
IN_DIM = 128
HID = 128
LAT = [32, 32, 32]
HEADS = 8
NUM_CLASS = 2


def setup_inputs(seed: int = 0) -> dict:
    key = jax.random.key(seed)
    ks = jax.random.split(key, 20)
    x = jax.random.normal(ks[0], (N, IN_DIM), dtype=jnp.float32)
    edge_index = jax.random.randint(ks[1], (2, E), 0, N, dtype=jnp.int32)
    batch = jnp.sort(jax.random.randint(ks[2], (N,), 0, G, dtype=jnp.int32))
    y = jax.random.randint(ks[3], (G,), 0, NUM_CLASS, dtype=jnp.int32)
    def lin(k, fan_in, shape):
        return jax.random.normal(k, shape, dtype=jnp.float32) * (1.0 / np.sqrt(fan_in))
    W_gcn = lin(ks[4], IN_DIM, (IN_DIM, LAT[0]))
    b_gcn = jnp.zeros((LAT[0],), jnp.float32)
    W1 = lin(ks[5], LAT[0], (LAT[0], HEADS * LAT[1]))
    as1 = lin(ks[6], LAT[1], (HEADS, LAT[1]))
    ad1 = lin(ks[7], LAT[1], (HEADS, LAT[1]))
    b1g = jnp.zeros((HEADS * LAT[1],), jnp.float32)
    W2 = lin(ks[8], HEADS * LAT[1], (HEADS * LAT[1], HEADS * LAT[2]))
    as2 = lin(ks[9], LAT[2], (HEADS, LAT[2]))
    ad2 = lin(ks[10], LAT[2], (HEADS, LAT[2]))
    b2g = jnp.zeros((HEADS * LAT[2],), jnp.float32)
    cat_dim = LAT[0] + (LAT[1] + LAT[2]) * HEADS
    Wl1 = lin(ks[11], cat_dim, (cat_dim, HID))
    bl1 = jnp.zeros((HID,), jnp.float32)
    Wl2 = lin(ks[12], HID, (HID, NUM_CLASS))
    bl2 = jnp.zeros((NUM_CLASS,), jnp.float32)
    return {"x": x, "edge_index": edge_index, "batch": batch, "y": y,
            "W_gcn": W_gcn, "b_gcn": b_gcn, "W1": W1, "as1": as1, "ad1": ad1, "b1g": b1g,
            "W2": W2, "as2": as2, "ad2": ad2, "b2g": b2g,
            "Wl1": Wl1, "bl1": bl1, "Wl2": Wl2, "bl2": bl2}


def _gcn_conv(x, src, dst, W, b):
    loop = jnp.arange(N, dtype=src.dtype)
    s = jnp.concatenate([src, loop])
    d = jnp.concatenate([dst, loop])
    xw = x @ W
    deg = jax.ops.segment_sum(jnp.ones(s.shape[0], jnp.float32), d, num_segments=N)
    dinv = jnp.where(deg > 0, deg ** -0.5, 0.0)
    norm = dinv[s] * dinv[d]
    out = jax.ops.segment_sum(xw[s] * norm[:, None], d, num_segments=N)
    return out + b


def _gat_conv(x, src, dst, W, a_s, a_d, b, out_ch):
    loop = jnp.arange(N, dtype=src.dtype)
    s = jnp.concatenate([src, loop])
    d = jnp.concatenate([dst, loop])
    h = (x @ W).reshape(N, HEADS, out_ch)
    alpha_s = (h * a_s[None, :, :]).sum(-1)
    alpha_d = (h * a_d[None, :, :]).sum(-1)
    e = jax.nn.leaky_relu(alpha_s[s] + alpha_d[d], 0.2)
    m = jax.ops.segment_max(e, d, num_segments=N)
    m = jnp.where(jnp.isfinite(m), m, 0.0)
    ex = jnp.exp(e - m[d])
    den = jax.ops.segment_sum(ex, d, num_segments=N)
    alpha = ex / (den[d] + 1e-16)
    out = jax.ops.segment_sum(h[s] * alpha[:, :, None], d, num_segments=N)
    return out.reshape(N, HEADS * out_ch) + b


def reference(x, edge_index, batch, y, W_gcn, b_gcn, W1, as1, ad1, b1g, W2, as2, ad2, b2g, Wl1, bl1, Wl2, bl2):
    src, dst = edge_index[0], edge_index[1]
    x1 = jax.nn.elu(_gcn_conv(x, src, dst, W_gcn, b_gcn))
    x2 = jax.nn.elu(_gat_conv(x1, src, dst, W1, as1, ad1, b1g, LAT[1]))
    x3 = jax.nn.elu(_gat_conv(x2, src, dst, W2, as2, ad2, b2g, LAT[2]))
    cat = jnp.concatenate([x1, x2, x3], axis=1)
    idx = jnp.searchsorted(batch, jnp.arange(G, dtype=batch.dtype))
    feat = cat[idx] @ Wl1 + bl1
    h = jax.nn.elu(feat)
    logits = h @ Wl2 + bl2
    logp = jax.nn.log_softmax(logits, axis=1)
    prob = jax.nn.softmax(logits, axis=1)
    loss = -jnp.mean(logp[jnp.arange(G), y])
    pred = jnp.argmax(logp, axis=1)
    return (logp, loss, pred, prob, feat)

if __name__ == "__main__":
    import jax
    _d = setup_inputs()
    print(jax.jit(kernel)(*tuple(_d.values())))

</pallas_src>

<mosaic_0001>
#map = affine_map<(d0, d1) -> (0)>
#map1 = affine_map<(d0, d1) -> (0, 0)>
module attributes {stable_mosaic.version = 14 : i64} {
  func.func @_k_deg(%arg0: i32, %arg1: i32, %arg2: memref<320000xi32, #tpu.memory_space<hbm>>, %arg3: memref<200x128xf32, #tpu.memory_space<hbm>>, %arg4: memref<10112x128xf32, #tpu.memory_space<hbm>>, %arg5: memref<20224x128xf32, #tpu.memory_space<hbm>>, %arg6: memref<200xi32, #tpu.memory_space<vmem>>, %arg7: memref<200x128xf32, #tpu.memory_space<vmem>>, %arg8: memref<10112x128xf32, #tpu.memory_space<vmem_shared>>) attributes {dimension_semantics = [#tpu.dimension_semantics<core_parallel>, #tpu.dimension_semantics<subcore_parallel>], iteration_bounds = array<i64: 2, 16>, scalar_prefetch = 0 : i64, scratch_operands = 3 : i64, tpu.core_type = #tpu.core_type<sc_vector_subcore>, window_params = [{transform_indices = #map}, {transform_indices = #map1}, {transform_indices = #map1}, {transform_indices = #map1}]} {
    %mul3A = arith.constant 16 : i32
    %mul3A_0 = arith.muli %arg0, %mul3A : i32
    %add3A = arith.addi %mul3A_0, %arg1 : i32
    %mul3A_1 = arith.constant 632 : i32
    %mul3A_2 = arith.muli %arg1, %mul3A_1 : i32
    %mul3A_3 = arith.constant 632 : i32
    %mul3A_4 = arith.muli %arg1, %mul3A_3 : i32
    "tpu.region"() ({
      %run_scoped3A = tpu.sem_alloc : memref<!tpu.dma_semaphore, #tpu.memory_space<semaphore_mem>>
      %dma_start3A = arith.constant 0 : i32
      %dma_start3A_20 = tpu.memref_slice %arg8[%mul3A_4, %dma_start3A] : memref<10112x128xf32, #tpu.memory_space<vmem_shared>> -> memref<632x128xf32, #tpu.memory_space<vmem_shared>>
      %dma_start3A_21 = arith.constant 0 : i32
      %dma_start3A_22 = tpu.memref_slice %arg4[%mul3A_2, %dma_start3A_21] : memref<10112x128xf32, #tpu.memory_space<hbm>> -> memref<632x128xf32, #tpu.memory_space<hbm>>
      tpu.enqueue_dma source(%dma_start3A_22 : memref<632x128xf32, #tpu.memory_space<hbm>>) target(%dma_start3A_20 : memref<632x128xf32, #tpu.memory_space<vmem_shared>>) target_semaphore(%run_scoped3A : memref<!tpu.dma_semaphore, #tpu.memory_space<semaphore_mem>>)
      %dma_wait3A = arith.constant 0 : i32
      %dma_wait3A_23 = tpu.memref_slice %arg8[%mul3A_4, %dma_wait3A] : memref<10112x128xf32, #tpu.memory_space<vmem_shared>> -> memref<632x128xf32, #tpu.memory_space<vmem_shared>>
      %dma_wait3A_24 = arith.constant 0 : i32
      %dma_wait3A_25 = tpu.memref_slice %arg4[%mul3A_2, %dma_wait3A_24] : memref<10112x128xf32, #tpu.memory_space<hbm>> -> memref<632x128xf32, #tpu.memory_space<hbm>>
      tpu.wait_dma2 semaphore(%run_scoped3A : memref<!tpu.dma_semaphore, #tpu.memory_space<semaphore_mem>>) src(%dma_wait3A_25 : memref<632x128xf32, #tpu.memory_space<hbm>>) dst(%dma_wait3A_23 : memref<632x128xf32, #tpu.memory_space<vmem_shared>>)
      tpu.yield
    }) : () -> ()
    "tpu.region"() ({
      %run_scoped3A = tpu.sem_alloc : memref<!tpu.dma_semaphore, #tpu.memory_space<semaphore_mem>>
      tpu.enqueue_dma source(%arg3 : memref<200x128xf32, #tpu.memory_space<hbm>>) target(%arg7 : memref<200x128xf32, #tpu.memory_space<vmem>>) target_semaphore(%run_scoped3A : memref<!tpu.dma_semaphore, #tpu.memory_space<semaphore_mem>>)
      tpu.wait_dma2 semaphore(%run_scoped3A : memref<!tpu.dma_semaphore, #tpu.memory_space<semaphore_mem>>) src(%arg3 : memref<200x128xf32, #tpu.memory_space<hbm>>) dst(%arg7 : memref<200x128xf32, #tpu.memory_space<vmem>>)
      tpu.yield
    }) : () -> ()
    %barrier3A = arith.constant 0 : index
    tpu.barrier barrier_id(%barrier3A)
    %mul3A_5 = arith.constant 10000 : i32
    %mul3A_6 = arith.muli %add3A, %mul3A_5 : i32
    %scan3A = arith.constant 0 : i32
    %scan3A_7 = arith.constant 0 : i32
    %scan3A_8 = arith.constant 50 : i32
    %scan3A_9 = arith.addi %scan3A_7, %scan3A_8 : i32
    %scan3A_10 = arith.constant 1 : i32
    scf.for %scan3A_20 = %scan3A_7 to %scan3A_9 step %scan3A_10  : i32 {
      %mul3A_21 = arith.constant 200 : i32
      %mul3A_22 = arith.muli %scan3A_20, %mul3A_21 : i32
      %add3A_23 = arith.addi %mul3A_6, %mul3A_22 : i32
      "tpu.region"() ({
        %run_scoped3A = tpu.sem_alloc : memref<!tpu.dma_semaphore, #tpu.memory_space<semaphore_mem>>
        %dma_start3A = tpu.memref_slice %arg2[%add3A_23] : memref<320000xi32, #tpu.memory_space<hbm>> -> memref<200xi32, #tpu.memory_space<hbm>>
        %dma_start3A_24 = tpu.memref_slice %arg2[%add3A_23] : memref<320000xi32, #tpu.memory_space<hbm>> -> memref<200xi32, #tpu.memory_space<hbm>>
        tpu.enqueue_dma source(%dma_start3A_24 : memref<200xi32, #tpu.memory_space<hbm>>) target(%arg6 : memref<200xi32, #tpu.memory_space<vmem>>) target_semaphore(%run_scoped3A : memref<!tpu.dma_semaphore, #tpu.memory_space<semaphore_mem>>)
        %dma_wait3A = tpu.memref_slice %arg2[%add3A_23] : memref<320000xi32, #tpu.memory_space<hbm>> -> memref<200xi32, #tpu.memory_space<hbm>>
        %dma_wait3A_25 = tpu.memref_slice %arg2[%add3A_23] : memref<320000xi32, #tpu.memory_space<hbm>> -> memref<200xi32, #tpu.memory_space<hbm>>
        tpu.wait_dma2 semaphore(%run_scoped3A : memref<!tpu.dma_semaphore, #tpu.memory_space<semaphore_mem>>) src(%dma_wait3A_25 : memref<200xi32, #tpu.memory_space<hbm>>) dst(%arg6 : memref<200xi32, #tpu.memory_space<vmem>>)
        tpu.yield
      }) : () -> ()
      "tpu.region"() ({
        %run_scoped3A = tpu.sem_alloc : memref<!tpu.dma_semaphore, #tpu.memory_space<semaphore_mem>>
        %dma_start3A = arith.constant 0 : i32
        %dma_start3A_24 = arith.constant 0 : i32
        %dma_start3A_25 = tpu.memref_slice %arg8[%dma_start3A, %dma_start3A_24] : memref<10112x128xf32, #tpu.memory_space<vmem_shared>> -> memref<10112x128xf32, #tpu.memory_space<vmem_shared>>
        tpu.enqueue_indirect_dma source(%arg7 : memref<200x128xf32, #tpu.memory_space<vmem>>) target(%dma_start3A_25 : memref<10112x128xf32, #tpu.memory_space<vmem_shared>>) offsets(%arg6 : memref<200xi32, #tpu.memory_space<vmem>>) semaphore(%run_scoped3A : memref<!tpu.dma_semaphore, #tpu.memory_space<semaphore_mem>>) {add = true}
        %dma_wait3A = arith.constant 0 : i32
        %dma_wait3A_26 = arith.constant 0 : i32
        %dma_wait3A_27 = tpu.memref_slice %arg8[%dma_wait3A, %dma_wait3A_26] : memref<10112x128xf32, #tpu.memory_space<vmem_shared>> -> memref<10112x128xf32, #tpu.memory_space<vmem_shared>>
        tpu.wait_indirect_dma semaphore(%run_scoped3A : memref<!tpu.dma_semaphore, #tpu.memory_space<semaphore_mem>>) src(%arg7 : memref<200x128xf32, #tpu.memory_space<vmem>>) dst(%dma_wait3A_27 : memref<10112x128xf32, #tpu.memory_space<vmem_shared>>)
        tpu.yield
      }) : () -> ()
    }
    %scan3A_11 = arith.constant 50 : i32
    %barrier3A_12 = arith.constant 0 : index
    tpu.barrier barrier_id(%barrier3A_12)
    %mul3A_13 = arith.constant 632 : i32
    %mul3A_14 = arith.muli %arg1, %mul3A_13 : i32
    %mul3A_15 = arith.constant 10112 : i32
    %mul3A_16 = arith.muli %arg0, %mul3A_15 : i32
    %mul3A_17 = arith.constant 632 : i32
    %mul3A_18 = arith.muli %arg1, %mul3A_17 : i32
    %add3A_19 = arith.addi %mul3A_16, %mul3A_18 : i32
    "tpu.region"() ({
      %run_scoped3A = tpu.sem_alloc : memref<!tpu.dma_semaphore, #tpu.memory_space<semaphore_mem>>
      %dma_start3A = arith.constant 0 : i32
      %dma_start3A_20 = tpu.memref_slice %arg5[%add3A_19, %dma_start3A] : memref<20224x128xf32, #tpu.memory_space<hbm>> -> memref<632x128xf32, #tpu.memory_space<hbm>>
      %dma_start3A_21 = arith.constant 0 : i32
      %dma_start3A_22 = tpu.memref_slice %arg8[%mul3A_14, %dma_start3A_21] : memref<10112x128xf32, #tpu.memory_space<vmem_shared>> -> memref<632x128xf32, #tpu.memory_space<vmem_shared>>
      tpu.enqueue_dma source(%dma_start3A_22 : memref<632x128xf32, #tpu.memory_space<vmem_shared>>) target(%dma_start3A_20 : memref<632x128xf32, #tpu.memory_space<hbm>>) target_semaphore(%run_scoped3A : memref<!tpu.dma_semaphore, #tpu.memory_space<semaphore_mem>>)
      %dma_wait3A = arith.constant 0 : i32
      %dma_wait3A_23 = tpu.memref_slice %arg5[%add3A_19, %dma_wait3A] : memref<20224x128xf32, #tpu.memory_space<hbm>> -> memref<632x128xf32, #tpu.memory_space<hbm>>
      %dma_wait3A_24 = arith.constant 0 : i32
      %dma_wait3A_25 = tpu.memref_slice %arg8[%mul3A_14, %dma_wait3A_24] : memref<10112x128xf32, #tpu.memory_space<vmem_shared>> -> memref<632x128xf32, #tpu.memory_space<vmem_shared>>
      tpu.wait_dma2 semaphore(%run_scoped3A : memref<!tpu.dma_semaphore, #tpu.memory_space<semaphore_mem>>) src(%dma_wait3A_25 : memref<632x128xf32, #tpu.memory_space<vmem_shared>>) dst(%dma_wait3A_23 : memref<632x128xf32, #tpu.memory_space<hbm>>)
      tpu.yield
    }) : () -> ()
    return
  }
}

#map = affine_map<(d0, d1) -> (0)>
#map1 = affine_map<(d0, d1) -> (0, 0)>
module attributes {stable_mosaic.version = 14 : i64} {
  func.func @_k_gcn(%arg0: i32, %arg1: i32, %arg2: memref<320000xi32, #tpu.memory_space<hbm>>, %arg3: memref<320000xi32, #tpu.memory_space<hbm>>, %arg4: memref<10112x128xf32, #tpu.memory_space<hbm>>, %arg5: memref<10112x128xf32, #tpu.memory_space<hbm>>, %arg6: memref<20224x128xf32, #tpu.memory_space<hbm>>, %arg7: memref<200xi32, #tpu.memory_space<vmem>>, %arg8: memref<200xi32, #tpu.memory_space<vmem>>, %arg9: memref<200x128xf32, #tpu.memory_space<vmem>>, %arg10: memref<10112x128xf32, #tpu.memory_space<vmem_shared>>, %arg11: memref<!tpu.dma_semaphore, #tpu.memory_space<semaphore_mem>>) attributes {dimension_semantics = [#tpu.dimension_semantics<core_parallel>, #tpu.dimension_semantics<subcore_parallel>], iteration_bounds = array<i64: 2, 16>, scalar_prefetch = 0 : i64, scratch_operands = 5 : i64, tpu.core_type = #tpu.core_type<sc_vector_subcore>, window_params = [{transform_indices = #map}, {transform_indices = #map}, {transform_indices = #map1}, {transform_indices = #map1}, {transform_indices = #map1}]} {
    %mul3A = arith.constant 16 : i32
    %mul3A_0 = arith.muli %arg0, %mul3A : i32
    %add3A = arith.addi %mul3A_0, %arg1 : i32
    %mul3A_1 = arith.constant 632 : i32
    %mul3A_2 = arith.muli %arg1, %mul3A_1 : i32
    "tpu.region"() ({
      %run_scoped3A = tpu.sem_alloc : memref<!tpu.dma_semaphore, #tpu.memory_space<semaphore_mem>>
      %dma_start3A = arith.constant 0 : i32
      %dma_start3A_16 = tpu.memref_slice %arg10[%mul3A_2, %dma_start3A] : memref<10112x128xf32, #tpu.memory_space<vmem_shared>> -> memref<632x128xf32, #tpu.memory_space<vmem_shared>>
      %dma_start3A_17 = arith.constant 0 : i32
      %dma_start3A_18 = tpu.memref_slice %arg5[%mul3A_2, %dma_start3A_17] : memref<10112x128xf32, #tpu.memory_space<hbm>> -> memref<632x128xf32, #tpu.memory_space<hbm>>
      tpu.enqueue_dma source(%dma_start3A_18 : memref<632x128xf32, #tpu.memory_space<hbm>>) target(%dma_start3A_16 : memref<632x128xf32, #tpu.memory_space<vmem_shared>>) target_semaphore(%run_scoped3A : memref<!tpu.dma_semaphore, #tpu.memory_space<semaphore_mem>>)
      %dma_wait3A = arith.constant 0 : i32
      %dma_wait3A_19 = tpu.memref_slice %arg10[%mul3A_2, %dma_wait3A] : memref<10112x128xf32, #tpu.memory_space<vmem_shared>> -> memref<632x128xf32, #tpu.memory_space<vmem_shared>>
      %dma_wait3A_20 = arith.constant 0 : i32
      %dma_wait3A_21 = tpu.memref_slice %arg5[%mul3A_2, %dma_wait3A_20] : memref<10112x128xf32, #tpu.memory_space<hbm>> -> memref<632x128xf32, #tpu.memory_space<hbm>>
      tpu.wait_dma2 semaphore(%run_scoped3A : memref<!tpu.dma_semaphore, #tpu.memory_space<semaphore_mem>>) src(%dma_wait3A_21 : memref<632x128xf32, #tpu.memory_space<hbm>>) dst(%dma_wait3A_19 : memref<632x128xf32, #tpu.memory_space<vmem_shared>>)
      tpu.yield
    }) : () -> ()
    %barrier3A = arith.constant 0 : index
    tpu.barrier barrier_id(%barrier3A)
    %mul3A_3 = arith.constant 10000 : i32
    %mul3A_4 = arith.muli %add3A, %mul3A_3 : i32
    %scan3A = arith.constant 0 : i32
    %scan3A_5 = arith.constant 0 : i32
    %scan3A_6 = arith.constant 50 : i32
    %scan3A_7 = arith.addi %scan3A_5, %scan3A_6 : i32
    %scan3A_8 = arith.constant 1 : i32
    scf.for %scan3A_16 = %scan3A_5 to %scan3A_7 step %scan3A_8  : i32 {
      %mul3A_17 = arith.constant 200 : i32
      %mul3A_18 = arith.muli %scan3A_16, %mul3A_17 : i32
      %add3A_19 = arith.addi %mul3A_4, %mul3A_18 : i32
      "tpu.region"() ({
        %run_scoped3A = tpu.sem_alloc : memref<!tpu.dma_semaphore, #tpu.memory_space<semaphore_mem>>
        %dma_start3A_27 = tpu.memref_slice %arg2[%add3A_19] : memref<320000xi32, #tpu.memory_space<hbm>> -> memref<200xi32, #tpu.memory_space<hbm>>
        %dma_start3A_28 = tpu.memref_slice %arg2[%add3A_19] : memref<320000xi32, #tpu.memory_space<hbm>> -> memref<200xi32, #tpu.memory_space<hbm>>
        tpu.enqueue_dma source(%dma_start3A_28 : memref<200xi32, #tpu.memory_space<hbm>>) target(%arg7 : memref<200xi32, #tpu.memory_space<vmem>>) target_semaphore(%run_scoped3A : memref<!tpu.dma_semaphore, #tpu.memory_space<semaphore_mem>>)
        %dma_wait3A_29 = tpu.memref_slice %arg2[%add3A_19] : memref<320000xi32, #tpu.memory_space<hbm>> -> memref<200xi32, #tpu.memory_space<hbm>>
        %dma_wait3A_30 = tpu.memref_slice %arg2[%add3A_19] : memref<320000xi32, #tpu.memory_space<hbm>> -> memref<200xi32, #tpu.memory_space<hbm>>
        tpu.wait_dma2 semaphore(%run_scoped3A : memref<!tpu.dma_semaphore, #tpu.memory_space<semaphore_mem>>) src(%dma_wait3A_30 : memref<200xi32, #tpu.memory_space<hbm>>) dst(%arg7 : memref<200xi32, #tpu.memory_space<vmem>>)
        tpu.yield
      }) : () -> ()
      %dma_start3A = arith.constant 0 : i32
      %dma_start3A_20 = arith.constant 0 : i32
      %dma_start3A_21 = tpu.memref_slice %arg4[%dma_start3A, %dma_start3A_20] : memref<10112x128xf32, #tpu.memory_space<hbm>> -> memref<10112x128xf32, #tpu.memory_space<hbm>>
      tpu.enqueue_indirect_dma source(%dma_start3A_21 : memref<10112x128xf32, #tpu.memory_space<hbm>>) target(%arg9 : memref<200x128xf32, #tpu.memory_space<vmem>>) offsets(%arg7 : memref<200xi32, #tpu.memory_space<vmem>>) semaphore(%arg11 : memref<!tpu.dma_semaphore, #tpu.memory_space<semaphore_mem>>)
      %dma_wait3A = arith.constant 0 : i32
      %dma_wait3A_22 = arith.constant 0 : i32
      %dma_wait3A_23 = tpu.memref_slice %arg4[%dma_wait3A, %dma_wait3A_22] : memref<10112x128xf32, #tpu.memory_space<hbm>> -> memref<10112x128xf32, #tpu.memory_space<hbm>>
      tpu.wait_indirect_dma semaphore(%arg11 : memref<!tpu.dma_semaphore, #tpu.memory_space<semaphore_mem>>) src(%dma_wait3A_23 : memref<10112x128xf32, #tpu.memory_space<hbm>>) dst(%arg9 : memref<200x128xf32, #tpu.memory_space<vmem>>)
      %mul3A_24 = arith.constant 200 : i32
      %mul3A_25 = arith.muli %scan3A_16, %mul3A_24 : i32
      %add3A_26 = arith.addi %mul3A_4, %mul3A_25 : i32
      "tpu.region"() ({
        %run_scoped3A = tpu.sem_alloc : memref<!tpu.dma_semaphore, #tpu.memory_space<semaphore_mem>>
        %dma_start3A_27 = tpu.memref_slice %arg3[%add3A_26] : memref<320000xi32, #tpu.memory_space<hbm>> -> memref<200xi32, #tpu.memory_space<hbm>>
        %dma_start3A_28 = tpu.memref_slice %arg3[%add3A_26] : memref<320000xi32, #tpu.memory_space<hbm>> -> memref<200xi32, #tpu.memory_space<hbm>>
        tpu.enqueue_dma source(%dma_start3A_28 : memref<200xi32, #tpu.memory_space<hbm>>) target(%arg8 : memref<200xi32, #tpu.memory_space<vmem>>) target_semaphore(%run_scoped3A : memref<!tpu.dma_semaphore, #tpu.memory_space<semaphore_mem>>)
        %dma_wait3A_29 = tpu.memref_slice %arg3[%add3A_26] : memref<320000xi32, #tpu.memory_space<hbm>> -> memref<200xi32, #tpu.memory_space<hbm>>
        %dma_wait3A_30 = tpu.memref_slice %arg3[%add3A_26] : memref<320000xi32, #tpu.memory_space<hbm>> -> memref<200xi32, #tpu.memory_space<hbm>>
        tpu.wait_dma2 semaphore(%run_scoped3A : memref<!tpu.dma_semaphore, #tpu.memory_space<semaphore_mem>>) src(%dma_wait3A_30 : memref<200xi32, #tpu.memory_space<hbm>>) dst(%arg8 : memref<200xi32, #tpu.memory_space<vmem>>)
        tpu.yield
      }) : () -> ()
      "tpu.region"() ({
        %run_scoped3A = tpu.sem_alloc : memref<!tpu.dma_semaphore, #tpu.memory_space<semaphore_mem>>
        %dma_start3A_27 = arith.constant 0 : i32
        %dma_start3A_28 = arith.constant 0 : i32
        %dma_start3A_29 = tpu.memref_slice %arg10[%dma_start3A_27, %dma_start3A_28] : memref<10112x128xf32, #tpu.memory_space<vmem_shared>> -> memref<10112x128xf32, #tpu.memory_space<vmem_shared>>
        tpu.enqueue_indirect_dma source(%arg9 : memref<200x128xf32, #tpu.memory_space<vmem>>) target(%dma_start3A_29 : memref<10112x128xf32, #tpu.memory_space<vmem_shared>>) offsets(%arg8 : memref<200xi32, #tpu.memory_space<vmem>>) semaphore(%run_scoped3A : memref<!tpu.dma_semaphore, #tpu.memory_space<semaphore_mem>>) {add = true}
        %dma_wait3A_30 = arith.constant 0 : i32
        %dma_wait3A_31 = arith.constant 0 : i32
        %dma_wait3A_32 = tpu.memref_slice %arg10[%dma_wait3A_30, %dma_wait3A_31] : memref<10112x128xf32, #tpu.memory_space<vmem_shared>> -> memref<10112x128xf32, #tpu.memory_space<vmem_shared>>
        tpu.wait_indirect_dma semaphore(%run_scoped3A : memref<!tpu.dma_semaphore, #tpu.memory_space<semaphore_mem>>) src(%arg9 : memref<200x128xf32, #tpu.memory_space<vmem>>) dst(%dma_wait3A_32 : memref<10112x128xf32, #tpu.memory_space<vmem_shared>>)
        tpu.yield
      }) : () -> ()
    }
    %scan3A_9 = arith.constant 50 : i32
    %barrier3A_10 = arith.constant 0 : index
    tpu.barrier barrier_id(%barrier3A_10)
    %mul3A_11 = arith.constant 10112 : i32
    %mul3A_12 = arith.muli %arg0, %mul3A_11 : i32
    %mul3A_13 = arith.constant 632 : i32
    %mul3A_14 = arith.muli %arg1, %mul3A_13 : i32
    %add3A_15 = arith.addi %mul3A_12, %mul3A_14 : i32
    "tpu.region"() ({
      %run_scoped3A = tpu.sem_alloc : memref<!tpu.dma_semaphore, #tpu.memory_space<semaphore_mem>>
      %dma_start3A = arith.constant 0 : i32
      %dma_start3A_16 = tpu.memref_slice %arg6[%add3A_15, %dma_start3A] : memref<20224x128xf32, #tpu.memory_space<hbm>> -> memref<632x128xf32, #tpu.memory_space<hbm>>
      %dma_start3A_17 = arith.constant 0 : i32
      %dma_start3A_18 = tpu.memref_slice %arg10[%mul3A_2, %dma_start3A_17] : memref<10112x128xf32, #tpu.memory_space<vmem_shared>> -> memref<632x128xf32, #tpu.memory_space<vmem_shared>>
      tpu.enqueue_dma source(%dma_start3A_18 : memref<632x128xf32, #tpu.memory_space<vmem_shared>>) target(%dma_start3A_16 : memref<632x128xf32, #tpu.memory_space<hbm>>) target_semaphore(%run_scoped3A : memref<!tpu.dma_semaphore, #tpu.memory_space<semaphore_mem>>)
      %dma_wait3A = arith.constant 0 : i32
      %dma_wait3A_19 = tpu.memref_slice %arg6[%add3A_15, %dma_wait3A] : memref<20224x128xf32, #tpu.memory_space<hbm>> -> memref<632x128xf32, #tpu.memory_space<hbm>>
      %dma_wait3A_20 = arith.constant 0 : i32
      %dma_wait3A_21 = tpu.memref_slice %arg10[%mul3A_2, %dma_wait3A_20] : memref<10112x128xf32, #tpu.memory_space<vmem_shared>> -> memref<632x128xf32, #tpu.memory_space<vmem_shared>>
      tpu.wait_dma2 semaphore(%run_scoped3A : memref<!tpu.dma_semaphore, #tpu.memory_space<semaphore_mem>>) src(%dma_wait3A_21 : memref<632x128xf32, #tpu.memory_space<vmem_shared>>) dst(%dma_wait3A_19 : memref<632x128xf32, #tpu.memory_space<hbm>>)
      tpu.yield
    }) : () -> ()
    return
  }
}

#map = affine_map<(d0, d1) -> (0)>
#map1 = affine_map<(d0, d1) -> (0, 0)>
module attributes {stable_mosaic.version = 14 : i64} {
  func.func @k(%arg0: i32, %arg1: i32, %arg2: memref<98304xi32, #tpu.memory_space<hbm>>, %arg3: memref<98304xi32, #tpu.memory_space<hbm>>, %arg4: memref<20224x128xf32, #tpu.memory_space<hbm>>, %arg5: memref<8448x128xf32, #tpu.memory_space<hbm>>, %arg6: memref<2x128xf32, #tpu.memory_space<hbm>>, %arg7: memref<20224x128xf32, #tpu.memory_space<hbm>>, %arg8: memref<4224x128xf32, #tpu.memory_space<hbm>>, %arg9: memref<8448x128xf32, #tpu.memory_space<hbm>>, %arg10: memref<64xi32, #tpu.memory_space<vmem>>, %arg11: memref<64xi32, #tpu.memory_space<vmem>>, %arg12: memref<64xi32, #tpu.memory_space<vmem>>, %arg13: memref<64x128xf32, #tpu.memory_space<vmem>>, %arg14: memref<64x128xf32, #tpu.memory_space<vmem>>, %arg15: memref<64x128xf32, #tpu.memory_space<vmem>>, %arg16: memref<64x128xf32, #tpu.memory_space<vmem>>, %arg17: memref<64x128xf32, #tpu.memory_space<vmem>>, %arg18: memref<16x128xf32, #tpu.memory_space<vmem>>, %arg19: memref<4224x128xf32, #tpu.memory_space<vmem_shared>>, %arg20: memref<4224x128xf32, #tpu.memory_space<vmem_shared>>, %arg21: memref<!tpu.dma_semaphore, #tpu.memory_space<semaphore_mem>>) attributes {dimension_semantics = [#tpu.dimension_semantics<core_parallel>, #tpu.dimension_semantics<subcore_parallel>], iteration_bounds = array<i64: 2, 16>, scalar_prefetch = 0 : i64, scratch_operands = 12 : i64, tpu.core_type = #tpu.core_type<sc_vector_subcore>, window_params = [{transform_indices = #map}, {transform_indices = #map}, {transform_indices = #map1}, {transform_indices = #map1}, {transform_indices = #map1}, {transform_indices = #map1}, {transform_indices = #map1}, {transform_indices = #map1}]} {
    %mul3A = arith.constant 16 : i32
    %mul3A_0 = arith.muli %arg0, %mul3A : i32
    %add3A = arith.addi %mul3A_0, %arg1 : i32
    %mul3A_1 = arith.constant 264 : i32
    %mul3A_2 = arith.muli %arg1, %mul3A_1 : i32
    "tpu.region"() ({
      %run_scoped3A = tpu.sem_alloc : memref<!tpu.dma_semaphore, #tpu.memory_space<semaphore_mem>>
      %dma_start3A_66 = arith.constant 0 : i32
      %dma_start3A_67 = tpu.memref_slice %arg19[%mul3A_2, %dma_start3A_66] : memref<4224x128xf32, #tpu.memory_space<vmem_shared>> -> memref<264x128xf32, #tpu.memory_space<vmem_shared>>
      %dma_start3A_68 = arith.constant 0 : i32
      %dma_start3A_69 = tpu.memref_slice %arg8[%mul3A_2, %dma_start3A_68] : memref<4224x128xf32, #tpu.memory_space<hbm>> -> memref<264x128xf32, #tpu.memory_space<hbm>>
      tpu.enqueue_dma source(%dma_start3A_69 : memref<264x128xf32, #tpu.memory_space<hbm>>) target(%dma_start3A_67 : memref<264x128xf32, #tpu.memory_space<vmem_shared>>) target_semaphore(%run_scoped3A : memref<!tpu.dma_semaphore, #tpu.memory_space<semaphore_mem>>)
      %dma_wait3A_70 = arith.constant 0 : i32
      %dma_wait3A_71 = tpu.memref_slice %arg19[%mul3A_2, %dma_wait3A_70] : memref<4224x128xf32, #tpu.memory_space<vmem_shared>> -> memref<264x128xf32, #tpu.memory_space<vmem_shared>>
      %dma_wait3A_72 = arith.constant 0 : i32
      %dma_wait3A_73 = tpu.memref_slice %arg8[%mul3A_2, %dma_wait3A_72] : memref<4224x128xf32, #tpu.memory_space<hbm>> -> memref<264x128xf32, #tpu.memory_space<hbm>>
      tpu.wait_dma2 semaphore(%run_scoped3A : memref<!tpu.dma_semaphore, #tpu.memory_space<semaphore_mem>>) src(%dma_wait3A_73 : memref<264x128xf32, #tpu.memory_space<hbm>>) dst(%dma_wait3A_71 : memref<264x128xf32, #tpu.memory_space<vmem_shared>>)
      tpu.yield
    }) : () -> ()
    "tpu.region"() ({
      %run_scoped3A = tpu.sem_alloc : memref<!tpu.dma_semaphore, #tpu.memory_space<semaphore_mem>>
      %dma_start3A_66 = arith.constant 0 : i32
      %dma_start3A_67 = tpu.memref_slice %arg20[%mul3A_2, %dma_start3A_66] : memref<4224x128xf32, #tpu.memory_space<vmem_shared>> -> memref<264x128xf32, #tpu.memory_space<vmem_shared>>
      %dma_start3A_68 = arith.constant 0 : i32
      %dma_start3A_69 = tpu.memref_slice %arg8[%mul3A_2, %dma_start3A_68] : memref<4224x128xf32, #tpu.memory_space<hbm>> -> memref<264x128xf32, #tpu.memory_space<hbm>>
      tpu.enqueue_dma source(%dma_start3A_69 : memref<264x128xf32, #tpu.memory_space<hbm>>) target(%dma_start3A_67 : memref<264x128xf32, #tpu.memory_space<vmem_shared>>) target_semaphore(%run_scoped3A : memref<!tpu.dma_semaphore, #tpu.memory_space<semaphore_mem>>)
      %dma_wait3A_70 = arith.constant 0 : i32
      %dma_wait3A_71 = tpu.memref_slice %arg20[%mul3A_2, %dma_wait3A_70] : memref<4224x128xf32, #tpu.memory_space<vmem_shared>> -> memref<264x128xf32, #tpu.memory_space<vmem_shared>>
      %dma_wait3A_72 = arith.constant 0 : i32
      %dma_wait3A_73 = tpu.memref_slice %arg8[%mul3A_2, %dma_wait3A_72] : memref<4224x128xf32, #tpu.memory_space<hbm>> -> memref<264x128xf32, #tpu.memory_space<hbm>>
      tpu.wait_dma2 semaphore(%run_scoped3A : memref<!tpu.dma_semaphore, #tpu.memory_space<semaphore_mem>>) src(%dma_wait3A_73 : memref<264x128xf32, #tpu.memory_space<hbm>>) dst(%dma_wait3A_71 : memref<264x128xf32, #tpu.memory_space<vmem_shared>>)
      tpu.yield
    }) : () -> ()
    %broadcast_in_dim3A = vector.broadcast %arg0 : i32 to vector<16xi32>
    %dma_start3A = arith.constant 0 : i32
    %dma_start3A_3 = arith.constant 0 : i32
    %dma_start3A_4 = tpu.memref_slice %arg6[%dma_start3A, %dma_start3A_3] : memref<2x128xf32, #tpu.memory_space<hbm>> -> memref<2x128xf32, #tpu.memory_space<hbm>>
    tpu.enqueue_indirect_dma source(%dma_start3A_4 : memref<2x128xf32, #tpu.memory_space<hbm>>) target(%arg18 : memref<16x128xf32, #tpu.memory_space<vmem>>) offsets(%broadcast_in_dim3A : vector<16xi32>) semaphore(%arg21 : memref<!tpu.dma_semaphore, #tpu.memory_space<semaphore_mem>>)
    %dma_wait3A = arith.constant 0 : i32
    %dma_wait3A_5 = arith.constant 0 : i32
    %dma_wait3A_6 = tpu.memref_slice %arg6[%dma_wait3A, %dma_wait3A_5] : memref<2x128xf32, #tpu.memory_space<hbm>> -> memref<2x128xf32, #tpu.memory_space<hbm>>
    tpu.wait_indirect_dma semaphore(%arg21 : memref<!tpu.dma_semaphore, #tpu.memory_space<semaphore_mem>>) src(%dma_wait3A_6 : memref<2x128xf32, #tpu.memory_space<hbm>>) dst(%arg18 : memref<16x128xf32, #tpu.memory_space<vmem>>)
    %barrier3A = arith.constant 0 : index
    tpu.barrier barrier_id(%barrier3A)
    %get3A = arith.constant 0 : i32
    %get3A_7 = arith.index_cast %get3A : i32 to index
    %get3A_8 = arith.constant 0 : index
    %get3A_9 = tpu.vector_load %arg18[%get3A_7, %get3A_8] {strides = array<i32>} : memref<16x128xf32, #tpu.memory_space<vmem>>, vector<1x16xf32>,
    %get3A_10 = vector.shape_cast %get3A_9 : vector<1x16xf32> to vector<16xf32>
    %get3A_11 = arith.constant 0 : i32
    %get3A_12 = arith.index_cast %get3A_11 : i32 to index
    %get3A_13 = arith.constant 16 : index
    %get3A_14 = tpu.vector_load %arg18[%get3A_12, %get3A_13] {strides = array<i32>} : memref<16x128xf32, #tpu.memory_space<vmem>>, vector<1x16xf32>,
    %get3A_15 = vector.shape_cast %get3A_14 : vector<1x16xf32> to vector<16xf32>
    %get3A_16 = arith.constant 0 : i32
    %get3A_17 = arith.index_cast %get3A_16 : i32 to index
    %get3A_18 = arith.constant 32 : index
    %get3A_19 = tpu.vector_load %arg18[%get3A_17, %get3A_18] {strides = array<i32>} : memref<16x128xf32, #tpu.memory_space<vmem>>, vector<1x16xf32>,
    %get3A_20 = vector.shape_cast %get3A_19 : vector<1x16xf32> to vector<16xf32>
    %get3A_21 = arith.constant 0 : i32
    %get3A_22 = arith.index_cast %get3A_21 : i32 to index
    %get3A_23 = arith.constant 48 : index
    %get3A_24 = tpu.vector_load %arg18[%get3A_22, %get3A_23] {strides = array<i32>} : memref<16x128xf32, #tpu.memory_space<vmem>>, vector<1x16xf32>,
    %get3A_25 = vector.shape_cast %get3A_24 : vector<1x16xf32> to vector<16xf32>
    %get3A_26 = arith.constant 0 : i32
    %get3A_27 = arith.index_cast %get3A_26 : i32 to index
    %get3A_28 = arith.constant 64 : index
    %get3A_29 = tpu.vector_load %arg18[%get3A_27, %get3A_28] {strides = array<i32>} : memref<16x128xf32, #tpu.memory_space<vmem>>, vector<1x16xf32>,
    %get3A_30 = vector.shape_cast %get3A_29 : vector<1x16xf32> to vector<16xf32>
    %get3A_31 = arith.constant 0 : i32
    %get3A_32 = arith.index_cast %get3A_31 : i32 to index
    %get3A_33 = arith.constant 80 : index
    %get3A_34 = tpu.vector_load %arg18[%get3A_32, %get3A_33] {strides = array<i32>} : memref<16x128xf32, #tpu.memory_space<vmem>>, vector<1x16xf32>,
    %get3A_35 = vector.shape_cast %get3A_34 : vector<1x16xf32> to vector<16xf32>
    %get3A_36 = arith.constant 0 : i32
    %get3A_37 = arith.index_cast %get3A_36 : i32 to index
    %get3A_38 = arith.constant 96 : index
    %get3A_39 = tpu.vector_load %arg18[%get3A_37, %get3A_38] {strides = array<i32>} : memref<16x128xf32, #tpu.memory_space<vmem>>, vector<1x16xf32>,
    %get3A_40 = vector.shape_cast %get3A_39 : vector<1x16xf32> to vector<16xf32>
    %get3A_41 = arith.constant 0 : i32
    %get3A_42 = arith.index_cast %get3A_41 : i32 to index
    %get3A_43 = arith.constant 112 : index
    %get3A_44 = tpu.vector_load %arg18[%get3A_42, %get3A_43] {strides = array<i32>} : memref<16x128xf32, #tpu.memory_space<vmem>>, vector<1x16xf32>,
    %get3A_45 = vector.shape_cast %get3A_44 : vector<1x16xf32> to vector<16xf32>
    %mul3A_46 = arith.constant 6144 : i32
    %mul3A_47 = arith.muli %arg1, %mul3A_46 : i32
    %scan3A = arith.constant 0 : i32
    %scan3A_48 = arith.constant 0 : i32
    %scan3A_49 = arith.constant 96 : i32
    %scan3A_50 = arith.addi %scan3A_48, %scan3A_49 : i32
    %scan3A_51 = arith.constant 1 : i32
    scf.for %scan3A_66 = %scan3A_48 to %scan3A_50 step %scan3A_51  : i32 {
      %mul3A_67 = arith.constant 64 : i32
      %mul3A_68 = arith.muli %scan3A_66, %mul3A_67 : i32
      %add3A_69 = arith.addi %mul3A_47, %mul3A_68 : i32
      "tpu.region"() ({
        %run_scoped3A = tpu.sem_alloc : memref<!tpu.dma_semaphore, #tpu.memory_space<semaphore_mem>>
        %dma_start3A_100 = tpu.memref_slice %arg2[%add3A_69] : memref<98304xi32, #tpu.memory_space<hbm>> -> memref<64xi32, #tpu.memory_space<hbm>>
        %dma_start3A_101 = tpu.memref_slice %arg2[%add3A_69] : memref<98304xi32, #tpu.memory_space<hbm>> -> memref<64xi32, #tpu.memory_space<hbm>>
        tpu.enqueue_dma source(%dma_start3A_101 : memref<64xi32, #tpu.memory_space<hbm>>) target(%arg10 : memref<64xi32, #tpu.memory_space<vmem>>) target_semaphore(%run_scoped3A : memref<!tpu.dma_semaphore, #tpu.memory_space<semaphore_mem>>)
        %dma_wait3A_102 = tpu.memref_slice %arg2[%add3A_69] : memref<98304xi32, #tpu.memory_space<hbm>> -> memref<64xi32, #tpu.memory_space<hbm>>
        %dma_wait3A_103 = tpu.memref_slice %arg2[%add3A_69] : memref<98304xi32, #tpu.memory_space<hbm>> -> memref<64xi32, #tpu.memory_space<hbm>>
        tpu.wait_dma2 semaphore(%run_scoped3A : memref<!tpu.dma_semaphore, #tpu.memory_space<semaphore_mem>>) src(%dma_wait3A_103 : memref<64xi32, #tpu.memory_space<hbm>>) dst(%arg10 : memref<64xi32, #tpu.memory_space<vmem>>)
        tpu.yield
      }) : () -> ()
      "tpu.region"() ({
        %run_scoped3A = tpu.sem_alloc : memref<!tpu.dma_semaphore, #tpu.memory_space<semaphore_mem>>
        %dma_start3A_100 = tpu.memref_slice %arg3[%add3A_69] : memref<98304xi32, #tpu.memory_space<hbm>> -> memref<64xi32, #tpu.memory_space<hbm>>
        %dma_start3A_101 = tpu.memref_slice %arg3[%add3A_69] : memref<98304xi32, #tpu.memory_space<hbm>> -> memref<64xi32, #tpu.memory_space<hbm>>
        tpu.enqueue_dma source(%dma_start3A_101 : memref<64xi32, #tpu.memory_space<hbm>>) target(%arg11 : memref<64xi32, #tpu.memory_space<vmem>>) target_semaphore(%run_scoped3A : memref<!tpu.dma_semaphore, #tpu.memory_space<semaphore_mem>>)
        %dma_wait3A_102 = tpu.memref_slice %arg3[%add3A_69] : memref<98304xi32, #tpu.memory_space<hbm>> -> memref<64xi32, #tpu.memory_space<hbm>>
        %dma_wait3A_103 = tpu.memref_slice %arg3[%add3A_69] : memref<98304xi32, #tpu.memory_space<hbm>> -> memref<64xi32, #tpu.memory_space<hbm>>
        tpu.wait_dma2 semaphore(%run_scoped3A : memref<!tpu.dma_semaphore, #tpu.memory_space<semaphore_mem>>) src(%dma_wait3A_103 : memref<64xi32, #tpu.memory_space<hbm>>) dst(%arg11 : memref<64xi32, #tpu.memory_space<vmem>>)
        tpu.yield
      }) : () -> ()
      %scan3A_70 = arith.constant 0 : i32
      %scan3A_71 = arith.constant 0 : i32
      %scan3A_72 = arith.constant 4 : i32
      %scan3A_73 = arith.addi %scan3A_71, %scan3A_72 : i32
      %scan3A_74 = arith.constant 1 : i32
      scf.for %scan3A_100 = %scan3A_71 to %scan3A_73 step %scan3A_74  : i32 {
        %mul3A_101 = arith.constant 16 : i32
        %mul3A_102 = arith.muli %scan3A_100, %mul3A_101 : i32
        %get3A_103 = arith.index_cast %mul3A_102 : i32 to index
        %get3A_104 = tpu.vector_load %arg10[%get3A_103] {strides = array<i32>} : memref<64xi32, #tpu.memory_space<vmem>>, vector<16xi32>,
        %get3A_105 = vector.shape_cast %get3A_104 : vector<16xi32> to vector<16xi32>
        %mul3A_106 = arith.constant 10112 : i32
        %mul3A_107 = arith.muli %arg0, %mul3A_106 : i32
        %add3A_108 = vector.broadcast %mul3A_107 : i32 to vector<16xi32>
        %add3A_109 = arith.addi %get3A_105, %add3A_108 : vector<16xi32>
        %swap3A = arith.index_cast %mul3A_102 : i32 to index
        %swap3A_110 = tpu.vector_load %arg12[%swap3A] {strides = array<i32>} : memref<64xi32, #tpu.memory_space<vmem>>, vector<16xi32>,
        %swap3A_111 = vector.shape_cast %swap3A_110 : vector<16xi32> to vector<16xi32>
        %swap3A_112 = vector.shape_cast %add3A_109 : vector<16xi32> to vector<16xi32>
        tpu.vector_store %arg12[%swap3A], %swap3A_112 {strides = array<i32>} : memref<64xi32, #tpu.memory_space<vmem>>, vector<16xi32>,
      }
      %scan3A_75 = arith.constant 4 : i32
      %dma_start3A_76 = arith.constant 0 : i32
      %dma_start3A_77 = arith.constant 0 : i32
      %dma_start3A_78 = tpu.memref_slice %arg4[%dma_start3A_76, %dma_start3A_77] : memref<20224x128xf32, #tpu.memory_space<hbm>> -> memref<20224x128xf32, #tpu.memory_space<hbm>>
      tpu.enqueue_indirect_dma source(%dma_start3A_78 : memref<20224x128xf32, #tpu.memory_space<hbm>>) target(%arg13 : memref<64x128xf32, #tpu.memory_space<vmem>>) offsets(%arg12 : memref<64xi32, #tpu.memory_space<vmem>>) semaphore(%arg21 : memref<!tpu.dma_semaphore, #tpu.memory_space<semaphore_mem>>)
      %dma_wait3A_79 = arith.constant 0 : i32
      %dma_wait3A_80 = arith.constant 0 : i32
      %dma_wait3A_81 = tpu.memref_slice %arg4[%dma_wait3A_79, %dma_wait3A_80] : memref<20224x128xf32, #tpu.memory_space<hbm>> -> memref<20224x128xf32, #tpu.memory_space<hbm>>
      tpu.wait_indirect_dma semaphore(%arg21 : memref<!tpu.dma_semaphore, #tpu.memory_space<semaphore_mem>>) src(%dma_wait3A_81 : memref<20224x128xf32, #tpu.memory_space<hbm>>) dst(%arg13 : memref<64x128xf32, #tpu.memory_space<vmem>>)
      %scan3A_82 = arith.constant 0 : i32
      %scan3A_83 = arith.constant 0 : i32
      %scan3A_84 = arith.constant 4 : i32
      %scan3A_85 = arith.addi %scan3A_83, %scan3A_84 : i32
      %scan3A_86 = arith.constant 1 : i32
      scf.for %scan3A_100 = %scan3A_83 to %scan3A_85 step %scan3A_86  : i32 {
        %mul3A_101 = arith.constant 16 : i32
        %mul3A_102 = arith.muli %scan3A_100, %mul3A_101 : i32
        %get3A_103 = arith.index_cast %mul3A_102 : i32 to index
        %get3A_104 = tpu.vector_load %arg11[%get3A_103] {strides = array<i32>} : memref<64xi32, #tpu.memory_space<vmem>>, vector<16xi32>,
        %get3A_105 = vector.shape_cast %get3A_104 : vector<16xi32> to vector<16xi32>
        %mul3A_106 = arith.constant 4224 : i32
        %mul3A_107 = arith.muli %arg0, %mul3A_106 : i32
        %add3A_108 = vector.broadcast %mul3A_107 : i32 to vector<16xi32>
        %add3A_109 = arith.addi %get3A_105, %add3A_108 : vector<16xi32>
        %swap3A = arith.index_cast %mul3A_102 : i32 to index
        %swap3A_110 = tpu.vector_load %arg12[%swap3A] {strides = array<i32>} : memref<64xi32, #tpu.memory_space<vmem>>, vector<16xi32>,
        %swap3A_111 = vector.shape_cast %swap3A_110 : vector<16xi32> to vector<16xi32>
        %swap3A_112 = vector.shape_cast %add3A_109 : vector<16xi32> to vector<16xi32>
        tpu.vector_store %arg12[%swap3A], %swap3A_112 {strides = array<i32>} : memref<64xi32, #tpu.memory_space<vmem>>, vector<16xi32>,
      }
      %scan3A_87 = arith.constant 4 : i32
      %dma_start3A_88 = arith.constant 0 : i32
      %dma_start3A_89 = arith.constant 0 : i32
      %dma_start3A_90 = tpu.memref_slice %arg5[%dma_start3A_88, %dma_start3A_89] : memref<8448x128xf32, #tpu.memory_space<hbm>> -> memref<8448x128xf32, #tpu.memory_space<hbm>>
      tpu.enqueue_indirect_dma source(%dma_start3A_90 : memref<8448x128xf32, #tpu.memory_space<hbm>>) target(%arg14 : memref<64x128xf32, #tpu.memory_space<vmem>>) offsets(%arg12 : memref<64xi32, #tpu.memory_space<vmem>>) semaphore(%arg21 : memref<!tpu.dma_semaphore, #tpu.memory_space<semaphore_mem>>)
      %dma_wait3A_91 = arith.constant 0 : i32
      %dma_wait3A_92 = arith.constant 0 : i32
      %dma_wait3A_93 = tpu.memref_slice %arg5[%dma_wait3A_91, %dma_wait3A_92] : memref<8448x128xf32, #tpu.memory_space<hbm>> -> memref<8448x128xf32, #tpu.memory_space<hbm>>
      tpu.wait_indirect_dma semaphore(%arg21 : memref<!tpu.dma_semaphore, #tpu.memory_space<semaphore_mem>>) src(%dma_wait3A_93 : memref<8448x128xf32, #tpu.memory_space<hbm>>) dst(%arg14 : memref<64x128xf32, #tpu.memory_space<vmem>>)
      %scan3A_94 = arith.constant 0 : i32
      %scan3A_95 = arith.constant 0 : i32
      %scan3A_96 = arith.constant 64 : i32
      %scan3A_97 = arith.addi %scan3A_95, %scan3A_96 : i32
      %scan3A_98 = arith.constant 1 : i32
      scf.for %scan3A_100 = %scan3A_95 to %scan3A_97 step %scan3A_98  : i32 {
        %get3A_101 = arith.index_cast %scan3A_100 : i32 to index
        %get3A_102 = arith.constant 0 : index
        %get3A_103 = tpu.vector_load %arg13[%get3A_101, %get3A_102] {strides = array<i32>} : memref<64x128xf32, #tpu.memory_space<vmem>>, vector<1x16xf32>,
        %get3A_104 = vector.shape_cast %get3A_103 : vector<1x16xf32> to vector<16xf32>
        %get3A_105 = arith.index_cast %scan3A_100 : i32 to index
        %get3A_106 = arith.constant 0 : index
        %get3A_107 = tpu.vector_load %arg14[%get3A_105, %get3A_106] {strides = array<i32>} : memref<64x128xf32, #tpu.memory_space<vmem>>, vector<1x16xf32>,
        %get3A_108 = vector.shape_cast %get3A_107 : vector<1x16xf32> to vector<16xf32>
        %add3A_109 = arith.addf %get3A_104, %get3A_108 : vector<16xf32>
        %mul3A_110 = arith.constant 2.000000e-01 : f32
        %mul3A_111 = vector.broadcast %mul3A_110 : f32 to vector<16xf32>
        %mul3A_112 = arith.mulf %mul3A_111, %add3A_109 : vector<16xf32>
        %max3A = arith.maximumf %add3A_109, %mul3A_112 : vector<16xf32>
        %sub3A = arith.subf %max3A, %get3A_10 : vector<16xf32>
        %exp3A = math.exp %sub3A : vector<16xf32>
        %swap3A = arith.index_cast %scan3A_100 : i32 to index
        %swap3A_113 = arith.constant 0 : index
        %swap3A_114 = tpu.vector_load %arg15[%swap3A, %swap3A_113] {strides = array<i32>} : memref<64x128xf32, #tpu.memory_space<vmem>>, vector<1x16xf32>,
        %swap3A_115 = vector.shape_cast %swap3A_114 : vector<1x16xf32> to vector<16xf32>
        %swap3A_116 = vector.shape_cast %exp3A : vector<16xf32> to vector<1x16xf32>
        tpu.vector_store %arg15[%swap3A, %swap3A_113], %swap3A_116 {strides = array<i32>} : memref<64x128xf32, #tpu.memory_space<vmem>>, vector<1x16xf32>,
        %get3A_117 = arith.index_cast %scan3A_100 : i32 to index
        %get3A_118 = arith.constant 16 : index
        %get3A_119 = tpu.vector_load %arg13[%get3A_117, %get3A_118] {strides = array<i32>} : memref<64x128xf32, #tpu.memory_space<vmem>>, vector<1x16xf32>,
        %get3A_120 = vector.shape_cast %get3A_119 : vector<1x16xf32> to vector<16xf32>
        %get3A_121 = arith.index_cast %scan3A_100 : i32 to index
        %get3A_122 = arith.constant 16 : index
        %get3A_123 = tpu.vector_load %arg14[%get3A_121, %get3A_122] {strides = array<i32>} : memref<64x128xf32, #tpu.memory_space<vmem>>, vector<1x16xf32>,
        %get3A_124 = vector.shape_cast %get3A_123 : vector<1x16xf32> to vector<16xf32>
        %add3A_125 = arith.addf %get3A_120, %get3A_124 : vector<16xf32>
        %mul3A_126 = arith.constant 2.000000e-01 : f32
        %mul3A_127 = vector.broadcast %mul3A_126 : f32 to vector<16xf32>
        %mul3A_128 = arith.mulf %mul3A_127, %add3A_125 : vector<16xf32>
        %max3A_129 = arith.maximumf %add3A_125, %mul3A_128 : vector<16xf32>
        %sub3A_130 = arith.subf %max3A_129, %get3A_15 : vector<16xf32>
        %exp3A_131 = math.exp %sub3A_130 : vector<16xf32>
        %swap3A_132 = arith.index_cast %scan3A_100 : i32 to index
        %swap3A_133 = arith.constant 16 : index
        %swap3A_134 = tpu.vector_load %arg15[%swap3A_132, %swap3A_133] {strides = array<i32>} : memref<64x128xf32, #tpu.memory_space<vmem>>, vector<1x16xf32>,
        %swap3A_135 = vector.shape_cast %swap3A_134 : vector<1x16xf32> to vector<16xf32>
        %swap3A_136 = vector.shape_cast %exp3A_131 : vector<16xf32> to vector<1x16xf32>
        tpu.vector_store %arg15[%swap3A_132, %swap3A_133], %swap3A_136 {strides = array<i32>} : memref<64x128xf32, #tpu.memory_space<vmem>>, vector<1x16xf32>,
        %get3A_137 = arith.index_cast %scan3A_100 : i32 to index
        %get3A_138 = arith.constant 32 : index
        %get3A_139 = tpu.vector_load %arg13[%get3A_137, %get3A_138] {strides = array<i32>} : memref<64x128xf32, #tpu.memory_space<vmem>>, vector<1x16xf32>,
        %get3A_140 = vector.shape_cast %get3A_139 : vector<1x16xf32> to vector<16xf32>
        %get3A_141 = arith.index_cast %scan3A_100 : i32 to index
        %get3A_142 = arith.constant 32 : index
        %get3A_143 = tpu.vector_load %arg14[%get3A_141, %get3A_142] {strides = array<i32>} : memref<64x128xf32, #tpu.memory_space<vmem>>, vector<1x16xf32>,
        %get3A_144 = vector.shape_cast %get3A_143 : vector<1x16xf32> to vector<16xf32>
        %add3A_145 = arith.addf %get3A_140, %get3A_144 : vector<16xf32>
        %mul3A_146 = arith.constant 2.000000e-01 : f32
        %mul3A_147 = vector.broadcast %mul3A_146 : f32 to vector<16xf32>
        %mul3A_148 = arith.mulf %mul3A_147, %add3A_145 : vector<16xf32>
        %max3A_149 = arith.maximumf %add3A_145, %mul3A_148 : vector<16xf32>
        %sub3A_150 = arith.subf %max3A_149, %get3A_20 : vector<16xf32>
        %exp3A_151 = math.exp %sub3A_150 : vector<16xf32>
        %swap3A_152 = arith.index_cast %scan3A_100 : i32 to index
        %swap3A_153 = arith.constant 32 : index
        %swap3A_154 = tpu.vector_load %arg15[%swap3A_152, %swap3A_153] {strides = array<i32>} : memref<64x128xf32, #tpu.memory_space<vmem>>, vector<1x16xf32>,
        %swap3A_155 = vector.shape_cast %swap3A_154 : vector<1x16xf32> to vector<16xf32>
        %swap3A_156 = vector.shape_cast %exp3A_151 : vector<16xf32> to vector<1x16xf32>
        tpu.vector_store %arg15[%swap3A_152, %swap3A_153], %swap3A_156 {strides = array<i32>} : memref<64x128xf32, #tpu.memory_space<vmem>>, vector<1x16xf32>,
        %get3A_157 = arith.index_cast %scan3A_100 : i32 to index
        %get3A_158 = arith.constant 48 : index
        %get3A_159 = tpu.vector_load %arg13[%get3A_157, %get3A_158] {strides = array<i32>} : memref<64x128xf32, #tpu.memory_space<vmem>>, vector<1x16xf32>,
        %get3A_160 = vector.shape_cast %get3A_159 : vector<1x16xf32> to vector<16xf32>
        %get3A_161 = arith.index_cast %scan3A_100 : i32 to index
        %get3A_162 = arith.constant 48 : index
        %get3A_163 = tpu.vector_load %arg14[%get3A_161, %get3A_162] {strides = array<i32>} : memref<64x128xf32, #tpu.memory_space<vmem>>, vector<1x16xf32>,
        %get3A_164 = vector.shape_cast %get3A_163 : vector<1x16xf32> to vector<16xf32>
        %add3A_165 = arith.addf %get3A_160, %get3A_164 : vector<16xf32>
        %mul3A_166 = arith.constant 2.000000e-01 : f32
        %mul3A_167 = vector.broadcast %mul3A_166 : f32 to vector<16xf32>
        %mul3A_168 = arith.mulf %mul3A_167, %add3A_165 : vector<16xf32>
        %max3A_169 = arith.maximumf %add3A_165, %mul3A_168 : vector<16xf32>
        %sub3A_170 = arith.subf %max3A_169, %get3A_25 : vector<16xf32>
        %exp3A_171 = math.exp %sub3A_170 : vector<16xf32>
        %swap3A_172 = arith.index_cast %scan3A_100 : i32 to index
        %swap3A_173 = arith.constant 48 : index
        %swap3A_174 = tpu.vector_load %arg15[%swap3A_172, %swap3A_173] {strides = array<i32>} : memref<64x128xf32, #tpu.memory_space<vmem>>, vector<1x16xf32>,
        %swap3A_175 = vector.shape_cast %swap3A_174 : vector<1x16xf32> to vector<16xf32>
        %swap3A_176 = vector.shape_cast %exp3A_171 : vector<16xf32> to vector<1x16xf32>
        tpu.vector_store %arg15[%swap3A_172, %swap3A_173], %swap3A_176 {strides = array<i32>} : memref<64x128xf32, #tpu.memory_space<vmem>>, vector<1x16xf32>,
        %get3A_177 = arith.index_cast %scan3A_100 : i32 to index
        %get3A_178 = arith.constant 64 : index
        %get3A_179 = tpu.vector_load %arg13[%get3A_177, %get3A_178] {strides = array<i32>} : memref<64x128xf32, #tpu.memory_space<vmem>>, vector<1x16xf32>,
        %get3A_180 = vector.shape_cast %get3A_179 : vector<1x16xf32> to vector<16xf32>
        %get3A_181 = arith.index_cast %scan3A_100 : i32 to index
        %get3A_182 = arith.constant 64 : index
        %get3A_183 = tpu.vector_load %arg14[%get3A_181, %get3A_182] {strides = array<i32>} : memref<64x128xf32, #tpu.memory_space<vmem>>, vector<1x16xf32>,
        %get3A_184 = vector.shape_cast %get3A_183 : vector<1x16xf32> to vector<16xf32>
        %add3A_185 = arith.addf %get3A_180, %get3A_184 : vector<16xf32>
        %mul3A_186 = arith.constant 2.000000e-01 : f32
        %mul3A_187 = vector.broadcast %mul3A_186 : f32 to vector<16xf32>
        %mul3A_188 = arith.mulf %mul3A_187, %add3A_185 : vector<16xf32>
        %max3A_189 = arith.maximumf %add3A_185, %mul3A_188 : vector<16xf32>
        %sub3A_190 = arith.subf %max3A_189, %get3A_30 : vector<16xf32>
        %exp3A_191 = math.exp %sub3A_190 : vector<16xf32>
        %swap3A_192 = arith.index_cast %scan3A_100 : i32 to index
        %swap3A_193 = arith.constant 64 : index
        %swap3A_194 = tpu.vector_load %arg15[%swap3A_192, %swap3A_193] {strides = array<i32>} : memref<64x128xf32, #tpu.memory_space<vmem>>, vector<1x16xf32>,
        %swap3A_195 = vector.shape_cast %swap3A_194 : vector<1x16xf32> to vector<16xf32>
        %swap3A_196 = vector.shape_cast %exp3A_191 : vector<16xf32> to vector<1x16xf32>
        tpu.vector_store %arg15[%swap3A_192, %swap3A_193], %swap3A_196 {strides = array<i32>} : memref<64x128xf32, #tpu.memory_space<vmem>>, vector<1x16xf32>,
        %get3A_197 = arith.index_cast %scan3A_100 : i32 to index
        %get3A_198 = arith.constant 80 : index
        %get3A_199 = tpu.vector_load %arg13[%get3A_197, %get3A_198] {strides = array<i32>} : memref<64x128xf32, #tpu.memory_space<vmem>>, vector<1x16xf32>,
        %get3A_200 = vector.shape_cast %get3A_199 : vector<1x16xf32> to vector<16xf32>
        %get3A_201 = arith.index_cast %scan3A_100 : i32 to index
        %get3A_202 = arith.constant 80 : index
        %get3A_203 = tpu.vector_load %arg14[%get3A_201, %get3A_202] {strides = array<i32>} : memref<64x128xf32, #tpu.memory_space<vmem>>, vector<1x16xf32>,
        %get3A_204 = vector.shape_cast %get3A_203 : vector<1x16xf32> to vector<16xf32>
        %add3A_205 = arith.addf %get3A_200, %get3A_204 : vector<16xf32>
        %mul3A_206 = arith.constant 2.000000e-01 : f32
        %mul3A_207 = vector.broadcast %mul3A_206 : f32 to vector<16xf32>
        %mul3A_208 = arith.mulf %mul3A_207, %add3A_205 : vector<16xf32>
        %max3A_209 = arith.maximumf %add3A_205, %mul3A_208 : vector<16xf32>
        %sub3A_210 = arith.subf %max3A_209, %get3A_35 : vector<16xf32>
        %exp3A_211 = math.exp %sub3A_210 : vector<16xf32>
        %swap3A_212 = arith.index_cast %scan3A_100 : i32 to index
        %swap3A_213 = arith.constant 80 : index
        %swap3A_214 = tpu.vector_load %arg15[%swap3A_212, %swap3A_213] {strides = array<i32>} : memref<64x128xf32, #tpu.memory_space<vmem>>, vector<1x16xf32>,
        %swap3A_215 = vector.shape_cast %swap3A_214 : vector<1x16xf32> to vector<16xf32>
        %swap3A_216 = vector.shape_cast %exp3A_211 : vector<16xf32> to vector<1x16xf32>
        tpu.vector_store %arg15[%swap3A_212, %swap3A_213], %swap3A_216 {strides = array<i32>} : memref<64x128xf32, #tpu.memory_space<vmem>>, vector<1x16xf32>,
        %get3A_217 = arith.index_cast %scan3A_100 : i32 to index
        %get3A_218 = arith.constant 96 : index
        %get3A_219 = tpu.vector_load %arg13[%get3A_217, %get3A_218] {strides = array<i32>} : memref<64x128xf32, #tpu.memory_space<vmem>>, vector<1x16xf32>,
        %get3A_220 = vector.shape_cast %get3A_219 : vector<1x16xf32> to vector<16xf32>
        %get3A_221 = arith.index_cast %scan3A_100 : i32 to index
        %get3A_222 = arith.constant 96 : index
        %get3A_223 = tpu.vector_load %arg14[%get3A_221, %get3A_222] {strides = array<i32>} : memref<64x128xf32, #tpu.memory_space<vmem>>, vector<1x16xf32>,
        %get3A_224 = vector.shape_cast %get3A_223 : vector<1x16xf32> to vector<16xf32>
        %add3A_225 = arith.addf %get3A_220, %get3A_224 : vector<16xf32>
        %mul3A_226 = arith.constant 2.000000e-01 : f32
        %mul3A_227 = vector.broadcast %mul3A_226 : f32 to vector<16xf32>
        %mul3A_228 = arith.mulf %mul3A_227, %add3A_225 : vector<16xf32>
        %max3A_229 = arith.maximumf %add3A_225, %mul3A_228 : vector<16xf32>
        %sub3A_230 = arith.subf %max3A_229, %get3A_40 : vector<16xf32>
        %exp3A_231 = math.exp %sub3A_230 : vector<16xf32>
        %swap3A_232 = arith.index_cast %scan3A_100 : i32 to index
        %swap3A_233 = arith.constant 96 : index
        %swap3A_234 = tpu.vector_load %arg15[%swap3A_232, %swap3A_233] {strides = array<i32>} : memref<64x128xf32, #tpu.memory_space<vmem>>, vector<1x16xf32>,
        %swap3A_235 = vector.shape_cast %swap3A_234 : vector<1x16xf32> to vector<16xf32>
        %swap3A_236 = vector.shape_cast %exp3A_231 : vector<16xf32> to vector<1x16xf32>
        tpu.vector_store %arg15[%swap3A_232, %swap3A_233], %swap3A_236 {strides = array<i32>} : memref<64x128xf32, #tpu.memory_space<vmem>>, vector<1x16xf32>,
        %get3A_237 = arith.index_cast %scan3A_100 : i32 to index
        %get3A_238 = arith.constant 112 : index
        %get3A_239 = tpu.vector_load %arg13[%get3A_237, %get3A_238] {strides = array<i32>} : memref<64x128xf32, #tpu.memory_space<vmem>>, vector<1x16xf32>,
        %get3A_240 = vector.shape_cast %get3A_239 : vector<1x16xf32> to vector<16xf32>
        %get3A_241 = arith.index_cast %scan3A_100 : i32 to index
        %get3A_242 = arith.constant 112 : index
        %get3A_243 = tpu.vector_load %arg14[%get3A_241, %get3A_242] {strides = array<i32>} : memref<64x128xf32, #tpu.memory_space<vmem>>, vector<1x16xf32>,
        %get3A_244 = vector.shape_cast %get3A_243 : vector<1x16xf32> to vector<16xf32>
        %add3A_245 = arith.addf %get3A_240, %get3A_244 : vector<16xf32>
        %mul3A_246 = arith.constant 2.000000e-01 : f32
        %mul3A_247 = vector.broadcast %mul3A_246 : f32 to vector<16xf32>
        %mul3A_248 = arith.mulf %mul3A_247, %add3A_245 : vector<16xf32>
        %max3A_249 = arith.maximumf %add3A_245, %mul3A_248 : vector<16xf32>
        %sub3A_250 = arith.subf %max3A_249, %get3A_45 : vector<16xf32>
        %exp3A_251 = math.exp %sub3A_250 : vector<16xf32>
        %swap3A_252 = arith.index_cast %scan3A_100 : i32 to index
        %swap3A_253 = arith.constant 112 : index
        %swap3A_254 = tpu.vector_load %arg15[%swap3A_252, %swap3A_253] {strides = array<i32>} : memref<64x128xf32, #tpu.memory_space<vmem>>, vector<1x16xf32>,
        %swap3A_255 = vector.shape_cast %swap3A_254 : vector<1x16xf32> to vector<16xf32>
        %swap3A_256 = vector.shape_cast %exp3A_251 : vector<16xf32> to vector<1x16xf32>
        tpu.vector_store %arg15[%swap3A_252, %swap3A_253], %swap3A_256 {strides = array<i32>} : memref<64x128xf32, #tpu.memory_space<vmem>>, vector<1x16xf32>,
      }
      %scan3A_99 = arith.constant 64 : i32
      "tpu.region"() ({
        %run_scoped3A = tpu.sem_alloc : memref<!tpu.dma_semaphore, #tpu.memory_space<semaphore_mem>>
        %dma_start3A_100 = arith.constant 0 : i32
        %dma_start3A_101 = arith.constant 0 : i32
        %dma_start3A_102 = tpu.memref_slice %arg19[%dma_start3A_100, %dma_start3A_101] : memref<4224x128xf32, #tpu.memory_space<vmem_shared>> -> memref<4224x128xf32, #tpu.memory_space<vmem_shared>>
        tpu.enqueue_indirect_dma source(%arg15 : memref<64x128xf32, #tpu.memory_space<vmem>>) target(%dma_start3A_102 : memref<4224x128xf32, #tpu.memory_space<vmem_shared>>) offsets(%arg11 : memref<64xi32, #tpu.memory_space<vmem>>) semaphore(%run_scoped3A : memref<!tpu.dma_semaphore, #tpu.memory_space<semaphore_mem>>) {add = true}
        %dma_wait3A_103 = arith.constant 0 : i32
        %dma_wait3A_104 = arith.constant 0 : i32
        %dma_wait3A_105 = tpu.memref_slice %arg19[%dma_wait3A_103, %dma_wait3A_104] : memref<4224x128xf32, #tpu.memory_space<vmem_shared>> -> memref<4224x128xf32, #tpu.memory_space<vmem_shared>>
        tpu.wait_indirect_dma semaphore(%run_scoped3A : memref<!tpu.dma_semaphore, #tpu.memory_space<semaphore_mem>>) src(%arg15 : memref<64x128xf32, #tpu.memory_space<vmem>>) dst(%dma_wait3A_105 : memref<4224x128xf32, #tpu.memory_space<vmem_shared>>)
        tpu.yield
      }) : () -> ()
    }
    %scan3A_52 = arith.constant 96 : i32
    %barrier3A_53 = arith.constant 0 : index
    tpu.barrier barrier_id(%barrier3A_53)
    %scan3A_54 = arith.constant 0 : i32
    %scan3A_55 = arith.constant 0 : i32
    %scan3A_56 = arith.constant 96 : i32
    %scan3A_57 = arith.addi %scan3A_55, %scan3A_56 : i32
    %scan3A_58 = arith.constant 1 : i32
    scf.for %scan3A_66 = %scan3A_55 to %scan3A_57 step %scan3A_58  : i32 {
      %mul3A_67 = arith.constant 64 : i32
      %mul3A_68 = arith.muli %scan3A_66, %mul3A_67 : i32
      %add3A_69 = arith.addi %mul3A_47, %mul3A_68 : i32
      "tpu.region"() ({
        %run_scoped3A = tpu.sem_alloc : memref<!tpu.dma_semaphore, #tpu.memory_space<semaphore_mem>>
        %dma_start3A_106 = tpu.memref_slice %arg2[%add3A_69] : memref<98304xi32, #tpu.memory_space<hbm>> -> memref<64xi32, #tpu.memory_space<hbm>>
        %dma_start3A_107 = tpu.memref_slice %arg2[%add3A_69] : memref<98304xi32, #tpu.memory_space<hbm>> -> memref<64xi32, #tpu.memory_space<hbm>>
        tpu.enqueue_dma source(%dma_start3A_107 : memref<64xi32, #tpu.memory_space<hbm>>) target(%arg10 : memref<64xi32, #tpu.memory_space<vmem>>) target_semaphore(%run_scoped3A : memref<!tpu.dma_semaphore, #tpu.memory_space<semaphore_mem>>)
        %dma_wait3A_108 = tpu.memref_slice %arg2[%add3A_69] : memref<98304xi32, #tpu.memory_space<hbm>> -> memref<64xi32, #tpu.memory_space<hbm>>
        %dma_wait3A_109 = tpu.memref_slice %arg2[%add3A_69] : memref<98304xi32, #tpu.memory_space<hbm>> -> memref<64xi32, #tpu.memory_space<hbm>>
        tpu.wait_dma2 semaphore(%run_scoped3A : memref<!tpu.dma_semaphore, #tpu.memory_space<semaphore_mem>>) src(%dma_wait3A_109 : memref<64xi32, #tpu.memory_space<hbm>>) dst(%arg10 : memref<64xi32, #tpu.memory_space<vmem>>)
        tpu.yield
      }) : () -> ()
      "tpu.region"() ({
        %run_scoped3A = tpu.sem_alloc : memref<!tpu.dma_semaphore, #tpu.memory_space<semaphore_mem>>
        %dma_start3A_106 = tpu.memref_slice %arg3[%add3A_69] : memref<98304xi32, #tpu.memory_space<hbm>> -> memref<64xi32, #tpu.memory_space<hbm>>
        %dma_start3A_107 = tpu.memref_slice %arg3[%add3A_69] : memref<98304xi32, #tpu.memory_space<hbm>> -> memref<64xi32, #tpu.memory_space<hbm>>
        tpu.enqueue_dma source(%dma_start3A_107 : memref<64xi32, #tpu.memory_space<hbm>>) target(%arg11 : memref<64xi32, #tpu.memory_space<vmem>>) target_semaphore(%run_scoped3A : memref<!tpu.dma_semaphore, #tpu.memory_space<semaphore_mem>>)
        %dma_wait3A_108 = tpu.memref_slice %arg3[%add3A_69] : memref<98304xi32, #tpu.memory_space<hbm>> -> memref<64xi32, #tpu.memory_space<hbm>>
        %dma_wait3A_109 = tpu.memref_slice %arg3[%add3A_69] : memref<98304xi32, #tpu.memory_space<hbm>> -> memref<64xi32, #tpu.memory_space<hbm>>
        tpu.wait_dma2 semaphore(%run_scoped3A : memref<!tpu.dma_semaphore, #tpu.memory_space<semaphore_mem>>) src(%dma_wait3A_109 : memref<64xi32, #tpu.memory_space<hbm>>) dst(%arg11 : memref<64xi32, #tpu.memory_space<vmem>>)
        tpu.yield
      }) : () -> ()
      %scan3A_70 = arith.constant 0 : i32
      %scan3A_71 = arith.constant 0 : i32
      %scan3A_72 = arith.constant 4 : i32
      %scan3A_73 = arith.addi %scan3A_71, %scan3A_72 : i32
      %scan3A_74 = arith.constant 1 : i32
      scf.for %scan3A_106 = %scan3A_71 to %scan3A_73 step %scan3A_74  : i32 {
        %mul3A_107 = arith.constant 16 : i32
        %mul3A_108 = arith.muli %scan3A_106, %mul3A_107 : i32
        %get3A_109 = arith.index_cast %mul3A_108 : i32 to index
        %get3A_110 = tpu.vector_load %arg10[%get3A_109] {strides = array<i32>} : memref<64xi32, #tpu.memory_space<vmem>>, vector<16xi32>,
        %get3A_111 = vector.shape_cast %get3A_110 : vector<16xi32> to vector<16xi32>
        %mul3A_112 = arith.constant 10112 : i32
        %mul3A_113 = arith.muli %arg0, %mul3A_112 : i32
        %add3A_114 = vector.broadcast %mul3A_113 : i32 to vector<16xi32>
        %add3A_115 = arith.addi %get3A_111, %add3A_114 : vector<16xi32>
        %swap3A = arith.index_cast %mul3A_108 : i32 to index
        %swap3A_116 = tpu.vector_load %arg12[%swap3A] {strides = array<i32>} : memref<64xi32, #tpu.memory_space<vmem>>, vector<16xi32>,
        %swap3A_117 = vector.shape_cast %swap3A_116 : vector<16xi32> to vector<16xi32>
        %swap3A_118 = vector.shape_cast %add3A_115 : vector<16xi32> to vector<16xi32>
        tpu.vector_store %arg12[%swap3A], %swap3A_118 {strides = array<i32>} : memref<64xi32, #tpu.memory_space<vmem>>, vector<16xi32>,
      }
      %scan3A_75 = arith.constant 4 : i32
      %dma_start3A_76 = arith.constant 0 : i32
      %dma_start3A_77 = arith.constant 0 : i32
      %dma_start3A_78 = tpu.memref_slice %arg7[%dma_start3A_76, %dma_start3A_77] : memref<20224x128xf32, #tpu.memory_space<hbm>> -> memref<20224x128xf32, #tpu.memory_space<hbm>>
      tpu.enqueue_indirect_dma source(%dma_start3A_78 : memref<20224x128xf32, #tpu.memory_space<hbm>>) target(%arg17 : memref<64x128xf32, #tpu.memory_space<vmem>>) offsets(%arg12 : memref<64xi32, #tpu.memory_space<vmem>>) semaphore(%arg21 : memref<!tpu.dma_semaphore, #tpu.memory_space<semaphore_mem>>)
      %dma_wait3A_79 = arith.constant 0 : i32
      %dma_wait3A_80 = arith.constant 0 : i32
      %dma_wait3A_81 = tpu.memref_slice %arg7[%dma_wait3A_79, %dma_wait3A_80] : memref<20224x128xf32, #tpu.memory_space<hbm>> -> memref<20224x128xf32, #tpu.memory_space<hbm>>
      tpu.wait_indirect_dma semaphore(%arg21 : memref<!tpu.dma_semaphore, #tpu.memory_space<semaphore_mem>>) src(%dma_wait3A_81 : memref<20224x128xf32, #tpu.memory_space<hbm>>) dst(%arg17 : memref<64x128xf32, #tpu.memory_space<vmem>>)
      %dma_start3A_82 = arith.constant 0 : i32
      %dma_start3A_83 = arith.constant 0 : i32
      %dma_start3A_84 = tpu.memref_slice %arg4[%dma_start3A_82, %dma_start3A_83] : memref<20224x128xf32, #tpu.memory_space<hbm>> -> memref<20224x128xf32, #tpu.memory_space<hbm>>
      tpu.enqueue_indirect_dma source(%dma_start3A_84 : memref<20224x128xf32, #tpu.memory_space<hbm>>) target(%arg13 : memref<64x128xf32, #tpu.memory_space<vmem>>) offsets(%arg12 : memref<64xi32, #tpu.memory_space<vmem>>) semaphore(%arg21 : memref<!tpu.dma_semaphore, #tpu.memory_space<semaphore_mem>>)
      %dma_wait3A_85 = arith.constant 0 : i32
      %dma_wait3A_86 = arith.constant 0 : i32
      %dma_wait3A_87 = tpu.memref_slice %arg4[%dma_wait3A_85, %dma_wait3A_86] : memref<20224x128xf32, #tpu.memory_space<hbm>> -> memref<20224x128xf32, #tpu.memory_space<hbm>>
      tpu.wait_indirect_dma semaphore(%arg21 : memref<!tpu.dma_semaphore, #tpu.memory_space<semaphore_mem>>) src(%dma_wait3A_87 : memref<20224x128xf32, #tpu.memory_space<hbm>>) dst(%arg13 : memref<64x128xf32, #tpu.memory_space<vmem>>)
      %scan3A_88 = arith.constant 0 : i32
      %scan3A_89 = arith.constant 0 : i32
      %scan3A_90 = arith.constant 4 : i32
      %scan3A_91 = arith.addi %scan3A_89, %scan3A_90 : i32
      %scan3A_92 = arith.constant 1 : i32
      scf.for %scan3A_106 = %scan3A_89 to %scan3A_91 step %scan3A_92  : i32 {
        %mul3A_107 = arith.constant 16 : i32
        %mul3A_108 = arith.muli %scan3A_106, %mul3A_107 : i32
        %get3A_109 = arith.index_cast %mul3A_108 : i32 to index
        %get3A_110 = tpu.vector_load %arg11[%get3A_109] {strides = array<i32>} : memref<64xi32, #tpu.memory_space<vmem>>, vector<16xi32>,
        %get3A_111 = vector.shape_cast %get3A_110 : vector<16xi32> to vector<16xi32>
        %mul3A_112 = arith.constant 4224 : i32
        %mul3A_113 = arith.muli %arg0, %mul3A_112 : i32
        %add3A_114 = vector.broadcast %mul3A_113 : i32 to vector<16xi32>
        %add3A_115 = arith.addi %get3A_111, %add3A_114 : vector<16xi32>
        %swap3A = arith.index_cast %mul3A_108 : i32 to index
        %swap3A_116 = tpu.vector_load %arg12[%swap3A] {strides = array<i32>} : memref<64xi32, #tpu.memory_space<vmem>>, vector<16xi32>,
        %swap3A_117 = vector.shape_cast %swap3A_116 : vector<16xi32> to vector<16xi32>
        %swap3A_118 = vector.shape_cast %add3A_115 : vector<16xi32> to vector<16xi32>
        tpu.vector_store %arg12[%swap3A], %swap3A_118 {strides = array<i32>} : memref<64xi32, #tpu.memory_space<vmem>>, vector<16xi32>,
      }
      %scan3A_93 = arith.constant 4 : i32
      %dma_start3A_94 = arith.constant 0 : i32
      %dma_start3A_95 = arith.constant 0 : i32
      %dma_start3A_96 = tpu.memref_slice %arg5[%dma_start3A_94, %dma_start3A_95] : memref<8448x128xf32, #tpu.memory_space<hbm>> -> memref<8448x128xf32, #tpu.memory_space<hbm>>
      tpu.enqueue_indirect_dma source(%dma_start3A_96 : memref<8448x128xf32, #tpu.memory_space<hbm>>) target(%arg14 : memref<64x128xf32, #tpu.memory_space<vmem>>) offsets(%arg12 : memref<64xi32, #tpu.memory_space<vmem>>) semaphore(%arg21 : memref<!tpu.dma_semaphore, #tpu.memory_space<semaphore_mem>>)
      %dma_wait3A_97 = arith.constant 0 : i32
      %dma_wait3A_98 = arith.constant 0 : i32
      %dma_wait3A_99 = tpu.memref_slice %arg5[%dma_wait3A_97, %dma_wait3A_98] : memref<8448x128xf32, #tpu.memory_space<hbm>> -> memref<8448x128xf32, #tpu.memory_space<hbm>>
      tpu.wait_indirect_dma semaphore(%arg21 : memref<!tpu.dma_semaphore, #tpu.memory_space<semaphore_mem>>) src(%dma_wait3A_99 : memref<8448x128xf32, #tpu.memory_space<hbm>>) dst(%arg14 : memref<64x128xf32, #tpu.memory_space<vmem>>)
      "tpu.region"() ({
        %run_scoped3A = tpu.sem_alloc : memref<!tpu.dma_semaphore, #tpu.memory_space<semaphore_mem>>
        %dma_start3A_106 = arith.constant 0 : i32
        %dma_start3A_107 = arith.constant 0 : i32
        %dma_start3A_108 = tpu.memref_slice %arg19[%dma_start3A_106, %dma_start3A_107] : memref<4224x128xf32, #tpu.memory_space<vmem_shared>> -> memref<4224x128xf32, #tpu.memory_space<vmem_shared>>
        tpu.enqueue_indirect_dma source(%dma_start3A_108 : memref<4224x128xf32, #tpu.memory_space<vmem_shared>>) target(%arg16 : memref<64x128xf32, #tpu.memory_space<vmem>>) offsets(%arg11 : memref<64xi32, #tpu.memory_space<vmem>>) semaphore(%run_scoped3A : memref<!tpu.dma_semaphore, #tpu.memory_space<semaphore_mem>>)
        %dma_wait3A_109 = arith.constant 0 : i32
        %dma_wait3A_110 = arith.constant 0 : i32
        %dma_wait3A_111 = tpu.memref_slice %arg19[%dma_wait3A_109, %dma_wait3A_110] : memref<4224x128xf32, #tpu.memory_space<vmem_shared>> -> memref<4224x128xf32, #tpu.memory_space<vmem_shared>>
        tpu.wait_indirect_dma semaphore(%run_scoped3A : memref<!tpu.dma_semaphore, #tpu.memory_space<semaphore_mem>>) src(%dma_wait3A_111 : memref<4224x128xf32, #tpu.memory_space<vmem_shared>>) dst(%arg16 : memref<64x128xf32, #tpu.memory_space<vmem>>)
        tpu.yield
      }) : () -> ()
      %scan3A_100 = arith.constant 0 : i32
      %scan3A_101 = arith.constant 0 : i32
      %scan3A_102 = arith.constant 64 : i32
      %scan3A_103 = arith.addi %scan3A_101, %scan3A_102 : i32
      %scan3A_104 = arith.constant 1 : i32
      scf.for %scan3A_106 = %scan3A_101 to %scan3A_103 step %scan3A_104  : i32 {
        %get3A_107 = arith.index_cast %scan3A_106 : i32 to index
        %get3A_108 = arith.constant 0 : index
        %get3A_109 = tpu.vector_load %arg13[%get3A_107, %get3A_108] {strides = array<i32>} : memref<64x128xf32, #tpu.memory_space<vmem>>, vector<1x16xf32>,
        %get3A_110 = vector.shape_cast %get3A_109 : vector<1x16xf32> to vector<16xf32>
        %get3A_111 = arith.index_cast %scan3A_106 : i32 to index
        %get3A_112 = arith.constant 0 : index
        %get3A_113 = tpu.vector_load %arg14[%get3A_111, %get3A_112] {strides = array<i32>} : memref<64x128xf32, #tpu.memory_space<vmem>>, vector<1x16xf32>,
        %get3A_114 = vector.shape_cast %get3A_113 : vector<1x16xf32> to vector<16xf32>
        %add3A_115 = arith.addf %get3A_110, %get3A_114 : vector<16xf32>
        %mul3A_116 = arith.constant 2.000000e-01 : f32
        %mul3A_117 = vector.broadcast %mul3A_116 : f32 to vector<16xf32>
        %mul3A_118 = arith.mulf %mul3A_117, %add3A_115 : vector<16xf32>
        %max3A = arith.maximumf %add3A_115, %mul3A_118 : vector<16xf32>
        %sub3A = arith.subf %max3A, %get3A_10 : vector<16xf32>
        %exp3A = math.exp %sub3A : vector<16xf32>
        %get3A_119 = arith.index_cast %scan3A_106 : i32 to index
        %get3A_120 = arith.constant 0 : index
        %get3A_121 = tpu.vector_load %arg16[%get3A_119, %get3A_120] {strides = array<i32>} : memref<64x128xf32, #tpu.memory_space<vmem>>, vector<1x16xf32>,
        %get3A_122 = vector.shape_cast %get3A_121 : vector<1x16xf32> to vector<16xf32>
        %add3A_123 = arith.constant 1.000000e-16 : f32
        %add3A_124 = vector.broadcast %add3A_123 : f32 to vector<16xf32>
        %add3A_125 = arith.addf %get3A_122, %add3A_124 : vector<16xf32>
        %div3A = arith.divf %exp3A, %add3A_125 : vector<16xf32>
        %get3A_126 = arith.index_cast %scan3A_106 : i32 to index
        %get3A_127 = arith.constant 0 : index
        %get3A_128 = tpu.vector_load %arg17[%get3A_126, %get3A_127] {strides = array<i32>} : memref<64x128xf32, #tpu.memory_space<vmem>>, vector<1x16xf32>,
        %get3A_129 = vector.shape_cast %get3A_128 : vector<1x16xf32> to vector<16xf32>
        %mul3A_130 = arith.mulf %get3A_129, %div3A : vector<16xf32>
        %swap3A = arith.index_cast %scan3A_106 : i32 to index
        %swap3A_131 = arith.constant 0 : index
        %swap3A_132 = tpu.vector_load %arg17[%swap3A, %swap3A_131] {strides = array<i32>} : memref<64x128xf32, #tpu.memory_space<vmem>>, vector<1x16xf32>,
        %swap3A_133 = vector.shape_cast %swap3A_132 : vector<1x16xf32> to vector<16xf32>
        %swap3A_134 = vector.shape_cast %mul3A_130 : vector<16xf32> to vector<1x16xf32>
        tpu.vector_store %arg17[%swap3A, %swap3A_131], %swap3A_134 {strides = array<i32>} : memref<64x128xf32, #tpu.memory_space<vmem>>, vector<1x16xf32>,
        %get3A_135 = arith.index_cast %scan3A_106 : i32 to index
        %get3A_136 = arith.constant 16 : index
        %get3A_137 = tpu.vector_load %arg13[%get3A_135, %get3A_136] {strides = array<i32>} : memref<64x128xf32, #tpu.memory_space<vmem>>, vector<1x16xf32>,
        %get3A_138 = vector.shape_cast %get3A_137 : vector<1x16xf32> to vector<16xf32>
        %get3A_139 = arith.index_cast %scan3A_106 : i32 to index
        %get3A_140 = arith.constant 16 : index
        %get3A_141 = tpu.vector_load %arg14[%get3A_139, %get3A_140] {strides = array<i32>} : memref<64x128xf32, #tpu.memory_space<vmem>>, vector<1x16xf32>,
        %get3A_142 = vector.shape_cast %get3A_141 : vector<1x16xf32> to vector<16xf32>
        %add3A_143 = arith.addf %get3A_138, %get3A_142 : vector<16xf32>
        %mul3A_144 = arith.constant 2.000000e-01 : f32
        %mul3A_145 = vector.broadcast %mul3A_144 : f32 to vector<16xf32>
        %mul3A_146 = arith.mulf %mul3A_145, %add3A_143 : vector<16xf32>
        %max3A_147 = arith.maximumf %add3A_143, %mul3A_146 : vector<16xf32>
        %sub3A_148 = arith.subf %max3A_147, %get3A_15 : vector<16xf32>
        %exp3A_149 = math.exp %sub3A_148 : vector<16xf32>
        %get3A_150 = arith.index_cast %scan3A_106 : i32 to index
        %get3A_151 = arith.constant 16 : index
        %get3A_152 = tpu.vector_load %arg16[%get3A_150, %get3A_151] {strides = array<i32>} : memref<64x128xf32, #tpu.memory_space<vmem>>, vector<1x16xf32>,
        %get3A_153 = vector.shape_cast %get3A_152 : vector<1x16xf32> to vector<16xf32>
        %add3A_154 = arith.constant 1.000000e-16 : f32
        %add3A_155 = vector.broadcast %add3A_154 : f32 to vector<16xf32>
        %add3A_156 = arith.addf %get3A_153, %add3A_155 : vector<16xf32>
        %div3A_157 = arith.divf %exp3A_149, %add3A_156 : vector<16xf32>
        %get3A_158 = arith.index_cast %scan3A_106 : i32 to index
        %get3A_159 = arith.constant 16 : index
        %get3A_160 = tpu.vector_load %arg17[%get3A_158, %get3A_159] {strides = array<i32>} : memref<64x128xf32, #tpu.memory_space<vmem>>, vector<1x16xf32>,
        %get3A_161 = vector.shape_cast %get3A_160 : vector<1x16xf32> to vector<16xf32>
        %mul3A_162 = arith.mulf %get3A_161, %div3A_157 : vector<16xf32>
        %swap3A_163 = arith.index_cast %scan3A_106 : i32 to index
        %swap3A_164 = arith.constant 16 : index
        %swap3A_165 = tpu.vector_load %arg17[%swap3A_163, %swap3A_164] {strides = array<i32>} : memref<64x128xf32, #tpu.memory_space<vmem>>, vector<1x16xf32>,
        %swap3A_166 = vector.shape_cast %swap3A_165 : vector<1x16xf32> to vector<16xf32>
        %swap3A_167 = vector.shape_cast %mul3A_162 : vector<16xf32> to vector<1x16xf32>
        tpu.vector_store %arg17[%swap3A_163, %swap3A_164], %swap3A_167 {strides = array<i32>} : memref<64x128xf32, #tpu.memory_space<vmem>>, vector<1x16xf32>,
        %get3A_168 = arith.index_cast %scan3A_106 : i32 to index
        %get3A_169 = arith.constant 32 : index
        %get3A_170 = tpu.vector_load %arg13[%get3A_168, %get3A_169] {strides = array<i32>} : memref<64x128xf32, #tpu.memory_space<vmem>>, vector<1x16xf32>,
        %get3A_171 = vector.shape_cast %get3A_170 : vector<1x16xf32> to vector<16xf32>
        %get3A_172 = arith.index_cast %scan3A_106 : i32 to index
        %get3A_173 = arith.constant 32 : index
        %get3A_174 = tpu.vector_load %arg14[%get3A_172, %get3A_173] {strides = array<i32>} : memref<64x128xf32, #tpu.memory_space<vmem>>, vector<1x16xf32>,
        %get3A_175 = vector.shape_cast %get3A_174 : vector<1x16xf32> to vector<16xf32>
        %add3A_176 = arith.addf %get3A_171, %get3A_175 : vector<16xf32>
        %mul3A_177 = arith.constant 2.000000e-01 : f32
        %mul3A_178 = vector.broadcast %mul3A_177 : f32 to vector<16xf32>
        %mul3A_179 = arith.mulf %mul3A_178, %add3A_176 : vector<16xf32>
        %max3A_180 = arith.maximumf %add3A_176, %mul3A_179 : vector<16xf32>
        %sub3A_181 = arith.subf %max3A_180, %get3A_20 : vector<16xf32>
        %exp3A_182 = math.exp %sub3A_181 : vector<16xf32>
        %get3A_183 = arith.index_cast %scan3A_106 : i32 to index
        %get3A_184 = arith.constant 32 : index
        %get3A_185 = tpu.vector_load %arg16[%get3A_183, %get3A_184] {strides = array<i32>} : memref<64x128xf32, #tpu.memory_space<vmem>>, vector<1x16xf32>,
        %get3A_186 = vector.shape_cast %get3A_185 : vector<1x16xf32> to vector<16xf32>
        %add3A_187 = arith.constant 1.000000e-16 : f32
        %add3A_188 = vector.broadcast %add3A_187 : f32 to vector<16xf32>
        %add3A_189 = arith.addf %get3A_186, %add3A_188 : vector<16xf32>
        %div3A_190 = arith.divf %exp3A_182, %add3A_189 : vector<16xf32>
        %get3A_191 = arith.index_cast %scan3A_106 : i32 to index
        %get3A_192 = arith.constant 32 : index
        %get3A_193 = tpu.vector_load %arg17[%get3A_191, %get3A_192] {strides = array<i32>} : memref<64x128xf32, #tpu.memory_space<vmem>>, vector<1x16xf32>,
        %get3A_194 = vector.shape_cast %get3A_193 : vector<1x16xf32> to vector<16xf32>
        %mul3A_195 = arith.mulf %get3A_194, %div3A_190 : vector<16xf32>
        %swap3A_196 = arith.index_cast %scan3A_106 : i32 to index
        %swap3A_197 = arith.constant 32 : index
        %swap3A_198 = tpu.vector_load %arg17[%swap3A_196, %swap3A_197] {strides = array<i32>} : memref<64x128xf32, #tpu.memory_space<vmem>>, vector<1x16xf32>,
        %swap3A_199 = vector.shape_cast %swap3A_198 : vector<1x16xf32> to vector<16xf32>
        %swap3A_200 = vector.shape_cast %mul3A_195 : vector<16xf32> to vector<1x16xf32>
        tpu.vector_store %arg17[%swap3A_196, %swap3A_197], %swap3A_200 {strides = array<i32>} : memref<64x128xf32, #tpu.memory_space<vmem>>, vector<1x16xf32>,
        %get3A_201 = arith.index_cast %scan3A_106 : i32 to index
        %get3A_202 = arith.constant 48 : index
        %get3A_203 = tpu.vector_load %arg13[%get3A_201, %get3A_202] {strides = array<i32>} : memref<64x128xf32, #tpu.memory_space<vmem>>, vector<1x16xf32>,
        %get3A_204 = vector.shape_cast %get3A_203 : vector<1x16xf32> to vector<16xf32>
        %get3A_205 = arith.index_cast %scan3A_106 : i32 to index
        %get3A_206 = arith.constant 48 : index
        %get3A_207 = tpu.vector_load %arg14[%get3A_205, %get3A_206] {strides = array<i32>} : memref<64x128xf32, #tpu.memory_space<vmem>>, vector<1x16xf32>,
        %get3A_208 = vector.shape_cast %get3A_207 : vector<1x16xf32> to vector<16xf32>
        %add3A_209 = arith.addf %get3A_204, %get3A_208 : vector<16xf32>
        %mul3A_210 = arith.constant 2.000000e-01 : f32
        %mul3A_211 = vector.broadcast %mul3A_210 : f32 to vector<16xf32>
        %mul3A_212 = arith.mulf %mul3A_211, %add3A_209 : vector<16xf32>
        %max3A_213 = arith.maximumf %add3A_209, %mul3A_212 : vector<16xf32>
        %sub3A_214 = arith.subf %max3A_213, %get3A_25 : vector<16xf32>
        %exp3A_215 = math.exp %sub3A_214 : vector<16xf32>
        %get3A_216 = arith.index_cast %scan3A_106 : i32 to index
        %get3A_217 = arith.constant 48 : index
        %get3A_218 = tpu.vector_load %arg16[%get3A_216, %get3A_217] {strides = array<i32>} : memref<64x128xf32, #tpu.memory_space<vmem>>, vector<1x16xf32>,
        %get3A_219 = vector.shape_cast %get3A_218 : vector<1x16xf32> to vector<16xf32>
        %add3A_220 = arith.constant 1.000000e-16 : f32
        %add3A_221 = vector.broadcast %add3A_220 : f32 to vector<16xf32>
        %add3A_222 = arith.addf %get3A_219, %add3A_221 : vector<16xf32>
        %div3A_223 = arith.divf %exp3A_215, %add3A_222 : vector<16xf32>
        %get3A_224 = arith.index_cast %scan3A_106 : i32 to index
        %get3A_225 = arith.constant 48 : index
        %get3A_226 = tpu.vector_load %arg17[%get3A_224, %get3A_225] {strides = array<i32>} : memref<64x128xf32, #tpu.memory_space<vmem>>, vector<1x16xf32>,
        %get3A_227 = vector.shape_cast %get3A_226 : vector<1x16xf32> to vector<16xf32>
        %mul3A_228 = arith.mulf %get3A_227, %div3A_223 : vector<16xf32>
        %swap3A_229 = arith.index_cast %scan3A_106 : i32 to index
        %swap3A_230 = arith.constant 48 : index
        %swap3A_231 = tpu.vector_load %arg17[%swap3A_229, %swap3A_230] {strides = array<i32>} : memref<64x128xf32, #tpu.memory_space<vmem>>, vector<1x16xf32>,
        %swap3A_232 = vector.shape_cast %swap3A_231 : vector<1x16xf32> to vector<16xf32>
        %swap3A_233 = vector.shape_cast %mul3A_228 : vector<16xf32> to vector<1x16xf32>
        tpu.vector_store %arg17[%swap3A_229, %swap3A_230], %swap3A_233 {strides = array<i32>} : memref<64x128xf32, #tpu.memory_space<vmem>>, vector<1x16xf32>,
        %get3A_234 = arith.index_cast %scan3A_106 : i32 to index
        %get3A_235 = arith.constant 64 : index
        %get3A_236 = tpu.vector_load %arg13[%get3A_234, %get3A_235] {strides = array<i32>} : memref<64x128xf32, #tpu.memory_space<vmem>>, vector<1x16xf32>,
        %get3A_237 = vector.shape_cast %get3A_236 : vector<1x16xf32> to vector<16xf32>
        %get3A_238 = arith.index_cast %scan3A_106 : i32 to index
        %get3A_239 = arith.constant 64 : index
        %get3A_240 = tpu.vector_load %arg14[%get3A_238, %get3A_239] {strides = array<i32>} : memref<64x128xf32, #tpu.memory_space<vmem>>, vector<1x16xf32>,
        %get3A_241 = vector.shape_cast %get3A_240 : vector<1x16xf32> to vector<16xf32>
        %add3A_242 = arith.addf %get3A_237, %get3A_241 : vector<16xf32>
        %mul3A_243 = arith.constant 2.000000e-01 : f32
        %mul3A_244 = vector.broadcast %mul3A_243 : f32 to vector<16xf32>
        %mul3A_245 = arith.mulf %mul3A_244, %add3A_242 : vector<16xf32>
        %max3A_246 = arith.maximumf %add3A_242, %mul3A_245 : vector<16xf32>
        %sub3A_247 = arith.subf %max3A_246, %get3A_30 : vector<16xf32>
        %exp3A_248 = math.exp %sub3A_247 : vector<16xf32>
        %get3A_249 = arith.index_cast %scan3A_106 : i32 to index
        %get3A_250 = arith.constant 64 : index
        %get3A_251 = tpu.vector_load %arg16[%get3A_249, %get3A_250] {strides = array<i32>} : memref<64x128xf32, #tpu.memory_space<vmem>>, vector<1x16xf32>,
        %get3A_252 = vector.shape_cast %get3A_251 : vector<1x16xf32> to vector<16xf32>
        %add3A_253 = arith.constant 1.000000e-16 : f32
        %add3A_254 = vector.broadcast %add3A_253 : f32 to vector<16xf32>
        %add3A_255 = arith.addf %get3A_252, %add3A_254 : vector<16xf32>
        %div3A_256 = arith.divf %exp3A_248, %add3A_255 : vector<16xf32>
        %get3A_257 = arith.index_cast %scan3A_106 : i32 to index
        %get3A_258 = arith.constant 64 : index
        %get3A_259 = tpu.vector_load %arg17[%get3A_257, %get3A_258] {strides = array<i32>} : memref<64x128xf32, #tpu.memory_space<vmem>>, vector<1x16xf32>,
        %get3A_260 = vector.shape_cast %get3A_259 : vector<1x16xf32> to vector<16xf32>
        %mul3A_261 = arith.mulf %get3A_260, %div3A_256 : vector<16xf32>
        %swap3A_262 = arith.index_cast %scan3A_106 : i32 to index
        %swap3A_263 = arith.constant 64 : index
        %swap3A_264 = tpu.vector_load %arg17[%swap3A_262, %swap3A_263] {strides = array<i32>} : memref<64x128xf32, #tpu.memory_space<vmem>>, vector<1x16xf32>,
        %swap3A_265 = vector.shape_cast %swap3A_264 : vector<1x16xf32> to vector<16xf32>
        %swap3A_266 = vector.shape_cast %mul3A_261 : vector<16xf32> to vector<1x16xf32>
        tpu.vector_store %arg17[%swap3A_262, %swap3A_263], %swap3A_266 {strides = array<i32>} : memref<64x128xf32, #tpu.memory_space<vmem>>, vector<1x16xf32>,
        %get3A_267 = arith.index_cast %scan3A_106 : i32 to index
        %get3A_268 = arith.constant 80 : index
        %get3A_269 = tpu.vector_load %arg13[%get3A_267, %get3A_268] {strides = array<i32>} : memref<64x128xf32, #tpu.memory_space<vmem>>, vector<1x16xf32>,
        %get3A_270 = vector.shape_cast %get3A_269 : vector<1x16xf32> to vector<16xf32>
        %get3A_271 = arith.index_cast %scan3A_106 : i32 to index
        %get3A_272 = arith.constant 80 : index
        %get3A_273 = tpu.vector_load %arg14[%get3A_271, %get3A_272] {strides = array<i32>} : memref<64x128xf32, #tpu.memory_space<vmem>>, vector<1x16xf32>,
        %get3A_274 = vector.shape_cast %get3A_273 : vector<1x16xf32> to vector<16xf32>
        %add3A_275 = arith.addf %get3A_270, %get3A_274 : vector<16xf32>
        %mul3A_276 = arith.constant 2.000000e-01 : f32
        %mul3A_277 = vector.broadcast %mul3A_276 : f32 to vector<16xf32>
        %mul3A_278 = arith.mulf %mul3A_277, %add3A_275 : vector<16xf32>
        %max3A_279 = arith.maximumf %add3A_275, %mul3A_278 : vector<16xf32>
        %sub3A_280 = arith.subf %max3A_279, %get3A_35 : vector<16xf32>
        %exp3A_281 = math.exp %sub3A_280 : vector<16xf32>
        %get3A_282 = arith.index_cast %scan3A_106 : i32 to index
        %get3A_283 = arith.constant 80 : index
        %get3A_284 = tpu.vector_load %arg16[%get3A_282, %get3A_283] {strides = array<i32>} : memref<64x128xf32, #tpu.memory_space<vmem>>, vector<1x16xf32>,
        %get3A_285 = vector.shape_cast %get3A_284 : vector<1x16xf32> to vector<16xf32>
        %add3A_286 = arith.constant 1.000000e-16 : f32
        %add3A_287 = vector.broadcast %add3A_286 : f32 to vector<16xf32>
        %add3A_288 = arith.addf %get3A_285, %add3A_287 : vector<16xf32>
        %div3A_289 = arith.divf %exp3A_281, %add3A_288 : vector<16xf32>
        %get3A_290 = arith.index_cast %scan3A_106 : i32 to index
        %get3A_291 = arith.constant 80 : index
        %get3A_292 = tpu.vector_load %arg17[%get3A_290, %get3A_291] {strides = array<i32>} : memref<64x128xf32, #tpu.memory_space<vmem>>, vector<1x16xf32>,
        %get3A_293 = vector.shape_cast %get3A_292 : vector<1x16xf32> to vector<16xf32>
        %mul3A_294 = arith.mulf %get3A_293, %div3A_289 : vector<16xf32>
        %swap3A_295 = arith.index_cast %scan3A_106 : i32 to index
        %swap3A_296 = arith.constant 80 : index
        %swap3A_297 = tpu.vector_load %arg17[%swap3A_295, %swap3A_296] {strides = array<i32>} : memref<64x128xf32, #tpu.memory_space<vmem>>, vector<1x16xf32>,
        %swap3A_298 = vector.shape_cast %swap3A_297 : vector<1x16xf32> to vector<16xf32>
        %swap3A_299 = vector.shape_cast %mul3A_294 : vector<16xf32> to vector<1x16xf32>
        tpu.vector_store %arg17[%swap3A_295, %swap3A_296], %swap3A_299 {strides = array<i32>} : memref<64x128xf32, #tpu.memory_space<vmem>>, vector<1x16xf32>,
        %get3A_300 = arith.index_cast %scan3A_106 : i32 to index
        %get3A_301 = arith.constant 96 : index
        %get3A_302 = tpu.vector_load %arg13[%get3A_300, %get3A_301] {strides = array<i32>} : memref<64x128xf32, #tpu.memory_space<vmem>>, vector<1x16xf32>,
        %get3A_303 = vector.shape_cast %get3A_302 : vector<1x16xf32> to vector<16xf32>
        %get3A_304 = arith.index_cast %scan3A_106 : i32 to index
        %get3A_305 = arith.constant 96 : index
        %get3A_306 = tpu.vector_load %arg14[%get3A_304, %get3A_305] {strides = array<i32>} : memref<64x128xf32, #tpu.memory_space<vmem>>, vector<1x16xf32>,
        %get3A_307 = vector.shape_cast %get3A_306 : vector<1x16xf32> to vector<16xf32>
        %add3A_308 = arith.addf %get3A_303, %get3A_307 : vector<16xf32>
        %mul3A_309 = arith.constant 2.000000e-01 : f32
        %mul3A_310 = vector.broadcast %mul3A_309 : f32 to vector<16xf32>
        %mul3A_311 = arith.mulf %mul3A_310, %add3A_308 : vector<16xf32>
        %max3A_312 = arith.maximumf %add3A_308, %mul3A_311 : vector<16xf32>
        %sub3A_313 = arith.subf %max3A_312, %get3A_40 : vector<16xf32>
        %exp3A_314 = math.exp %sub3A_313 : vector<16xf32>
        %get3A_315 = arith.index_cast %scan3A_106 : i32 to index
        %get3A_316 = arith.constant 96 : index
        %get3A_317 = tpu.vector_load %arg16[%get3A_315, %get3A_316] {strides = array<i32>} : memref<64x128xf32, #tpu.memory_space<vmem>>, vector<1x16xf32>,
        %get3A_318 = vector.shape_cast %get3A_317 : vector<1x16xf32> to vector<16xf32>
        %add3A_319 = arith.constant 1.000000e-16 : f32
        %add3A_320 = vector.broadcast %add3A_319 : f32 to vector<16xf32>
        %add3A_321 = arith.addf %get3A_318, %add3A_320 : vector<16xf32>
        %div3A_322 = arith.divf %exp3A_314, %add3A_321 : vector<16xf32>
        %get3A_323 = arith.index_cast %scan3A_106 : i32 to index
        %get3A_324 = arith.constant 96 : index
        %get3A_325 = tpu.vector_load %arg17[%get3A_323, %get3A_324] {strides = array<i32>} : memref<64x128xf32, #tpu.memory_space<vmem>>, vector<1x16xf32>,
        %get3A_326 = vector.shape_cast %get3A_325 : vector<1x16xf32> to vector<16xf32>
        %mul3A_327 = arith.mulf %get3A_326, %div3A_322 : vector<16xf32>
        %swap3A_328 = arith.index_cast %scan3A_106 : i32 to index
        %swap3A_329 = arith.constant 96 : index
        %swap3A_330 = tpu.vector_load %arg17[%swap3A_328, %swap3A_329] {strides = array<i32>} : memref<64x128xf32, #tpu.memory_space<vmem>>, vector<1x16xf32>,
        %swap3A_331 = vector.shape_cast %swap3A_330 : vector<1x16xf32> to vector<16xf32>
        %swap3A_332 = vector.shape_cast %mul3A_327 : vector<16xf32> to vector<1x16xf32>
        tpu.vector_store %arg17[%swap3A_328, %swap3A_329], %swap3A_332 {strides = array<i32>} : memref<64x128xf32, #tpu.memory_space<vmem>>, vector<1x16xf32>,
        %get3A_333 = arith.index_cast %scan3A_106 : i32 to index
        %get3A_334 = arith.constant 112 : index
        %get3A_335 = tpu.vector_load %arg13[%get3A_333, %get3A_334] {strides = array<i32>} : memref<64x128xf32, #tpu.memory_space<vmem>>, vector<1x16xf32>,
        %get3A_336 = vector.shape_cast %get3A_335 : vector<1x16xf32> to vector<16xf32>
        %get3A_337 = arith.index_cast %scan3A_106 : i32 to index
        %get3A_338 = arith.constant 112 : index
        %get3A_339 = tpu.vector_load %arg14[%get3A_337, %get3A_338] {strides = array<i32>} : memref<64x128xf32, #tpu.memory_space<vmem>>, vector<1x16xf32>,
        %get3A_340 = vector.shape_cast %get3A_339 : vector<1x16xf32> to vector<16xf32>
        %add3A_341 = arith.addf %get3A_336, %get3A_340 : vector<16xf32>
        %mul3A_342 = arith.constant 2.000000e-01 : f32
        %mul3A_343 = vector.broadcast %mul3A_342 : f32 to vector<16xf32>
        %mul3A_344 = arith.mulf %mul3A_343, %add3A_341 : vector<16xf32>
        %max3A_345 = arith.maximumf %add3A_341, %mul3A_344 : vector<16xf32>
        %sub3A_346 = arith.subf %max3A_345, %get3A_45 : vector<16xf32>
        %exp3A_347 = math.exp %sub3A_346 : vector<16xf32>
        %get3A_348 = arith.index_cast %scan3A_106 : i32 to index
        %get3A_349 = arith.constant 112 : index
        %get3A_350 = tpu.vector_load %arg16[%get3A_348, %get3A_349] {strides = array<i32>} : memref<64x128xf32, #tpu.memory_space<vmem>>, vector<1x16xf32>,
        %get3A_351 = vector.shape_cast %get3A_350 : vector<1x16xf32> to vector<16xf32>
        %add3A_352 = arith.constant 1.000000e-16 : f32
        %add3A_353 = vector.broadcast %add3A_352 : f32 to vector<16xf32>
        %add3A_354 = arith.addf %get3A_351, %add3A_353 : vector<16xf32>
        %div3A_355 = arith.divf %exp3A_347, %add3A_354 : vector<16xf32>
        %get3A_356 = arith.index_cast %scan3A_106 : i32 to index
        %get3A_357 = arith.constant 112 : index
        %get3A_358 = tpu.vector_load %arg17[%get3A_356, %get3A_357] {strides = array<i32>} : memref<64x128xf32, #tpu.memory_space<vmem>>, vector<1x16xf32>,
        %get3A_359 = vector.shape_cast %get3A_358 : vector<1x16xf32> to vector<16xf32>
        %mul3A_360 = arith.mulf %get3A_359, %div3A_355 : vector<16xf32>
        %swap3A_361 = arith.index_cast %scan3A_106 : i32 to index
        %swap3A_362 = arith.constant 112 : index
        %swap3A_363 = tpu.vector_load %arg17[%swap3A_361, %swap3A_362] {strides = array<i32>} : memref<64x128xf32, #tpu.memory_space<vmem>>, vector<1x16xf32>,
        %swap3A_364 = vector.shape_cast %swap3A_363 : vector<1x16xf32> to vector<16xf32>
        %swap3A_365 = vector.shape_cast %mul3A_360 : vector<16xf32> to vector<1x16xf32>
        tpu.vector_store %arg17[%swap3A_361, %swap3A_362], %swap3A_365 {strides = array<i32>} : memref<64x128xf32, #tpu.memory_space<vmem>>, vector<1x16xf32>,
      }
      %scan3A_105 = arith.constant 64 : i32
      "tpu.region"() ({
        %run_scoped3A = tpu.sem_alloc : memref<!tpu.dma_semaphore, #tpu.memory_space<semaphore_mem>>
        %dma_start3A_106 = arith.constant 0 : i32
        %dma_start3A_107 = arith.constant 0 : i32
        %dma_start3A_108 = tpu.memref_slice %arg20[%dma_start3A_106, %dma_start3A_107] : memref<4224x128xf32, #tpu.memory_space<vmem_shared>> -> memref<4224x128xf32, #tpu.memory_space<vmem_shared>>
        tpu.enqueue_indirect_dma source(%arg17 : memref<64x128xf32, #tpu.memory_space<vmem>>) target(%dma_start3A_108 : memref<4224x128xf32, #tpu.memory_space<vmem_shared>>) offsets(%arg11 : memref<64xi32, #tpu.memory_space<vmem>>) semaphore(%run_scoped3A : memref<!tpu.dma_semaphore, #tpu.memory_space<semaphore_mem>>) {add = true}
        %dma_wait3A_109 = arith.constant 0 : i32
        %dma_wait3A_110 = arith.constant 0 : i32
        %dma_wait3A_111 = tpu.memref_slice %arg20[%dma_wait3A_109, %dma_wait3A_110] : memref<4224x128xf32, #tpu.memory_space<vmem_shared>> -> memref<4224x128xf32, #tpu.memory_space<vmem_shared>>
        tpu.wait_indirect_dma semaphore(%run_scoped3A : memref<!tpu.dma_semaphore, #tpu.memory_space<semaphore_mem>>) src(%arg17 : memref<64x128xf32, #tpu.memory_space<vmem>>) dst(%dma_wait3A_111 : memref<4224x128xf32, #tpu.memory_space<vmem_shared>>)
        tpu.yield
      }) : () -> ()
    }
    %scan3A_59 = arith.constant 96 : i32
    %barrier3A_60 = arith.constant 0 : index
    tpu.barrier barrier_id(%barrier3A_60)
    %mul3A_61 = arith.constant 4224 : i32
    %mul3A_62 = arith.muli %arg0, %mul3A_61 : i32
    %mul3A_63 = arith.constant 264 : i32
    %mul3A_64 = arith.muli %arg1, %mul3A_63 : i32
    %add3A_65 = arith.addi %mul3A_62, %mul3A_64 : i32
    "tpu.region"() ({
      %run_scoped3A = tpu.sem_alloc : memref<!tpu.dma_semaphore, #tpu.memory_space<semaphore_mem>>
      %dma_start3A_66 = arith.constant 0 : i32
      %dma_start3A_67 = tpu.memref_slice %arg9[%add3A_65, %dma_start3A_66] : memref<8448x128xf32, #tpu.memory_space<hbm>> -> memref<264x128xf32, #tpu.memory_space<hbm>>
      %dma_start3A_68 = arith.constant 0 : i32
      %dma_start3A_69 = tpu.memref_slice %arg20[%mul3A_2, %dma_start3A_68] : memref<4224x128xf32, #tpu.memory_space<vmem_shared>> -> memref<264x128xf32, #tpu.memory_space<vmem_shared>>
      tpu.enqueue_dma source(%dma_start3A_69 : memref<264x128xf32, #tpu.memory_space<vmem_shared>>) target(%dma_start3A_67 : memref<264x128xf32, #tpu.memory_space<hbm>>) target_semaphore(%run_scoped3A : memref<!tpu.dma_semaphore, #tpu.memory_space<semaphore_mem>>)
      %dma_wait3A_70 = arith.constant 0 : i32
      %dma_wait3A_71 = tpu.memref_slice %arg9[%add3A_65, %dma_wait3A_70] : memref<8448x128xf32, #tpu.memory_space<hbm>> -> memref<264x128xf32, #tpu.memory_space<hbm>>
      %dma_wait3A_72 = arith.constant 0 : i32
      %dma_wait3A_73 = tpu.memref_slice %arg20[%mul3A_2, %dma_wait3A_72] : memref<4224x128xf32, #tpu.memory_space<vmem_shared>> -> memref<264x128xf32, #tpu.memory_space<vmem_shared>>
      tpu.wait_dma2 semaphore(%run_scoped3A : memref<!tpu.dma_semaphore, #tpu.memory_space<semaphore_mem>>) src(%dma_wait3A_73 : memref<264x128xf32, #tpu.memory_space<vmem_shared>>) dst(%dma_wait3A_71 : memref<264x128xf32, #tpu.memory_space<hbm>>)
      tpu.yield
    }) : () -> ()
    return
  }
}

#map = affine_map<(d0, d1) -> (0)>
#map1 = affine_map<(d0, d1) -> (0, 0)>
module attributes {stable_mosaic.version = 14 : i64} {
  func.func @k(%arg0: i32, %arg1: i32, %arg2: memref<4096xi32, #tpu.memory_space<hbm>>, %arg3: memref<4096xi32, #tpu.memory_space<hbm>>, %arg4: memref<8448x128xf32, #tpu.memory_space<hbm>>, %arg5: memref<256x128xf32, #tpu.memory_space<hbm>>, %arg6: memref<2x128xf32, #tpu.memory_space<hbm>>, %arg7: memref<8448x128xf32, #tpu.memory_space<hbm>>, %arg8: memref<128x128xf32, #tpu.memory_space<hbm>>, %arg9: memref<256x128xf32, #tpu.memory_space<hbm>>, %arg10: memref<64xi32, #tpu.memory_space<vmem>>, %arg11: memref<64xi32, #tpu.memory_space<vmem>>, %arg12: memref<64xi32, #tpu.memory_space<vmem>>, %arg13: memref<64x128xf32, #tpu.memory_space<vmem>>, %arg14: memref<64x128xf32, #tpu.memory_space<vmem>>, %arg15: memref<64x128xf32, #tpu.memory_space<vmem>>, %arg16: memref<64x128xf32, #tpu.memory_space<vmem>>, %arg17: memref<64x128xf32, #tpu.memory_space<vmem>>, %arg18: memref<16x128xf32, #tpu.memory_space<vmem>>, %arg19: memref<128x128xf32, #tpu.memory_space<vmem_shared>>, %arg20: memref<128x128xf32, #tpu.memory_space<vmem_shared>>, %arg21: memref<!tpu.dma_semaphore, #tpu.memory_space<semaphore_mem>>) attributes {dimension_semantics = [#tpu.dimension_semantics<core_parallel>, #tpu.dimension_semantics<subcore_parallel>], iteration_bounds = array<i64: 2, 16>, scalar_prefetch = 0 : i64, scratch_operands = 12 : i64, tpu.core_type = #tpu.core_type<sc_vector_subcore>, window_params = [{transform_indices = #map}, {transform_indices = #map}, {transform_indices = #map1}, {transform_indices = #map1}, {transform_indices = #map1}, {transform_indices = #map1}, {transform_indices = #map1}, {transform_indices = #map1}]} {
    %mul3A = arith.constant 16 : i32
    %mul3A_0 = arith.muli %arg0, %mul3A : i32
    %add3A = arith.addi %mul3A_0, %arg1 : i32
    %mul3A_1 = arith.constant 8 : i32
    %mul3A_2 = arith.muli %arg1, %mul3A_1 : i32
    "tpu.region"() ({
      %run_scoped3A = tpu.sem_alloc : memref<!tpu.dma_semaphore, #tpu.memory_space<semaphore_mem>>
      %dma_start3A_66 = arith.constant 0 : i32
      %dma_start3A_67 = tpu.memref_slice %arg19[%mul3A_2, %dma_start3A_66] : memref<128x128xf32, #tpu.memory_space<vmem_shared>> -> memref<8x128xf32, #tpu.memory_space<vmem_shared>>
      %dma_start3A_68 = arith.constant 0 : i32
      %dma_start3A_69 = tpu.memref_slice %arg8[%mul3A_2, %dma_start3A_68] : memref<128x128xf32, #tpu.memory_space<hbm>> -> memref<8x128xf32, #tpu.memory_space<hbm>>
      tpu.enqueue_dma source(%dma_start3A_69 : memref<8x128xf32, #tpu.memory_space<hbm>>) target(%dma_start3A_67 : memref<8x128xf32, #tpu.memory_space<vmem_shared>>) target_semaphore(%run_scoped3A : memref<!tpu.dma_semaphore, #tpu.memory_space<semaphore_mem>>)
      %dma_wait3A_70 = arith.constant 0 : i32
      %dma_wait3A_71 = tpu.memref_slice %arg19[%mul3A_2, %dma_wait3A_70] : memref<128x128xf32, #tpu.memory_space<vmem_shared>> -> memref<8x128xf32, #tpu.memory_space<vmem_shared>>
      %dma_wait3A_72 = arith.constant 0 : i32
      %dma_wait3A_73 = tpu.memref_slice %arg8[%mul3A_2, %dma_wait3A_72] : memref<128x128xf32, #tpu.memory_space<hbm>> -> memref<8x128xf32, #tpu.memory_space<hbm>>
      tpu.wait_dma2 semaphore(%run_scoped3A : memref<!tpu.dma_semaphore, #tpu.memory_space<semaphore_mem>>) src(%dma_wait3A_73 : memref<8x128xf32, #tpu.memory_space<hbm>>) dst(%dma_wait3A_71 : memref<8x128xf32, #tpu.memory_space<vmem_shared>>)
      tpu.yield
    }) : () -> ()
    "tpu.region"() ({
      %run_scoped3A = tpu.sem_alloc : memref<!tpu.dma_semaphore, #tpu.memory_space<semaphore_mem>>
      %dma_start3A_66 = arith.constant 0 : i32
      %dma_start3A_67 = tpu.memref_slice %arg20[%mul3A_2, %dma_start3A_66] : memref<128x128xf32, #tpu.memory_space<vmem_shared>> -> memref<8x128xf32, #tpu.memory_space<vmem_shared>>
      %dma_start3A_68 = arith.constant 0 : i32
      %dma_start3A_69 = tpu.memref_slice %arg8[%mul3A_2, %dma_start3A_68] : memref<128x128xf32, #tpu.memory_space<hbm>> -> memref<8x128xf32, #tpu.memory_space<hbm>>
      tpu.enqueue_dma source(%dma_start3A_69 : memref<8x128xf32, #tpu.memory_space<hbm>>) target(%dma_start3A_67 : memref<8x128xf32, #tpu.memory_space<vmem_shared>>) target_semaphore(%run_scoped3A : memref<!tpu.dma_semaphore, #tpu.memory_space<semaphore_mem>>)
      %dma_wait3A_70 = arith.constant 0 : i32
      %dma_wait3A_71 = tpu.memref_slice %arg20[%mul3A_2, %dma_wait3A_70] : memref<128x128xf32, #tpu.memory_space<vmem_shared>> -> memref<8x128xf32, #tpu.memory_space<vmem_shared>>
      %dma_wait3A_72 = arith.constant 0 : i32
      %dma_wait3A_73 = tpu.memref_slice %arg8[%mul3A_2, %dma_wait3A_72] : memref<128x128xf32, #tpu.memory_space<hbm>> -> memref<8x128xf32, #tpu.memory_space<hbm>>
      tpu.wait_dma2 semaphore(%run_scoped3A : memref<!tpu.dma_semaphore, #tpu.memory_space<semaphore_mem>>) src(%dma_wait3A_73 : memref<8x128xf32, #tpu.memory_space<hbm>>) dst(%dma_wait3A_71 : memref<8x128xf32, #tpu.memory_space<vmem_shared>>)
      tpu.yield
    }) : () -> ()
    %broadcast_in_dim3A = vector.broadcast %arg0 : i32 to vector<16xi32>
    %dma_start3A = arith.constant 0 : i32
    %dma_start3A_3 = arith.constant 0 : i32
    %dma_start3A_4 = tpu.memref_slice %arg6[%dma_start3A, %dma_start3A_3] : memref<2x128xf32, #tpu.memory_space<hbm>> -> memref<2x128xf32, #tpu.memory_space<hbm>>
    tpu.enqueue_indirect_dma source(%dma_start3A_4 : memref<2x128xf32, #tpu.memory_space<hbm>>) target(%arg18 : memref<16x128xf32, #tpu.memory_space<vmem>>) offsets(%broadcast_in_dim3A : vector<16xi32>) semaphore(%arg21 : memref<!tpu.dma_semaphore, #tpu.memory_space<semaphore_mem>>)
    %dma_wait3A = arith.constant 0 : i32
    %dma_wait3A_5 = arith.constant 0 : i32
    %dma_wait3A_6 = tpu.memref_slice %arg6[%dma_wait3A, %dma_wait3A_5] : memref<2x128xf32, #tpu.memory_space<hbm>> -> memref<2x128xf32, #tpu.memory_space<hbm>>
    tpu.wait_indirect_dma semaphore(%arg21 : memref<!tpu.dma_semaphore, #tpu.memory_space<semaphore_mem>>) src(%dma_wait3A_6 : memref<2x128xf32, #tpu.memory_space<hbm>>) dst(%arg18 : memref<16x128xf32, #tpu.memory_space<vmem>>)
    %barrier3A = arith.constant 0 : index
    tpu.barrier barrier_id(%barrier3A)
    %get3A = arith.constant 0 : i32
    %get3A_7 = arith.index_cast %get3A : i32 to index
    %get3A_8 = arith.constant 0 : index
    %get3A_9 = tpu.vector_load %arg18[%get3A_7, %get3A_8] {strides = array<i32>} : memref<16x128xf32, #tpu.memory_space<vmem>>, vector<1x16xf32>,
    %get3A_10 = vector.shape_cast %get3A_9 : vector<1x16xf32> to vector<16xf32>
    %get3A_11 = arith.constant 0 : i32
    %get3A_12 = arith.index_cast %get3A_11 : i32 to index
    %get3A_13 = arith.constant 16 : index
    %get3A_14 = tpu.vector_load %arg18[%get3A_12, %get3A_13] {strides = array<i32>} : memref<16x128xf32, #tpu.memory_space<vmem>>, vector<1x16xf32>,
    %get3A_15 = vector.shape_cast %get3A_14 : vector<1x16xf32> to vector<16xf32>
    %get3A_16 = arith.constant 0 : i32
    %get3A_17 = arith.index_cast %get3A_16 : i32 to index
    %get3A_18 = arith.constant 32 : index
    %get3A_19 = tpu.vector_load %arg18[%get3A_17, %get3A_18] {strides = array<i32>} : memref<16x128xf32, #tpu.memory_space<vmem>>, vector<1x16xf32>,
    %get3A_20 = vector.shape_cast %get3A_19 : vector<1x16xf32> to vector<16xf32>
    %get3A_21 = arith.constant 0 : i32
    %get3A_22 = arith.index_cast %get3A_21 : i32 to index
    %get3A_23 = arith.constant 48 : index
    %get3A_24 = tpu.vector_load %arg18[%get3A_22, %get3A_23] {strides = array<i32>} : memref<16x128xf32, #tpu.memory_space<vmem>>, vector<1x16xf32>,
    %get3A_25 = vector.shape_cast %get3A_24 : vector<1x16xf32> to vector<16xf32>
    %get3A_26 = arith.constant 0 : i32
    %get3A_27 = arith.index_cast %get3A_26 : i32 to index
    %get3A_28 = arith.constant 64 : index
    %get3A_29 = tpu.vector_load %arg18[%get3A_27, %get3A_28] {strides = array<i32>} : memref<16x128xf32, #tpu.memory_space<vmem>>, vector<1x16xf32>,
    %get3A_30 = vector.shape_cast %get3A_29 : vector<1x16xf32> to vector<16xf32>
    %get3A_31 = arith.constant 0 : i32
    %get3A_32 = arith.index_cast %get3A_31 : i32 to index
    %get3A_33 = arith.constant 80 : index
    %get3A_34 = tpu.vector_load %arg18[%get3A_32, %get3A_33] {strides = array<i32>} : memref<16x128xf32, #tpu.memory_space<vmem>>, vector<1x16xf32>,
    %get3A_35 = vector.shape_cast %get3A_34 : vector<1x16xf32> to vector<16xf32>
    %get3A_36 = arith.constant 0 : i32
    %get3A_37 = arith.index_cast %get3A_36 : i32 to index
    %get3A_38 = arith.constant 96 : index
    %get3A_39 = tpu.vector_load %arg18[%get3A_37, %get3A_38] {strides = array<i32>} : memref<16x128xf32, #tpu.memory_space<vmem>>, vector<1x16xf32>,
    %get3A_40 = vector.shape_cast %get3A_39 : vector<1x16xf32> to vector<16xf32>
    %get3A_41 = arith.constant 0 : i32
    %get3A_42 = arith.index_cast %get3A_41 : i32 to index
    %get3A_43 = arith.constant 112 : index
    %get3A_44 = tpu.vector_load %arg18[%get3A_42, %get3A_43] {strides = array<i32>} : memref<16x128xf32, #tpu.memory_space<vmem>>, vector<1x16xf32>,
    %get3A_45 = vector.shape_cast %get3A_44 : vector<1x16xf32> to vector<16xf32>
    %mul3A_46 = arith.constant 256 : i32
    %mul3A_47 = arith.muli %arg1, %mul3A_46 : i32
    %scan3A = arith.constant 0 : i32
    %scan3A_48 = arith.constant 0 : i32
    %scan3A_49 = arith.constant 4 : i32
    %scan3A_50 = arith.addi %scan3A_48, %scan3A_49 : i32
    %scan3A_51 = arith.constant 1 : i32
    scf.for %scan3A_66 = %scan3A_48 to %scan3A_50 step %scan3A_51  : i32 {
      %mul3A_67 = arith.constant 64 : i32
      %mul3A_68 = arith.muli %scan3A_66, %mul3A_67 : i32
      %add3A_69 = arith.addi %mul3A_47, %mul3A_68 : i32
      "tpu.region"() ({
        %run_scoped3A = tpu.sem_alloc : memref<!tpu.dma_semaphore, #tpu.memory_space<semaphore_mem>>
        %dma_start3A_100 = tpu.memref_slice %arg2[%add3A_69] : memref<4096xi32, #tpu.memory_space<hbm>> -> memref<64xi32, #tpu.memory_space<hbm>>
        %dma_start3A_101 = tpu.memref_slice %arg2[%add3A_69] : memref<4096xi32, #tpu.memory_space<hbm>> -> memref<64xi32, #tpu.memory_space<hbm>>
        tpu.enqueue_dma source(%dma_start3A_101 : memref<64xi32, #tpu.memory_space<hbm>>) target(%arg10 : memref<64xi32, #tpu.memory_space<vmem>>) target_semaphore(%run_scoped3A : memref<!tpu.dma_semaphore, #tpu.memory_space<semaphore_mem>>)
        %dma_wait3A_102 = tpu.memref_slice %arg2[%add3A_69] : memref<4096xi32, #tpu.memory_space<hbm>> -> memref<64xi32, #tpu.memory_space<hbm>>
        %dma_wait3A_103 = tpu.memref_slice %arg2[%add3A_69] : memref<4096xi32, #tpu.memory_space<hbm>> -> memref<64xi32, #tpu.memory_space<hbm>>
        tpu.wait_dma2 semaphore(%run_scoped3A : memref<!tpu.dma_semaphore, #tpu.memory_space<semaphore_mem>>) src(%dma_wait3A_103 : memref<64xi32, #tpu.memory_space<hbm>>) dst(%arg10 : memref<64xi32, #tpu.memory_space<vmem>>)
        tpu.yield
      }) : () -> ()
      "tpu.region"() ({
        %run_scoped3A = tpu.sem_alloc : memref<!tpu.dma_semaphore, #tpu.memory_space<semaphore_mem>>
        %dma_start3A_100 = tpu.memref_slice %arg3[%add3A_69] : memref<4096xi32, #tpu.memory_space<hbm>> -> memref<64xi32, #tpu.memory_space<hbm>>
        %dma_start3A_101 = tpu.memref_slice %arg3[%add3A_69] : memref<4096xi32, #tpu.memory_space<hbm>> -> memref<64xi32, #tpu.memory_space<hbm>>
        tpu.enqueue_dma source(%dma_start3A_101 : memref<64xi32, #tpu.memory_space<hbm>>) target(%arg11 : memref<64xi32, #tpu.memory_space<vmem>>) target_semaphore(%run_scoped3A : memref<!tpu.dma_semaphore, #tpu.memory_space<semaphore_mem>>)
        %dma_wait3A_102 = tpu.memref_slice %arg3[%add3A_69] : memref<4096xi32, #tpu.memory_space<hbm>> -> memref<64xi32, #tpu.memory_space<hbm>>
        %dma_wait3A_103 = tpu.memref_slice %arg3[%add3A_69] : memref<4096xi32, #tpu.memory_space<hbm>> -> memref<64xi32, #tpu.memory_space<hbm>>
        tpu.wait_dma2 semaphore(%run_scoped3A : memref<!tpu.dma_semaphore, #tpu.memory_space<semaphore_mem>>) src(%dma_wait3A_103 : memref<64xi32, #tpu.memory_space<hbm>>) dst(%arg11 : memref<64xi32, #tpu.memory_space<vmem>>)
        tpu.yield
      }) : () -> ()
      %scan3A_70 = arith.constant 0 : i32
      %scan3A_71 = arith.constant 0 : i32
      %scan3A_72 = arith.constant 4 : i32
      %scan3A_73 = arith.addi %scan3A_71, %scan3A_72 : i32
      %scan3A_74 = arith.constant 1 : i32
      scf.for %scan3A_100 = %scan3A_71 to %scan3A_73 step %scan3A_74  : i32 {
        %mul3A_101 = arith.constant 16 : i32
        %mul3A_102 = arith.muli %scan3A_100, %mul3A_101 : i32
        %get3A_103 = arith.index_cast %mul3A_102 : i32 to index
        %get3A_104 = tpu.vector_load %arg10[%get3A_103] {strides = array<i32>} : memref<64xi32, #tpu.memory_space<vmem>>, vector<16xi32>,
        %get3A_105 = vector.shape_cast %get3A_104 : vector<16xi32> to vector<16xi32>
        %mul3A_106 = arith.constant 4224 : i32
        %mul3A_107 = arith.muli %arg0, %mul3A_106 : i32
        %add3A_108 = vector.broadcast %mul3A_107 : i32 to vector<16xi32>
        %add3A_109 = arith.addi %get3A_105, %add3A_108 : vector<16xi32>
        %swap3A = arith.index_cast %mul3A_102 : i32 to index
        %swap3A_110 = tpu.vector_load %arg12[%swap3A] {strides = array<i32>} : memref<64xi32, #tpu.memory_space<vmem>>, vector<16xi32>,
        %swap3A_111 = vector.shape_cast %swap3A_110 : vector<16xi32> to vector<16xi32>
        %swap3A_112 = vector.shape_cast %add3A_109 : vector<16xi32> to vector<16xi32>
        tpu.vector_store %arg12[%swap3A], %swap3A_112 {strides = array<i32>} : memref<64xi32, #tpu.memory_space<vmem>>, vector<16xi32>,
      }
      %scan3A_75 = arith.constant 4 : i32
      %dma_start3A_76 = arith.constant 0 : i32
      %dma_start3A_77 = arith.constant 0 : i32
      %dma_start3A_78 = tpu.memref_slice %arg4[%dma_start3A_76, %dma_start3A_77] : memref<8448x128xf32, #tpu.memory_space<hbm>> -> memref<8448x128xf32, #tpu.memory_space<hbm>>
      tpu.enqueue_indirect_dma source(%dma_start3A_78 : memref<8448x128xf32, #tpu.memory_space<hbm>>) target(%arg13 : memref<64x128xf32, #tpu.memory_space<vmem>>) offsets(%arg12 : memref<64xi32, #tpu.memory_space<vmem>>) semaphore(%arg21 : memref<!tpu.dma_semaphore, #tpu.memory_space<semaphore_mem>>)
      %dma_wait3A_79 = arith.constant 0 : i32
      %dma_wait3A_80 = arith.constant 0 : i32
      %dma_wait3A_81 = tpu.memref_slice %arg4[%dma_wait3A_79, %dma_wait3A_80] : memref<8448x128xf32, #tpu.memory_space<hbm>> -> memref<8448x128xf32, #tpu.memory_space<hbm>>
      tpu.wait_indirect_dma semaphore(%arg21 : memref<!tpu.dma_semaphore, #tpu.memory_space<semaphore_mem>>) src(%dma_wait3A_81 : memref<8448x128xf32, #tpu.memory_space<hbm>>) dst(%arg13 : memref<64x128xf32, #tpu.memory_space<vmem>>)
      %scan3A_82 = arith.constant 0 : i32
      %scan3A_83 = arith.constant 0 : i32
      %scan3A_84 = arith.constant 4 : i32
      %scan3A_85 = arith.addi %scan3A_83, %scan3A_84 : i32
      %scan3A_86 = arith.constant 1 : i32
      scf.for %scan3A_100 = %scan3A_83 to %scan3A_85 step %scan3A_86  : i32 {
        %mul3A_101 = arith.constant 16 : i32
        %mul3A_102 = arith.muli %scan3A_100, %mul3A_101 : i32
        %get3A_103 = arith.index_cast %mul3A_102 : i32 to index
        %get3A_104 = tpu.vector_load %arg11[%get3A_103] {strides = array<i32>} : memref<64xi32, #tpu.memory_space<vmem>>, vector<16xi32>,
        %get3A_105 = vector.shape_cast %get3A_104 : vector<16xi32> to vector<16xi32>
        %mul3A_106 = arith.constant 128 : i32
        %mul3A_107 = arith.muli %arg0, %mul3A_106 : i32
        %add3A_108 = vector.broadcast %mul3A_107 : i32 to vector<16xi32>
        %add3A_109 = arith.addi %get3A_105, %add3A_108 : vector<16xi32>
        %swap3A = arith.index_cast %mul3A_102 : i32 to index
        %swap3A_110 = tpu.vector_load %arg12[%swap3A] {strides = array<i32>} : memref<64xi32, #tpu.memory_space<vmem>>, vector<16xi32>,
        %swap3A_111 = vector.shape_cast %swap3A_110 : vector<16xi32> to vector<16xi32>
        %swap3A_112 = vector.shape_cast %add3A_109 : vector<16xi32> to vector<16xi32>
        tpu.vector_store %arg12[%swap3A], %swap3A_112 {strides = array<i32>} : memref<64xi32, #tpu.memory_space<vmem>>, vector<16xi32>,
      }
      %scan3A_87 = arith.constant 4 : i32
      %dma_start3A_88 = arith.constant 0 : i32
      %dma_start3A_89 = arith.constant 0 : i32
      %dma_start3A_90 = tpu.memref_slice %arg5[%dma_start3A_88, %dma_start3A_89] : memref<256x128xf32, #tpu.memory_space<hbm>> -> memref<256x128xf32, #tpu.memory_space<hbm>>
      tpu.enqueue_indirect_dma source(%dma_start3A_90 : memref<256x128xf32, #tpu.memory_space<hbm>>) target(%arg14 : memref<64x128xf32, #tpu.memory_space<vmem>>) offsets(%arg12 : memref<64xi32, #tpu.memory_space<vmem>>) semaphore(%arg21 : memref<!tpu.dma_semaphore, #tpu.memory_space<semaphore_mem>>)
      %dma_wait3A_91 = arith.constant 0 : i32
      %dma_wait3A_92 = arith.constant 0 : i32
      %dma_wait3A_93 = tpu.memref_slice %arg5[%dma_wait3A_91, %dma_wait3A_92] : memref<256x128xf32, #tpu.memory_space<hbm>> -> memref<256x128xf32, #tpu.memory_space<hbm>>
      tpu.wait_indirect_dma semaphore(%arg21 : memref<!tpu.dma_semaphore, #tpu.memory_space<semaphore_mem>>) src(%dma_wait3A_93 : memref<256x128xf32, #tpu.memory_space<hbm>>) dst(%arg14 : memref<64x128xf32, #tpu.memory_space<vmem>>)
      %scan3A_94 = arith.constant 0 : i32
      %scan3A_95 = arith.constant 0 : i32
      %scan3A_96 = arith.constant 64 : i32
      %scan3A_97 = arith.addi %scan3A_95, %scan3A_96 : i32
      %scan3A_98 = arith.constant 1 : i32
      scf.for %scan3A_100 = %scan3A_95 to %scan3A_97 step %scan3A_98  : i32 {
        %get3A_101 = arith.index_cast %scan3A_100 : i32 to index
        %get3A_102 = arith.constant 0 : index
        %get3A_103 = tpu.vector_load %arg13[%get3A_101, %get3A_102] {strides = array<i32>} : memref<64x128xf32, #tpu.memory_space<vmem>>, vector<1x16xf32>,
        %get3A_104 = vector.shape_cast %get3A_103 : vector<1x16xf32> to vector<16xf32>
        %get3A_105 = arith.index_cast %scan3A_100 : i32 to index
        %get3A_106 = arith.constant 0 : index
        %get3A_107 = tpu.vector_load %arg14[%get3A_105, %get3A_106] {strides = array<i32>} : memref<64x128xf32, #tpu.memory_space<vmem>>, vector<1x16xf32>,
        %get3A_108 = vector.shape_cast %get3A_107 : vector<1x16xf32> to vector<16xf32>
        %add3A_109 = arith.addf %get3A_104, %get3A_108 : vector<16xf32>
        %mul3A_110 = arith.constant 2.000000e-01 : f32
        %mul3A_111 = vector.broadcast %mul3A_110 : f32 to vector<16xf32>
        %mul3A_112 = arith.mulf %mul3A_111, %add3A_109 : vector<16xf32>
        %max3A = arith.maximumf %add3A_109, %mul3A_112 : vector<16xf32>
        %sub3A = arith.subf %max3A, %get3A_10 : vector<16xf32>
        %exp3A = math.exp %sub3A : vector<16xf32>
        %swap3A = arith.index_cast %scan3A_100 : i32 to index
        %swap3A_113 = arith.constant 0 : index
        %swap3A_114 = tpu.vector_load %arg15[%swap3A, %swap3A_113] {strides = array<i32>} : memref<64x128xf32, #tpu.memory_space<vmem>>, vector<1x16xf32>,
        %swap3A_115 = vector.shape_cast %swap3A_114 : vector<1x16xf32> to vector<16xf32>
        %swap3A_116 = vector.shape_cast %exp3A : vector<16xf32> to vector<1x16xf32>
        tpu.vector_store %arg15[%swap3A, %swap3A_113], %swap3A_116 {strides = array<i32>} : memref<64x128xf32, #tpu.memory_space<vmem>>, vector<1x16xf32>,
        %get3A_117 = arith.index_cast %scan3A_100 : i32 to index
        %get3A_118 = arith.constant 16 : index
        %get3A_119 = tpu.vector_load %arg13[%get3A_117, %get3A_118] {strides = array<i32>} : memref<64x128xf32, #tpu.memory_space<vmem>>, vector<1x16xf32>,
        %get3A_120 = vector.shape_cast %get3A_119 : vector<1x16xf32> to vector<16xf32>
        %get3A_121 = arith.index_cast %scan3A_100 : i32 to index
        %get3A_122 = arith.constant 16 : index
        %get3A_123 = tpu.vector_load %arg14[%get3A_121, %get3A_122] {strides = array<i32>} : memref<64x128xf32, #tpu.memory_space<vmem>>, vector<1x16xf32>,
        %get3A_124 = vector.shape_cast %get3A_123 : vector<1x16xf32> to vector<16xf32>
        %add3A_125 = arith.addf %get3A_120, %get3A_124 : vector<16xf32>
        %mul3A_126 = arith.constant 2.000000e-01 : f32
        %mul3A_127 = vector.broadcast %mul3A_126 : f32 to vector<16xf32>
        %mul3A_128 = arith.mulf %mul3A_127, %add3A_125 : vector<16xf32>
        %max3A_129 = arith.maximumf %add3A_125, %mul3A_128 : vector<16xf32>
        %sub3A_130 = arith.subf %max3A_129, %get3A_15 : vector<16xf32>
        %exp3A_131 = math.exp %sub3A_130 : vector<16xf32>
        %swap3A_132 = arith.index_cast %scan3A_100 : i32 to index
        %swap3A_133 = arith.constant 16 : index
        %swap3A_134 = tpu.vector_load %arg15[%swap3A_132, %swap3A_133] {strides = array<i32>} : memref<64x128xf32, #tpu.memory_space<vmem>>, vector<1x16xf32>,
        %swap3A_135 = vector.shape_cast %swap3A_134 : vector<1x16xf32> to vector<16xf32>
        %swap3A_136 = vector.shape_cast %exp3A_131 : vector<16xf32> to vector<1x16xf32>
        tpu.vector_store %arg15[%swap3A_132, %swap3A_133], %swap3A_136 {strides = array<i32>} : memref<64x128xf32, #tpu.memory_space<vmem>>, vector<1x16xf32>,
        %get3A_137 = arith.index_cast %scan3A_100 : i32 to index
        %get3A_138 = arith.constant 32 : index
        %get3A_139 = tpu.vector_load %arg13[%get3A_137, %get3A_138] {strides = array<i32>} : memref<64x128xf32, #tpu.memory_space<vmem>>, vector<1x16xf32>,
        %get3A_140 = vector.shape_cast %get3A_139 : vector<1x16xf32> to vector<16xf32>
        %get3A_141 = arith.index_cast %scan3A_100 : i32 to index
        %get3A_142 = arith.constant 32 : index
        %get3A_143 = tpu.vector_load %arg14[%get3A_141, %get3A_142] {strides = array<i32>} : memref<64x128xf32, #tpu.memory_space<vmem>>, vector<1x16xf32>,
        %get3A_144 = vector.shape_cast %get3A_143 : vector<1x16xf32> to vector<16xf32>
        %add3A_145 = arith.addf %get3A_140, %get3A_144 : vector<16xf32>
        %mul3A_146 = arith.constant 2.000000e-01 : f32
        %mul3A_147 = vector.broadcast %mul3A_146 : f32 to vector<16xf32>
        %mul3A_148 = arith.mulf %mul3A_147, %add3A_145 : vector<16xf32>
        %max3A_149 = arith.maximumf %add3A_145, %mul3A_148 : vector<16xf32>
        %sub3A_150 = arith.subf %max3A_149, %get3A_20 : vector<16xf32>
        %exp3A_151 = math.exp %sub3A_150 : vector<16xf32>
        %swap3A_152 = arith.index_cast %scan3A_100 : i32 to index
        %swap3A_153 = arith.constant 32 : index
        %swap3A_154 = tpu.vector_load %arg15[%swap3A_152, %swap3A_153] {strides = array<i32>} : memref<64x128xf32, #tpu.memory_space<vmem>>, vector<1x16xf32>,
        %swap3A_155 = vector.shape_cast %swap3A_154 : vector<1x16xf32> to vector<16xf32>
        %swap3A_156 = vector.shape_cast %exp3A_151 : vector<16xf32> to vector<1x16xf32>
        tpu.vector_store %arg15[%swap3A_152, %swap3A_153], %swap3A_156 {strides = array<i32>} : memref<64x128xf32, #tpu.memory_space<vmem>>, vector<1x16xf32>,
        %get3A_157 = arith.index_cast %scan3A_100 : i32 to index
        %get3A_158 = arith.constant 48 : index
        %get3A_159 = tpu.vector_load %arg13[%get3A_157, %get3A_158] {strides = array<i32>} : memref<64x128xf32, #tpu.memory_space<vmem>>, vector<1x16xf32>,
        %get3A_160 = vector.shape_cast %get3A_159 : vector<1x16xf32> to vector<16xf32>
        %get3A_161 = arith.index_cast %scan3A_100 : i32 to index
        %get3A_162 = arith.constant 48 : index
        %get3A_163 = tpu.vector_load %arg14[%get3A_161, %get3A_162] {strides = array<i32>} : memref<64x128xf32, #tpu.memory_space<vmem>>, vector<1x16xf32>,
        %get3A_164 = vector.shape_cast %get3A_163 : vector<1x16xf32> to vector<16xf32>
        %add3A_165 = arith.addf %get3A_160, %get3A_164 : vector<16xf32>
        %mul3A_166 = arith.constant 2.000000e-01 : f32
        %mul3A_167 = vector.broadcast %mul3A_166 : f32 to vector<16xf32>
        %mul3A_168 = arith.mulf %mul3A_167, %add3A_165 : vector<16xf32>
        %max3A_169 = arith.maximumf %add3A_165, %mul3A_168 : vector<16xf32>
        %sub3A_170 = arith.subf %max3A_169, %get3A_25 : vector<16xf32>
        %exp3A_171 = math.exp %sub3A_170 : vector<16xf32>
        %swap3A_172 = arith.index_cast %scan3A_100 : i32 to index
        %swap3A_173 = arith.constant 48 : index
        %swap3A_174 = tpu.vector_load %arg15[%swap3A_172, %swap3A_173] {strides = array<i32>} : memref<64x128xf32, #tpu.memory_space<vmem>>, vector<1x16xf32>,
        %swap3A_175 = vector.shape_cast %swap3A_174 : vector<1x16xf32> to vector<16xf32>
        %swap3A_176 = vector.shape_cast %exp3A_171 : vector<16xf32> to vector<1x16xf32>
        tpu.vector_store %arg15[%swap3A_172, %swap3A_173], %swap3A_176 {strides = array<i32>} : memref<64x128xf32, #tpu.memory_space<vmem>>, vector<1x16xf32>,
        %get3A_177 = arith.index_cast %scan3A_100 : i32 to index
        %get3A_178 = arith.constant 64 : index
        %get3A_179 = tpu.vector_load %arg13[%get3A_177, %get3A_178] {strides = array<i32>} : memref<64x128xf32, #tpu.memory_space<vmem>>, vector<1x16xf32>,
        %get3A_180 = vector.shape_cast %get3A_179 : vector<1x16xf32> to vector<16xf32>
        %get3A_181 = arith.index_cast %scan3A_100 : i32 to index
        %get3A_182 = arith.constant 64 : index
        %get3A_183 = tpu.vector_load %arg14[%get3A_181, %get3A_182] {strides = array<i32>} : memref<64x128xf32, #tpu.memory_space<vmem>>, vector<1x16xf32>,
        %get3A_184 = vector.shape_cast %get3A_183 : vector<1x16xf32> to vector<16xf32>
        %add3A_185 = arith.addf %get3A_180, %get3A_184 : vector<16xf32>
        %mul3A_186 = arith.constant 2.000000e-01 : f32
        %mul3A_187 = vector.broadcast %mul3A_186 : f32 to vector<16xf32>
        %mul3A_188 = arith.mulf %mul3A_187, %add3A_185 : vector<16xf32>
        %max3A_189 = arith.maximumf %add3A_185, %mul3A_188 : vector<16xf32>
        %sub3A_190 = arith.subf %max3A_189, %get3A_30 : vector<16xf32>
        %exp3A_191 = math.exp %sub3A_190 : vector<16xf32>
        %swap3A_192 = arith.index_cast %scan3A_100 : i32 to index
        %swap3A_193 = arith.constant 64 : index
        %swap3A_194 = tpu.vector_load %arg15[%swap3A_192, %swap3A_193] {strides = array<i32>} : memref<64x128xf32, #tpu.memory_space<vmem>>, vector<1x16xf32>,
        %swap3A_195 = vector.shape_cast %swap3A_194 : vector<1x16xf32> to vector<16xf32>
        %swap3A_196 = vector.shape_cast %exp3A_191 : vector<16xf32> to vector<1x16xf32>
        tpu.vector_store %arg15[%swap3A_192, %swap3A_193], %swap3A_196 {strides = array<i32>} : memref<64x128xf32, #tpu.memory_space<vmem>>, vector<1x16xf32>,
        %get3A_197 = arith.index_cast %scan3A_100 : i32 to index
        %get3A_198 = arith.constant 80 : index
        %get3A_199 = tpu.vector_load %arg13[%get3A_197, %get3A_198] {strides = array<i32>} : memref<64x128xf32, #tpu.memory_space<vmem>>, vector<1x16xf32>,
        %get3A_200 = vector.shape_cast %get3A_199 : vector<1x16xf32> to vector<16xf32>
        %get3A_201 = arith.index_cast %scan3A_100 : i32 to index
        %get3A_202 = arith.constant 80 : index
        %get3A_203 = tpu.vector_load %arg14[%get3A_201, %get3A_202] {strides = array<i32>} : memref<64x128xf32, #tpu.memory_space<vmem>>, vector<1x16xf32>,
        %get3A_204 = vector.shape_cast %get3A_203 : vector<1x16xf32> to vector<16xf32>
        %add3A_205 = arith.addf %get3A_200, %get3A_204 : vector<16xf32>
        %mul3A_206 = arith.constant 2.000000e-01 : f32
        %mul3A_207 = vector.broadcast %mul3A_206 : f32 to vector<16xf32>
        %mul3A_208 = arith.mulf %mul3A_207, %add3A_205 : vector<16xf32>
        %max3A_209 = arith.maximumf %add3A_205, %mul3A_208 : vector<16xf32>
        %sub3A_210 = arith.subf %max3A_209, %get3A_35 : vector<16xf32>
        %exp3A_211 = math.exp %sub3A_210 : vector<16xf32>
        %swap3A_212 = arith.index_cast %scan3A_100 : i32 to index
        %swap3A_213 = arith.constant 80 : index
        %swap3A_214 = tpu.vector_load %arg15[%swap3A_212, %swap3A_213] {strides = array<i32>} : memref<64x128xf32, #tpu.memory_space<vmem>>, vector<1x16xf32>,
        %swap3A_215 = vector.shape_cast %swap3A_214 : vector<1x16xf32> to vector<16xf32>
        %swap3A_216 = vector.shape_cast %exp3A_211 : vector<16xf32> to vector<1x16xf32>
        tpu.vector_store %arg15[%swap3A_212, %swap3A_213], %swap3A_216 {strides = array<i32>} : memref<64x128xf32, #tpu.memory_space<vmem>>, vector<1x16xf32>,
        %get3A_217 = arith.index_cast %scan3A_100 : i32 to index
        %get3A_218 = arith.constant 96 : index
        %get3A_219 = tpu.vector_load %arg13[%get3A_217, %get3A_218] {strides = array<i32>} : memref<64x128xf32, #tpu.memory_space<vmem>>, vector<1x16xf32>,
        %get3A_220 = vector.shape_cast %get3A_219 : vector<1x16xf32> to vector<16xf32>
        %get3A_221 = arith.index_cast %scan3A_100 : i32 to index
        %get3A_222 = arith.constant 96 : index
        %get3A_223 = tpu.vector_load %arg14[%get3A_221, %get3A_222] {strides = array<i32>} : memref<64x128xf32, #tpu.memory_space<vmem>>, vector<1x16xf32>,
        %get3A_224 = vector.shape_cast %get3A_223 : vector<1x16xf32> to vector<16xf32>
        %add3A_225 = arith.addf %get3A_220, %get3A_224 : vector<16xf32>
        %mul3A_226 = arith.constant 2.000000e-01 : f32
        %mul3A_227 = vector.broadcast %mul3A_226 : f32 to vector<16xf32>
        %mul3A_228 = arith.mulf %mul3A_227, %add3A_225 : vector<16xf32>
        %max3A_229 = arith.maximumf %add3A_225, %mul3A_228 : vector<16xf32>
        %sub3A_230 = arith.subf %max3A_229, %get3A_40 : vector<16xf32>
        %exp3A_231 = math.exp %sub3A_230 : vector<16xf32>
        %swap3A_232 = arith.index_cast %scan3A_100 : i32 to index
        %swap3A_233 = arith.constant 96 : index
        %swap3A_234 = tpu.vector_load %arg15[%swap3A_232, %swap3A_233] {strides = array<i32>} : memref<64x128xf32, #tpu.memory_space<vmem>>, vector<1x16xf32>,
        %swap3A_235 = vector.shape_cast %swap3A_234 : vector<1x16xf32> to vector<16xf32>
        %swap3A_236 = vector.shape_cast %exp3A_231 : vector<16xf32> to vector<1x16xf32>
        tpu.vector_store %arg15[%swap3A_232, %swap3A_233], %swap3A_236 {strides = array<i32>} : memref<64x128xf32, #tpu.memory_space<vmem>>, vector<1x16xf32>,
        %get3A_237 = arith.index_cast %scan3A_100 : i32 to index
        %get3A_238 = arith.constant 112 : index
        %get3A_239 = tpu.vector_load %arg13[%get3A_237, %get3A_238] {strides = array<i32>} : memref<64x128xf32, #tpu.memory_space<vmem>>, vector<1x16xf32>,
        %get3A_240 = vector.shape_cast %get3A_239 : vector<1x16xf32> to vector<16xf32>
        %get3A_241 = arith.index_cast %scan3A_100 : i32 to index
        %get3A_242 = arith.constant 112 : index
        %get3A_243 = tpu.vector_load %arg14[%get3A_241, %get3A_242] {strides = array<i32>} : memref<64x128xf32, #tpu.memory_space<vmem>>, vector<1x16xf32>,
        %get3A_244 = vector.shape_cast %get3A_243 : vector<1x16xf32> to vector<16xf32>
        %add3A_245 = arith.addf %get3A_240, %get3A_244 : vector<16xf32>
        %mul3A_246 = arith.constant 2.000000e-01 : f32
        %mul3A_247 = vector.broadcast %mul3A_246 : f32 to vector<16xf32>
        %mul3A_248 = arith.mulf %mul3A_247, %add3A_245 : vector<16xf32>
        %max3A_249 = arith.maximumf %add3A_245, %mul3A_248 : vector<16xf32>
        %sub3A_250 = arith.subf %max3A_249, %get3A_45 : vector<16xf32>
        %exp3A_251 = math.exp %sub3A_250 : vector<16xf32>
        %swap3A_252 = arith.index_cast %scan3A_100 : i32 to index
        %swap3A_253 = arith.constant 112 : index
        %swap3A_254 = tpu.vector_load %arg15[%swap3A_252, %swap3A_253] {strides = array<i32>} : memref<64x128xf32, #tpu.memory_space<vmem>>, vector<1x16xf32>,
        %swap3A_255 = vector.shape_cast %swap3A_254 : vector<1x16xf32> to vector<16xf32>
        %swap3A_256 = vector.shape_cast %exp3A_251 : vector<16xf32> to vector<1x16xf32>
        tpu.vector_store %arg15[%swap3A_252, %swap3A_253], %swap3A_256 {strides = array<i32>} : memref<64x128xf32, #tpu.memory_space<vmem>>, vector<1x16xf32>,
      }
      %scan3A_99 = arith.constant 64 : i32
      "tpu.region"() ({
        %run_scoped3A = tpu.sem_alloc : memref<!tpu.dma_semaphore, #tpu.memory_space<semaphore_mem>>
        %dma_start3A_100 = arith.constant 0 : i32
        %dma_start3A_101 = arith.constant 0 : i32
        %dma_start3A_102 = tpu.memref_slice %arg19[%dma_start3A_100, %dma_start3A_101] : memref<128x128xf32, #tpu.memory_space<vmem_shared>> -> memref<128x128xf32, #tpu.memory_space<vmem_shared>>
        tpu.enqueue_indirect_dma source(%arg15 : memref<64x128xf32, #tpu.memory_space<vmem>>) target(%dma_start3A_102 : memref<128x128xf32, #tpu.memory_space<vmem_shared>>) offsets(%arg11 : memref<64xi32, #tpu.memory_space<vmem>>) semaphore(%run_scoped3A : memref<!tpu.dma_semaphore, #tpu.memory_space<semaphore_mem>>) {add = true}
        %dma_wait3A_103 = arith.constant 0 : i32
        %dma_wait3A_104 = arith.constant 0 : i32
        %dma_wait3A_105 = tpu.memref_slice %arg19[%dma_wait3A_103, %dma_wait3A_104] : memref<128x128xf32, #tpu.memory_space<vmem_shared>> -> memref<128x128xf32, #tpu.memory_space<vmem_shared>>
        tpu.wait_indirect_dma semaphore(%run_scoped3A : memref<!tpu.dma_semaphore, #tpu.memory_space<semaphore_mem>>) src(%arg15 : memref<64x128xf32, #tpu.memory_space<vmem>>) dst(%dma_wait3A_105 : memref<128x128xf32, #tpu.memory_space<vmem_shared>>)
        tpu.yield
      }) : () -> ()
    }
    %scan3A_52 = arith.constant 4 : i32
    %barrier3A_53 = arith.constant 0 : index
    tpu.barrier barrier_id(%barrier3A_53)
    %scan3A_54 = arith.constant 0 : i32
    %scan3A_55 = arith.constant 0 : i32
    %scan3A_56 = arith.constant 4 : i32
    %scan3A_57 = arith.addi %scan3A_55, %scan3A_56 : i32
    %scan3A_58 = arith.constant 1 : i32
    scf.for %scan3A_66 = %scan3A_55 to %scan3A_57 step %scan3A_58  : i32 {
      %mul3A_67 = arith.constant 64 : i32
      %mul3A_68 = arith.muli %scan3A_66, %mul3A_67 : i32
      %add3A_69 = arith.addi %mul3A_47, %mul3A_68 : i32
      "tpu.region"() ({
        %run_scoped3A = tpu.sem_alloc : memref<!tpu.dma_semaphore, #tpu.memory_space<semaphore_mem>>
        %dma_start3A_106 = tpu.memref_slice %arg2[%add3A_69] : memref<4096xi32, #tpu.memory_space<hbm>> -> memref<64xi32, #tpu.memory_space<hbm>>
        %dma_start3A_107 = tpu.memref_slice %arg2[%add3A_69] : memref<4096xi32, #tpu.memory_space<hbm>> -> memref<64xi32, #tpu.memory_space<hbm>>
        tpu.enqueue_dma source(%dma_start3A_107 : memref<64xi32, #tpu.memory_space<hbm>>) target(%arg10 : memref<64xi32, #tpu.memory_space<vmem>>) target_semaphore(%run_scoped3A : memref<!tpu.dma_semaphore, #tpu.memory_space<semaphore_mem>>)
        %dma_wait3A_108 = tpu.memref_slice %arg2[%add3A_69] : memref<4096xi32, #tpu.memory_space<hbm>> -> memref<64xi32, #tpu.memory_space<hbm>>
        %dma_wait3A_109 = tpu.memref_slice %arg2[%add3A_69] : memref<4096xi32, #tpu.memory_space<hbm>> -> memref<64xi32, #tpu.memory_space<hbm>>
        tpu.wait_dma2 semaphore(%run_scoped3A : memref<!tpu.dma_semaphore, #tpu.memory_space<semaphore_mem>>) src(%dma_wait3A_109 : memref<64xi32, #tpu.memory_space<hbm>>) dst(%arg10 : memref<64xi32, #tpu.memory_space<vmem>>)
        tpu.yield
      }) : () -> ()
      "tpu.region"() ({
        %run_scoped3A = tpu.sem_alloc : memref<!tpu.dma_semaphore, #tpu.memory_space<semaphore_mem>>
        %dma_start3A_106 = tpu.memref_slice %arg3[%add3A_69] : memref<4096xi32, #tpu.memory_space<hbm>> -> memref<64xi32, #tpu.memory_space<hbm>>
        %dma_start3A_107 = tpu.memref_slice %arg3[%add3A_69] : memref<4096xi32, #tpu.memory_space<hbm>> -> memref<64xi32, #tpu.memory_space<hbm>>
        tpu.enqueue_dma source(%dma_start3A_107 : memref<64xi32, #tpu.memory_space<hbm>>) target(%arg11 : memref<64xi32, #tpu.memory_space<vmem>>) target_semaphore(%run_scoped3A : memref<!tpu.dma_semaphore, #tpu.memory_space<semaphore_mem>>)
        %dma_wait3A_108 = tpu.memref_slice %arg3[%add3A_69] : memref<4096xi32, #tpu.memory_space<hbm>> -> memref<64xi32, #tpu.memory_space<hbm>>
        %dma_wait3A_109 = tpu.memref_slice %arg3[%add3A_69] : memref<4096xi32, #tpu.memory_space<hbm>> -> memref<64xi32, #tpu.memory_space<hbm>>
        tpu.wait_dma2 semaphore(%run_scoped3A : memref<!tpu.dma_semaphore, #tpu.memory_space<semaphore_mem>>) src(%dma_wait3A_109 : memref<64xi32, #tpu.memory_space<hbm>>) dst(%arg11 : memref<64xi32, #tpu.memory_space<vmem>>)
        tpu.yield
      }) : () -> ()
      %scan3A_70 = arith.constant 0 : i32
      %scan3A_71 = arith.constant 0 : i32
      %scan3A_72 = arith.constant 4 : i32
      %scan3A_73 = arith.addi %scan3A_71, %scan3A_72 : i32
      %scan3A_74 = arith.constant 1 : i32
      scf.for %scan3A_106 = %scan3A_71 to %scan3A_73 step %scan3A_74  : i32 {
        %mul3A_107 = arith.constant 16 : i32
        %mul3A_108 = arith.muli %scan3A_106, %mul3A_107 : i32
        %get3A_109 = arith.index_cast %mul3A_108 : i32 to index
        %get3A_110 = tpu.vector_load %arg10[%get3A_109] {strides = array<i32>} : memref<64xi32, #tpu.memory_space<vmem>>, vector<16xi32>,
        %get3A_111 = vector.shape_cast %get3A_110 : vector<16xi32> to vector<16xi32>
        %mul3A_112 = arith.constant 4224 : i32
        %mul3A_113 = arith.muli %arg0, %mul3A_112 : i32
        %add3A_114 = vector.broadcast %mul3A_113 : i32 to vector<16xi32>
        %add3A_115 = arith.addi %get3A_111, %add3A_114 : vector<16xi32>
        %swap3A = arith.index_cast %mul3A_108 : i32 to index
        %swap3A_116 = tpu.vector_load %arg12[%swap3A] {strides = array<i32>} : memref<64xi32, #tpu.memory_space<vmem>>, vector<16xi32>,
        %swap3A_117 = vector.shape_cast %swap3A_116 : vector<16xi32> to vector<16xi32>
        %swap3A_118 = vector.shape_cast %add3A_115 : vector<16xi32> to vector<16xi32>
        tpu.vector_store %arg12[%swap3A], %swap3A_118 {strides = array<i32>} : memref<64xi32, #tpu.memory_space<vmem>>, vector<16xi32>,
      }
      %scan3A_75 = arith.constant 4 : i32
      %dma_start3A_76 = arith.constant 0 : i32
      %dma_start3A_77 = arith.constant 0 : i32
      %dma_start3A_78 = tpu.memref_slice %arg7[%dma_start3A_76, %dma_start3A_77] : memref<8448x128xf32, #tpu.memory_space<hbm>> -> memref<8448x128xf32, #tpu.memory_space<hbm>>
      tpu.enqueue_indirect_dma source(%dma_start3A_78 : memref<8448x128xf32, #tpu.memory_space<hbm>>) target(%arg17 : memref<64x128xf32, #tpu.memory_space<vmem>>) offsets(%arg12 : memref<64xi32, #tpu.memory_space<vmem>>) semaphore(%arg21 : memref<!tpu.dma_semaphore, #tpu.memory_space<semaphore_mem>>)
      %dma_wait3A_79 = arith.constant 0 : i32
      %dma_wait3A_80 = arith.constant 0 : i32
      %dma_wait3A_81 = tpu.memref_slice %arg7[%dma_wait3A_79, %dma_wait3A_80] : memref<8448x128xf32, #tpu.memory_space<hbm>> -> memref<8448x128xf32, #tpu.memory_space<hbm>>
      tpu.wait_indirect_dma semaphore(%arg21 : memref<!tpu.dma_semaphore, #tpu.memory_space<semaphore_mem>>) src(%dma_wait3A_81 : memref<8448x128xf32, #tpu.memory_space<hbm>>) dst(%arg17 : memref<64x128xf32, #tpu.memory_space<vmem>>)
      %dma_start3A_82 = arith.constant 0 : i32
      %dma_start3A_83 = arith.constant 0 : i32
      %dma_start3A_84 = tpu.memref_slice %arg4[%dma_start3A_82, %dma_start3A_83] : memref<8448x128xf32, #tpu.memory_space<hbm>> -> memref<8448x128xf32, #tpu.memory_space<hbm>>
      tpu.enqueue_indirect_dma source(%dma_start3A_84 : memref<8448x128xf32, #tpu.memory_space<hbm>>) target(%arg13 : memref<64x128xf32, #tpu.memory_space<vmem>>) offsets(%arg12 : memref<64xi32, #tpu.memory_space<vmem>>) semaphore(%arg21 : memref<!tpu.dma_semaphore, #tpu.memory_space<semaphore_mem>>)
      %dma_wait3A_85 = arith.constant 0 : i32
      %dma_wait3A_86 = arith.constant 0 : i32
      %dma_wait3A_87 = tpu.memref_slice %arg4[%dma_wait3A_85, %dma_wait3A_86] : memref<8448x128xf32, #tpu.memory_space<hbm>> -> memref<8448x128xf32, #tpu.memory_space<hbm>>
      tpu.wait_indirect_dma semaphore(%arg21 : memref<!tpu.dma_semaphore, #tpu.memory_space<semaphore_mem>>) src(%dma_wait3A_87 : memref<8448x128xf32, #tpu.memory_space<hbm>>) dst(%arg13 : memref<64x128xf32, #tpu.memory_space<vmem>>)
      %scan3A_88 = arith.constant 0 : i32
      %scan3A_89 = arith.constant 0 : i32
      %scan3A_90 = arith.constant 4 : i32
      %scan3A_91 = arith.addi %scan3A_89, %scan3A_90 : i32
      %scan3A_92 = arith.constant 1 : i32
      scf.for %scan3A_106 = %scan3A_89 to %scan3A_91 step %scan3A_92  : i32 {
        %mul3A_107 = arith.constant 16 : i32
        %mul3A_108 = arith.muli %scan3A_106, %mul3A_107 : i32
        %get3A_109 = arith.index_cast %mul3A_108 : i32 to index
        %get3A_110 = tpu.vector_load %arg11[%get3A_109] {strides = array<i32>} : memref<64xi32, #tpu.memory_space<vmem>>, vector<16xi32>,
        %get3A_111 = vector.shape_cast %get3A_110 : vector<16xi32> to vector<16xi32>
        %mul3A_112 = arith.constant 128 : i32
        %mul3A_113 = arith.muli %arg0, %mul3A_112 : i32
        %add3A_114 = vector.broadcast %mul3A_113 : i32 to vector<16xi32>
        %add3A_115 = arith.addi %get3A_111, %add3A_114 : vector<16xi32>
        %swap3A = arith.index_cast %mul3A_108 : i32 to index
        %swap3A_116 = tpu.vector_load %arg12[%swap3A] {strides = array<i32>} : memref<64xi32, #tpu.memory_space<vmem>>, vector<16xi32>,
        %swap3A_117 = vector.shape_cast %swap3A_116 : vector<16xi32> to vector<16xi32>
        %swap3A_118 = vector.shape_cast %add3A_115 : vector<16xi32> to vector<16xi32>
        tpu.vector_store %arg12[%swap3A], %swap3A_118 {strides = array<i32>} : memref<64xi32, #tpu.memory_space<vmem>>, vector<16xi32>,
      }
      %scan3A_93 = arith.constant 4 : i32
      %dma_start3A_94 = arith.constant 0 : i32
      %dma_start3A_95 = arith.constant 0 : i32
      %dma_start3A_96 = tpu.memref_slice %arg5[%dma_start3A_94, %dma_start3A_95] : memref<256x128xf32, #tpu.memory_space<hbm>> -> memref<256x128xf32, #tpu.memory_space<hbm>>
      tpu.enqueue_indirect_dma source(%dma_start3A_96 : memref<256x128xf32, #tpu.memory_space<hbm>>) target(%arg14 : memref<64x128xf32, #tpu.memory_space<vmem>>) offsets(%arg12 : memref<64xi32, #tpu.memory_space<vmem>>) semaphore(%arg21 : memref<!tpu.dma_semaphore, #tpu.memory_space<semaphore_mem>>)
      %dma_wait3A_97 = arith.constant 0 : i32
      %dma_wait3A_98 = arith.constant 0 : i32
      %dma_wait3A_99 = tpu.memref_slice %arg5[%dma_wait3A_97, %dma_wait3A_98] : memref<256x128xf32, #tpu.memory_space<hbm>> -> memref<256x128xf32, #tpu.memory_space<hbm>>
      tpu.wait_indirect_dma semaphore(%arg21 : memref<!tpu.dma_semaphore, #tpu.memory_space<semaphore_mem>>) src(%dma_wait3A_99 : memref<256x128xf32, #tpu.memory_space<hbm>>) dst(%arg14 : memref<64x128xf32, #tpu.memory_space<vmem>>)
      "tpu.region"() ({
        %run_scoped3A = tpu.sem_alloc : memref<!tpu.dma_semaphore, #tpu.memory_space<semaphore_mem>>
        %dma_start3A_106 = arith.constant 0 : i32
        %dma_start3A_107 = arith.constant 0 : i32
        %dma_start3A_108 = tpu.memref_slice %arg19[%dma_start3A_106, %dma_start3A_107] : memref<128x128xf32, #tpu.memory_space<vmem_shared>> -> memref<128x128xf32, #tpu.memory_space<vmem_shared>>
        tpu.enqueue_indirect_dma source(%dma_start3A_108 : memref<128x128xf32, #tpu.memory_space<vmem_shared>>) target(%arg16 : memref<64x128xf32, #tpu.memory_space<vmem>>) offsets(%arg11 : memref<64xi32, #tpu.memory_space<vmem>>) semaphore(%run_scoped3A : memref<!tpu.dma_semaphore, #tpu.memory_space<semaphore_mem>>)
        %dma_wait3A_109 = arith.constant 0 : i32
        %dma_wait3A_110 = arith.constant 0 : i32
        %dma_wait3A_111 = tpu.memref_slice %arg19[%dma_wait3A_109, %dma_wait3A_110] : memref<128x128xf32, #tpu.memory_space<vmem_shared>> -> memref<128x128xf32, #tpu.memory_space<vmem_shared>>
        tpu.wait_indirect_dma semaphore(%run_scoped3A : memref<!tpu.dma_semaphore, #tpu.memory_space<semaphore_mem>>) src(%dma_wait3A_111 : memref<128x128xf32, #tpu.memory_space<vmem_shared>>) dst(%arg16 : memref<64x128xf32, #tpu.memory_space<vmem>>)
        tpu.yield
      }) : () -> ()
      %scan3A_100 = arith.constant 0 : i32
      %scan3A_101 = arith.constant 0 : i32
      %scan3A_102 = arith.constant 64 : i32
      %scan3A_103 = arith.addi %scan3A_101, %scan3A_102 : i32
      %scan3A_104 = arith.constant 1 : i32
      scf.for %scan3A_106 = %scan3A_101 to %scan3A_103 step %scan3A_104  : i32 {
        %get3A_107 = arith.index_cast %scan3A_106 : i32 to index
        %get3A_108 = arith.constant 0 : index
        %get3A_109 = tpu.vector_load %arg13[%get3A_107, %get3A_108] {strides = array<i32>} : memref<64x128xf32, #tpu.memory_space<vmem>>, vector<1x16xf32>,
        %get3A_110 = vector.shape_cast %get3A_109 : vector<1x16xf32> to vector<16xf32>
        %get3A_111 = arith.index_cast %scan3A_106 : i32 to index
        %get3A_112 = arith.constant 0 : index
        %get3A_113 = tpu.vector_load %arg14[%get3A_111, %get3A_112] {strides = array<i32>} : memref<64x128xf32, #tpu.memory_space<vmem>>, vector<1x16xf32>,
        %get3A_114 = vector.shape_cast %get3A_113 : vector<1x16xf32> to vector<16xf32>
        %add3A_115 = arith.addf %get3A_110, %get3A_114 : vector<16xf32>
        %mul3A_116 = arith.constant 2.000000e-01 : f32
        %mul3A_117 = vector.broadcast %mul3A_116 : f32 to vector<16xf32>
        %mul3A_118 = arith.mulf %mul3A_117, %add3A_115 : vector<16xf32>
        %max3A = arith.maximumf %add3A_115, %mul3A_118 : vector<16xf32>
        %sub3A = arith.subf %max3A, %get3A_10 : vector<16xf32>
        %exp3A = math.exp %sub3A : vector<16xf32>
        %get3A_119 = arith.index_cast %scan3A_106 : i32 to index
        %get3A_120 = arith.constant 0 : index
        %get3A_121 = tpu.vector_load %arg16[%get3A_119, %get3A_120] {strides = array<i32>} : memref<64x128xf32, #tpu.memory_space<vmem>>, vector<1x16xf32>,
        %get3A_122 = vector.shape_cast %get3A_121 : vector<1x16xf32> to vector<16xf32>
        %add3A_123 = arith.constant 1.000000e-16 : f32
        %add3A_124 = vector.broadcast %add3A_123 : f32 to vector<16xf32>
        %add3A_125 = arith.addf %get3A_122, %add3A_124 : vector<16xf32>
        %div3A = arith.divf %exp3A, %add3A_125 : vector<16xf32>
        %get3A_126 = arith.index_cast %scan3A_106 : i32 to index
        %get3A_127 = arith.constant 0 : index
        %get3A_128 = tpu.vector_load %arg17[%get3A_126, %get3A_127] {strides = array<i32>} : memref<64x128xf32, #tpu.memory_space<vmem>>, vector<1x16xf32>,
        %get3A_129 = vector.shape_cast %get3A_128 : vector<1x16xf32> to vector<16xf32>
        %mul3A_130 = arith.mulf %get3A_129, %div3A : vector<16xf32>
        %swap3A = arith.index_cast %scan3A_106 : i32 to index
        %swap3A_131 = arith.constant 0 : index
        %swap3A_132 = tpu.vector_load %arg17[%swap3A, %swap3A_131] {strides = array<i32>} : memref<64x128xf32, #tpu.memory_space<vmem>>, vector<1x16xf32>,
        %swap3A_133 = vector.shape_cast %swap3A_132 : vector<1x16xf32> to vector<16xf32>
        %swap3A_134 = vector.shape_cast %mul3A_130 : vector<16xf32> to vector<1x16xf32>
        tpu.vector_store %arg17[%swap3A, %swap3A_131], %swap3A_134 {strides = array<i32>} : memref<64x128xf32, #tpu.memory_space<vmem>>, vector<1x16xf32>,
        %get3A_135 = arith.index_cast %scan3A_106 : i32 to index
        %get3A_136 = arith.constant 16 : index
        %get3A_137 = tpu.vector_load %arg13[%get3A_135, %get3A_136] {strides = array<i32>} : memref<64x128xf32, #tpu.memory_space<vmem>>, vector<1x16xf32>,
        %get3A_138 = vector.shape_cast %get3A_137 : vector<1x16xf32> to vector<16xf32>
        %get3A_139 = arith.index_cast %scan3A_106 : i32 to index
        %get3A_140 = arith.constant 16 : index
        %get3A_141 = tpu.vector_load %arg14[%get3A_139, %get3A_140] {strides = array<i32>} : memref<64x128xf32, #tpu.memory_space<vmem>>, vector<1x16xf32>,
        %get3A_142 = vector.shape_cast %get3A_141 : vector<1x16xf32> to vector<16xf32>
        %add3A_143 = arith.addf %get3A_138, %get3A_142 : vector<16xf32>
        %mul3A_144 = arith.constant 2.000000e-01 : f32
        %mul3A_145 = vector.broadcast %mul3A_144 : f32 to vector<16xf32>
        %mul3A_146 = arith.mulf %mul3A_145, %add3A_143 : vector<16xf32>
        %max3A_147 = arith.maximumf %add3A_143, %mul3A_146 : vector<16xf32>
        %sub3A_148 = arith.subf %max3A_147, %get3A_15 : vector<16xf32>
        %exp3A_149 = math.exp %sub3A_148 : vector<16xf32>
        %get3A_150 = arith.index_cast %scan3A_106 : i32 to index
        %get3A_151 = arith.constant 16 : index
        %get3A_152 = tpu.vector_load %arg16[%get3A_150, %get3A_151] {strides = array<i32>} : memref<64x128xf32, #tpu.memory_space<vmem>>, vector<1x16xf32>,
        %get3A_153 = vector.shape_cast %get3A_152 : vector<1x16xf32> to vector<16xf32>
        %add3A_154 = arith.constant 1.000000e-16 : f32
        %add3A_155 = vector.broadcast %add3A_154 : f32 to vector<16xf32>
        %add3A_156 = arith.addf %get3A_153, %add3A_155 : vector<16xf32>
        %div3A_157 = arith.divf %exp3A_149, %add3A_156 : vector<16xf32>
        %get3A_158 = arith.index_cast %scan3A_106 : i32 to index
        %get3A_159 = arith.constant 16 : index
        %get3A_160 = tpu.vector_load %arg17[%get3A_158, %get3A_159] {strides = array<i32>} : memref<64x128xf32, #tpu.memory_space<vmem>>, vector<1x16xf32>,
        %get3A_161 = vector.shape_cast %get3A_160 : vector<1x16xf32> to vector<16xf32>
        %mul3A_162 = arith.mulf %get3A_161, %div3A_157 : vector<16xf32>
        %swap3A_163 = arith.index_cast %scan3A_106 : i32 to index
        %swap3A_164 = arith.constant 16 : index
        %swap3A_165 = tpu.vector_load %arg17[%swap3A_163, %swap3A_164] {strides = array<i32>} : memref<64x128xf32, #tpu.memory_space<vmem>>, vector<1x16xf32>,
        %swap3A_166 = vector.shape_cast %swap3A_165 : vector<1x16xf32> to vector<16xf32>
        %swap3A_167 = vector.shape_cast %mul3A_162 : vector<16xf32> to vector<1x16xf32>
        tpu.vector_store %arg17[%swap3A_163, %swap3A_164], %swap3A_167 {strides = array<i32>} : memref<64x128xf32, #tpu.memory_space<vmem>>, vector<1x16xf32>,
        %get3A_168 = arith.index_cast %scan3A_106 : i32 to index
        %get3A_169 = arith.constant 32 : index
        %get3A_170 = tpu.vector_load %arg13[%get3A_168, %get3A_169] {strides = array<i32>} : memref<64x128xf32, #tpu.memory_space<vmem>>, vector<1x16xf32>,
        %get3A_171 = vector.shape_cast %get3A_170 : vector<1x16xf32> to vector<16xf32>
        %get3A_172 = arith.index_cast %scan3A_106 : i32 to index
        %get3A_173 = arith.constant 32 : index
        %get3A_174 = tpu.vector_load %arg14[%get3A_172, %get3A_173] {strides = array<i32>} : memref<64x128xf32, #tpu.memory_space<vmem>>, vector<1x16xf32>,
        %get3A_175 = vector.shape_cast %get3A_174 : vector<1x16xf32> to vector<16xf32>
        %add3A_176 = arith.addf %get3A_171, %get3A_175 : vector<16xf32>
        %mul3A_177 = arith.constant 2.000000e-01 : f32
        %mul3A_178 = vector.broadcast %mul3A_177 : f32 to vector<16xf32>
        %mul3A_179 = arith.mulf %mul3A_178, %add3A_176 : vector<16xf32>
        %max3A_180 = arith.maximumf %add3A_176, %mul3A_179 : vector<16xf32>
        %sub3A_181 = arith.subf %max3A_180, %get3A_20 : vector<16xf32>
        %exp3A_182 = math.exp %sub3A_181 : vector<16xf32>
        %get3A_183 = arith.index_cast %scan3A_106 : i32 to index
        %get3A_184 = arith.constant 32 : index
        %get3A_185 = tpu.vector_load %arg16[%get3A_183, %get3A_184] {strides = array<i32>} : memref<64x128xf32, #tpu.memory_space<vmem>>, vector<1x16xf32>,
        %get3A_186 = vector.shape_cast %get3A_185 : vector<1x16xf32> to vector<16xf32>
        %add3A_187 = arith.constant 1.000000e-16 : f32
        %add3A_188 = vector.broadcast %add3A_187 : f32 to vector<16xf32>
        %add3A_189 = arith.addf %get3A_186, %add3A_188 : vector<16xf32>
        %div3A_190 = arith.divf %exp3A_182, %add3A_189 : vector<16xf32>
        %get3A_191 = arith.index_cast %scan3A_106 : i32 to index
        %get3A_192 = arith.constant 32 : index
        %get3A_193 = tpu.vector_load %arg17[%get3A_191, %get3A_192] {strides = array<i32>} : memref<64x128xf32, #tpu.memory_space<vmem>>, vector<1x16xf32>,
        %get3A_194 = vector.shape_cast %get3A_193 : vector<1x16xf32> to vector<16xf32>
        %mul3A_195 = arith.mulf %get3A_194, %div3A_190 : vector<16xf32>
        %swap3A_196 = arith.index_cast %scan3A_106 : i32 to index
        %swap3A_197 = arith.constant 32 : index
        %swap3A_198 = tpu.vector_load %arg17[%swap3A_196, %swap3A_197] {strides = array<i32>} : memref<64x128xf32, #tpu.memory_space<vmem>>, vector<1x16xf32>,
        %swap3A_199 = vector.shape_cast %swap3A_198 : vector<1x16xf32> to vector<16xf32>
        %swap3A_200 = vector.shape_cast %mul3A_195 : vector<16xf32> to vector<1x16xf32>
        tpu.vector_store %arg17[%swap3A_196, %swap3A_197], %swap3A_200 {strides = array<i32>} : memref<64x128xf32, #tpu.memory_space<vmem>>, vector<1x16xf32>,
        %get3A_201 = arith.index_cast %scan3A_106 : i32 to index
        %get3A_202 = arith.constant 48 : index
        %get3A_203 = tpu.vector_load %arg13[%get3A_201, %get3A_202] {strides = array<i32>} : memref<64x128xf32, #tpu.memory_space<vmem>>, vector<1x16xf32>,
        %get3A_204 = vector.shape_cast %get3A_203 : vector<1x16xf32> to vector<16xf32>
        %get3A_205 = arith.index_cast %scan3A_106 : i32 to index
        %get3A_206 = arith.constant 48 : index
        %get3A_207 = tpu.vector_load %arg14[%get3A_205, %get3A_206] {strides = array<i32>} : memref<64x128xf32, #tpu.memory_space<vmem>>, vector<1x16xf32>,
        %get3A_208 = vector.shape_cast %get3A_207 : vector<1x16xf32> to vector<16xf32>
        %add3A_209 = arith.addf %get3A_204, %get3A_208 : vector<16xf32>
        %mul3A_210 = arith.constant 2.000000e-01 : f32
        %mul3A_211 = vector.broadcast %mul3A_210 : f32 to vector<16xf32>
        %mul3A_212 = arith.mulf %mul3A_211, %add3A_209 : vector<16xf32>
        %max3A_213 = arith.maximumf %add3A_209, %mul3A_212 : vector<16xf32>
        %sub3A_214 = arith.subf %max3A_213, %get3A_25 : vector<16xf32>
        %exp3A_215 = math.exp %sub3A_214 : vector<16xf32>
        %get3A_216 = arith.index_cast %scan3A_106 : i32 to index
        %get3A_217 = arith.constant 48 : index
        %get3A_218 = tpu.vector_load %arg16[%get3A_216, %get3A_217] {strides = array<i32>} : memref<64x128xf32, #tpu.memory_space<vmem>>, vector<1x16xf32>,
        %get3A_219 = vector.shape_cast %get3A_218 : vector<1x16xf32> to vector<16xf32>
        %add3A_220 = arith.constant 1.000000e-16 : f32
        %add3A_221 = vector.broadcast %add3A_220 : f32 to vector<16xf32>
        %add3A_222 = arith.addf %get3A_219, %add3A_221 : vector<16xf32>
        %div3A_223 = arith.divf %exp3A_215, %add3A_222 : vector<16xf32>
        %get3A_224 = arith.index_cast %scan3A_106 : i32 to index
        %get3A_225 = arith.constant 48 : index
        %get3A_226 = tpu.vector_load %arg17[%get3A_224, %get3A_225] {strides = array<i32>} : memref<64x128xf32, #tpu.memory_space<vmem>>, vector<1x16xf32>,
        %get3A_227 = vector.shape_cast %get3A_226 : vector<1x16xf32> to vector<16xf32>
        %mul3A_228 = arith.mulf %get3A_227, %div3A_223 : vector<16xf32>
        %swap3A_229 = arith.index_cast %scan3A_106 : i32 to index
        %swap3A_230 = arith.constant 48 : index
        %swap3A_231 = tpu.vector_load %arg17[%swap3A_229, %swap3A_230] {strides = array<i32>} : memref<64x128xf32, #tpu.memory_space<vmem>>, vector<1x16xf32>,
        %swap3A_232 = vector.shape_cast %swap3A_231 : vector<1x16xf32> to vector<16xf32>
        %swap3A_233 = vector.shape_cast %mul3A_228 : vector<16xf32> to vector<1x16xf32>
        tpu.vector_store %arg17[%swap3A_229, %swap3A_230], %swap3A_233 {strides = array<i32>} : memref<64x128xf32, #tpu.memory_space<vmem>>, vector<1x16xf32>,
        %get3A_234 = arith.index_cast %scan3A_106 : i32 to index
        %get3A_235 = arith.constant 64 : index
        %get3A_236 = tpu.vector_load %arg13[%get3A_234, %get3A_235] {strides = array<i32>} : memref<64x128xf32, #tpu.memory_space<vmem>>, vector<1x16xf32>,
        %get3A_237 = vector.shape_cast %get3A_236 : vector<1x16xf32> to vector<16xf32>
        %get3A_238 = arith.index_cast %scan3A_106 : i32 to index
        %get3A_239 = arith.constant 64 : index
        %get3A_240 = tpu.vector_load %arg14[%get3A_238, %get3A_239] {strides = array<i32>} : memref<64x128xf32, #tpu.memory_space<vmem>>, vector<1x16xf32>,
        %get3A_241 = vector.shape_cast %get3A_240 : vector<1x16xf32> to vector<16xf32>
        %add3A_242 = arith.addf %get3A_237, %get3A_241 : vector<16xf32>
        %mul3A_243 = arith.constant 2.000000e-01 : f32
        %mul3A_244 = vector.broadcast %mul3A_243 : f32 to vector<16xf32>
        %mul3A_245 = arith.mulf %mul3A_244, %add3A_242 : vector<16xf32>
        %max3A_246 = arith.maximumf %add3A_242, %mul3A_245 : vector<16xf32>
        %sub3A_247 = arith.subf %max3A_246, %get3A_30 : vector<16xf32>
        %exp3A_248 = math.exp %sub3A_247 : vector<16xf32>
        %get3A_249 = arith.index_cast %scan3A_106 : i32 to index
        %get3A_250 = arith.constant 64 : index
        %get3A_251 = tpu.vector_load %arg16[%get3A_249, %get3A_250] {strides = array<i32>} : memref<64x128xf32, #tpu.memory_space<vmem>>, vector<1x16xf32>,
        %get3A_252 = vector.shape_cast %get3A_251 : vector<1x16xf32> to vector<16xf32>
        %add3A_253 = arith.constant 1.000000e-16 : f32
        %add3A_254 = vector.broadcast %add3A_253 : f32 to vector<16xf32>
        %add3A_255 = arith.addf %get3A_252, %add3A_254 : vector<16xf32>
        %div3A_256 = arith.divf %exp3A_248, %add3A_255 : vector<16xf32>
        %get3A_257 = arith.index_cast %scan3A_106 : i32 to index
        %get3A_258 = arith.constant 64 : index
        %get3A_259 = tpu.vector_load %arg17[%get3A_257, %get3A_258] {strides = array<i32>} : memref<64x128xf32, #tpu.memory_space<vmem>>, vector<1x16xf32>,
        %get3A_260 = vector.shape_cast %get3A_259 : vector<1x16xf32> to vector<16xf32>
        %mul3A_261 = arith.mulf %get3A_260, %div3A_256 : vector<16xf32>
        %swap3A_262 = arith.index_cast %scan3A_106 : i32 to index
        %swap3A_263 = arith.constant 64 : index
        %swap3A_264 = tpu.vector_load %arg17[%swap3A_262, %swap3A_263] {strides = array<i32>} : memref<64x128xf32, #tpu.memory_space<vmem>>, vector<1x16xf32>,
        %swap3A_265 = vector.shape_cast %swap3A_264 : vector<1x16xf32> to vector<16xf32>
        %swap3A_266 = vector.shape_cast %mul3A_261 : vector<16xf32> to vector<1x16xf32>
        tpu.vector_store %arg17[%swap3A_262, %swap3A_263], %swap3A_266 {strides = array<i32>} : memref<64x128xf32, #tpu.memory_space<vmem>>, vector<1x16xf32>,
        %get3A_267 = arith.index_cast %scan3A_106 : i32 to index
        %get3A_268 = arith.constant 80 : index
        %get3A_269 = tpu.vector_load %arg13[%get3A_267, %get3A_268] {strides = array<i32>} : memref<64x128xf32, #tpu.memory_space<vmem>>, vector<1x16xf32>,
        %get3A_270 = vector.shape_cast %get3A_269 : vector<1x16xf32> to vector<16xf32>
        %get3A_271 = arith.index_cast %scan3A_106 : i32 to index
        %get3A_272 = arith.constant 80 : index
        %get3A_273 = tpu.vector_load %arg14[%get3A_271, %get3A_272] {strides = array<i32>} : memref<64x128xf32, #tpu.memory_space<vmem>>, vector<1x16xf32>,
        %get3A_274 = vector.shape_cast %get3A_273 : vector<1x16xf32> to vector<16xf32>
        %add3A_275 = arith.addf %get3A_270, %get3A_274 : vector<16xf32>
        %mul3A_276 = arith.constant 2.000000e-01 : f32
        %mul3A_277 = vector.broadcast %mul3A_276 : f32 to vector<16xf32>
        %mul3A_278 = arith.mulf %mul3A_277, %add3A_275 : vector<16xf32>
        %max3A_279 = arith.maximumf %add3A_275, %mul3A_278 : vector<16xf32>
        %sub3A_280 = arith.subf %max3A_279, %get3A_35 : vector<16xf32>
        %exp3A_281 = math.exp %sub3A_280 : vector<16xf32>
        %get3A_282 = arith.index_cast %scan3A_106 : i32 to index
        %get3A_283 = arith.constant 80 : index
        %get3A_284 = tpu.vector_load %arg16[%get3A_282, %get3A_283] {strides = array<i32>} : memref<64x128xf32, #tpu.memory_space<vmem>>, vector<1x16xf32>,
        %get3A_285 = vector.shape_cast %get3A_284 : vector<1x16xf32> to vector<16xf32>
        %add3A_286 = arith.constant 1.000000e-16 : f32
        %add3A_287 = vector.broadcast %add3A_286 : f32 to vector<16xf32>
        %add3A_288 = arith.addf %get3A_285, %add3A_287 : vector<16xf32>
        %div3A_289 = arith.divf %exp3A_281, %add3A_288 : vector<16xf32>
        %get3A_290 = arith.index_cast %scan3A_106 : i32 to index
        %get3A_291 = arith.constant 80 : index
        %get3A_292 = tpu.vector_load %arg17[%get3A_290, %get3A_291] {strides = array<i32>} : memref<64x128xf32, #tpu.memory_space<vmem>>, vector<1x16xf32>,
        %get3A_293 = vector.shape_cast %get3A_292 : vector<1x16xf32> to vector<16xf32>
        %mul3A_294 = arith.mulf %get3A_293, %div3A_289 : vector<16xf32>
        %swap3A_295 = arith.index_cast %scan3A_106 : i32 to index
        %swap3A_296 = arith.constant 80 : index
        %swap3A_297 = tpu.vector_load %arg17[%swap3A_295, %swap3A_296] {strides = array<i32>} : memref<64x128xf32, #tpu.memory_space<vmem>>, vector<1x16xf32>,
        %swap3A_298 = vector.shape_cast %swap3A_297 : vector<1x16xf32> to vector<16xf32>
        %swap3A_299 = vector.shape_cast %mul3A_294 : vector<16xf32> to vector<1x16xf32>
        tpu.vector_store %arg17[%swap3A_295, %swap3A_296], %swap3A_299 {strides = array<i32>} : memref<64x128xf32, #tpu.memory_space<vmem>>, vector<1x16xf32>,
        %get3A_300 = arith.index_cast %scan3A_106 : i32 to index
        %get3A_301 = arith.constant 96 : index
        %get3A_302 = tpu.vector_load %arg13[%get3A_300, %get3A_301] {strides = array<i32>} : memref<64x128xf32, #tpu.memory_space<vmem>>, vector<1x16xf32>,
        %get3A_303 = vector.shape_cast %get3A_302 : vector<1x16xf32> to vector<16xf32>
        %get3A_304 = arith.index_cast %scan3A_106 : i32 to index
        %get3A_305 = arith.constant 96 : index
        %get3A_306 = tpu.vector_load %arg14[%get3A_304, %get3A_305] {strides = array<i32>} : memref<64x128xf32, #tpu.memory_space<vmem>>, vector<1x16xf32>,
        %get3A_307 = vector.shape_cast %get3A_306 : vector<1x16xf32> to vector<16xf32>
        %add3A_308 = arith.addf %get3A_303, %get3A_307 : vector<16xf32>
        %mul3A_309 = arith.constant 2.000000e-01 : f32
        %mul3A_310 = vector.broadcast %mul3A_309 : f32 to vector<16xf32>
        %mul3A_311 = arith.mulf %mul3A_310, %add3A_308 : vector<16xf32>
        %max3A_312 = arith.maximumf %add3A_308, %mul3A_311 : vector<16xf32>
        %sub3A_313 = arith.subf %max3A_312, %get3A_40 : vector<16xf32>
        %exp3A_314 = math.exp %sub3A_313 : vector<16xf32>
        %get3A_315 = arith.index_cast %scan3A_106 : i32 to index
        %get3A_316 = arith.constant 96 : index
        %get3A_317 = tpu.vector_load %arg16[%get3A_315, %get3A_316] {strides = array<i32>} : memref<64x128xf32, #tpu.memory_space<vmem>>, vector<1x16xf32>,
        %get3A_318 = vector.shape_cast %get3A_317 : vector<1x16xf32> to vector<16xf32>
        %add3A_319 = arith.constant 1.000000e-16 : f32
        %add3A_320 = vector.broadcast %add3A_319 : f32 to vector<16xf32>
        %add3A_321 = arith.addf %get3A_318, %add3A_320 : vector<16xf32>
        %div3A_322 = arith.divf %exp3A_314, %add3A_321 : vector<16xf32>
        %get3A_323 = arith.index_cast %scan3A_106 : i32 to index
        %get3A_324 = arith.constant 96 : index
        %get3A_325 = tpu.vector_load %arg17[%get3A_323, %get3A_324] {strides = array<i32>} : memref<64x128xf32, #tpu.memory_space<vmem>>, vector<1x16xf32>,
        %get3A_326 = vector.shape_cast %get3A_325 : vector<1x16xf32> to vector<16xf32>
        %mul3A_327 = arith.mulf %get3A_326, %div3A_322 : vector<16xf32>
        %swap3A_328 = arith.index_cast %scan3A_106 : i32 to index
        %swap3A_329 = arith.constant 96 : index
        %swap3A_330 = tpu.vector_load %arg17[%swap3A_328, %swap3A_329] {strides = array<i32>} : memref<64x128xf32, #tpu.memory_space<vmem>>, vector<1x16xf32>,
        %swap3A_331 = vector.shape_cast %swap3A_330 : vector<1x16xf32> to vector<16xf32>
        %swap3A_332 = vector.shape_cast %mul3A_327 : vector<16xf32> to vector<1x16xf32>
        tpu.vector_store %arg17[%swap3A_328, %swap3A_329], %swap3A_332 {strides = array<i32>} : memref<64x128xf32, #tpu.memory_space<vmem>>, vector<1x16xf32>,
        %get3A_333 = arith.index_cast %scan3A_106 : i32 to index
        %get3A_334 = arith.constant 112 : index
        %get3A_335 = tpu.vector_load %arg13[%get3A_333, %get3A_334] {strides = array<i32>} : memref<64x128xf32, #tpu.memory_space<vmem>>, vector<1x16xf32>,
        %get3A_336 = vector.shape_cast %get3A_335 : vector<1x16xf32> to vector<16xf32>
        %get3A_337 = arith.index_cast %scan3A_106 : i32 to index
        %get3A_338 = arith.constant 112 : index
        %get3A_339 = tpu.vector_load %arg14[%get3A_337, %get3A_338] {strides = array<i32>} : memref<64x128xf32, #tpu.memory_space<vmem>>, vector<1x16xf32>,
        %get3A_340 = vector.shape_cast %get3A_339 : vector<1x16xf32> to vector<16xf32>
        %add3A_341 = arith.addf %get3A_336, %get3A_340 : vector<16xf32>
        %mul3A_342 = arith.constant 2.000000e-01 : f32
        %mul3A_343 = vector.broadcast %mul3A_342 : f32 to vector<16xf32>
        %mul3A_344 = arith.mulf %mul3A_343, %add3A_341 : vector<16xf32>
        %max3A_345 = arith.maximumf %add3A_341, %mul3A_344 : vector<16xf32>
        %sub3A_346 = arith.subf %max3A_345, %get3A_45 : vector<16xf32>
        %exp3A_347 = math.exp %sub3A_346 : vector<16xf32>
        %get3A_348 = arith.index_cast %scan3A_106 : i32 to index
        %get3A_349 = arith.constant 112 : index
        %get3A_350 = tpu.vector_load %arg16[%get3A_348, %get3A_349] {strides = array<i32>} : memref<64x128xf32, #tpu.memory_space<vmem>>, vector<1x16xf32>,
        %get3A_351 = vector.shape_cast %get3A_350 : vector<1x16xf32> to vector<16xf32>
        %add3A_352 = arith.constant 1.000000e-16 : f32
        %add3A_353 = vector.broadcast %add3A_352 : f32 to vector<16xf32>
        %add3A_354 = arith.addf %get3A_351, %add3A_353 : vector<16xf32>
        %div3A_355 = arith.divf %exp3A_347, %add3A_354 : vector<16xf32>
        %get3A_356 = arith.index_cast %scan3A_106 : i32 to index
        %get3A_357 = arith.constant 112 : index
        %get3A_358 = tpu.vector_load %arg17[%get3A_356, %get3A_357] {strides = array<i32>} : memref<64x128xf32, #tpu.memory_space<vmem>>, vector<1x16xf32>,
        %get3A_359 = vector.shape_cast %get3A_358 : vector<1x16xf32> to vector<16xf32>
        %mul3A_360 = arith.mulf %get3A_359, %div3A_355 : vector<16xf32>
        %swap3A_361 = arith.index_cast %scan3A_106 : i32 to index
        %swap3A_362 = arith.constant 112 : index
        %swap3A_363 = tpu.vector_load %arg17[%swap3A_361, %swap3A_362] {strides = array<i32>} : memref<64x128xf32, #tpu.memory_space<vmem>>, vector<1x16xf32>,
        %swap3A_364 = vector.shape_cast %swap3A_363 : vector<1x16xf32> to vector<16xf32>
        %swap3A_365 = vector.shape_cast %mul3A_360 : vector<16xf32> to vector<1x16xf32>
        tpu.vector_store %arg17[%swap3A_361, %swap3A_362], %swap3A_365 {strides = array<i32>} : memref<64x128xf32, #tpu.memory_space<vmem>>, vector<1x16xf32>,
      }
      %scan3A_105 = arith.constant 64 : i32
      "tpu.region"() ({
        %run_scoped3A = tpu.sem_alloc : memref<!tpu.dma_semaphore, #tpu.memory_space<semaphore_mem>>
        %dma_start3A_106 = arith.constant 0 : i32
        %dma_start3A_107 = arith.constant 0 : i32
        %dma_start3A_108 = tpu.memref_slice %arg20[%dma_start3A_106, %dma_start3A_107] : memref<128x128xf32, #tpu.memory_space<vmem_shared>> -> memref<128x128xf32, #tpu.memory_space<vmem_shared>>
        tpu.enqueue_indirect_dma source(%arg17 : memref<64x128xf32, #tpu.memory_space<vmem>>) target(%dma_start3A_108 : memref<128x128xf32, #tpu.memory_space<vmem_shared>>) offsets(%arg11 : memref<64xi32, #tpu.memory_space<vmem>>) semaphore(%run_scoped3A : memref<!tpu.dma_semaphore, #tpu.memory_space<semaphore_mem>>) {add = true}
        %dma_wait3A_109 = arith.constant 0 : i32
        %dma_wait3A_110 = arith.constant 0 : i32
        %dma_wait3A_111 = tpu.memref_slice %arg20[%dma_wait3A_109, %dma_wait3A_110] : memref<128x128xf32, #tpu.memory_space<vmem_shared>> -> memref<128x128xf32, #tpu.memory_space<vmem_shared>>
        tpu.wait_indirect_dma semaphore(%run_scoped3A : memref<!tpu.dma_semaphore, #tpu.memory_space<semaphore_mem>>) src(%arg17 : memref<64x128xf32, #tpu.memory_space<vmem>>) dst(%dma_wait3A_111 : memref<128x128xf32, #tpu.memory_space<vmem_shared>>)
        tpu.yield
      }) : () -> ()
    }
    %scan3A_59 = arith.constant 4 : i32
    %barrier3A_60 = arith.constant 0 : index
    tpu.barrier barrier_id(%barrier3A_60)
    %mul3A_61 = arith.constant 128 : i32
    %mul3A_62 = arith.muli %arg0, %mul3A_61 : i32
    %mul3A_63 = arith.constant 8 : i32
    %mul3A_64 = arith.muli %arg1, %mul3A_63 : i32
    %add3A_65 = arith.addi %mul3A_62, %mul3A_64 : i32
    "tpu.region"() ({
      %run_scoped3A = tpu.sem_alloc : memref<!tpu.dma_semaphore, #tpu.memory_space<semaphore_mem>>
      %dma_start3A_66 = arith.constant 0 : i32
      %dma_start3A_67 = tpu.memref_slice %arg9[%add3A_65, %dma_start3A_66] : memref<256x128xf32, #tpu.memory_space<hbm>> -> memref<8x128xf32, #tpu.memory_space<hbm>>
      %dma_start3A_68 = arith.constant 0 : i32
      %dma_start3A_69 = tpu.memref_slice %arg20[%mul3A_2, %dma_start3A_68] : memref<128x128xf32, #tpu.memory_space<vmem_shared>> -> memref<8x128xf32, #tpu.memory_space<vmem_shared>>
      tpu.enqueue_dma source(%dma_start3A_69 : memref<8x128xf32, #tpu.memory_space<vmem_shared>>) target(%dma_start3A_67 : memref<8x128xf32, #tpu.memory_space<hbm>>) target_semaphore(%run_scoped3A : memref<!tpu.dma_semaphore, #tpu.memory_space<semaphore_mem>>)
      %dma_wait3A_70 = arith.constant 0 : i32
      %dma_wait3A_71 = tpu.memref_slice %arg9[%add3A_65, %dma_wait3A_70] : memref<256x128xf32, #tpu.memory_space<hbm>> -> memref<8x128xf32, #tpu.memory_space<hbm>>
      %dma_wait3A_72 = arith.constant 0 : i32
      %dma_wait3A_73 = tpu.memref_slice %arg20[%mul3A_2, %dma_wait3A_72] : memref<128x128xf32, #tpu.memory_space<vmem_shared>> -> memref<8x128xf32, #tpu.memory_space<vmem_shared>>
      tpu.wait_dma2 semaphore(%run_scoped3A : memref<!tpu.dma_semaphore, #tpu.memory_space<semaphore_mem>>) src(%dma_wait3A_73 : memref<8x128xf32, #tpu.memory_space<vmem_shared>>) dst(%dma_wait3A_71 : memref<8x128xf32, #tpu.memory_space<hbm>>)
      tpu.yield
    }) : () -> ()
    return
  }
}

</mosaic_0001>

<sc_bundles>
// kernel: gather_offload_async_start.1
scs
__scs_entry_jumppad:
0x0: {  	(pc) =	sbr.rel $0x88, $3  }
0x1: {  	(tag) =	ssettag $0x0;
	lr =	simm.s32 $0x1  }
0x2: {  	[smem:$0x3F8F] =	sst lr;
	_ =	strace $0xD0000000  }
0x3: {  	_ = 	snop  }
0x4: {  	_ = 	snop  }
0x5: {  	_ = 	snop  }
0x6: {  	_ = 	snop  }
0x7: {  	_ = 	snop  }
__scs_overlays_trampoline_lowered:
0x8: {  	[smem:$0x3F9E] =	sst s0  }
0x9: {  	[smem:$0x3F9F] =	sst s1  }
0xa: {  	[smem:$0x3FA0] =	sst s2  }
0xb: {  	[smem:$0x3FA1] =	sst s3  }
0xc: {  	[smem:$0x3FA2] =	sst s4  }
0xd: {  	[smem:$0x3FA3] =	sst s5  }
0xe: {  	[smem:$0x3FA4] =	sst s6  }
0xf: {  	[smem:$0x3FA5] =	sst s7  }
0x10: {  	[smem:$0x3FA6] =	sst s8  }
0x11: {  	[smem:$0x3FA7] =	sst s9;
	s0 =	simm.s32 @!p0 $0x0  }
0x12: {  	s1 =	sld [smem:$0x3F8D];
	s0 =	simm.s32 @p0 $0x1  }
0x13: {  	[smem:$0x3FA8] =	sst s0;
	s0 =	simm.s32 @!p1 $0x0  }
0x14: {  	s2 =	sld [smem:$0x3F8C];
	s0 =	simm.s32 @p1 $0x1  }
0x15: {  	[smem:$0x3FA9] =	sst s0;
	s0 =	simm.s32 @!p2 $0x0  }
0x16: {  	s3 =	sld [smem:$0x3FDB];
	s0 =	simm.s32 @p2 $0x1  }
0x17: {  	s4 =	simm.s32 $0x1BF5;
	[smem:$0x3FAB] =	sst s0  }
0x18: {  	s0 =	sld [smem:$0x3F8E];
	_ =	swait.ge [sflag:s4], $0x0  }
0x19: {  	s7 =	sld [smem:$0x3F8F]  }
0x1a: {  	s8 =	sadd.s32 $0xFFFFE003, lr  }
0x1b: {  	s9 =	sadd.s32 $0xFFFFFEF7, lr;
	s5 =	simm.s32 $0xFFFFFFFF;
	p2 =	slt.u32 s8, $0xFFFFF086  }
0x1c: {  	p1 =	slt.u32 s9, $0xF7A;
	s5 =	simm.s32 @!p2 $0x0  }
0x1d: {  	s5 =	simm.s32 @p1 $0x1;
	p0 =	seq.s32 s7, s2  }
0x1e: {  	s7 =	smul.u32 @!p0 $0xF7A, s2;
	p2 =	seq.s32 @!p0 s5, $0x0  }
0x1f: {  	s9 =	smul.u32 $0xF7A, s1;
	s8 =	simm.s32 @!p0 $0x1BF5;
	p2 =	por !p2, p0  }
0x20: {  	[sflag:s8] =	ssyncset.s32 @!p0 $0xFFFFF086;
	s6 =	sadd.s32 @!p0 s3, s7;
	s7 =	simm.s32 @!p0 $0x108  }
0x21: {  	s3 =	sadd.s32 s3, s9;
	s6 =	sadd.s32 @!p0 $0x88, s6;
	s7 =	simm.s32 @p2 $0x1082  }
0x22: {  	[simem:s7], [sflag:s8] =	dma.local @!p0 [hbm:s6], $0xF7A  }
0x23: {  	s9 =	sor.u32 $0xD0000000, s2;
	s6 =	simm.s32 $0x108;
	_ =	swait.ge @!p0 [sflag:s8], $0x0  }
0x24: {  	s3 =	sadd.s32 $0x88, s3;
	s6 =	simm.s32 @!p1 $0x1082;
	[sflag:s4] =	ssyncset.s32 $0xFFFFF086  }
0x25: {  	[simem:s6], [sflag:s4] =	dma.local [hbm:s3], $0xF7A  }
0x26: {  	[smem:$0x3F8F] =	sst s1;
	(tag) =	ssettag s2;
	_ =	strace s9  }
0x27: {  	s1 =	sld [smem:$0x3F9F]  }
0x28: {  	s2 =	sld [smem:$0x3FA0]  }
0x29: {  	s4 =	sld [smem:$0x3FA2]  }
0x2a: {  	p0 =	seq.s32 s5, $0x0;
	s5 =	sld [smem:$0x3FA3]  }
0x2b: {  	s6 =	sld [smem:$0x3FA4]  }
0x2c: {  	s7 =	sld [smem:$0x3FA5]  }
0x2d: {  	s3 =	simm.s32 $0x108;
	s8 =	sld [smem:$0x3FA6]  }
0x2e: {  	s3 =	simm.s32 @!p0 $0x1082;
	s9 =	sld [smem:$0x3FA7]  }
0x2f: {  	lr =	sadd.s32 s0, s3;
	s0 =	sld [smem:$0x3F9E]  }
0x30: {  	s3 =	sld [smem:$0x3FA1]  }
0x31: {  	[smem:$0x3FAA] =	sst s10  }
0x32: {  	s10 =	sld [smem:$0x3FA8];
	_ =	sdelay $0x3  }
0x33: {  	p0 =	seq.s32 s10, $0x1;
	s10 =	sld [smem:$0x3FAA];
	_ =	sdelay $0x3  }
0x34: {  	[smem:$0x3FAA] =	sst s10  }
0x35: {  	s10 =	sld [smem:$0x3FA9];
	_ =	sdelay $0x3  }
0x36: {  	p1 =	seq.s32 s10, $0x1;
	s10 =	sld [smem:$0x3FAA];
	_ =	sdelay $0x3  }
0x37: {  	[smem:$0x3FAA] =	sst s10  }
0x38: {  	s10 =	sld [smem:$0x3FAB]  }
0x39: {  	_ = 	snop;
	(pc) =	sbr.ind lr, $3  }
0x3a: {  	_ = 	snop  }
0x3b: {  	_ = 	snop  }
0x3c: {  	p2 =	seq.s32 s10, $0x1;
	s10 =	sld [smem:$0x3FAA]  }
0x3d: {  	_ =	shalt  }
0x3e: {  	_ =	shalt  }
0x3f: {  	_ =	shalt  }
0x40: {  	_ =	shalt  }
0x41: {  	_ =	shalt  }
0x42: {  	_ =	shalt  }
0x43: {  	_ =	shalt  }
0x44: {  	_ =	shalt  }
0x45: {  	_ =	shalt  }
0x46: {  	_ =	shalt  }
0x47: {  	_ =	shalt  }
0x48: {  	_ =	shalt  }
0x49: {  	_ =	shalt  }
0x4a: {  	_ =	shalt  }
0x4b: {  	_ =	shalt  }
0x4c: {  	_ =	shalt  }
0x4d: {  	_ =	shalt  }
0x4e: {  	_ =	shalt  }
0x4f: {  	_ =	shalt  }
0x50: {  	_ =	shalt  }
0x51: {  	_ =	shalt  }
0x52: {  	_ =	shalt  }
0x53: {  	_ =	shalt  }
0x54: {  	_ =	shalt  }
0x55: {  	_ =	shalt  }
0x56: {  	_ =	shalt  }
0x57: {  	_ =	shalt  }
0x58: {  	_ =	shalt  }
0x59: {  	_ =	shalt  }
0x5a: {  	_ =	shalt  }
0x5b: {  	_ =	shalt  }
0x5c: {  	_ =	shalt  }
0x5d: {  	_ =	shalt  }
0x5e: {  	_ =	shalt  }
0x5f: {  	_ =	shalt  }
0x60: {  	_ =	shalt  }
0x61: {  	_ =	shalt  }
0x62: {  	_ =	shalt  }
0x63: {  	_ =	shalt  }
0x64: {  	_ =	shalt  }
0x65: {  	_ =	shalt  }
0x66: {  	_ =	shalt  }
0x67: {  	_ =	shalt  }
0x68: {  	_ =	shalt  }
0x69: {  	_ =	shalt  }
0x6a: {  	_ =	shalt  }
0x6b: {  	_ =	shalt  }
0x6c: {  	_ =	shalt  }
0x6d: {  	_ =	shalt  }
0x6e: {  	_ =	shalt  }
0x6f: {  	_ =	shalt  }
0x70: {  	_ =	shalt  }
0x71: {  	_ =	shalt  }
0x72: {  	_ =	shalt  }
0x73: {  	_ =	shalt  }
0x74: {  	_ =	shalt  }
0x75: {  	_ =	shalt  }
0x76: {  	_ =	shalt  }
0x77: {  	_ =	shalt  }
0x78: {  	_ =	shalt  }
0x79: {  	_ =	shalt  }
0x7a: {  	_ =	shalt  }
0x7b: {  	_ =	shalt  }
0x7c: {  	_ =	shalt  }
0x7d: {  	_ =	shalt  }
0x7e: {  	_ =	shalt  }
0x7f: {  	_ =	shalt  }
0x80: {  	_ =	shalt  }
0x81: {  	_ =	shalt  }
0x82: {  	_ =	shalt  }
0x83: {  	_ =	shalt  }
0x84: {  	_ =	shalt  }
0x85: {  	_ =	shalt  }
0x86: {  	_ =	shalt  }
0x87: {  	_ =	shalt  }
.Lfunc_end0:
.L_simem_size_0:
called_computation.4_lowered:
.L_overlay_start_0:
0x88: {  	s2 =	sld [smem:$0x3FD9]  }
0x89: {  	s3 =	sld [smem:$0x3FFE];
	_ =	sdelay $0x1  }
0x8a: {  	s1 =	srdreg.scid  }
0x8b: {  	s0 =	sand.u32 $0x1, s1  }
0x8c: {  	s15 =	sshll.u32 s0, $0xA;
	s2 =	sadd.s32 s3, s2  }
0x8d: {  	s2 =	sadd.s32 s2, s15  }
0x8e: {  	[smem:$0x3FB6] =	sst s2  }
0x8f: {  	_ = 	snop  }
0x90: {  	s2 =	sld [smem:$0x3FD0];
	_ =	sdelay $0x2  }
0x91: {  	s16 =	simm.s32 $0xD;
	s4 =	simm.s32 $0x10  }
0x92: {  	[smem:s4], [sflag:s16] =	dma.local [hbm:s2], $0x1  }
0x93: {  	_ =	swait.eq [sflag:s16], $0x1  }
0x94: {  	[sflag:s16] =	ssyncset.done $0x0  }
0x95: {  	[sflag:s16] =	ssyncadd.s32 $0xFFFFFFFF  }
0x96: {  	s17 =	sld [smem:$0x14];
	(tm) =	ssettm $0x1  }
0x97: {  	s18 =	sld [smem:$0x3FFB];
	_ =	sdelay $0x3  }
0x98: {  	_ =	strace s18  }
0x99: {  	s2 =	sld [smem:$0x3FFC];
	_ =	sdelay $0x3  }
0x9a: {  	_ =	strace s2  }
0x9b: {  	s2 =	sld [smem:$0x3FFD];
	_ =	sdelay $0x3  }
0x9c: {  	_ =	strace s2  }
0x9d: {  	_ =	strace $0x8FFFFFFF  }
0x9e: {  	s19 =	sld [smem:$0x3FDB];
	_ =	sdelay $0x1  }
0x9f: {  	s20 =	simm.s32 $_scs_section_size  }
0xa0: {  	s5 =	simm.s32 $_size__tile_overlayer_lowered;
	s6 =	simm.s32 $_tile_overlayer_lowered  }
0xa1: {  	s7 =	simm.s32 $0x1BFF;
	s21 =	sshll.u32 s6, $0x1;
	s4 =	sadd.s32 s20, s19  }
0xa2: {  	s22 =	simm.s32 $0x0;
	s5 =	sshll.u32 s5, $0x1;
	s6 =	sadd.s32 s21, s4  }
0xa3: {  	[timem:s22], [sflag:s7] =	dma.local [hbm:s6], s5  }
0xa4: {  	_ =	swait.ge [sflag:s7], s5  }
0xa5: {  	s5 =	ssub.s32 $0x0, s5;
	[sflag:s7] =	ssyncset.done $0x0  }
0xa6: {  	[sflag:s7] =	ssyncadd.s32 s5;
	_ =	sdelay $0x1  }
0xa7: {  	s23 =	simm.s32 $0x1B8B  }
0xa8: {  	_ =	swait.ge [sflag:s23], $0x1  }
0xa9: {  	[sflag:s23] =	ssyncset.done $0x0  }
0xaa: {  	[sflag:s23] =	ssyncadd.s32 $0xFFFFFFFF  }
0xab: {  	s5 =	sld [smem:$0x0]  }
0xac: {  	s6 =	sand.u32 $0xFFFFFFFE, s1  }
0xad: {  	p0 =	sne.s32 s1, s6  }
0xae: {  	s6 =	sshll.u32 @p0 s6, $0xE  }
0xaf: {  	s6 =	sadd.s32 @p0 $0x11B8D, s6;
	s7 =	sshll.u32 @p0 s5, $0x11  }
0xb0: {  	s6 =	sor.u32 @p0 s7, s6  }
0xb1: {  	[sflag:s6] =	ssyncadd.remote.s32 @p0 $0x1;
	_ =	sdelay $0x1  }
0xb2: {  	s6 =	simm.s32 @p0 $0x1B8D  }
0xb3: {  	_ =	swait.eq @p0 [sflag:s6], $0x1  }
0xb4: {  	[sflag:s6] =	ssyncadd.s32 @p0 $0xFFFFFFFF  }
0xb5: {  	s7 =	sshll.u32 @!p0 s1, $0xE  }
0xb6: {  	s7 =	sor.u32 @!p0 $0x4000, s7;
	s6 =	simm.s32 @!p0 $0x1B8D  }
0xb7: {  	s5 =	sshll.u32 @!p0 s5, $0x11;
	s7 =	sadd.s32 @!p0 $0x11B8D, s7;
	_ =	swait.eq @!p0 [sflag:s6], $0x1  }
0xb8: {  	s5 =	sor.u32 @!p0 s5, s7;
	[sflag:s6] =	ssyncadd.s32 @!p0 $0xFFFFFFFF  }
0xb9: {  	s25 =	simm.s32 $0x1B8E;
	s24 =	sld [smem:$0x3FFE];
	[sflag:s5] =	ssyncadd.remote.s32 @!p0 $0x1  }
0xba: {  	s26 =	simm.s32 $execute0_lowered;
	[smem:$0x3FD2] =	sst s25  }
0xbb: {  	s6 =	sshll.u32 s26, $0x1;
	_ =	strace $0x8000004C;
	[dreg:$0x1] =	wrdreg $0xFFFFFFFF  }
0xbc: {  	s28 =	simm.s32 $_size_execute0_lowered;
	s4 =	sadd.s32 s4, s6;
	[dreg:$0x0] =	wrdreg $0x0  }
0xbd: {  	s6 =	sshll.u32 s28, $0x1;
	[dreg:$0x2] =	wrdreg s4  }
0xbe: {  	[dreg:$0x3] =	wrdreg s6  }
0xbf: {  	[dreg:$0x4] =	wrdreg $0xC0  }
0xc0: {  	_ =	task [dreg:s22], $0x5FFFF  }
0xc1: {  	[dreg:$0x1] =	wrdreg $0xFFFFFFFF  }
0xc2: {  	[dreg:$0x0] =	wrdreg $0x60  }
0xc3: {  	[dreg:$0x2] =	wrdreg s24  }
0xc4: {  	[dreg:$0x3] =	wrdreg s17  }
0xc5: {  	[dreg:$0x4] =	wrdreg $0x9  }
0xc6: {  	_ =	task.clear_ibuf [dreg:s22], $0x5FFFF;
	_ =	strace $0x9000004C  }
0xc7: {  	s29 =	simm.s32 $0x9;
	_ =	strace $0x8000004E  }
0xc8: {  	_ =	swait.ge [sflag:s29], $0x1  }
0xc9: {  	[sflag:s29] =	ssyncadd.s32 $0xFFFFFFFF  }
0xca: {  	_ =	strace $0x9000004E  }
0xcb: {  	_ =	sfence  }
0xcc: {  	s30 =	sld [smem:$0x0];
	_ =	sdelay $0x2  }
0xcd: {  	s31 =	sshll.u32 s1, $0xD;
	s1 =	sshrl.u32 s1, $0x2  }
0xce: {  	s4 =	sand.u32 $0x4000, s31;
	s1 =	sadd.s32 s1, s30  }
0xcf: {  	s0 =	sor.u32 s4, s0;
	s1 =	sshll.u32 s1, $0x11  }
0xd0: {  	s0 =	sor.u32 s1, s0  }
0xd1: {  	s0 =	sadd.s32 $0x8F2B, s0  }
0xd2: {  	[sflag:s0] =	ssyncadd.remote.s32 $0x1  }
0xd3: {  	_ =	sfence.sel $0xFFFF  }
0xd4: {  	[dreg:$0x0] =	wrdreg $0xFFFFFFFF;
	(pc) =	sbr.abs _section_cstart, $3  }
0xd5: {  	[dreg:$0x1] =	wrdreg $0xFFFFFFFF  }
0xd6: {  	_ =	task.clear_ibuf [dreg:s22], $0x2FFFF;
	_ =	strace $0x9FFFFFFF  }
0xd7: {  	(tm) =	ssettm $0x7FFFFFFF  }
tec
execute0_lowered:
.L_overlay_start_1:
0x0: {  	(tag) =	ssettag $0x1  }
0x1: {  	s8 =	rddreg [dreg:$0x0];
	s0 =	stileid.u32  }
0x2: {  	s1 =	srdreg.scid;
	s2 =	rddreg [dreg:$0x1]  }
0x3: {  	s5 =	simm.s32 $0x1;
	s9 =	simm.s32 $0x1;
	s10 =	simm.s32 $0x3  }
0x4: {  	s13 =	simm.s32 $0x0;
	s3 =	sand.u32 $0x1, s1;
	s4 =	sshll.u32 s0, $0x1  }
0x5: {  	s12 =	simm.s32 $0x0;
	s1 =	rddreg [dreg:$0x2];
	s6 =	sor.u32 s4, s3  }
0x6: {  	_ =	strace $0x8000004D;
	s3 =	sadd.s32 $0x27A00, s8;
	s4 =	smul.u32 $0x70, s6  }
0x7: {  	[sflag:s5] =	ssyncpa.u1 $0x0;
	p0 =	slt.u32 s6, $0x5;
	s6 =	simm.s32 $0xE00  }
.Ltmp0:
0x8: {  	s6 =	simm.s32 @!p0 $0x0;
	s7 =	ssub.s32 $0xFC0, s4;
	(pc) =	sbr.rel .LBB2_1-.Ltmp0, $4  }
0x9: {  	s9 =	simm.s32 @!p0 $0x0;
	p0 =	sne.s32 s7, s6;
	s7 =	simm.s32 $0x1  }
0xa: {  	s8 =	sadd.s32 $0xA200, s8;
	s6 =	simm.s32 $0x2;
	s7 =	simm.s32 @!p0 $0x0  }
0xb: {  	s11 =	smov.u32 s4;
	[sflag:s6] =	ssyncpa.u1 $0x0;
	s7 =	sadd.s32 s9, s7  }
0xc: {  	vm0 =	vmmov $0xffff;
	[sflag:s10] =	ssyncpa.u1 $0x0;
	s10 =	simm.s32 $0x0;
	s9 =	sadd.s32 $0x1, s7  }
.LBB2_4:
0xd: {  	v2 =	vnsel vm1, $0x0, v2  }
0xe: {  	vm1 =	vgt.s32 v0, $0x0;
	v2 =	vmin.u32 v2, $0x4E1FF  }
0xf: {  	v0 =	vnsel vm1, $0x0, v0  }
0x10: {  	v0 =	vmin.u32 v0, $0x4E1FF  }
0x11: {  	[tilespmem:s18], [sflag:$0x1] =	stream.indirect_vreg.gather [hbm4b:s3+s10], $0x1, v1, vm0, $0x4038;
	[tilespmem:$0x1C0] =	vst v63  }
0x12: {  	(ifvalue) =	ssetifvalue $0x7FFFFFFF  }
0x13: {  	[tilespmem:s15], [sflag:$0x1] =	stream.indirect_vreg.gather [hbm4b:s3+s10], $0x1, v2, vm0, $0x4038;
	[tilespmem:$0x1C0] =	vst v63  }
0x14: {  	s29 =	sadd.s32 $0x10, s15;
	(ifvalue) =	ssetifvalue $0x7FFFFFFF  }
0x15: {  	[tilespmem:s29], [sflag:$0x1] =	stream.indirect_vreg.gather [hbm4b:s3+s10], $0x1, v0, vm0, $0x4038;
	[tilespmem:$0x1C0] =	vst v63  }
0x16: {  	_ =	swait.ge [sflag:s5], $0x70  }
0x17: {  	s30 =	sshrl.u32 s13, $0x3;
	[sflag:s5] =	ssyncset.done $0x0  }
0x18: {  	s31 =	sand.u32 $0x7, s13;
	s15 =	sadd.s32 s8, s30;
	[sflag:s5] =	ssyncadd.s32 $0xFFFFFF90  }
0x19: {  	[hbm4b:s15+s31] =	stream.linear.scatter [tilespmem:s14], [sflag:$0x3], $0x70, $0x38;
	[tilespmem:$0x1C0] =	vst v63  }
.LBB2_5:
0x1a: {  	s15 =	sadd.s32 $0xE00, s11  }
0x1b: {  	p1 =	sgt.s32 s15, $0xFBF  }
0x1c: {  	s15 =	smov.u32 @p1 s4;
	p1 =	sne.s32 s12, s9  }
.Ltmp1:
0x1d: {  	p0 =	slt.u32 s12, $0x2;
	(pc) =	sbr.rel @!p1 .LBB2_6-.Ltmp1, $4  }
0x1e: {  	s14 =	simm.s32 @!p0 $0x3  }
0x1f: {  	_ =	swait.ge @!p0 [sflag:s14], $0x70  }
0x20: {  	s16 =	sadd.s32 $0x1, s12;
	s13 =	smov.u32 s11;
	[sflag:s14] =	ssyncset.done @!p0 $0x0  }
0x21: {  	s12 =	smov.u32 s16;
	s11 =	smov.u32 s15;
	[sflag:s14] =	ssyncadd.s32 @!p0 $0xFFFFFF90  }
.LBB2_1:
0x22: {  	p0 =	sge.u32 s12, s7  }
0x23: {  	s14 =	sxor.u32 @!p0 $0x1, s12  }
0x24: {  	s14 =	smul.u32 @!p0 $0x1C0, s14  }
0x25: {  	s31 =	sadd.s32 $0xFFFFFFFF, s12;
	s15 =	sshrl.u32 @!p0 s11, $0x3  }
0x26: {  	s16 =	sand.u32 @!p0 $0x7, s11;
	s15 =	sadd.s32 @!p0 s2, s15;
	s14 =	sshra.s32 @!p0 s14, $0x2  }
0x27: {  	[tilespmem:s14], [sflag:$0x2] =	stream.linear.gather @!p0 [hbm4b:s15+s16], $0x70, $0x38;
	[tilespmem:$0x1C0] =	vst v63  }
0x28: {  	p0 =	sge.u32 s31, s7  }
.Ltmp2:
0x29: {  	_ = 	snop;
	(pc) =	sbr.rel @p0 .LBB2_5-.Ltmp2, $1  }
0x2a: {  	_ =	sdelay $0x3  }
0x2b: {  	s14 =	sand.u32 $0x1, s12  }
0x2c: {  	_ =	swait.ge [sflag:s6], $0x70;
	p0 =	seq.s32 s14, $0x1;
	s14 =	simm.s32 $0x70  }
0x2d: {  	[sflag:s6] =	ssyncset.done $0x0;
	s14 =	simm.s32 @!p0 $0x0  }
0x2e: {  	[sflag:s6] =	ssyncadd.s32 $0xFFFFFF90;
	(ifvalue) =	ssetifvalue $0x7FFFFFFF;
	v0 =	vld.msk [tilespmem:s14+$0x0 ss:$0x1], $0xffff;
	_ =	sdelay $0x4  }
0x2f: {  	s15 =	sadd.s32 $0x10, s14;
	vm1 =	vgt.s32 v0, $0x0  }
0x30: {  	v2 =	vld.msk [tilespmem:s15+$0x0 ss:$0x1], $0xffff;
	v1 =	vnsel vm1, $0x0, v0  }
0x31: {  	v1 =	vmin.u32 v1, $0x4E1FF;
	_ =	sdelay $0x2  }
0x32: {  	s17 =	simm.s32 $0x20;
	s14 =	sadd.s32 $0xE0, s14;
	s16 =	sadd.s32 $0x10, s15  }
0x33: {  	s15 =	sadd.s32 $0x10, s14;
	s18 =	smov.u32 s14;
	v0 =	vld.msk [tilespmem:s16+$0x0 ss:$0x1], $0xffff;
	vm1 =	vgt.s32 v2, $0x0;
	(ifvalue) =	ssetifvalue $0x7FFFFFFF  }
.LBB2_3:
0x34: {  	[tilespmem:s18], [sflag:$0x1] =	stream.indirect_vreg.gather [hbm4b:s3+s10], $0x1, v1, vm0, $0x4038;
	[tilespmem:$0x1C0] =	vst v63  }
0x35: {  	s17 =	sadd.s32 $0x10, s17  }
0x36: {  	v2 =	vnsel vm1, $0x0, v2;
	p0 =	slt.u32 s17, $0x60  }
.Ltmp3:
0x37: {  	s18 =	smov.u32 s15;
	v1 =	vmin.u32 v2, $0x4E1FF;
	(pc) =	sbr.rel @p0 .LBB2_3-.Ltmp3, $3  }
0x38: {  	_ =	sdelay $0x1  }
0x39: {  	s16 =	sadd.s32 $0x10, s16  }
0x3a: {  	vm1 =	vgt.s32 v0, $0x0;
	s15 =	sadd.s32 $0x10, s15;
	v2 =	vmov v0;
	(ifvalue) =	ssetifvalue $0x7FFFFFFF;
	v0 =	vld.msk [tilespmem:s16+$0x0 ss:$0x1], $0xffff  }
.Ltmp4:
0x3b: {  	_ = 	snop;
	(pc) =	sbr.rel .LBB2_4-.Ltmp4, $1  }
0x3c: {  	_ =	sdelay $0x3  }
.LBB2_6:
0x3d: {  	_ =	sfence.sel $0x180000  }
0x3e: {  	s2 =	simm.s32 $0x2;
	[bflag:$0x0] =	sbarrier.arrive $0xFFFF  }
0x3f: {  	s30 =	simm.s32 $0x3;
	[sflag:s2] =	ssyncpa.u1 $0x1  }
0x40: {  	s31 =	simm.s32 $0x1;
	[sflag:s30] =	ssyncpa.u1 $0x1  }
0x41: {  	[sflag:s31] =	ssyncpa.u1 $0x1  }
0x42: {  	p0 =	sne.s32 s0, $0x0;
	_ =	strace $0x9000004D  }
0x43: {  	s0 =	sadd.s32 @!p0 $0x100000, s1;
	[bflag:$0x2] =	sbarrier.arrive $0xFFFF  }
0x44: {  	[sflag:s0] =	ssyncadd.tile.s32 @!p0 $0x1;
	_ =	shalt  }
.Lfunc_end2:
_tile_overlayer_lowered:
.L_overlay_start_2:
0x45: {  	(tag) =	ssettag $0x2  }
0x46: {  	s0 =	rddreg [dreg:$0x0];
	s2 =	stileid.u32  }
0x47: {  	s1 =	rddreg [dreg:$0x1];
	p0 =	sne.s32 s2, $0x0  }
0x48: {  	s3 =	rddreg [dreg:$0x2];
	[bflag:$0x3] =	sbarrier.arrive $0xFFFF;
	s2 =	simm.s32 @!p0 $0x1C01  }
0x49: {  	[timem:s3], [sflag:s2] =	dma.local @!p0 [hbm:s0], s1  }
0x4a: {  	s0 =	simm.s32 @!p0 $0x1  }
0x4b: {  	_ =	swait.ge @!p0 [sflag:s0], s1  }
0x4c: {  	s1 =	ssub.s32 @!p0 $0x0, s1;
	[sflag:s0] =	ssyncset.done @!p0 $0x0  }
0x4d: {  	[sflag:s0] =	ssyncadd.s32 @!p0 s1  }
0x4e: {  	[bflag:$0x3] =	sbarrier.arrive $0xFFFF  }
0x4f: {  	_ =	shalt  }

// kernel: gather_offload_async_start.2
scs
__scs_entry_jumppad:
0x0: {  	(pc) =	sbr.rel $0x88, $3  }
0x1: {  	(tag) =	ssettag $0x0;
	lr =	simm.s32 $0x1  }
0x2: {  	[smem:$0x3F8F] =	sst lr;
	_ =	strace $0xD0000000  }
0x3: {  	_ = 	snop  }
0x4: {  	_ = 	snop  }
0x5: {  	_ = 	snop  }
0x6: {  	_ = 	snop  }
0x7: {  	_ = 	snop  }
__scs_overlays_trampoline_lowered:
0x8: {  	[smem:$0x3F9E] =	sst s0  }
0x9: {  	[smem:$0x3F9F] =	sst s1  }
0xa: {  	[smem:$0x3FA0] =	sst s2  }
0xb: {  	[smem:$0x3FA1] =	sst s3  }
0xc: {  	[smem:$0x3FA2] =	sst s4  }
0xd: {  	[smem:$0x3FA3] =	sst s5  }
0xe: {  	[smem:$0x3FA4] =	sst s6  }
0xf: {  	[smem:$0x3FA5] =	sst s7  }
0x10: {  	[smem:$0x3FA6] =	sst s8  }
0x11: {  	[smem:$0x3FA7] =	sst s9;
	s0 =	simm.s32 @!p0 $0x0  }
0x12: {  	s1 =	sld [smem:$0x3F8D];
	s0 =	simm.s32 @p0 $0x1  }
0x13: {  	[smem:$0x3FA8] =	sst s0;
	s0 =	simm.s32 @!p1 $0x0  }
0x14: {  	s2 =	sld [smem:$0x3F8C];
	s0 =	simm.s32 @p1 $0x1  }
0x15: {  	[smem:$0x3FA9] =	sst s0;
	s0 =	simm.s32 @!p2 $0x0  }
0x16: {  	s3 =	sld [smem:$0x3FDB];
	s0 =	simm.s32 @p2 $0x1  }
0x17: {  	s4 =	simm.s32 $0x1BF5;
	[smem:$0x3FAB] =	sst s0  }
0x18: {  	s0 =	sld [smem:$0x3F8E];
	_ =	swait.ge [sflag:s4], $0x0  }
0x19: {  	s7 =	sld [smem:$0x3F8F]  }
0x1a: {  	s8 =	sadd.s32 $0xFFFFE003, lr  }
0x1b: {  	s9 =	sadd.s32 $0xFFFFFEF7, lr;
	s5 =	simm.s32 $0xFFFFFFFF;
	p2 =	slt.u32 s8, $0xFFFFF086  }
0x1c: {  	p1 =	slt.u32 s9, $0xF7A;
	s5 =	simm.s32 @!p2 $0x0  }
0x1d: {  	s5 =	simm.s32 @p1 $0x1;
	p0 =	seq.s32 s7, s2  }
0x1e: {  	s7 =	smul.u32 @!p0 $0xF7A, s2;
	p2 =	seq.s32 @!p0 s5, $0x0  }
0x1f: {  	s9 =	smul.u32 $0xF7A, s1;
	s8 =	simm.s32 @!p0 $0x1BF5;
	p2 =	por !p2, p0  }
0x20: {  	[sflag:s8] =	ssyncset.s32 @!p0 $0xFFFFF086;
	s6 =	sadd.s32 @!p0 s3, s7;
	s7 =	simm.s32 @!p0 $0x108  }
0x21: {  	s3 =	sadd.s32 s3, s9;
	s6 =	sadd.s32 @!p0 $0x88, s6;
	s7 =	simm.s32 @p2 $0x1082  }
0x22: {  	[simem:s7], [sflag:s8] =	dma.local @!p0 [hbm:s6], $0xF7A  }
0x23: {  	s9 =	sor.u32 $0xD0000000, s2;
	s6 =	simm.s32 $0x108;
	_ =	swait.ge @!p0 [sflag:s8], $0x0  }
0x24: {  	s3 =	sadd.s32 $0x88, s3;
	s6 =	simm.s32 @!p1 $0x1082;
	[sflag:s4] =	ssyncset.s32 $0xFFFFF086  }
0x25: {  	[simem:s6], [sflag:s4] =	dma.local [hbm:s3], $0xF7A  }
0x26: {  	[smem:$0x3F8F] =	sst s1;
	(tag) =	ssettag s2;
	_ =	strace s9  }
0x27: {  	s1 =	sld [smem:$0x3F9F]  }
0x28: {  	s2 =	sld [smem:$0x3FA0]  }
0x29: {  	s4 =	sld [smem:$0x3FA2]  }
0x2a: {  	p0 =	seq.s32 s5, $0x0;
	s5 =	sld [smem:$0x3FA3]  }
0x2b: {  	s6 =	sld [smem:$0x3FA4]  }
0x2c: {  	s7 =	sld [smem:$0x3FA5]  }
0x2d: {  	s3 =	simm.s32 $0x108;
	s8 =	sld [smem:$0x3FA6]  }
0x2e: {  	s3 =	simm.s32 @!p0 $0x1082;
	s9 =	sld [smem:$0x3FA7]  }
0x2f: {  	lr =	sadd.s32 s0, s3;
	s0 =	sld [smem:$0x3F9E]  }
0x30: {  	s3 =	sld [smem:$0x3FA1]  }
0x31: {  	[smem:$0x3FAA] =	sst s10  }
0x32: {  	s10 =	sld [smem:$0x3FA8];
	_ =	sdelay $0x3  }
0x33: {  	p0 =	seq.s32 s10, $0x1;
	s10 =	sld [smem:$0x3FAA];
	_ =	sdelay $0x3  }
0x34: {  	[smem:$0x3FAA] =	sst s10  }
0x35: {  	s10 =	sld [smem:$0x3FA9];
	_ =	sdelay $0x3  }
0x36: {  	p1 =	seq.s32 s10, $0x1;
	s10 =	sld [smem:$0x3FAA];
	_ =	sdelay $0x3  }
0x37: {  	[smem:$0x3FAA] =	sst s10  }
0x38: {  	s10 =	sld [smem:$0x3FAB]  }
0x39: {  	_ = 	snop;
	(pc) =	sbr.ind lr, $3  }
0x3a: {  	_ = 	snop  }
0x3b: {  	_ = 	snop  }
0x3c: {  	p2 =	seq.s32 s10, $0x1;
	s10 =	sld [smem:$0x3FAA]  }
0x3d: {  	_ =	shalt  }
0x3e: {  	_ =	shalt  }
0x3f: {  	_ =	shalt  }
0x40: {  	_ =	shalt  }
0x41: {  	_ =	shalt  }
0x42: {  	_ =	shalt  }
0x43: {  	_ =	shalt  }
0x44: {  	_ =	shalt  }
0x45: {  	_ =	shalt  }
0x46: {  	_ =	shalt  }
0x47: {  	_ =	shalt  }
0x48: {  	_ =	shalt  }
0x49: {  	_ =	shalt  }
0x4a: {  	_ =	shalt  }
0x4b: {  	_ =	shalt  }
0x4c: {  	_ =	shalt  }
0x4d: {  	_ =	shalt  }
0x4e: {  	_ =	shalt  }
0x4f: {  	_ =	shalt  }
0x50: {  	_ =	shalt  }
0x51: {  	_ =	shalt  }
0x52: {  	_ =	shalt  }
0x53: {  	_ =	shalt  }
0x54: {  	_ =	shalt  }
0x55: {  	_ =	shalt  }
0x56: {  	_ =	shalt  }
0x57: {  	_ =	shalt  }
0x58: {  	_ =	shalt  }
0x59: {  	_ =	shalt  }
0x5a: {  	_ =	shalt  }
0x5b: {  	_ =	shalt  }
0x5c: {  	_ =	shalt  }
0x5d: {  	_ =	shalt  }
0x5e: {  	_ =	shalt  }
0x5f: {  	_ =	shalt  }
0x60: {  	_ =	shalt  }
0x61: {  	_ =	shalt  }
0x62: {  	_ =	shalt  }
0x63: {  	_ =	shalt  }
0x64: {  	_ =	shalt  }
0x65: {  	_ =	shalt  }
0x66: {  	_ =	shalt  }
0x67: {  	_ =	shalt  }
0x68: {  	_ =	shalt  }
0x69: {  	_ =	shalt  }
0x6a: {  	_ =	shalt  }
0x6b: {  	_ =	shalt  }
0x6c: {  	_ =	shalt  }
0x6d: {  	_ =	shalt  }
0x6e: {  	_ =	shalt  }
0x6f: {  	_ =	shalt  }
0x70: {  	_ =	shalt  }
0x71: {  	_ =	shalt  }
0x72: {  	_ =	shalt  }
0x73: {  	_ =	shalt  }
0x74: {  	_ =	shalt  }
0x75: {  	_ =	shalt  }
0x76: {  	_ =	shalt  }
0x77: {  	_ =	shalt  }
0x78: {  	_ =	shalt  }
0x79: {  	_ =	shalt  }
0x7a: {  	_ =	shalt  }
0x7b: {  	_ =	shalt  }
0x7c: {  	_ =	shalt  }
0x7d: {  	_ =	shalt  }
0x7e: {  	_ =	shalt  }
0x7f: {  	_ =	shalt  }
0x80: {  	_ =	shalt  }
0x81: {  	_ =	shalt  }
0x82: {  	_ =	shalt  }
0x83: {  	_ =	shalt  }
0x84: {  	_ =	shalt  }
0x85: {  	_ =	shalt  }
0x86: {  	_ =	shalt  }
0x87: {  	_ =	shalt  }
.Lfunc_end0:
.L_simem_size_0:
called_computation.5_lowered:
.L_overlay_start_0:
0x88: {  	s2 =	sld [smem:$0x3FD9]  }
0x89: {  	s3 =	sld [smem:$0x3FFE];
	_ =	sdelay $0x1  }
0x8a: {  	s1 =	srdreg.scid  }
0x8b: {  	s0 =	sand.u32 $0x1, s1  }
0x8c: {  	s14 =	sshll.u32 s0, $0xA;
	s2 =	sadd.s32 s3, s2  }
0x8d: {  	s2 =	sadd.s32 s2, s14  }
0x8e: {  	[smem:$0x3FB6] =	sst s2  }
0x8f: {  	_ = 	snop  }
0x90: {  	s2 =	sld [smem:$0x3FD0];
	_ =	sdelay $0x2  }
0x91: {  	s15 =	simm.s32 $0xD;
	s4 =	simm.s32 $0x10  }
0x92: {  	[smem:s4], [sflag:s15] =	dma.local [hbm:s2], $0x1  }
0x93: {  	_ =	swait.eq [sflag:s15], $0x1  }
0x94: {  	[sflag:s15] =	ssyncset.done $0x0  }
0x95: {  	[sflag:s15] =	ssyncadd.s32 $0xFFFFFFFF  }
0x96: {  	s16 =	sld [smem:$0x14];
	(tm) =	ssettm $0x1  }
0x97: {  	s17 =	sld [smem:$0x3FFB];
	_ =	sdelay $0x3  }
0x98: {  	_ =	strace s17  }
0x99: {  	s3 =	sld [smem:$0x3FFC];
	_ =	sdelay $0x3  }
0x9a: {  	_ =	strace s3  }
0x9b: {  	s3 =	sld [smem:$0x3FFD];
	_ =	sdelay $0x3  }
0x9c: {  	_ =	strace s3  }
0x9d: {  	_ =	strace $0x8FFFFFFF  }
0x9e: {  	s18 =	sld [smem:$0x3FDB];
	_ =	sdelay $0x1  }
0x9f: {  	s19 =	simm.s32 $_scs_section_size  }
0xa0: {  	s5 =	simm.s32 $_size__tile_overlayer_lowered;
	s6 =	simm.s32 $_tile_overlayer_lowered  }
0xa1: {  	s22 =	simm.s32 $0x1BFF;
	s21 =	sshll.u32 s6, $0x1;
	s3 =	sadd.s32 s19, s18  }
0xa2: {  	s7 =	simm.s32 $0x0;
	s20 =	sshll.u32 s5, $0x1;
	s5 =	sadd.s32 s21, s3  }
0xa3: {  	[timem:s7], [sflag:s22] =	dma.local [hbm:s5], s20  }
0xa4: {  	_ =	swait.ge [sflag:s22], s20  }
0xa5: {  	s4 =	ssub.s32 $0x0, s20;
	[sflag:s22] =	ssyncset.done $0x0  }
0xa6: {  	[sflag:s22] =	ssyncadd.s32 s4;
	_ =	sdelay $0x1  }
0xa7: {  	s23 =	simm.s32 $0x1B8B  }
0xa8: {  	_ =	swait.ge [sflag:s23], $0x1  }
0xa9: {  	[sflag:s23] =	ssyncset.done $0x0  }
0xaa: {  	s25 =	simm.s32 $0x1B8E;
	s24 =	sld [smem:$0x3FFE];
	[sflag:s23] =	ssyncadd.s32 $0xFFFFFFFF  }
0xab: {  	s26 =	simm.s32 $execute0_lowered;
	[smem:$0x3FD2] =	sst s25  }
0xac: {  	s5 =	sshll.u32 s26, $0x1;
	_ =	strace $0x80000049;
	[dreg:$0x1] =	wrdreg $0xFFFFFFFF  }
0xad: {  	s28 =	simm.s32 $_size_execute0_lowered;
	s3 =	sadd.s32 s3, s5;
	[dreg:$0x0] =	wrdreg $0x0  }
0xae: {  	s5 =	sshll.u32 s28, $0x1;
	[dreg:$0x2] =	wrdreg s3  }
0xaf: {  	[dreg:$0x3] =	wrdreg s5  }
0xb0: {  	[dreg:$0x4] =	wrdreg $0xC0  }
0xb1: {  	_ =	task [dreg:s7], $0x5FFFF  }
0xb2: {  	[dreg:$0x1] =	wrdreg $0xFFFFFFFF  }
0xb3: {  	[dreg:$0x0] =	wrdreg $0x60  }
0xb4: {  	[dreg:$0x2] =	wrdreg s24  }
0xb5: {  	[dreg:$0x3] =	wrdreg s16  }
0xb6: {  	[dreg:$0x4] =	wrdreg $0xA  }
0xb7: {  	_ =	task.clear_ibuf [dreg:s7], $0x5FFFF;
	_ =	strace $0x90000049  }
0xb8: {  	s29 =	simm.s32 $0xA;
	_ =	strace $0x8000004B  }
0xb9: {  	_ =	swait.ge [sflag:s29], $0x1  }
0xba: {  	[sflag:s29] =	ssyncadd.s32 $0xFFFFFFFF  }
0xbb: {  	_ =	strace $0x9000004B  }
0xbc: {  	_ =	sfence  }
0xbd: {  	s30 =	sld [smem:$0x0];
	_ =	sdelay $0x2  }
0xbe: {  	s31 =	sshll.u32 s1, $0xD;
	s1 =	sshrl.u32 s1, $0x2  }
0xbf: {  	s3 =	sand.u32 $0x4000, s31;
	s1 =	sadd.s32 s1, s30  }
0xc0: {  	s0 =	sor.u32 s3, s0;
	s1 =	sshll.u32 s1, $0x11  }
0xc1: {  	s0 =	sor.u32 s1, s0  }
0xc2: {  	s0 =	sadd.s32 $0x8F2B, s0  }
0xc3: {  	[sflag:s0] =	ssyncadd.remote.s32 $0x1  }
0xc4: {  	_ =	sfence.sel $0xFFFF  }
0xc5: {  	[dreg:$0x0] =	wrdreg $0xFFFFFFFF;
	(pc) =	sbr.abs _section_cstart, $3  }
0xc6: {  	[dreg:$0x1] =	wrdreg $0xFFFFFFFF  }
0xc7: {  	_ =	task.clear_ibuf [dreg:s7], $0x2FFFF;
	_ =	strace $0x9FFFFFFF  }
0xc8: {  	(tm) =	ssettm $0x7FFFFFFF  }
0xc9: {  	_ =	shalt  }
tec
execute0_lowered:
.L_overlay_start_1:
0x0: {  	(tag) =	ssettag $0x1  }
0x1: {  	s8 =	rddreg [dreg:$0x0];
	s0 =	stileid.u32  }
0x2: {  	s1 =	srdreg.scid;
	s2 =	rddreg [dreg:$0x1]  }
0x3: {  	s5 =	simm.s32 $0x1;
	s9 =	simm.s32 $0x1;
	s10 =	simm.s32 $0x3  }
0x4: {  	s13 =	simm.s32 $0x0;
	s3 =	sand.u32 $0x1, s1;
	s4 =	sshll.u32 s0, $0x1  }
0x5: {  	s12 =	simm.s32 $0x0;
	s1 =	rddreg [dreg:$0x2];
	s6 =	sor.u32 s4, s3  }
0x6: {  	_ =	strace $0x8000004A;
	s3 =	sadd.s32 $0x1DC00, s8;
	s4 =	smul.u32 $0x70, s6  }
0x7: {  	[sflag:s5] =	ssyncpa.u1 $0x0;
	p0 =	slt.u32 s6, $0x5;
	s6 =	simm.s32 $0xE00  }
.Ltmp0:
0x8: {  	s6 =	simm.s32 @!p0 $0x0;
	s7 =	ssub.s32 $0xFC0, s4;
	(pc) =	sbr.rel .LBB2_1-.Ltmp0, $4  }
0x9: {  	s9 =	simm.s32 @!p0 $0x0;
	p0 =	sne.s32 s7, s6;
	s7 =	simm.s32 $0x1  }
0xa: {  	s8 =	sadd.s32 $0xA000, s8;
	s6 =	simm.s32 $0x2;
	s7 =	simm.s32 @!p0 $0x0  }
0xb: {  	s11 =	smov.u32 s4;
	[sflag:s6] =	ssyncpa.u1 $0x0;
	s7 =	sadd.s32 s9, s7  }
0xc: {  	vm0 =	vmmov $0xffff;
	[sflag:s10] =	ssyncpa.u1 $0x0;
	s10 =	simm.s32 $0x0;
	s9 =	sadd.s32 $0x1, s7  }
.LBB2_4:
0xd: {  	v2 =	vnsel vm1, $0x0, v2  }
0xe: {  	vm1 =	vgt.s32 v0, $0x0;
	v2 =	vmin.u32 v2, $0x4E1FF  }
0xf: {  	v0 =	vnsel vm1, $0x0, v0  }
0x10: {  	v0 =	vmin.u32 v0, $0x4E1FF  }
0x11: {  	[tilespmem:s18], [sflag:$0x1] =	stream.indirect_vreg.gather [hbm4b:s3+s10], $0x1, v1, vm0, $0x4038;
	[tilespmem:$0x1C0] =	vst v63  }
0x12: {  	(ifvalue) =	ssetifvalue $0x7FFFFFFF  }
0x13: {  	[tilespmem:s15], [sflag:$0x1] =	stream.indirect_vreg.gather [hbm4b:s3+s10], $0x1, v2, vm0, $0x4038;
	[tilespmem:$0x1C0] =	vst v63  }
0x14: {  	s29 =	sadd.s32 $0x10, s15;
	(ifvalue) =	ssetifvalue $0x7FFFFFFF  }
0x15: {  	[tilespmem:s29], [sflag:$0x1] =	stream.indirect_vreg.gather [hbm4b:s3+s10], $0x1, v0, vm0, $0x4038;
	[tilespmem:$0x1C0] =	vst v63  }
0x16: {  	_ =	swait.ge [sflag:s5], $0x70  }
0x17: {  	s30 =	sshrl.u32 s13, $0x3;
	[sflag:s5] =	ssyncset.done $0x0  }
0x18: {  	s31 =	sand.u32 $0x7, s13;
	s15 =	sadd.s32 s8, s30;
	[sflag:s5] =	ssyncadd.s32 $0xFFFFFF90  }
0x19: {  	[hbm4b:s15+s31] =	stream.linear.scatter [tilespmem:s14], [sflag:$0x3], $0x70, $0x38;
	[tilespmem:$0x1C0] =	vst v63  }
.LBB2_5:
0x1a: {  	s15 =	sadd.s32 $0xE00, s11  }
0x1b: {  	p1 =	sgt.s32 s15, $0xFBF  }
0x1c: {  	s15 =	smov.u32 @p1 s4;
	p1 =	sne.s32 s12, s9  }
.Ltmp1:
0x1d: {  	p0 =	slt.u32 s12, $0x2;
	(pc) =	sbr.rel @!p1 .LBB2_6-.Ltmp1, $4  }
0x1e: {  	s14 =	simm.s32 @!p0 $0x3  }
0x1f: {  	_ =	swait.ge @!p0 [sflag:s14], $0x70  }
0x20: {  	s16 =	sadd.s32 $0x1, s12;
	s13 =	smov.u32 s11;
	[sflag:s14] =	ssyncset.done @!p0 $0x0  }
0x21: {  	s12 =	smov.u32 s16;
	s11 =	smov.u32 s15;
	[sflag:s14] =	ssyncadd.s32 @!p0 $0xFFFFFF90  }
.LBB2_1:
0x22: {  	p0 =	sge.u32 s12, s7  }
0x23: {  	s14 =	sxor.u32 @!p0 $0x1, s12  }
0x24: {  	s14 =	smul.u32 @!p0 $0x1C0, s14  }
0x25: {  	s31 =	sadd.s32 $0xFFFFFFFF, s12;
	s15 =	sshrl.u32 @!p0 s11, $0x3  }
0x26: {  	s16 =	sand.u32 @!p0 $0x7, s11;
	s15 =	sadd.s32 @!p0 s2, s15;
	s14 =	sshra.s32 @!p0 s14, $0x2  }
0x27: {  	[tilespmem:s14], [sflag:$0x2] =	stream.linear.gather @!p0 [hbm4b:s15+s16], $0x70, $0x38;
	[tilespmem:$0x1C0] =	vst v63  }
0x28: {  	p0 =	sge.u32 s31, s7  }
.Ltmp2:
0x29: {  	_ = 	snop;
	(pc) =	sbr.rel @p0 .LBB2_5-.Ltmp2, $1  }
0x2a: {  	_ =	sdelay $0x3  }
0x2b: {  	s14 =	sand.u32 $0x1, s12  }
0x2c: {  	_ =	swait.ge [sflag:s6], $0x70;
	p0 =	seq.s32 s14, $0x1;
	s14 =	simm.s32 $0x70  }
0x2d: {  	[sflag:s6] =	ssyncset.done $0x0;
	s14 =	simm.s32 @!p0 $0x0  }
0x2e: {  	[sflag:s6] =	ssyncadd.s32 $0xFFFFFF90;
	(ifvalue) =	ssetifvalue $0x7FFFFFFF;
	v0 =	vld.msk [tilespmem:s14+$0x0 ss:$0x1], $0xffff;
	_ =	sdelay $0x4  }
0x2f: {  	s15 =	sadd.s32 $0x10, s14;
	vm1 =	vgt.s32 v0, $0x0  }
0x30: {  	v2 =	vld.msk [tilespmem:s15+$0x0 ss:$0x1], $0xffff;
	v1 =	vnsel vm1, $0x0, v0  }
0x31: {  	v1 =	vmin.u32 v1, $0x4E1FF;
	_ =	sdelay $0x2  }
0x32: {  	s17 =	simm.s32 $0x20;
	s14 =	sadd.s32 $0xE0, s14;
	s16 =	sadd.s32 $0x10, s15  }
0x33: {  	s15 =	sadd.s32 $0x10, s14;
	s18 =	smov.u32 s14;
	v0 =	vld.msk [tilespmem:s16+$0x0 ss:$0x1], $0xffff;
	vm1 =	vgt.s32 v2, $0x0;
	(ifvalue) =	ssetifvalue $0x7FFFFFFF  }
.LBB2_3:
0x34: {  	[tilespmem:s18], [sflag:$0x1] =	stream.indirect_vreg.gather [hbm4b:s3+s10], $0x1, v1, vm0, $0x4038;
	[tilespmem:$0x1C0] =	vst v63  }
0x35: {  	s17 =	sadd.s32 $0x10, s17  }
0x36: {  	v2 =	vnsel vm1, $0x0, v2;
	p0 =	slt.u32 s17, $0x60  }
.Ltmp3:
0x37: {  	s18 =	smov.u32 s15;
	v1 =	vmin.u32 v2, $0x4E1FF;
	(pc) =	sbr.rel @p0 .LBB2_3-.Ltmp3, $3  }
0x38: {  	_ =	sdelay $0x1  }
0x39: {  	s16 =	sadd.s32 $0x10, s16  }
0x3a: {  	vm1 =	vgt.s32 v0, $0x0;
	s15 =	sadd.s32 $0x10, s15;
	v2 =	vmov v0;
	(ifvalue) =	ssetifvalue $0x7FFFFFFF;
	v0 =	vld.msk [tilespmem:s16+$0x0 ss:$0x1], $0xffff  }
.Ltmp4:
0x3b: {  	_ = 	snop;
	(pc) =	sbr.rel .LBB2_4-.Ltmp4, $1  }
0x3c: {  	_ =	sdelay $0x3  }
.LBB2_6:
0x3d: {  	_ =	sfence.sel $0x180000  }
0x3e: {  	s2 =	simm.s32 $0x2;
	[bflag:$0x0] =	sbarrier.arrive $0xFFFF  }
0x3f: {  	s30 =	simm.s32 $0x3;
	[sflag:s2] =	ssyncpa.u1 $0x1  }
0x40: {  	s31 =	simm.s32 $0x1;
	[sflag:s30] =	ssyncpa.u1 $0x1  }
0x41: {  	[sflag:s31] =	ssyncpa.u1 $0x1  }
0x42: {  	p0 =	sne.s32 s0, $0x0;
	_ =	strace $0x9000004A  }
0x43: {  	s0 =	sadd.s32 @!p0 $0x100000, s1;
	[bflag:$0x2] =	sbarrier.arrive $0xFFFF  }
0x44: {  	[sflag:s0] =	ssyncadd.tile.s32 @!p0 $0x1;
	_ =	shalt  }
.Lfunc_end2:
_tile_overlayer_lowered:
.L_overlay_start_2:
0x45: {  	(tag) =	ssettag $0x2  }
0x46: {  	s0 =	rddreg [dreg:$0x0];
	s2 =	stileid.u32  }
0x47: {  	s1 =	rddreg [dreg:$0x1];
	p0 =	sne.s32 s2, $0x0  }
0x48: {  	s3 =	rddreg [dreg:$0x2];
	[bflag:$0x3] =	sbarrier.arrive $0xFFFF;
	s2 =	simm.s32 @!p0 $0x1C01  }
0x49: {  	[timem:s3], [sflag:s2] =	dma.local @!p0 [hbm:s0], s1  }
0x4a: {  	s0 =	simm.s32 @!p0 $0x1  }
0x4b: {  	_ =	swait.ge @!p0 [sflag:s0], s1  }
0x4c: {  	s1 =	ssub.s32 @!p0 $0x0, s1;
	[sflag:s0] =	ssyncset.done @!p0 $0x0  }
0x4d: {  	[sflag:s0] =	ssyncadd.s32 @!p0 s1  }
0x4e: {  	[bflag:$0x3] =	sbarrier.arrive $0xFFFF  }
0x4f: {  	_ =	shalt  }

// kernel: gather_offload_async_start.3
scs
__scs_entry_jumppad:
0x0: {  	(pc) =	sbr.rel $0x88, $3  }
0x1: {  	(tag) =	ssettag $0x0;
	lr =	simm.s32 $0x1  }
0x2: {  	[smem:$0x3F8F] =	sst lr;
	_ =	strace $0xD0000000  }
0x3: {  	_ = 	snop  }
0x4: {  	_ = 	snop  }
0x5: {  	_ = 	snop  }
0x6: {  	_ = 	snop  }
0x7: {  	_ = 	snop  }
__scs_overlays_trampoline_lowered:
0x8: {  	[smem:$0x3F9E] =	sst s0  }
0x9: {  	[smem:$0x3F9F] =	sst s1  }
0xa: {  	[smem:$0x3FA0] =	sst s2  }
0xb: {  	[smem:$0x3FA1] =	sst s3  }
0xc: {  	[smem:$0x3FA2] =	sst s4  }
0xd: {  	[smem:$0x3FA3] =	sst s5  }
0xe: {  	[smem:$0x3FA4] =	sst s6  }
0xf: {  	[smem:$0x3FA5] =	sst s7  }
0x10: {  	[smem:$0x3FA6] =	sst s8  }
0x11: {  	[smem:$0x3FA7] =	sst s9;
	s0 =	simm.s32 @!p0 $0x0  }
0x12: {  	s1 =	sld [smem:$0x3F8D];
	s0 =	simm.s32 @p0 $0x1  }
0x13: {  	[smem:$0x3FA8] =	sst s0;
	s0 =	simm.s32 @!p1 $0x0  }
0x14: {  	s2 =	sld [smem:$0x3F8C];
	s0 =	simm.s32 @p1 $0x1  }
0x15: {  	[smem:$0x3FA9] =	sst s0;
	s0 =	simm.s32 @!p2 $0x0  }
0x16: {  	s3 =	sld [smem:$0x3FDB];
	s0 =	simm.s32 @p2 $0x1  }
0x17: {  	s4 =	simm.s32 $0x1BF5;
	[smem:$0x3FAB] =	sst s0  }
0x18: {  	s0 =	sld [smem:$0x3F8E];
	_ =	swait.ge [sflag:s4], $0x0  }
0x19: {  	s7 =	sld [smem:$0x3F8F]  }
0x1a: {  	s8 =	sadd.s32 $0xFFFFE003, lr  }
0x1b: {  	s9 =	sadd.s32 $0xFFFFFEF7, lr;
	s5 =	simm.s32 $0xFFFFFFFF;
	p2 =	slt.u32 s8, $0xFFFFF086  }
0x1c: {  	p1 =	slt.u32 s9, $0xF7A;
	s5 =	simm.s32 @!p2 $0x0  }
0x1d: {  	s5 =	simm.s32 @p1 $0x1;
	p0 =	seq.s32 s7, s2  }
0x1e: {  	s7 =	smul.u32 @!p0 $0xF7A, s2;
	p2 =	seq.s32 @!p0 s5, $0x0  }
0x1f: {  	s9 =	smul.u32 $0xF7A, s1;
	s8 =	simm.s32 @!p0 $0x1BF5;
	p2 =	por !p2, p0  }
0x20: {  	[sflag:s8] =	ssyncset.s32 @!p0 $0xFFFFF086;
	s6 =	sadd.s32 @!p0 s3, s7;
	s7 =	simm.s32 @!p0 $0x108  }
0x21: {  	s3 =	sadd.s32 s3, s9;
	s6 =	sadd.s32 @!p0 $0x88, s6;
	s7 =	simm.s32 @p2 $0x1082  }
0x22: {  	[simem:s7], [sflag:s8] =	dma.local @!p0 [hbm:s6], $0xF7A  }
0x23: {  	s9 =	sor.u32 $0xD0000000, s2;
	s6 =	simm.s32 $0x108;
	_ =	swait.ge @!p0 [sflag:s8], $0x0  }
0x24: {  	s3 =	sadd.s32 $0x88, s3;
	s6 =	simm.s32 @!p1 $0x1082;
	[sflag:s4] =	ssyncset.s32 $0xFFFFF086  }
0x25: {  	[simem:s6], [sflag:s4] =	dma.local [hbm:s3], $0xF7A  }
0x26: {  	[smem:$0x3F8F] =	sst s1;
	(tag) =	ssettag s2;
	_ =	strace s9  }
0x27: {  	s1 =	sld [smem:$0x3F9F]  }
0x28: {  	s2 =	sld [smem:$0x3FA0]  }
0x29: {  	s4 =	sld [smem:$0x3FA2]  }
0x2a: {  	p0 =	seq.s32 s5, $0x0;
	s5 =	sld [smem:$0x3FA3]  }
0x2b: {  	s6 =	sld [smem:$0x3FA4]  }
0x2c: {  	s7 =	sld [smem:$0x3FA5]  }
0x2d: {  	s3 =	simm.s32 $0x108;
	s8 =	sld [smem:$0x3FA6]  }
0x2e: {  	s3 =	simm.s32 @!p0 $0x1082;
	s9 =	sld [smem:$0x3FA7]  }
0x2f: {  	lr =	sadd.s32 s0, s3;
	s0 =	sld [smem:$0x3F9E]  }
0x30: {  	s3 =	sld [smem:$0x3FA1]  }
0x31: {  	[smem:$0x3FAA] =	sst s10  }
0x32: {  	s10 =	sld [smem:$0x3FA8];
	_ =	sdelay $0x3  }
0x33: {  	p0 =	seq.s32 s10, $0x1;
	s10 =	sld [smem:$0x3FAA];
	_ =	sdelay $0x3  }
0x34: {  	[smem:$0x3FAA] =	sst s10  }
0x35: {  	s10 =	sld [smem:$0x3FA9];
	_ =	sdelay $0x3  }
0x36: {  	p1 =	seq.s32 s10, $0x1;
	s10 =	sld [smem:$0x3FAA];
	_ =	sdelay $0x3  }
0x37: {  	[smem:$0x3FAA] =	sst s10  }
0x38: {  	s10 =	sld [smem:$0x3FAB]  }
0x39: {  	_ = 	snop;
	(pc) =	sbr.ind lr, $3  }
0x3a: {  	_ = 	snop  }
0x3b: {  	_ = 	snop  }
0x3c: {  	p2 =	seq.s32 s10, $0x1;
	s10 =	sld [smem:$0x3FAA]  }
0x3d: {  	_ =	shalt  }
0x3e: {  	_ =	shalt  }
0x3f: {  	_ =	shalt  }
0x40: {  	_ =	shalt  }
0x41: {  	_ =	shalt  }
0x42: {  	_ =	shalt  }
0x43: {  	_ =	shalt  }
0x44: {  	_ =	shalt  }
0x45: {  	_ =	shalt  }
0x46: {  	_ =	shalt  }
0x47: {  	_ =	shalt  }
0x48: {  	_ =	shalt  }
0x49: {  	_ =	shalt  }
0x4a: {  	_ =	shalt  }
0x4b: {  	_ =	shalt  }
0x4c: {  	_ =	shalt  }
0x4d: {  	_ =	shalt  }
0x4e: {  	_ =	shalt  }
0x4f: {  	_ =	shalt  }
0x50: {  	_ =	shalt  }
0x51: {  	_ =	shalt  }
0x52: {  	_ =	shalt  }
0x53: {  	_ =	shalt  }
0x54: {  	_ =	shalt  }
0x55: {  	_ =	shalt  }
0x56: {  	_ =	shalt  }
0x57: {  	_ =	shalt  }
0x58: {  	_ =	shalt  }
0x59: {  	_ =	shalt  }
0x5a: {  	_ =	shalt  }
0x5b: {  	_ =	shalt  }
0x5c: {  	_ =	shalt  }
0x5d: {  	_ =	shalt  }
0x5e: {  	_ =	shalt  }
0x5f: {  	_ =	shalt  }
0x60: {  	_ =	shalt  }
0x61: {  	_ =	shalt  }
0x62: {  	_ =	shalt  }
0x63: {  	_ =	shalt  }
0x64: {  	_ =	shalt  }
0x65: {  	_ =	shalt  }
0x66: {  	_ =	shalt  }
0x67: {  	_ =	shalt  }
0x68: {  	_ =	shalt  }
0x69: {  	_ =	shalt  }
0x6a: {  	_ =	shalt  }
0x6b: {  	_ =	shalt  }
0x6c: {  	_ =	shalt  }
0x6d: {  	_ =	shalt  }
0x6e: {  	_ =	shalt  }
0x6f: {  	_ =	shalt  }
0x70: {  	_ =	shalt  }
0x71: {  	_ =	shalt  }
0x72: {  	_ =	shalt  }
0x73: {  	_ =	shalt  }
0x74: {  	_ =	shalt  }
0x75: {  	_ =	shalt  }
0x76: {  	_ =	shalt  }
0x77: {  	_ =	shalt  }
0x78: {  	_ =	shalt  }
0x79: {  	_ =	shalt  }
0x7a: {  	_ =	shalt  }
0x7b: {  	_ =	shalt  }
0x7c: {  	_ =	shalt  }
0x7d: {  	_ =	shalt  }
0x7e: {  	_ =	shalt  }
0x7f: {  	_ =	shalt  }
0x80: {  	_ =	shalt  }
0x81: {  	_ =	shalt  }
0x82: {  	_ =	shalt  }
0x83: {  	_ =	shalt  }
0x84: {  	_ =	shalt  }
0x85: {  	_ =	shalt  }
0x86: {  	_ =	shalt  }
0x87: {  	_ =	shalt  }
.Lfunc_end0:
.L_simem_size_0:
called_computation.6_lowered:
.L_overlay_start_0:
0x88: {  	s2 =	sld [smem:$0x3FD9]  }
0x89: {  	s3 =	sld [smem:$0x3FFE];
	_ =	sdelay $0x1  }
0x8a: {  	s1 =	srdreg.scid  }
0x8b: {  	s0 =	sand.u32 $0x1, s1  }
0x8c: {  	s17 =	sshll.u32 s0, $0xA;
	s2 =	sadd.s32 s3, s2  }
0x8d: {  	s2 =	sadd.s32 s2, s17  }
0x8e: {  	[smem:$0x3FB6] =	sst s2  }
0x8f: {  	_ = 	snop  }
0x90: {  	(tm) =	ssettm $0x1  }
0x91: {  	s18 =	sld [smem:$0x3FFB];
	_ =	sdelay $0x3  }
0x92: {  	_ =	strace s18  }
0x93: {  	s2 =	sld [smem:$0x3FFC];
	_ =	sdelay $0x3  }
0x94: {  	_ =	strace s2  }
0x95: {  	s2 =	sld [smem:$0x3FFD];
	_ =	sdelay $0x3  }
0x96: {  	_ =	strace s2  }
0x97: {  	_ =	strace $0x8FFFFFFF  }
0x98: {  	s19 =	sld [smem:$0x3FDB];
	_ =	sdelay $0x1  }
0x99: {  	s20 =	simm.s32 $_scs_section_size  }
0x9a: {  	s4 =	simm.s32 $_size__tile_overlayer_lowered;
	s5 =	simm.s32 $_tile_overlayer_lowered  }
0x9b: {  	s6 =	simm.s32 $0x1BFF;
	s21 =	sshll.u32 s5, $0x1;
	s3 =	sadd.s32 s20, s19  }
0x9c: {  	s22 =	simm.s32 $0x0;
	s4 =	sshll.u32 s4, $0x1;
	s5 =	sadd.s32 s21, s3  }
0x9d: {  	[timem:s22], [sflag:s6] =	dma.local [hbm:s5], s4  }
0x9e: {  	_ =	swait.ge [sflag:s6], s4  }
0x9f: {  	s4 =	ssub.s32 $0x0, s4;
	[sflag:s6] =	ssyncset.done $0x0  }
0xa0: {  	[sflag:s6] =	ssyncadd.s32 s4;
	_ =	sdelay $0x1  }
0xa1: {  	s23 =	simm.s32 $0x1B8B  }
0xa2: {  	_ =	swait.ge [sflag:s23], $0x1  }
0xa3: {  	[sflag:s23] =	ssyncset.done $0x0  }
0xa4: {  	[sflag:s23] =	ssyncadd.s32 $0xFFFFFFFF  }
0xa5: {  	s4 =	sld [smem:$0x0]  }
0xa6: {  	s5 =	sand.u32 $0xFFFFFFFE, s1  }
0xa7: {  	p0 =	sne.s32 s1, s5  }
0xa8: {  	s5 =	sshll.u32 @p0 s5, $0xE  }
0xa9: {  	s5 =	sadd.s32 @p0 $0x11B8D, s5;
	s6 =	sshll.u32 @p0 s4, $0x11  }
0xaa: {  	s5 =	sor.u32 @p0 s6, s5  }
0xab: {  	[sflag:s5] =	ssyncadd.remote.s32 @p0 $0x1;
	_ =	sdelay $0x1  }
0xac: {  	s5 =	simm.s32 @p0 $0x1B8D  }
0xad: {  	_ =	swait.eq @p0 [sflag:s5], $0x1  }
0xae: {  	[sflag:s5] =	ssyncadd.s32 @p0 $0xFFFFFFFF  }
0xaf: {  	s6 =	sshll.u32 @!p0 s1, $0xE  }
0xb0: {  	s6 =	sor.u32 @!p0 $0x4000, s6;
	s5 =	simm.s32 @!p0 $0x1B8D  }
0xb1: {  	s4 =	sshll.u32 @!p0 s4, $0x11;
	s6 =	sadd.s32 @!p0 $0x11B8D, s6;
	_ =	swait.eq @!p0 [sflag:s5], $0x1  }
0xb2: {  	s4 =	sor.u32 @!p0 s4, s6;
	[sflag:s5] =	ssyncadd.s32 @!p0 $0xFFFFFFFF  }
0xb3: {  	s25 =	simm.s32 $0x1B8E;
	s24 =	sld [smem:$0x3FFE];
	[sflag:s4] =	ssyncadd.remote.s32 @!p0 $0x1  }
0xb4: {  	s26 =	simm.s32 $execute0_lowered;
	[smem:$0x3FD2] =	sst s25  }
0xb5: {  	s5 =	sshll.u32 s26, $0x1;
	_ =	strace $0x8000005B;
	[dreg:$0x1] =	wrdreg $0xFFFFFFFF  }
0xb6: {  	s28 =	simm.s32 $_size_execute0_lowered;
	s3 =	sadd.s32 s3, s5;
	[dreg:$0x0] =	wrdreg $0x0  }
0xb7: {  	s5 =	sshll.u32 s28, $0x1;
	[dreg:$0x2] =	wrdreg s3  }
0xb8: {  	[dreg:$0x3] =	wrdreg s5  }
0xb9: {  	[dreg:$0x4] =	wrdreg $0xC0  }
0xba: {  	_ =	task [dreg:s22], $0x5FFFF  }
0xbb: {  	[dreg:$0x1] =	wrdreg $0xFFFFFFFF  }
0xbc: {  	[dreg:$0x0] =	wrdreg $0x60  }
0xbd: {  	[dreg:$0x2] =	wrdreg s24  }
0xbe: {  	[dreg:$0x3] =	wrdreg $0xA  }
0xbf: {  	_ =	task.clear_ibuf [dreg:s22], $0x4FFFF;
	_ =	strace $0x9000005B  }
0xc0: {  	s29 =	simm.s32 $0xA;
	_ =	strace $0x8000005D  }
0xc1: {  	_ =	swait.ge [sflag:s29], $0x1  }
0xc2: {  	[sflag:s29] =	ssyncadd.s32 $0xFFFFFFFF  }
0xc3: {  	_ =	strace $0x9000005D  }
0xc4: {  	_ =	sfence  }
0xc5: {  	s30 =	sld [smem:$0x0];
	_ =	sdelay $0x2  }
0xc6: {  	s31 =	sshll.u32 s1, $0xD;
	s1 =	sshrl.u32 s1, $0x2  }
0xc7: {  	s4 =	sand.u32 $0x4000, s31;
	s1 =	sadd.s32 s1, s30  }
0xc8: {  	s0 =	sor.u32 s4, s0;
	s1 =	sshll.u32 s1, $0x11  }
0xc9: {  	s0 =	sor.u32 s1, s0  }
0xca: {  	s0 =	sadd.s32 $0x8F2B, s0  }
0xcb: {  	[sflag:s0] =	ssyncadd.remote.s32 $0x1  }
0xcc: {  	_ =	sfence.sel $0xFFFF  }
0xcd: {  	[dreg:$0x0] =	wrdreg $0xFFFFFFFF;
	(pc) =	sbr.abs _section_cstart, $3  }
0xce: {  	[dreg:$0x1] =	wrdreg $0xFFFFFFFF  }
0xcf: {  	_ =	task.clear_ibuf [dreg:s22], $0x2FFFF;
	_ =	strace $0x9FFFFFFF  }
0xd0: {  	(tm) =	ssettm $0x7FFFFFFF  }
0xd1: {  	_ =	shalt  }
tec
execute0_lowered:
.L_overlay_start_1:
0x0: {  	(tag) =	ssettag $0x1  }
0x1: {  	s1 =	srdreg.scid  }
0x2: {  	s0 =	stileid.u32;
	s2 =	rddreg [dreg:$0x0];
	s6 =	simm.s32 $0x1  }
0x3: {  	s9 =	simm.s32 $0x1;
	s10 =	simm.s32 $0x3;
	s1 =	sshll.u32 s1, $0xB  }
0x4: {  	s13 =	simm.s32 $0x0;
	s3 =	sshll.u32 s0, $0xC;
	s4 =	sand.u32 $0x800, s1  }
0x5: {  	s12 =	simm.s32 $0x0;
	s5 =	sadd.s32 $0x6200, s2;
	s3 =	sor.u32 s3, s4  }
0x6: {  	s1 =	rddreg [dreg:$0x1];
	_ =	strace $0x8000005C;
	s8 =	ssub.s32 $0x17000, s3  }
.Ltmp0:
0x7: {  	s4 =	sadd.s32 $0x27A00, s2;
	s7 =	sand.u32 $0xF800, s8;
	(pc) =	sbr.rel .LBB2_1-.Ltmp0, $4  }
0x8: {  	[sflag:s6] =	ssyncpa.u1 $0x0;
	s11 =	smov.u32 s3;
	p0 =	sne.s32 s7, $0x0  }
0x9: {  	s8 =	sshrl.u32 s8, $0x10;
	s7 =	simm.s32 $0x2;
	s9 =	simm.s32 @!p0 $0x0  }
0xa: {  	[sflag:s7] =	ssyncpa.u1 $0x0;
	p0 =	por $0x0, $0x0;
	s8 =	sadd.s32 s9, s8  }
0xb: {  	vm0 =	vmmov $0xffff;
	[sflag:s10] =	ssyncpa.u1 $0x0;
	s10 =	simm.s32 $0x0;
	s9 =	sadd.s32 $0x1, s8  }
.LBB2_4:
0xc: {  	v2 =	vnsel vm1, $0x0, v2  }
0xd: {  	vm1 =	vgt.s32 v0, $0x0;
	v2 =	vmin.u32 v2, $0x4E1FF  }
0xe: {  	v0 =	vnsel vm1, $0x0, v0  }
0xf: {  	v0 =	vmin.u32 v0, $0x4E1FF  }
0x10: {  	[tilespmem:s15], [sflag:$0x1] =	stream.indirect_vreg.gather [hbm4b:s4+s10], $0x1, v1, vm0, $0x4038;
	[tilespmem:$0x2000] =	vst v63  }
0x11: {  	(ifvalue) =	ssetifvalue $0x7FFFFFFF  }
0x12: {  	[tilespmem:s16], [sflag:$0x1] =	stream.indirect_vreg.gather [hbm4b:s4+s10], $0x1, v2, vm0, $0x4038;
	[tilespmem:$0x2000] =	vst v63  }
0x13: {  	s29 =	sadd.s32 $0x10, s16;
	(ifvalue) =	ssetifvalue $0x7FFFFFFF  }
0x14: {  	[tilespmem:s29], [sflag:$0x1] =	stream.indirect_vreg.gather [hbm4b:s4+s10], $0x1, v0, vm0, $0x4038;
	[tilespmem:$0x2000] =	vst v63  }
0x15: {  	_ =	swait.ge [sflag:s6], $0x800  }
0x16: {  	s30 =	sshrl.u32 s13, $0x3;
	[sflag:s6] =	ssyncset.done $0x0  }
0x17: {  	s31 =	sand.u32 $0x7, s13;
	s15 =	sadd.s32 s5, s30;
	[sflag:s6] =	ssyncadd.s32 $0xFFFFF800  }
0x18: {  	[hbm4b:s15+s31] =	stream.linear.scatter [tilespmem:s14], [sflag:$0x3], $0x800, $0x38;
	[tilespmem:$0x2000] =	vst v63  }
.LBB2_5:
0x19: {  	s15 =	sadd.s32 $0x10000, s11  }
0x1a: {  	p2 =	sgt.s32 s15, $0x16FFF  }
0x1b: {  	s15 =	smov.u32 @p2 s3;
	p2 =	sne.s32 s12, s9  }
.Ltmp1:
0x1c: {  	p1 =	slt.u32 s12, $0x2;
	(pc) =	sbr.rel @!p2 .LBB2_6-.Ltmp1, $4  }
0x1d: {  	s14 =	simm.s32 @!p1 $0x3  }
0x1e: {  	s16 =	sadd.s32 $0x1, s12;
	_ =	swait.ge @!p1 [sflag:s14], $0x800  }
0x1f: {  	s13 =	smov.u32 s11;
	p0 =	por !p0, !p0;
	[sflag:s14] =	ssyncset.done @!p1 $0x0  }
0x20: {  	s12 =	smov.u32 s16;
	s11 =	smov.u32 s15;
	[sflag:s14] =	ssyncadd.s32 @!p1 $0xFFFFF800  }
.LBB2_1:
0x21: {  	p1 =	sge.u32 s12, s8  }
0x22: {  	s14 =	sxor.u32 @!p1 $0xFFFFFFFF, s12  }
0x23: {  	s31 =	sadd.s32 $0xFFFFFFFF, s12;
	s15 =	sshrl.u32 @!p1 s11, $0x3;
	s14 =	sshll.u32 @!p1 s14, $0xB  }
0x24: {  	s16 =	sand.u32 @!p1 $0x7, s11;
	s15 =	sadd.s32 @!p1 s2, s15;
	s14 =	sand.u32 @!p1 $0x800, s14  }
0x25: {  	[tilespmem:s14], [sflag:$0x2] =	stream.linear.gather @!p1 [hbm4b:s15+s16], $0x800, $0x38;
	[tilespmem:$0x2000] =	vst v63  }
0x26: {  	p1 =	sge.u32 s31, s8  }
.Ltmp2:
0x27: {  	_ = 	snop;
	(pc) =	sbr.rel @p1 .LBB2_5-.Ltmp2, $1  }
0x28: {  	_ =	sdelay $0x3  }
0x29: {  	s14 =	simm.s32 $0x1  }
0x2a: {  	_ =	swait.ge [sflag:s7], $0x800;
	s14 =	simm.s32 @!p0 $0x0  }
0x2b: {  	[sflag:s7] =	ssyncset.done $0x0;
	s14 =	sshll.u32 s14, $0xB  }
0x2c: {  	[sflag:s7] =	ssyncadd.s32 $0xFFFFF800;
	(ifvalue) =	ssetifvalue $0x7FFFFFFF;
	v0 =	vld.msk [tilespmem:s14+$0x0 ss:$0x1], $0xffff;
	_ =	sdelay $0x4  }
0x2d: {  	s15 =	sadd.s32 $0x10, s14;
	vm1 =	vgt.s32 v0, $0x0  }
0x2e: {  	v2 =	vld.msk [tilespmem:s15+$0x0 ss:$0x1], $0xffff;
	v1 =	vnsel vm1, $0x0, v0  }
0x2f: {  	v1 =	vmin.u32 v1, $0x4E1FF;
	_ =	sdelay $0x1  }
0x30: {  	s16 =	sshll.u32 s12, $0xB;
	s18 =	simm.s32 $0x20  }
0x31: {  	s16 =	sand.u32 $0x800, s16;
	s17 =	sadd.s32 $0x10, s15;
	s15 =	sor.u32 $0x1000, s14  }
0x32: {  	s14 =	sor.u32 $0x1000, s16;
	s16 =	sadd.s32 $0x10, s15;
	v0 =	vld.msk [tilespmem:s17+$0x0 ss:$0x1], $0xffff;
	vm1 =	vgt.s32 v2, $0x0;
	(ifvalue) =	ssetifvalue $0x7FFFFFFF  }
.LBB2_3:
0x33: {  	[tilespmem:s15], [sflag:$0x1] =	stream.indirect_vreg.gather [hbm4b:s4+s10], $0x1, v1, vm0, $0x4038;
	[tilespmem:$0x2000] =	vst v63  }
0x34: {  	s18 =	sadd.s32 $0x10, s18  }
0x35: {  	v2 =	vnsel vm1, $0x0, v2;
	p1 =	slt.u32 s18, $0x7F0  }
.Ltmp3:
0x36: {  	s15 =	smov.u32 s16;
	v1 =	vmin.u32 v2, $0x4E1FF;
	(pc) =	sbr.rel @p1 .LBB2_3-.Ltmp3, $3  }
0x37: {  	_ =	sdelay $0x1  }
0x38: {  	s17 =	sadd.s32 $0x10, s17  }
0x39: {  	vm1 =	vgt.s32 v0, $0x0;
	s16 =	sadd.s32 $0x10, s16;
	v2 =	vmov v0;
	(ifvalue) =	ssetifvalue $0x7FFFFFFF;
	v0 =	vld.msk [tilespmem:s17+$0x0 ss:$0x1], $0xffff  }
.Ltmp4:
0x3a: {  	_ = 	snop;
	(pc) =	sbr.rel .LBB2_4-.Ltmp4, $1  }
0x3b: {  	_ =	sdelay $0x3  }
.LBB2_6:
0x3c: {  	_ =	sfence.sel $0x180000  }
0x3d: {  	s2 =	simm.s32 $0x2;
	[bflag:$0x0] =	sbarrier.arrive $0xFFFF  }
0x3e: {  	s30 =	simm.s32 $0x3;
	[sflag:s2] =	ssyncpa.u1 $0x1  }
0x3f: {  	s31 =	simm.s32 $0x1;
	[sflag:s30] =	ssyncpa.u1 $0x1  }
0x40: {  	[sflag:s31] =	ssyncpa.u1 $0x1  }
0x41: {  	p0 =	sne.s32 s0, $0x0;
	_ =	strace $0x9000005C  }
0x42: {  	s0 =	sadd.s32 @!p0 $0x100000, s1;
	[bflag:$0x2] =	sbarrier.arrive $0xFFFF  }
0x43: {  	[sflag:s0] =	ssyncadd.tile.s32 @!p0 $0x1;
	_ =	shalt  }
.Lfunc_end2:
_tile_overlayer_lowered:
.L_overlay_start_2:
0x44: {  	(tag) =	ssettag $0x2  }
0x45: {  	s0 =	rddreg [dreg:$0x0];
	s2 =	stileid.u32  }
0x46: {  	s1 =	rddreg [dreg:$0x1];
	p0 =	sne.s32 s2, $0x0  }
0x47: {  	s3 =	rddreg [dreg:$0x2];
	[bflag:$0x3] =	sbarrier.arrive $0xFFFF;
	s2 =	simm.s32 @!p0 $0x1C01  }
0x48: {  	[timem:s3], [sflag:s2] =	dma.local @!p0 [hbm:s0], s1  }
0x49: {  	s0 =	simm.s32 @!p0 $0x1  }
0x4a: {  	_ =	swait.ge @!p0 [sflag:s0], s1  }
0x4b: {  	s1 =	ssub.s32 @!p0 $0x0, s1;
	[sflag:s0] =	ssyncset.done @!p0 $0x0  }
0x4c: {  	[sflag:s0] =	ssyncadd.s32 @!p0 s1  }
0x4d: {  	[bflag:$0x3] =	sbarrier.arrive $0xFFFF  }
0x4e: {  	_ =	shalt  }

// kernel: gather_offload_async_start.4
scs
__scs_entry_jumppad:
0x0: {  	(pc) =	sbr.rel $0x88, $3  }
0x1: {  	(tag) =	ssettag $0x0;
	lr =	simm.s32 $0x1  }
0x2: {  	[smem:$0x3F8F] =	sst lr;
	_ =	strace $0xD0000000  }
0x3: {  	_ = 	snop  }
0x4: {  	_ = 	snop  }
0x5: {  	_ = 	snop  }
0x6: {  	_ = 	snop  }
0x7: {  	_ = 	snop  }
__scs_overlays_trampoline_lowered:
0x8: {  	[smem:$0x3F9E] =	sst s0  }
0x9: {  	[smem:$0x3F9F] =	sst s1  }
0xa: {  	[smem:$0x3FA0] =	sst s2  }
0xb: {  	[smem:$0x3FA1] =	sst s3  }
0xc: {  	[smem:$0x3FA2] =	sst s4  }
0xd: {  	[smem:$0x3FA3] =	sst s5  }
0xe: {  	[smem:$0x3FA4] =	sst s6  }
0xf: {  	[smem:$0x3FA5] =	sst s7  }
0x10: {  	[smem:$0x3FA6] =	sst s8  }
0x11: {  	[smem:$0x3FA7] =	sst s9;
	s0 =	simm.s32 @!p0 $0x0  }
0x12: {  	s1 =	sld [smem:$0x3F8D];
	s0 =	simm.s32 @p0 $0x1  }
0x13: {  	[smem:$0x3FA8] =	sst s0;
	s0 =	simm.s32 @!p1 $0x0  }
0x14: {  	s2 =	sld [smem:$0x3F8C];
	s0 =	simm.s32 @p1 $0x1  }
0x15: {  	[smem:$0x3FA9] =	sst s0;
	s0 =	simm.s32 @!p2 $0x0  }
0x16: {  	s3 =	sld [smem:$0x3FDB];
	s0 =	simm.s32 @p2 $0x1  }
0x17: {  	s4 =	simm.s32 $0x1BF5;
	[smem:$0x3FAB] =	sst s0  }
0x18: {  	s0 =	sld [smem:$0x3F8E];
	_ =	swait.ge [sflag:s4], $0x0  }
0x19: {  	s7 =	sld [smem:$0x3F8F]  }
0x1a: {  	s8 =	sadd.s32 $0xFFFFE003, lr  }
0x1b: {  	s9 =	sadd.s32 $0xFFFFFEF7, lr;
	s5 =	simm.s32 $0xFFFFFFFF;
	p2 =	slt.u32 s8, $0xFFFFF086  }
0x1c: {  	p1 =	slt.u32 s9, $0xF7A;
	s5 =	simm.s32 @!p2 $0x0  }
0x1d: {  	s5 =	simm.s32 @p1 $0x1;
	p0 =	seq.s32 s7, s2  }
0x1e: {  	s7 =	smul.u32 @!p0 $0xF7A, s2;
	p2 =	seq.s32 @!p0 s5, $0x0  }
0x1f: {  	s9 =	smul.u32 $0xF7A, s1;
	s8 =	simm.s32 @!p0 $0x1BF5;
	p2 =	por !p2, p0  }
0x20: {  	[sflag:s8] =	ssyncset.s32 @!p0 $0xFFFFF086;
	s6 =	sadd.s32 @!p0 s3, s7;
	s7 =	simm.s32 @!p0 $0x108  }
0x21: {  	s3 =	sadd.s32 s3, s9;
	s6 =	sadd.s32 @!p0 $0x88, s6;
	s7 =	simm.s32 @p2 $0x1082  }
0x22: {  	[simem:s7], [sflag:s8] =	dma.local @!p0 [hbm:s6], $0xF7A  }
0x23: {  	s9 =	sor.u32 $0xD0000000, s2;
	s6 =	simm.s32 $0x108;
	_ =	swait.ge @!p0 [sflag:s8], $0x0  }
0x24: {  	s3 =	sadd.s32 $0x88, s3;
	s6 =	simm.s32 @!p1 $0x1082;
	[sflag:s4] =	ssyncset.s32 $0xFFFFF086  }
0x25: {  	[simem:s6], [sflag:s4] =	dma.local [hbm:s3], $0xF7A  }
0x26: {  	[smem:$0x3F8F] =	sst s1;
	(tag) =	ssettag s2;
	_ =	strace s9  }
0x27: {  	s1 =	sld [smem:$0x3F9F]  }
0x28: {  	s2 =	sld [smem:$0x3FA0]  }
0x29: {  	s4 =	sld [smem:$0x3FA2]  }
0x2a: {  	p0 =	seq.s32 s5, $0x0;
	s5 =	sld [smem:$0x3FA3]  }
0x2b: {  	s6 =	sld [smem:$0x3FA4]  }
0x2c: {  	s7 =	sld [smem:$0x3FA5]  }
0x2d: {  	s3 =	simm.s32 $0x108;
	s8 =	sld [smem:$0x3FA6]  }
0x2e: {  	s3 =	simm.s32 @!p0 $0x1082;
	s9 =	sld [smem:$0x3FA7]  }
0x2f: {  	lr =	sadd.s32 s0, s3;
	s0 =	sld [smem:$0x3F9E]  }
0x30: {  	s3 =	sld [smem:$0x3FA1]  }
0x31: {  	[smem:$0x3FAA] =	sst s10  }
0x32: {  	s10 =	sld [smem:$0x3FA8];
	_ =	sdelay $0x3  }
0x33: {  	p0 =	seq.s32 s10, $0x1;
	s10 =	sld [smem:$0x3FAA];
	_ =	sdelay $0x3  }
0x34: {  	[smem:$0x3FAA] =	sst s10  }
0x35: {  	s10 =	sld [smem:$0x3FA9];
	_ =	sdelay $0x3  }
0x36: {  	p1 =	seq.s32 s10, $0x1;
	s10 =	sld [smem:$0x3FAA];
	_ =	sdelay $0x3  }
0x37: {  	[smem:$0x3FAA] =	sst s10  }
0x38: {  	s10 =	sld [smem:$0x3FAB]  }
0x39: {  	_ = 	snop;
	(pc) =	sbr.ind lr, $3  }
0x3a: {  	_ = 	snop  }
0x3b: {  	_ = 	snop  }
0x3c: {  	p2 =	seq.s32 s10, $0x1;
	s10 =	sld [smem:$0x3FAA]  }
0x3d: {  	_ =	shalt  }
0x3e: {  	_ =	shalt  }
0x3f: {  	_ =	shalt  }
0x40: {  	_ =	shalt  }
0x41: {  	_ =	shalt  }
0x42: {  	_ =	shalt  }
0x43: {  	_ =	shalt  }
0x44: {  	_ =	shalt  }
0x45: {  	_ =	shalt  }
0x46: {  	_ =	shalt  }
0x47: {  	_ =	shalt  }
0x48: {  	_ =	shalt  }
0x49: {  	_ =	shalt  }
0x4a: {  	_ =	shalt  }
0x4b: {  	_ =	shalt  }
0x4c: {  	_ =	shalt  }
0x4d: {  	_ =	shalt  }
0x4e: {  	_ =	shalt  }
0x4f: {  	_ =	shalt  }
0x50: {  	_ =	shalt  }
0x51: {  	_ =	shalt  }
0x52: {  	_ =	shalt  }
0x53: {  	_ =	shalt  }
0x54: {  	_ =	shalt  }
0x55: {  	_ =	shalt  }
0x56: {  	_ =	shalt  }
0x57: {  	_ =	shalt  }
0x58: {  	_ =	shalt  }
0x59: {  	_ =	shalt  }
0x5a: {  	_ =	shalt  }
0x5b: {  	_ =	shalt  }
0x5c: {  	_ =	shalt  }
0x5d: {  	_ =	shalt  }
0x5e: {  	_ =	shalt  }
0x5f: {  	_ =	shalt  }
0x60: {  	_ =	shalt  }
0x61: {  	_ =	shalt  }
0x62: {  	_ =	shalt  }
0x63: {  	_ =	shalt  }
0x64: {  	_ =	shalt  }
0x65: {  	_ =	shalt  }
0x66: {  	_ =	shalt  }
0x67: {  	_ =	shalt  }
0x68: {  	_ =	shalt  }
0x69: {  	_ =	shalt  }
0x6a: {  	_ =	shalt  }
0x6b: {  	_ =	shalt  }
0x6c: {  	_ =	shalt  }
0x6d: {  	_ =	shalt  }
0x6e: {  	_ =	shalt  }
0x6f: {  	_ =	shalt  }
0x70: {  	_ =	shalt  }
0x71: {  	_ =	shalt  }
0x72: {  	_ =	shalt  }
0x73: {  	_ =	shalt  }
0x74: {  	_ =	shalt  }
0x75: {  	_ =	shalt  }
0x76: {  	_ =	shalt  }
0x77: {  	_ =	shalt  }
0x78: {  	_ =	shalt  }
0x79: {  	_ =	shalt  }
0x7a: {  	_ =	shalt  }
0x7b: {  	_ =	shalt  }
0x7c: {  	_ =	shalt  }
0x7d: {  	_ =	shalt  }
0x7e: {  	_ =	shalt  }
0x7f: {  	_ =	shalt  }
0x80: {  	_ =	shalt  }
0x81: {  	_ =	shalt  }
0x82: {  	_ =	shalt  }
0x83: {  	_ =	shalt  }
0x84: {  	_ =	shalt  }
0x85: {  	_ =	shalt  }
0x86: {  	_ =	shalt  }
0x87: {  	_ =	shalt  }
.Lfunc_end0:
.L_simem_size_0:
called_computation.7_lowered:
.L_overlay_start_0:
0x88: {  	s2 =	sld [smem:$0x3FD9]  }
0x89: {  	s3 =	sld [smem:$0x3FFE];
	_ =	sdelay $0x1  }
0x8a: {  	s1 =	srdreg.scid  }
0x8b: {  	s0 =	sand.u32 $0x1, s1  }
0x8c: {  	s17 =	sshll.u32 s0, $0xA;
	s2 =	sadd.s32 s3, s2  }
0x8d: {  	s2 =	sadd.s32 s2, s17  }
0x8e: {  	[smem:$0x3FB6] =	sst s2  }
0x8f: {  	_ = 	snop  }
0x90: {  	(tm) =	ssettm $0x1  }
0x91: {  	s18 =	sld [smem:$0x3FFB];
	_ =	sdelay $0x3  }
0x92: {  	_ =	strace s18  }
0x93: {  	s2 =	sld [smem:$0x3FFC];
	_ =	sdelay $0x3  }
0x94: {  	_ =	strace s2  }
0x95: {  	s2 =	sld [smem:$0x3FFD];
	_ =	sdelay $0x3  }
0x96: {  	_ =	strace s2  }
0x97: {  	_ =	strace $0x8FFFFFFF  }
0x98: {  	s19 =	sld [smem:$0x3FDB];
	_ =	sdelay $0x1  }
0x99: {  	s20 =	simm.s32 $_scs_section_size  }
0x9a: {  	s4 =	simm.s32 $_size__tile_overlayer_lowered;
	s5 =	simm.s32 $_tile_overlayer_lowered  }
0x9b: {  	s6 =	simm.s32 $0x1BFF;
	s21 =	sshll.u32 s5, $0x1;
	s3 =	sadd.s32 s20, s19  }
0x9c: {  	s22 =	simm.s32 $0x0;
	s4 =	sshll.u32 s4, $0x1;
	s5 =	sadd.s32 s21, s3  }
0x9d: {  	[timem:s22], [sflag:s6] =	dma.local [hbm:s5], s4  }
0x9e: {  	_ =	swait.ge [sflag:s6], s4  }
0x9f: {  	s4 =	ssub.s32 $0x0, s4;
	[sflag:s6] =	ssyncset.done $0x0  }
0xa0: {  	[sflag:s6] =	ssyncadd.s32 s4;
	_ =	sdelay $0x1  }
0xa1: {  	s23 =	simm.s32 $0x1B8B  }
0xa2: {  	_ =	swait.ge [sflag:s23], $0x1  }
0xa3: {  	[sflag:s23] =	ssyncset.done $0x0  }
0xa4: {  	[sflag:s23] =	ssyncadd.s32 $0xFFFFFFFF  }
0xa5: {  	s4 =	sld [smem:$0x0]  }
0xa6: {  	s5 =	sand.u32 $0xFFFFFFFE, s1  }
0xa7: {  	p0 =	sne.s32 s1, s5  }
0xa8: {  	s5 =	sshll.u32 @p0 s5, $0xE  }
0xa9: {  	s5 =	sadd.s32 @p0 $0x11B8D, s5;
	s6 =	sshll.u32 @p0 s4, $0x11  }
0xaa: {  	s5 =	sor.u32 @p0 s6, s5  }
0xab: {  	[sflag:s5] =	ssyncadd.remote.s32 @p0 $0x1;
	_ =	sdelay $0x1  }
0xac: {  	s5 =	simm.s32 @p0 $0x1B8D  }
0xad: {  	_ =	swait.eq @p0 [sflag:s5], $0x1  }
0xae: {  	[sflag:s5] =	ssyncadd.s32 @p0 $0xFFFFFFFF  }
0xaf: {  	s6 =	sshll.u32 @!p0 s1, $0xE  }
0xb0: {  	s6 =	sor.u32 @!p0 $0x4000, s6;
	s5 =	simm.s32 @!p0 $0x1B8D  }
0xb1: {  	s4 =	sshll.u32 @!p0 s4, $0x11;
	s6 =	sadd.s32 @!p0 $0x11B8D, s6;
	_ =	swait.eq @!p0 [sflag:s5], $0x1  }
0xb2: {  	s4 =	sor.u32 @!p0 s4, s6;
	[sflag:s5] =	ssyncadd.s32 @!p0 $0xFFFFFFFF  }
0xb3: {  	s25 =	simm.s32 $0x1B8E;
	s24 =	sld [smem:$0x3FFE];
	[sflag:s4] =	ssyncadd.remote.s32 @!p0 $0x1  }
0xb4: {  	s26 =	simm.s32 $execute0_lowered;
	[smem:$0x3FD2] =	sst s25  }
0xb5: {  	s5 =	sshll.u32 s26, $0x1;
	_ =	strace $0x80000058;
	[dreg:$0x1] =	wrdreg $0xFFFFFFFF  }
0xb6: {  	s28 =	simm.s32 $_size_execute0_lowered;
	s3 =	sadd.s32 s3, s5;
	[dreg:$0x0] =	wrdreg $0x0  }
0xb7: {  	s5 =	sshll.u32 s28, $0x1;
	[dreg:$0x2] =	wrdreg s3  }
0xb8: {  	[dreg:$0x3] =	wrdreg s5  }
0xb9: {  	[dreg:$0x4] =	wrdreg $0xC0  }
0xba: {  	_ =	task [dreg:s22], $0x5FFFF  }
0xbb: {  	[dreg:$0x1] =	wrdreg $0xFFFFFFFF  }
0xbc: {  	[dreg:$0x0] =	wrdreg $0x60  }
0xbd: {  	[dreg:$0x2] =	wrdreg s24  }
0xbe: {  	[dreg:$0x3] =	wrdreg $0xB  }
0xbf: {  	_ =	task.clear_ibuf [dreg:s22], $0x4FFFF;
	_ =	strace $0x90000058  }
0xc0: {  	s29 =	simm.s32 $0xB;
	_ =	strace $0x8000005A  }
0xc1: {  	_ =	swait.ge [sflag:s29], $0x1  }
0xc2: {  	[sflag:s29] =	ssyncadd.s32 $0xFFFFFFFF  }
0xc3: {  	_ =	strace $0x9000005A  }
0xc4: {  	_ =	sfence  }
0xc5: {  	s30 =	sld [smem:$0x0];
	_ =	sdelay $0x2  }
0xc6: {  	s31 =	sshll.u32 s1, $0xD;
	s1 =	sshrl.u32 s1, $0x2  }
0xc7: {  	s4 =	sand.u32 $0x4000, s31;
	s1 =	sadd.s32 s1, s30  }
0xc8: {  	s0 =	sor.u32 s4, s0;
	s1 =	sshll.u32 s1, $0x11  }
0xc9: {  	s0 =	sor.u32 s1, s0  }
0xca: {  	s0 =	sadd.s32 $0x8F2B, s0  }
0xcb: {  	[sflag:s0] =	ssyncadd.remote.s32 $0x1  }
0xcc: {  	_ =	sfence.sel $0xFFFF  }
0xcd: {  	[dreg:$0x0] =	wrdreg $0xFFFFFFFF;
	(pc) =	sbr.abs _section_cstart, $3  }
0xce: {  	[dreg:$0x1] =	wrdreg $0xFFFFFFFF  }
0xcf: {  	_ =	task.clear_ibuf [dreg:s22], $0x2FFFF;
	_ =	strace $0x9FFFFFFF  }
0xd0: {  	(tm) =	ssettm $0x7FFFFFFF  }
0xd1: {  	_ =	shalt  }
tec
execute0_lowered:
.L_overlay_start_1:
0x0: {  	(tag) =	ssettag $0x1  }
0x1: {  	s1 =	srdreg.scid  }
0x2: {  	s0 =	stileid.u32;
	s2 =	rddreg [dreg:$0x0];
	s6 =	simm.s32 $0x1  }
0x3: {  	s9 =	simm.s32 $0x1;
	s10 =	simm.s32 $0x3;
	s1 =	sshll.u32 s1, $0xB  }
0x4: {  	s13 =	simm.s32 $0x0;
	s3 =	sshll.u32 s0, $0xC;
	s4 =	sand.u32 $0x800, s1  }
0x5: {  	s12 =	simm.s32 $0x0;
	s5 =	sadd.s32 $0x3400, s2;
	s3 =	sor.u32 s3, s4  }
0x6: {  	s1 =	rddreg [dreg:$0x1];
	_ =	strace $0x80000059;
	s8 =	ssub.s32 $0x17000, s3  }
.Ltmp0:
0x7: {  	s4 =	sadd.s32 $0x1DC00, s2;
	s7 =	sand.u32 $0xF800, s8;
	(pc) =	sbr.rel .LBB2_1-.Ltmp0, $4  }
0x8: {  	[sflag:s6] =	ssyncpa.u1 $0x0;
	s11 =	smov.u32 s3;
	p0 =	sne.s32 s7, $0x0  }
0x9: {  	s8 =	sshrl.u32 s8, $0x10;
	s7 =	simm.s32 $0x2;
	s9 =	simm.s32 @!p0 $0x0  }
0xa: {  	[sflag:s7] =	ssyncpa.u1 $0x0;
	p0 =	por $0x0, $0x0;
	s8 =	sadd.s32 s9, s8  }
0xb: {  	vm0 =	vmmov $0xffff;
	[sflag:s10] =	ssyncpa.u1 $0x0;
	s10 =	simm.s32 $0x0;
	s9 =	sadd.s32 $0x1, s8  }
.LBB2_4:
0xc: {  	v2 =	vnsel vm1, $0x0, v2  }
0xd: {  	vm1 =	vgt.s32 v0, $0x0;
	v2 =	vmin.u32 v2, $0x4E1FF  }
0xe: {  	v0 =	vnsel vm1, $0x0, v0  }
0xf: {  	v0 =	vmin.u32 v0, $0x4E1FF  }
0x10: {  	[tilespmem:s15], [sflag:$0x1] =	stream.indirect_vreg.gather [hbm4b:s4+s10], $0x1, v1, vm0, $0x4038;
	[tilespmem:$0x2000] =	vst v63  }
0x11: {  	(ifvalue) =	ssetifvalue $0x7FFFFFFF  }
0x12: {  	[tilespmem:s16], [sflag:$0x1] =	stream.indirect_vreg.gather [hbm4b:s4+s10], $0x1, v2, vm0, $0x4038;
	[tilespmem:$0x2000] =	vst v63  }
0x13: {  	s29 =	sadd.s32 $0x10, s16;
	(ifvalue) =	ssetifvalue $0x7FFFFFFF  }
0x14: {  	[tilespmem:s29], [sflag:$0x1] =	stream.indirect_vreg.gather [hbm4b:s4+s10], $0x1, v0, vm0, $0x4038;
	[tilespmem:$0x2000] =	vst v63  }
0x15: {  	_ =	swait.ge [sflag:s6], $0x800  }
0x16: {  	s30 =	sshrl.u32 s13, $0x3;
	[sflag:s6] =	ssyncset.done $0x0  }
0x17: {  	s31 =	sand.u32 $0x7, s13;
	s15 =	sadd.s32 s5, s30;
	[sflag:s6] =	ssyncadd.s32 $0xFFFFF800  }
0x18: {  	[hbm4b:s15+s31] =	stream.linear.scatter [tilespmem:s14], [sflag:$0x3], $0x800, $0x38;
	[tilespmem:$0x2000] =	vst v63  }
.LBB2_5:
0x19: {  	s15 =	sadd.s32 $0x10000, s11  }
0x1a: {  	p2 =	sgt.s32 s15, $0x16FFF  }
0x1b: {  	s15 =	smov.u32 @p2 s3;
	p2 =	sne.s32 s12, s9  }
.Ltmp1:
0x1c: {  	p1 =	slt.u32 s12, $0x2;
	(pc) =	sbr.rel @!p2 .LBB2_6-.Ltmp1, $4  }
0x1d: {  	s14 =	simm.s32 @!p1 $0x3  }
0x1e: {  	s16 =	sadd.s32 $0x1, s12;
	_ =	swait.ge @!p1 [sflag:s14], $0x800  }
0x1f: {  	s13 =	smov.u32 s11;
	p0 =	por !p0, !p0;
	[sflag:s14] =	ssyncset.done @!p1 $0x0  }
0x20: {  	s12 =	smov.u32 s16;
	s11 =	smov.u32 s15;
	[sflag:s14] =	ssyncadd.s32 @!p1 $0xFFFFF800  }
.LBB2_1:
0x21: {  	p1 =	sge.u32 s12, s8  }
0x22: {  	s14 =	sxor.u32 @!p1 $0xFFFFFFFF, s12  }
0x23: {  	s31 =	sadd.s32 $0xFFFFFFFF, s12;
	s15 =	sshrl.u32 @!p1 s11, $0x3;
	s14 =	sshll.u32 @!p1 s14, $0xB  }
0x24: {  	s16 =	sand.u32 @!p1 $0x7, s11;
	s15 =	sadd.s32 @!p1 s2, s15;
	s14 =	sand.u32 @!p1 $0x800, s14  }
0x25: {  	[tilespmem:s14], [sflag:$0x2] =	stream.linear.gather @!p1 [hbm4b:s15+s16], $0x800, $0x38;
	[tilespmem:$0x2000] =	vst v63  }
0x26: {  	p1 =	sge.u32 s31, s8  }
.Ltmp2:
0x27: {  	_ = 	snop;
	(pc) =	sbr.rel @p1 .LBB2_5-.Ltmp2, $1  }
0x28: {  	_ =	sdelay $0x3  }
0x29: {  	s14 =	simm.s32 $0x1  }
0x2a: {  	_ =	swait.ge [sflag:s7], $0x800;
	s14 =	simm.s32 @!p0 $0x0  }
0x2b: {  	[sflag:s7] =	ssyncset.done $0x0;
	s14 =	sshll.u32 s14, $0xB  }
0x2c: {  	[sflag:s7] =	ssyncadd.s32 $0xFFFFF800;
	(ifvalue) =	ssetifvalue $0x7FFFFFFF;
	v0 =	vld.msk [tilespmem:s14+$0x0 ss:$0x1], $0xffff;
	_ =	sdelay $0x4  }
0x2d: {  	s15 =	sadd.s32 $0x10, s14;
	vm1 =	vgt.s32 v0, $0x0  }
0x2e: {  	v2 =	vld.msk [tilespmem:s15+$0x0 ss:$0x1], $0xffff;
	v1 =	vnsel vm1, $0x0, v0  }
0x2f: {  	v1 =	vmin.u32 v1, $0x4E1FF;
	_ =	sdelay $0x1  }
0x30: {  	s16 =	sshll.u32 s12, $0xB;
	s18 =	simm.s32 $0x20  }
0x31: {  	s16 =	sand.u32 $0x800, s16;
	s17 =	sadd.s32 $0x10, s15;
	s15 =	sor.u32 $0x1000, s14  }
0x32: {  	s14 =	sor.u32 $0x1000, s16;
	s16 =	sadd.s32 $0x10, s15;
	v0 =	vld.msk [tilespmem:s17+$0x0 ss:$0x1], $0xffff;
	vm1 =	vgt.s32 v2, $0x0;
	(ifvalue) =	ssetifvalue $0x7FFFFFFF  }
.LBB2_3:
0x33: {  	[tilespmem:s15], [sflag:$0x1] =	stream.indirect_vreg.gather [hbm4b:s4+s10], $0x1, v1, vm0, $0x4038;
	[tilespmem:$0x2000] =	vst v63  }
0x34: {  	s18 =	sadd.s32 $0x10, s18  }
0x35: {  	v2 =	vnsel vm1, $0x0, v2;
	p1 =	slt.u32 s18, $0x7F0  }
.Ltmp3:
0x36: {  	s15 =	smov.u32 s16;
	v1 =	vmin.u32 v2, $0x4E1FF;
	(pc) =	sbr.rel @p1 .LBB2_3-.Ltmp3, $3  }
0x37: {  	_ =	sdelay $0x1  }
0x38: {  	s17 =	sadd.s32 $0x10, s17  }
0x39: {  	vm1 =	vgt.s32 v0, $0x0;
	s16 =	sadd.s32 $0x10, s16;
	v2 =	vmov v0;
	(ifvalue) =	ssetifvalue $0x7FFFFFFF;
	v0 =	vld.msk [tilespmem:s17+$0x0 ss:$0x1], $0xffff  }
.Ltmp4:
0x3a: {  	_ = 	snop;
	(pc) =	sbr.rel .LBB2_4-.Ltmp4, $1  }
0x3b: {  	_ =	sdelay $0x3  }
.LBB2_6:
0x3c: {  	_ =	sfence.sel $0x180000  }
0x3d: {  	s2 =	simm.s32 $0x2;
	[bflag:$0x0] =	sbarrier.arrive $0xFFFF  }
0x3e: {  	s30 =	simm.s32 $0x3;
	[sflag:s2] =	ssyncpa.u1 $0x1  }
0x3f: {  	s31 =	simm.s32 $0x1;
	[sflag:s30] =	ssyncpa.u1 $0x1  }
0x40: {  	[sflag:s31] =	ssyncpa.u1 $0x1  }
0x41: {  	p0 =	sne.s32 s0, $0x0;
	_ =	strace $0x90000059  }
0x42: {  	s0 =	sadd.s32 @!p0 $0x100000, s1;
	[bflag:$0x2] =	sbarrier.arrive $0xFFFF  }
0x43: {  	[sflag:s0] =	ssyncadd.tile.s32 @!p0 $0x1;
	_ =	shalt  }
.Lfunc_end2:
_tile_overlayer_lowered:
.L_overlay_start_2:
0x44: {  	(tag) =	ssettag $0x2  }
0x45: {  	s0 =	rddreg [dreg:$0x0];
	s2 =	stileid.u32  }
0x46: {  	s1 =	rddreg [dreg:$0x1];
	p0 =	sne.s32 s2, $0x0  }
0x47: {  	s3 =	rddreg [dreg:$0x2];
	[bflag:$0x3] =	sbarrier.arrive $0xFFFF;
	s2 =	simm.s32 @!p0 $0x1C01  }
0x48: {  	[timem:s3], [sflag:s2] =	dma.local @!p0 [hbm:s0], s1  }
0x49: {  	s0 =	simm.s32 @!p0 $0x1  }
0x4a: {  	_ =	swait.ge @!p0 [sflag:s0], s1  }
0x4b: {  	s1 =	ssub.s32 @!p0 $0x0, s1;
	[sflag:s0] =	ssyncset.done @!p0 $0x0  }
0x4c: {  	[sflag:s0] =	ssyncadd.s32 @!p0 s1  }
0x4d: {  	[bflag:$0x3] =	sbarrier.arrive $0xFFFF  }
0x4e: {  	_ =	shalt  }

// kernel: gather_offload_async_start.5
scs
__scs_entry_jumppad:
0x0: {  	(pc) =	sbr.rel $0x88, $3  }
0x1: {  	(tag) =	ssettag $0x0;
	lr =	simm.s32 $0x1  }
0x2: {  	[smem:$0x3F8F] =	sst lr;
	_ =	strace $0xD0000000  }
0x3: {  	_ = 	snop  }
0x4: {  	_ = 	snop  }
0x5: {  	_ = 	snop  }
0x6: {  	_ = 	snop  }
0x7: {  	_ = 	snop  }
__scs_overlays_trampoline_lowered:
0x8: {  	[smem:$0x3F9E] =	sst s0  }
0x9: {  	[smem:$0x3F9F] =	sst s1  }
0xa: {  	[smem:$0x3FA0] =	sst s2  }
0xb: {  	[smem:$0x3FA1] =	sst s3  }
0xc: {  	[smem:$0x3FA2] =	sst s4  }
0xd: {  	[smem:$0x3FA3] =	sst s5  }
0xe: {  	[smem:$0x3FA4] =	sst s6  }
0xf: {  	[smem:$0x3FA5] =	sst s7  }
0x10: {  	[smem:$0x3FA6] =	sst s8  }
0x11: {  	[smem:$0x3FA7] =	sst s9;
	s0 =	simm.s32 @!p0 $0x0  }
0x12: {  	s1 =	sld [smem:$0x3F8D];
	s0 =	simm.s32 @p0 $0x1  }
0x13: {  	[smem:$0x3FA8] =	sst s0;
	s0 =	simm.s32 @!p1 $0x0  }
0x14: {  	s2 =	sld [smem:$0x3F8C];
	s0 =	simm.s32 @p1 $0x1  }
0x15: {  	[smem:$0x3FA9] =	sst s0;
	s0 =	simm.s32 @!p2 $0x0  }
0x16: {  	s3 =	sld [smem:$0x3FDB];
	s0 =	simm.s32 @p2 $0x1  }
0x17: {  	s4 =	simm.s32 $0x1BF5;
	[smem:$0x3FAB] =	sst s0  }
0x18: {  	s0 =	sld [smem:$0x3F8E];
	_ =	swait.ge [sflag:s4], $0x0  }
0x19: {  	s7 =	sld [smem:$0x3F8F]  }
0x1a: {  	s8 =	sadd.s32 $0xFFFFE003, lr  }
0x1b: {  	s9 =	sadd.s32 $0xFFFFFEF7, lr;
	s5 =	simm.s32 $0xFFFFFFFF;
	p2 =	slt.u32 s8, $0xFFFFF086  }
0x1c: {  	p1 =	slt.u32 s9, $0xF7A;
	s5 =	simm.s32 @!p2 $0x0  }
0x1d: {  	s5 =	simm.s32 @p1 $0x1;
	p0 =	seq.s32 s7, s2  }
0x1e: {  	s7 =	smul.u32 @!p0 $0xF7A, s2;
	p2 =	seq.s32 @!p0 s5, $0x0  }
0x1f: {  	s9 =	smul.u32 $0xF7A, s1;
	s8 =	simm.s32 @!p0 $0x1BF5;
	p2 =	por !p2, p0  }
0x20: {  	[sflag:s8] =	ssyncset.s32 @!p0 $0xFFFFF086;
	s6 =	sadd.s32 @!p0 s3, s7;
	s7 =	simm.s32 @!p0 $0x108  }
0x21: {  	s3 =	sadd.s32 s3, s9;
	s6 =	sadd.s32 @!p0 $0x88, s6;
	s7 =	simm.s32 @p2 $0x1082  }
0x22: {  	[simem:s7], [sflag:s8] =	dma.local @!p0 [hbm:s6], $0xF7A  }
0x23: {  	s9 =	sor.u32 $0xD0000000, s2;
	s6 =	simm.s32 $0x108;
	_ =	swait.ge @!p0 [sflag:s8], $0x0  }
0x24: {  	s3 =	sadd.s32 $0x88, s3;
	s6 =	simm.s32 @!p1 $0x1082;
	[sflag:s4] =	ssyncset.s32 $0xFFFFF086  }
0x25: {  	[simem:s6], [sflag:s4] =	dma.local [hbm:s3], $0xF7A  }
0x26: {  	[smem:$0x3F8F] =	sst s1;
	(tag) =	ssettag s2;
	_ =	strace s9  }
0x27: {  	s1 =	sld [smem:$0x3F9F]  }
0x28: {  	s2 =	sld [smem:$0x3FA0]  }
0x29: {  	s4 =	sld [smem:$0x3FA2]  }
0x2a: {  	p0 =	seq.s32 s5, $0x0;
	s5 =	sld [smem:$0x3FA3]  }
0x2b: {  	s6 =	sld [smem:$0x3FA4]  }
0x2c: {  	s7 =	sld [smem:$0x3FA5]  }
0x2d: {  	s3 =	simm.s32 $0x108;
	s8 =	sld [smem:$0x3FA6]  }
0x2e: {  	s3 =	simm.s32 @!p0 $0x1082;
	s9 =	sld [smem:$0x3FA7]  }
0x2f: {  	lr =	sadd.s32 s0, s3;
	s0 =	sld [smem:$0x3F9E]  }
0x30: {  	s3 =	sld [smem:$0x3FA1]  }
0x31: {  	[smem:$0x3FAA] =	sst s10  }
0x32: {  	s10 =	sld [smem:$0x3FA8];
	_ =	sdelay $0x3  }
0x33: {  	p0 =	seq.s32 s10, $0x1;
	s10 =	sld [smem:$0x3FAA];
	_ =	sdelay $0x3  }
0x34: {  	[smem:$0x3FAA] =	sst s10  }
0x35: {  	s10 =	sld [smem:$0x3FA9];
	_ =	sdelay $0x3  }
0x36: {  	p1 =	seq.s32 s10, $0x1;
	s10 =	sld [smem:$0x3FAA];
	_ =	sdelay $0x3  }
0x37: {  	[smem:$0x3FAA] =	sst s10  }
0x38: {  	s10 =	sld [smem:$0x3FAB]  }
0x39: {  	_ = 	snop;
	(pc) =	sbr.ind lr, $3  }
0x3a: {  	_ = 	snop  }
0x3b: {  	_ = 	snop  }
0x3c: {  	p2 =	seq.s32 s10, $0x1;
	s10 =	sld [smem:$0x3FAA]  }
0x3d: {  	_ =	shalt  }
0x3e: {  	_ =	shalt  }
0x3f: {  	_ =	shalt  }
0x40: {  	_ =	shalt  }
0x41: {  	_ =	shalt  }
0x42: {  	_ =	shalt  }
0x43: {  	_ =	shalt  }
0x44: {  	_ =	shalt  }
0x45: {  	_ =	shalt  }
0x46: {  	_ =	shalt  }
0x47: {  	_ =	shalt  }
0x48: {  	_ =	shalt  }
0x49: {  	_ =	shalt  }
0x4a: {  	_ =	shalt  }
0x4b: {  	_ =	shalt  }
0x4c: {  	_ =	shalt  }
0x4d: {  	_ =	shalt  }
0x4e: {  	_ =	shalt  }
0x4f: {  	_ =	shalt  }
0x50: {  	_ =	shalt  }
0x51: {  	_ =	shalt  }
0x52: {  	_ =	shalt  }
0x53: {  	_ =	shalt  }
0x54: {  	_ =	shalt  }
0x55: {  	_ =	shalt  }
0x56: {  	_ =	shalt  }
0x57: {  	_ =	shalt  }
0x58: {  	_ =	shalt  }
0x59: {  	_ =	shalt  }
0x5a: {  	_ =	shalt  }
0x5b: {  	_ =	shalt  }
0x5c: {  	_ =	shalt  }
0x5d: {  	_ =	shalt  }
0x5e: {  	_ =	shalt  }
0x5f: {  	_ =	shalt  }
0x60: {  	_ =	shalt  }
0x61: {  	_ =	shalt  }
0x62: {  	_ =	shalt  }
0x63: {  	_ =	shalt  }
0x64: {  	_ =	shalt  }
0x65: {  	_ =	shalt  }
0x66: {  	_ =	shalt  }
0x67: {  	_ =	shalt  }
0x68: {  	_ =	shalt  }
0x69: {  	_ =	shalt  }
0x6a: {  	_ =	shalt  }
0x6b: {  	_ =	shalt  }
0x6c: {  	_ =	shalt  }
0x6d: {  	_ =	shalt  }
0x6e: {  	_ =	shalt  }
0x6f: {  	_ =	shalt  }
0x70: {  	_ =	shalt  }
0x71: {  	_ =	shalt  }
0x72: {  	_ =	shalt  }
0x73: {  	_ =	shalt  }
0x74: {  	_ =	shalt  }
0x75: {  	_ =	shalt  }
0x76: {  	_ =	shalt  }
0x77: {  	_ =	shalt  }
0x78: {  	_ =	shalt  }
0x79: {  	_ =	shalt  }
0x7a: {  	_ =	shalt  }
0x7b: {  	_ =	shalt  }
0x7c: {  	_ =	shalt  }
0x7d: {  	_ =	shalt  }
0x7e: {  	_ =	shalt  }
0x7f: {  	_ =	shalt  }
0x80: {  	_ =	shalt  }
0x81: {  	_ =	shalt  }
0x82: {  	_ =	shalt  }
0x83: {  	_ =	shalt  }
0x84: {  	_ =	shalt  }
0x85: {  	_ =	shalt  }
0x86: {  	_ =	shalt  }
0x87: {  	_ =	shalt  }
.Lfunc_end0:
.L_simem_size_0:
called_computation.8_lowered:
.L_overlay_start_0:
0x88: {  	s2 =	sld [smem:$0x3FD9]  }
0x89: {  	s3 =	sld [smem:$0x3FFE];
	_ =	sdelay $0x1  }
0x8a: {  	s1 =	srdreg.scid  }
0x8b: {  	s0 =	sand.u32 $0x1, s1  }
0x8c: {  	s16 =	sshll.u32 s0, $0xA;
	s2 =	sadd.s32 s3, s2  }
0x8d: {  	s2 =	sadd.s32 s2, s16  }
0x8e: {  	[smem:$0x3FB6] =	sst s2  }
0x8f: {  	_ = 	snop  }
0x90: {  	(tm) =	ssettm $0x1  }
0x91: {  	s17 =	sld [smem:$0x3FFB];
	_ =	sdelay $0x3  }
0x92: {  	_ =	strace s17  }
0x93: {  	s2 =	sld [smem:$0x3FFC];
	_ =	sdelay $0x3  }
0x94: {  	_ =	strace s2  }
0x95: {  	s2 =	sld [smem:$0x3FFD];
	_ =	sdelay $0x3  }
0x96: {  	_ =	strace s2  }
0x97: {  	_ =	strace $0x8FFFFFFF  }
0x98: {  	s18 =	sld [smem:$0x3FDB];
	_ =	sdelay $0x1  }
0x99: {  	s19 =	simm.s32 $_scs_section_size  }
0x9a: {  	s4 =	simm.s32 $_size__tile_overlayer_lowered;
	s5 =	simm.s32 $_tile_overlayer_lowered  }
0x9b: {  	s22 =	simm.s32 $0x1BFF;
	s21 =	sshll.u32 s5, $0x1;
	s2 =	sadd.s32 s19, s18  }
0x9c: {  	s6 =	simm.s32 $0x0;
	s20 =	sshll.u32 s4, $0x1;
	s4 =	sadd.s32 s21, s2  }
0x9d: {  	[timem:s6], [sflag:s22] =	dma.local [hbm:s4], s20  }
0x9e: {  	_ =	swait.ge [sflag:s22], s20  }
0x9f: {  	s3 =	ssub.s32 $0x0, s20;
	[sflag:s22] =	ssyncset.done $0x0  }
0xa0: {  	[sflag:s22] =	ssyncadd.s32 s3;
	_ =	sdelay $0x1  }
0xa1: {  	s23 =	simm.s32 $0x1B8B  }
0xa2: {  	_ =	swait.ge [sflag:s23], $0x1  }
0xa3: {  	[sflag:s23] =	ssyncset.done $0x0  }
0xa4: {  	s25 =	simm.s32 $0x1B8E;
	s24 =	sld [smem:$0x3FFE];
	[sflag:s23] =	ssyncadd.s32 $0xFFFFFFFF  }
0xa5: {  	s26 =	simm.s32 $execute0_lowered;
	[smem:$0x3FD2] =	sst s25  }
0xa6: {  	s4 =	sshll.u32 s26, $0x1;
	_ =	strace $0x80000061;
	[dreg:$0x1] =	wrdreg $0xFFFFFFFF  }
0xa7: {  	s28 =	simm.s32 $_size_execute0_lowered;
	s2 =	sadd.s32 s2, s4;
	[dreg:$0x0] =	wrdreg $0x0  }
0xa8: {  	s4 =	sshll.u32 s28, $0x1;
	[dreg:$0x2] =	wrdreg s2  }
0xa9: {  	[dreg:$0x3] =	wrdreg s4  }
0xaa: {  	[dreg:$0x4] =	wrdreg $0xC0  }
0xab: {  	_ =	task [dreg:s6], $0x5FFFF  }
0xac: {  	[dreg:$0x1] =	wrdreg $0xFFFFFFFF  }
0xad: {  	[dreg:$0x0] =	wrdreg $0x60  }
0xae: {  	[dreg:$0x2] =	wrdreg s24  }
0xaf: {  	[dreg:$0x3] =	wrdreg $0x9  }
0xb0: {  	_ =	task.clear_ibuf [dreg:s6], $0x4FFFF;
	_ =	strace $0x90000061  }
0xb1: {  	s29 =	simm.s32 $0x9;
	_ =	strace $0x80000063  }
0xb2: {  	_ =	swait.ge [sflag:s29], $0x1  }
0xb3: {  	[sflag:s29] =	ssyncadd.s32 $0xFFFFFFFF  }
0xb4: {  	_ =	strace $0x90000063  }
0xb5: {  	_ =	sfence  }
0xb6: {  	s30 =	sld [smem:$0x0];
	_ =	sdelay $0x2  }
0xb7: {  	s31 =	sshll.u32 s1, $0xD;
	s1 =	sshrl.u32 s1, $0x2  }
0xb8: {  	s3 =	sand.u32 $0x4000, s31;
	s1 =	sadd.s32 s1, s30  }
0xb9: {  	s0 =	sor.u32 s3, s0;
	s1 =	sshll.u32 s1, $0x11  }
0xba: {  	s0 =	sor.u32 s1, s0  }
0xbb: {  	s0 =	sadd.s32 $0x8F2B, s0  }
0xbc: {  	[sflag:s0] =	ssyncadd.remote.s32 $0x1  }
0xbd: {  	_ =	sfence.sel $0xFFFF  }
0xbe: {  	[dreg:$0x0] =	wrdreg $0xFFFFFFFF;
	(pc) =	sbr.abs _section_cstart, $3  }
0xbf: {  	[dreg:$0x1] =	wrdreg $0xFFFFFFFF  }
0xc0: {  	_ =	task.clear_ibuf [dreg:s6], $0x2FFFF;
	_ =	strace $0x9FFFFFFF  }
0xc1: {  	(tm) =	ssettm $0x7FFFFFFF  }
tec
execute0_lowered:
.L_overlay_start_1:
0x0: {  	(tag) =	ssettag $0x1  }
0x1: {  	s7 =	rddreg [dreg:$0x0]  }
0x2: {  	s0 =	rddreg [dreg:$0x1];
	_ =	strace $0x80000062  }
0x3: {  	s1 =	srdreg.scid;
	s4 =	simm.s32 $0x1;
	s9 =	simm.s32 $0x3  }
0x4: {  	s12 =	simm.s32 $0x0;
	s10 =	simm.s32 $0x0;
	s5 =	sshll.u32 s1, $0x4  }
.Ltmp0:
0x5: {  	s1 =	stileid.u32;
	s5 =	sand.u32 $0x10, s5;
	(pc) =	sbr.rel .LBB2_1-.Ltmp0, $4  }
0x6: {  	s2 =	sadd.s32 $0x22400, s7;
	s3 =	sadd.s32 $0xA800, s7;
	s6 =	sor.u32 s1, s5  }
0x7: {  	[sflag:s4] =	ssyncpa.u1 $0x0;
	s5 =	simm.s32 $0x2;
	s6 =	sshll.u32 s6, $0x7  }
0x8: {  	s7 =	sadd.s32 $0xE7C00, s7;
	[sflag:s5] =	ssyncpa.u1 $0x0;
	s8 =	sadd.s32 $0x80, s6  }
0x9: {  	vm0 =	vmmov $0xff;
	vm1 =	vcmask $0x3F20;
	[sflag:s9] =	ssyncpa.u1 $0x0;
	s9 =	simm.s32 $0x80;
	s11 =	smov.u32 s6  }
.LBB2_9:
0xa: {  	p0 =	seq.s32 s10, $0x2  }
.Ltmp1:
0xb: {  	_ = 	snop;
	(pc) =	sbr.rel @p0 .LBB2_11-.Ltmp1, $1  }
0xc: {  	_ =	sdelay $0x3  }
.LBB2_10:
0xd: {  	s12 =	sadd.s32 $0x80, s11  }
0xe: {  	s13 =	smov.u32 s6;
	p0 =	slt.s32 s12, s8  }
0xf: {  	s13 =	smov.u32 @p0 s12  }
0x10: {  	s10 =	sadd.s32 $0x1, s10;
	s12 =	smov.u32 s11;
	s11 =	smov.u32 s13  }
.LBB2_1:
0x11: {  	p0 =	sne.s32 s10, $0x0  }
.Ltmp2:
0x12: {  	_ = 	snop;
	(pc) =	sbr.rel @!p0 .LBB2_2-.Ltmp2, $1  }
0x13: {  	_ =	sdelay $0x3  }
0x14: {  	s13 =	sand.u32 $0x1, s10  }
0x15: {  	p0 =	seq.s32 s13, $0x0  }
.Ltmp3:
0x16: {  	_ = 	snop;
	(pc) =	sbr.rel @p0 .LBB2_9-.Ltmp3, $1  }
0x17: {  	_ =	sdelay $0x3  }
0x18: {  	_ =	swait.ge [sflag:s5], $0x80  }
0x19: {  	[sflag:s5] =	ssyncset.done $0x0  }
0x1a: {  	s13 =	simm.s32 $0x0;
	[sflag:s5] =	ssyncadd.s32 $0xFFFFFF80  }
0x1b: {  	v0 =	vld.msk [tilespmem:s13+$0x80 ss:$0x1], $0xffff;
	_ =	sdelay $0x4  }
0x1c: {  	vm2 =	vgt.s32 v0, $0x0  }
0x1d: {  	v0 =	vnsel vm2, $0x0, v0  }
0x1e: {  	v0 =	vmin.u32 v0, $0x277F  }
0x1f: {  	v0 =	vshll.u32 v0, $0x4;
	_ =	sdelay $0x3  }
0x20: {  	s13 =	simm.s32 $0x4100  }
0x21: {  	[tilespmem:s13], [sflag:$0x1] =	stream.indirect_vreg.gather [hbm:s2], $0x80, v0, vm0, $0x38;
	[tilespmem:$0x8100] =	vst v63  }
0x22: {  	s14 =	simm.s32 $0x4500;
	s31 =	simm.s32 $0x10  }
0x23: {  	[tilespmem:s14], [sflag:$0x1] =	stream.indirect_vreg.gather [hbm:s2], $0x80, v0, vm1, $0x38;
	[tilespmem:$0x8100] =	vst v63  }
0x24: {  	s14 =	simm.s32 $0x80;
	v0 =	vld.msk [tilespmem:s31+$0x80 ss:$0x1], $0xffff  }
.LBB2_5:
0x25: {  	p0 =	sne.s32 s14, $0x1C0;
	_ =	sdelay $0x4  }
0x26: {  	vm2 =	vgt.s32 v0, $0x0  }
0x27: {  	v0 =	vnsel vm2, $0x0, v0  }
0x28: {  	v0 =	vmin.u32 v0, $0x277F  }
0x29: {  	v0 =	vshll.u32 v0, $0x4;
	_ =	sdelay $0x3  }
.Ltmp4:
0x2a: {  	s13 =	sadd.s32 $0x800, s13;
	(pc) =	sbr.rel @p0 .LBB2_5-.Ltmp4, $4  }
0x2b: {  	[tilespmem:s13], [sflag:$0x1] =	stream.indirect_vreg.gather [hbm:s2], $0x80, v0, vm0, $0x38;
	[tilespmem:$0x8100] =	vst v63  }
0x2c: {  	s15 =	sshra.s32 s14, $0x2;
	s16 =	sadd.s32 $0x400, s13  }
0x2d: {  	[tilespmem:s16], [sflag:$0x1] =	stream.indirect_vreg.gather [hbm:s2], $0x80, v0, vm1, $0x38;
	[tilespmem:$0x8100] =	vst v63  }
0x2e: {  	s14 =	sadd.s32 $0x40, s14;
	v0 =	vld.msk [tilespmem:s15+$0x80 ss:$0x1], $0xffff  }
0x2f: {  	_ =	sdelay $0x3  }
0x30: {  	vm2 =	vgt.s32 v0, $0x0  }
0x31: {  	v0 =	vnsel vm2, $0x0, v0  }
0x32: {  	v0 =	vmin.u32 v0, $0x277F  }
0x33: {  	v0 =	vshll.u32 v0, $0x4;
	_ =	sdelay $0x3  }
0x34: {  	s13 =	sadd.s32 $0x800, s13  }
0x35: {  	[tilespmem:s13], [sflag:$0x1] =	stream.indirect_vreg.gather [hbm:s2], $0x80, v0, vm0, $0x38;
	[tilespmem:$0x8100] =	vst v63  }
0x36: {  	s13 =	sadd.s32 $0x400, s13  }
0x37: {  	[tilespmem:s13], [sflag:$0x1] =	stream.indirect_vreg.gather [hbm:s2], $0x80, v0, vm1, $0x38;
	[tilespmem:$0x8100] =	vst v63  }
0x38: {  	s12 =	sshll.u32 s12, $0x4;
	s14 =	simm.s32 $0x80;
	_ =	swait.ge [sflag:s4], $0x4000  }
0x39: {  	s15 =	simm.s32 $0x4500;
	s12 =	sadd.s32 s12, s7;
	[sflag:s4] =	ssyncset.done $0x0  }
0x3a: {  	s16 =	sadd.s32 $0x0, s12;
	s13 =	simm.s32 $0x4100;
	[sflag:s4] =	ssyncadd.s32 $0xFFFFC000  }
.LBB2_7:
0x3b: {  	[hbm:s16] =	stream.linear.scatter [tilespmem:s13], [sflag:$0x3], $0x400, $0x38;
	[tilespmem:$0x8100] =	vst v63  }
0x3c: {  	s16 =	smov.u32 s14;
	s13 =	smov.u32 s15;
	p0 =	sne.s32 s14, $0x780  }
.Ltmp5:
0x3d: {  	s14 =	sadd.s32 $0x80, s14;
	(pc) =	sbr.rel @p0 .LBB2_7-.Ltmp5, $2  }
0x3e: {  	_ =	sdelay $0x2  }
0x3f: {  	s15 =	sadd.s32 $0x400, s15;
	s16 =	sadd.s32 s16, s12  }
.Ltmp6:
0x40: {  	(pc) =	sbr.rel .LBB2_9-.Ltmp6, $2  }
0x41: {  	_ =	sdelay $0x2  }
0x42: {  	[hbm:s16] =	stream.linear.scatter [tilespmem:s13], [sflag:$0x3], $0x400, $0x38;
	[tilespmem:$0x8100] =	vst v63  }
.LBB2_2:
.Ltmp7:
0x43: {  	(pc) =	sbr.rel .LBB2_10-.Ltmp7, $4  }
0x44: {  	_ = 	snop  }
0x45: {  	s12 =	sshrl.u32 s11, $0x3  }
0x46: {  	s13 =	sand.u32 $0x7, s11;
	s12 =	sadd.s32 s3, s12  }
0x47: {  	[tilespmem:s9], [sflag:$0x2] =	stream.linear.gather [hbm4b:s12+s13], $0x80, $0x38;
	[tilespmem:$0x8100] =	vst v63  }
.LBB2_11:
0x48: {  	s2 =	simm.s32 $0x3  }
0x49: {  	_ =	swait.ge [sflag:s2], $0x4000  }
0x4a: {  	[sflag:s2] =	ssyncset.done $0x0  }
0x4b: {  	[sflag:s2] =	ssyncadd.s32 $0xFFFFC000  }
0x4c: {  	_ =	sfence.sel $0x180000  }
0x4d: {  	s3 =	simm.s32 $0x2;
	[bflag:$0x0] =	sbarrier.arrive $0xFFFF  }
0x4e: {  	[sflag:s3] =	ssyncpa.u1 $0x1  }
0x4f: {  	s31 =	simm.s32 $0x1;
	[sflag:s2] =	ssyncpa.u1 $0x1  }
0x50: {  	[sflag:s31] =	ssyncpa.u1 $0x1  }
0x51: {  	p0 =	sne.s32 s1, $0x0;
	_ =	strace $0x90000062  }
0x52: {  	s0 =	sadd.s32 @!p0 $0x100000, s0;
	[bflag:$0x2] =	sbarrier.arrive $0xFFFF  }
0x53: {  	[sflag:s0] =	ssyncadd.tile.s32 @!p0 $0x1;
	_ =	shalt  }
.Lfunc_end2:
_tile_overlayer_lowered:
.L_overlay_start_2:
0x54: {  	(tag) =	ssettag $0x2  }
0x55: {  	s0 =	rddreg [dreg:$0x0];
	s2 =	stileid.u32  }
0x56: {  	s1 =	rddreg [dreg:$0x1];
	p0 =	sne.s32 s2, $0x0  }
0x57: {  	s3 =	rddreg [dreg:$0x2];
	[bflag:$0x3] =	sbarrier.arrive $0xFFFF;
	s2 =	simm.s32 @!p0 $0x1C01  }
0x58: {  	[timem:s3], [sflag:s2] =	dma.local @!p0 [hbm:s0], s1  }
0x59: {  	s0 =	simm.s32 @!p0 $0x1  }
0x5a: {  	_ =	swait.ge @!p0 [sflag:s0], s1  }
0x5b: {  	s1 =	ssub.s32 @!p0 $0x0, s1;
	[sflag:s0] =	ssyncset.done @!p0 $0x0  }
0x5c: {  	[sflag:s0] =	ssyncadd.s32 @!p0 s1  }
0x5d: {  	[bflag:$0x3] =	sbarrier.arrive $0xFFFF  }
0x5e: {  	_ =	shalt  }

// kernel: gather_offload_async_start
scs
__scs_entry_jumppad:
0x0: {  	(pc) =	sbr.rel $0x88, $3  }
0x1: {  	(tag) =	ssettag $0x0;
	lr =	simm.s32 $0x1  }
0x2: {  	[smem:$0x3F8F] =	sst lr;
	_ =	strace $0xD0000000  }
0x3: {  	_ = 	snop  }
0x4: {  	_ = 	snop  }
0x5: {  	_ = 	snop  }
0x6: {  	_ = 	snop  }
0x7: {  	_ = 	snop  }
__scs_overlays_trampoline_lowered:
0x8: {  	[smem:$0x3F9E] =	sst s0  }
0x9: {  	[smem:$0x3F9F] =	sst s1  }
0xa: {  	[smem:$0x3FA0] =	sst s2  }
0xb: {  	[smem:$0x3FA1] =	sst s3  }
0xc: {  	[smem:$0x3FA2] =	sst s4  }
0xd: {  	[smem:$0x3FA3] =	sst s5  }
0xe: {  	[smem:$0x3FA4] =	sst s6  }
0xf: {  	[smem:$0x3FA5] =	sst s7  }
0x10: {  	[smem:$0x3FA6] =	sst s8  }
0x11: {  	[smem:$0x3FA7] =	sst s9;
	s0 =	simm.s32 @!p0 $0x0  }
0x12: {  	s1 =	sld [smem:$0x3F8D];
	s0 =	simm.s32 @p0 $0x1  }
0x13: {  	[smem:$0x3FA8] =	sst s0;
	s0 =	simm.s32 @!p1 $0x0  }
0x14: {  	s2 =	sld [smem:$0x3F8C];
	s0 =	simm.s32 @p1 $0x1  }
0x15: {  	[smem:$0x3FA9] =	sst s0;
	s0 =	simm.s32 @!p2 $0x0  }
0x16: {  	s3 =	sld [smem:$0x3FDB];
	s0 =	simm.s32 @p2 $0x1  }
0x17: {  	s4 =	simm.s32 $0x1BF5;
	[smem:$0x3FAB] =	sst s0  }
0x18: {  	s0 =	sld [smem:$0x3F8E];
	_ =	swait.ge [sflag:s4], $0x0  }
0x19: {  	s7 =	sld [smem:$0x3F8F]  }
0x1a: {  	s8 =	sadd.s32 $0xFFFFE003, lr  }
0x1b: {  	s9 =	sadd.s32 $0xFFFFFEF7, lr;
	s5 =	simm.s32 $0xFFFFFFFF;
	p2 =	slt.u32 s8, $0xFFFFF086  }
0x1c: {  	p1 =	slt.u32 s9, $0xF7A;
	s5 =	simm.s32 @!p2 $0x0  }
0x1d: {  	s5 =	simm.s32 @p1 $0x1;
	p0 =	seq.s32 s7, s2  }
0x1e: {  	s7 =	smul.u32 @!p0 $0xF7A, s2;
	p2 =	seq.s32 @!p0 s5, $0x0  }
0x1f: {  	s9 =	smul.u32 $0xF7A, s1;
	s8 =	simm.s32 @!p0 $0x1BF5;
	p2 =	por !p2, p0  }
0x20: {  	[sflag:s8] =	ssyncset.s32 @!p0 $0xFFFFF086;
	s6 =	sadd.s32 @!p0 s3, s7;
	s7 =	simm.s32 @!p0 $0x108  }
0x21: {  	s3 =	sadd.s32 s3, s9;
	s6 =	sadd.s32 @!p0 $0x88, s6;
	s7 =	simm.s32 @p2 $0x1082  }
0x22: {  	[simem:s7], [sflag:s8] =	dma.local @!p0 [hbm:s6], $0xF7A  }
0x23: {  	s9 =	sor.u32 $0xD0000000, s2;
	s6 =	simm.s32 $0x108;
	_ =	swait.ge @!p0 [sflag:s8], $0x0  }
0x24: {  	s3 =	sadd.s32 $0x88, s3;
	s6 =	simm.s32 @!p1 $0x1082;
	[sflag:s4] =	ssyncset.s32 $0xFFFFF086  }
0x25: {  	[simem:s6], [sflag:s4] =	dma.local [hbm:s3], $0xF7A  }
0x26: {  	[smem:$0x3F8F] =	sst s1;
	(tag) =	ssettag s2;
	_ =	strace s9  }
0x27: {  	s1 =	sld [smem:$0x3F9F]  }
0x28: {  	s2 =	sld [smem:$0x3FA0]  }
0x29: {  	s4 =	sld [smem:$0x3FA2]  }
0x2a: {  	p0 =	seq.s32 s5, $0x0;
	s5 =	sld [smem:$0x3FA3]  }
0x2b: {  	s6 =	sld [smem:$0x3FA4]  }
0x2c: {  	s7 =	sld [smem:$0x3FA5]  }
0x2d: {  	s3 =	simm.s32 $0x108;
	s8 =	sld [smem:$0x3FA6]  }
0x2e: {  	s3 =	simm.s32 @!p0 $0x1082;
	s9 =	sld [smem:$0x3FA7]  }
0x2f: {  	lr =	sadd.s32 s0, s3;
	s0 =	sld [smem:$0x3F9E]  }
0x30: {  	s3 =	sld [smem:$0x3FA1]  }
0x31: {  	[smem:$0x3FAA] =	sst s10  }
0x32: {  	s10 =	sld [smem:$0x3FA8];
	_ =	sdelay $0x3  }
0x33: {  	p0 =	seq.s32 s10, $0x1;
	s10 =	sld [smem:$0x3FAA];
	_ =	sdelay $0x3  }
0x34: {  	[smem:$0x3FAA] =	sst s10  }
0x35: {  	s10 =	sld [smem:$0x3FA9];
	_ =	sdelay $0x3  }
0x36: {  	p1 =	seq.s32 s10, $0x1;
	s10 =	sld [smem:$0x3FAA];
	_ =	sdelay $0x3  }
0x37: {  	[smem:$0x3FAA] =	sst s10  }
0x38: {  	s10 =	sld [smem:$0x3FAB]  }
0x39: {  	_ = 	snop;
	(pc) =	sbr.ind lr, $3  }
0x3a: {  	_ = 	snop  }
0x3b: {  	_ = 	snop  }
0x3c: {  	p2 =	seq.s32 s10, $0x1;
	s10 =	sld [smem:$0x3FAA]  }
0x3d: {  	_ =	shalt  }
0x3e: {  	_ =	shalt  }
0x3f: {  	_ =	shalt  }
0x40: {  	_ =	shalt  }
0x41: {  	_ =	shalt  }
0x42: {  	_ =	shalt  }
0x43: {  	_ =	shalt  }
0x44: {  	_ =	shalt  }
0x45: {  	_ =	shalt  }
0x46: {  	_ =	shalt  }
0x47: {  	_ =	shalt  }
0x48: {  	_ =	shalt  }
0x49: {  	_ =	shalt  }
0x4a: {  	_ =	shalt  }
0x4b: {  	_ =	shalt  }
0x4c: {  	_ =	shalt  }
0x4d: {  	_ =	shalt  }
0x4e: {  	_ =	shalt  }
0x4f: {  	_ =	shalt  }
0x50: {  	_ =	shalt  }
0x51: {  	_ =	shalt  }
0x52: {  	_ =	shalt  }
0x53: {  	_ =	shalt  }
0x54: {  	_ =	shalt  }
0x55: {  	_ =	shalt  }
0x56: {  	_ =	shalt  }
0x57: {  	_ =	shalt  }
0x58: {  	_ =	shalt  }
0x59: {  	_ =	shalt  }
0x5a: {  	_ =	shalt  }
0x5b: {  	_ =	shalt  }
0x5c: {  	_ =	shalt  }
0x5d: {  	_ =	shalt  }
0x5e: {  	_ =	shalt  }
0x5f: {  	_ =	shalt  }
0x60: {  	_ =	shalt  }
0x61: {  	_ =	shalt  }
0x62: {  	_ =	shalt  }
0x63: {  	_ =	shalt  }
0x64: {  	_ =	shalt  }
0x65: {  	_ =	shalt  }
0x66: {  	_ =	shalt  }
0x67: {  	_ =	shalt  }
0x68: {  	_ =	shalt  }
0x69: {  	_ =	shalt  }
0x6a: {  	_ =	shalt  }
0x6b: {  	_ =	shalt  }
0x6c: {  	_ =	shalt  }
0x6d: {  	_ =	shalt  }
0x6e: {  	_ =	shalt  }
0x6f: {  	_ =	shalt  }
0x70: {  	_ =	shalt  }
0x71: {  	_ =	shalt  }
0x72: {  	_ =	shalt  }
0x73: {  	_ =	shalt  }
0x74: {  	_ =	shalt  }
0x75: {  	_ =	shalt  }
0x76: {  	_ =	shalt  }
0x77: {  	_ =	shalt  }
0x78: {  	_ =	shalt  }
0x79: {  	_ =	shalt  }
0x7a: {  	_ =	shalt  }
0x7b: {  	_ =	shalt  }
0x7c: {  	_ =	shalt  }
0x7d: {  	_ =	shalt  }
0x7e: {  	_ =	shalt  }
0x7f: {  	_ =	shalt  }
0x80: {  	_ =	shalt  }
0x81: {  	_ =	shalt  }
0x82: {  	_ =	shalt  }
0x83: {  	_ =	shalt  }
0x84: {  	_ =	shalt  }
0x85: {  	_ =	shalt  }
0x86: {  	_ =	shalt  }
0x87: {  	_ =	shalt  }
.Lfunc_end0:
.L_simem_size_0:
called_computation.3_lowered:
.L_overlay_start_0:
0x88: {  	s2 =	sld [smem:$0x3FD9]  }
0x89: {  	s3 =	sld [smem:$0x3FFE];
	_ =	sdelay $0x1  }
0x8a: {  	s1 =	srdreg.scid  }
0x8b: {  	s0 =	sand.u32 $0x1, s1  }
0x8c: {  	s14 =	sshll.u32 s0, $0xA;
	s2 =	sadd.s32 s3, s2  }
0x8d: {  	s2 =	sadd.s32 s2, s14  }
0x8e: {  	[smem:$0x3FB6] =	sst s2  }
0x8f: {  	_ = 	snop  }
0x90: {  	s2 =	sld [smem:$0x3FD0];
	_ =	sdelay $0x2  }
0x91: {  	s15 =	simm.s32 $0xD;
	s4 =	simm.s32 $0x10  }
0x92: {  	[smem:s4], [sflag:s15] =	dma.local [hbm:s2], $0x1  }
0x93: {  	_ =	swait.eq [sflag:s15], $0x1  }
0x94: {  	[sflag:s15] =	ssyncset.done $0x0  }
0x95: {  	[sflag:s15] =	ssyncadd.s32 $0xFFFFFFFF  }
0x96: {  	s16 =	sld [smem:$0x14];
	(tm) =	ssettm $0x1  }
0x97: {  	s17 =	sld [smem:$0x3FFB];
	_ =	sdelay $0x3  }
0x98: {  	_ =	strace s17  }
0x99: {  	s3 =	sld [smem:$0x3FFC];
	_ =	sdelay $0x3  }
0x9a: {  	_ =	strace s3  }
0x9b: {  	s3 =	sld [smem:$0x3FFD];
	_ =	sdelay $0x3  }
0x9c: {  	_ =	strace s3  }
0x9d: {  	_ =	strace $0x8FFFFFFF  }
0x9e: {  	s18 =	sld [smem:$0x3FDB];
	_ =	sdelay $0x1  }
0x9f: {  	s19 =	simm.s32 $_scs_section_size  }
0xa0: {  	s5 =	simm.s32 $_size__tile_overlayer_lowered;
	s6 =	simm.s32 $_tile_overlayer_lowered  }
0xa1: {  	s22 =	simm.s32 $0x1BFF;
	s21 =	sshll.u32 s6, $0x1;
	s3 =	sadd.s32 s19, s18  }
0xa2: {  	s7 =	simm.s32 $0x0;
	s20 =	sshll.u32 s5, $0x1;
	s5 =	sadd.s32 s21, s3  }
0xa3: {  	[timem:s7], [sflag:s22] =	dma.local [hbm:s5], s20  }
0xa4: {  	_ =	swait.ge [sflag:s22], s20  }
0xa5: {  	s4 =	ssub.s32 $0x0, s20;
	[sflag:s22] =	ssyncset.done $0x0  }
0xa6: {  	[sflag:s22] =	ssyncadd.s32 s4;
	_ =	sdelay $0x1  }
0xa7: {  	s23 =	simm.s32 $0x1B8B  }
0xa8: {  	_ =	swait.ge [sflag:s23], $0x1  }
0xa9: {  	[sflag:s23] =	ssyncset.done $0x0  }
0xaa: {  	s25 =	simm.s32 $0x1B8E;
	s24 =	sld [smem:$0x3FFE];
	[sflag:s23] =	ssyncadd.s32 $0xFFFFFFFF  }
0xab: {  	s26 =	simm.s32 $execute0_lowered;
	[smem:$0x3FD2] =	sst s25  }
0xac: {  	s5 =	sshll.u32 s26, $0x1;
	_ =	strace $0x8000006A;
	[dreg:$0x1] =	wrdreg $0xFFFFFFFF  }
0xad: {  	s28 =	simm.s32 $_size_execute0_lowered;
	s3 =	sadd.s32 s3, s5;
	[dreg:$0x0] =	wrdreg $0x0  }
0xae: {  	s5 =	sshll.u32 s28, $0x1;
	[dreg:$0x2] =	wrdreg s3  }
0xaf: {  	[dreg:$0x3] =	wrdreg s5  }
0xb0: {  	[dreg:$0x4] =	wrdreg $0xC0  }
0xb1: {  	_ =	task [dreg:s7], $0x5FFFF  }
0xb2: {  	[dreg:$0x1] =	wrdreg $0xFFFFFFFF  }
0xb3: {  	[dreg:$0x0] =	wrdreg $0x60  }
0xb4: {  	[dreg:$0x2] =	wrdreg s16  }
0xb5: {  	[dreg:$0x3] =	wrdreg s24  }
0xb6: {  	[dreg:$0x4] =	wrdreg $0x9  }
0xb7: {  	_ =	task.clear_ibuf [dreg:s7], $0x5FFFF;
	_ =	strace $0x9000006A  }
0xb8: {  	s29 =	simm.s32 $0x9;
	_ =	strace $0x8000006C  }
0xb9: {  	_ =	swait.ge [sflag:s29], $0x1  }
0xba: {  	[sflag:s29] =	ssyncadd.s32 $0xFFFFFFFF  }
0xbb: {  	_ =	strace $0x9000006C  }
0xbc: {  	_ =	sfence  }
0xbd: {  	s30 =	sld [smem:$0x0];
	_ =	sdelay $0x2  }
0xbe: {  	s31 =	sshll.u32 s1, $0xD;
	s1 =	sshrl.u32 s1, $0x2  }
0xbf: {  	s3 =	sand.u32 $0x4000, s31;
	s1 =	sadd.s32 s1, s30  }
0xc0: {  	s0 =	sor.u32 s3, s0;
	s1 =	sshll.u32 s1, $0x11  }
0xc1: {  	s0 =	sor.u32 s1, s0  }
0xc2: {  	s0 =	sadd.s32 $0x8F2B, s0  }
0xc3: {  	[sflag:s0] =	ssyncadd.remote.s32 $0x1  }
0xc4: {  	_ =	sfence.sel $0xFFFF  }
0xc5: {  	[dreg:$0x0] =	wrdreg $0xFFFFFFFF;
	(pc) =	sbr.abs _section_cstart, $3  }
0xc6: {  	[dreg:$0x1] =	wrdreg $0xFFFFFFFF  }
0xc7: {  	_ =	task.clear_ibuf [dreg:s7], $0x2FFFF;
	_ =	strace $0x9FFFFFFF  }
0xc8: {  	(tm) =	ssettm $0x7FFFFFFF  }
0xc9: {  	_ =	shalt  }
tec
execute0_lowered:
.L_overlay_start_1:
0x0: {  	(tag) =	ssettag $0x1  }
0x1: {  	s1 =	srdreg.scid;
	s2 =	rddreg [dreg:$0x0]  }
0x2: {  	s0 =	stileid.u32;
	s5 =	rddreg [dreg:$0x1];
	s6 =	simm.s32 $0x1  }
0x3: {  	s9 =	simm.s32 $0x1;
	s10 =	simm.s32 $0x3;
	s1 =	sshll.u32 s1, $0x6  }
0x4: {  	s13 =	simm.s32 $0x0;
	s3 =	sshll.u32 s0, $0x7;
	s4 =	sand.u32 $0x40, s1  }
0x5: {  	s12 =	simm.s32 $0x0;
	s1 =	rddreg [dreg:$0x2];
	s3 =	sor.u32 s3, s4  }
0x6: {  	_ =	strace $0x8000006B;
	s4 =	sadd.s32 $0xA400, s5;
	s8 =	ssub.s32 $0x1000, s3  }
.Ltmp0:
0x7: {  	s5 =	sadd.s32 $0xA800, s5;
	s7 =	sand.u32 $0x7C0, s8;
	(pc) =	sbr.rel .LBB2_1-.Ltmp0, $4  }
0x8: {  	[sflag:s6] =	ssyncpa.u1 $0x0;
	s11 =	smov.u32 s3;
	p0 =	sne.s32 s7, $0x0  }
0x9: {  	s8 =	sshrl.u32 s8, $0xB;
	s7 =	simm.s32 $0x2;
	s9 =	simm.s32 @!p0 $0x0  }
0xa: {  	[sflag:s7] =	ssyncpa.u1 $0x0;
	p0 =	por $0x0, $0x0;
	s8 =	sadd.s32 s9, s8  }
0xb: {  	vm0 =	vmmov $0xffff;
	[sflag:s10] =	ssyncpa.u1 $0x0;
	s10 =	simm.s32 $0x0;
	s9 =	sadd.s32 $0x1, s8  }
.LBB2_4:
0xc: {  	v2 =	vnsel vm1, $0x0, v2  }
0xd: {  	vm1 =	vgt.s32 v0, $0x0;
	v2 =	vmin.u32 v2, $0xFFF  }
0xe: {  	v0 =	vnsel vm1, $0x0, v0  }
0xf: {  	v0 =	vmin.u32 v0, $0xFFF  }
0x10: {  	[tilespmem:s15], [sflag:$0x1] =	stream.indirect_vreg.gather [hbm4b:s2+s10], $0x1, v1, vm0, $0x4038;
	[tilespmem:$0x100] =	vst v63  }
0x11: {  	(ifvalue) =	ssetifvalue $0x7FFFFFFF  }
0x12: {  	[tilespmem:s16], [sflag:$0x1] =	stream.indirect_vreg.gather [hbm4b:s2+s10], $0x1, v2, vm0, $0x4038;
	[tilespmem:$0x100] =	vst v63  }
0x13: {  	s29 =	sadd.s32 $0x10, s16;
	(ifvalue) =	ssetifvalue $0x7FFFFFFF  }
0x14: {  	[tilespmem:s29], [sflag:$0x1] =	stream.indirect_vreg.gather [hbm4b:s2+s10], $0x1, v0, vm0, $0x4038;
	[tilespmem:$0x100] =	vst v63  }
0x15: {  	_ =	swait.ge [sflag:s6], $0x40  }
0x16: {  	s30 =	sshrl.u32 s13, $0x3;
	[sflag:s6] =	ssyncset.done $0x0  }
0x17: {  	s31 =	sand.u32 $0x7, s13;
	s15 =	sadd.s32 s5, s30;
	[sflag:s6] =	ssyncadd.s32 $0xFFFFFFC0  }
0x18: {  	[hbm4b:s15+s31] =	stream.linear.scatter [tilespmem:s14], [sflag:$0x3], $0x40, $0x38;
	[tilespmem:$0x100] =	vst v63  }
.LBB2_5:
0x19: {  	s15 =	sadd.s32 $0x800, s11  }
0x1a: {  	p2 =	sgt.s32 s15, $0xFFF  }
0x1b: {  	s15 =	smov.u32 @p2 s3;
	p2 =	sne.s32 s12, s9  }
.Ltmp1:
0x1c: {  	p1 =	slt.u32 s12, $0x2;
	(pc) =	sbr.rel @!p2 .LBB2_6-.Ltmp1, $4  }
0x1d: {  	s14 =	simm.s32 @!p1 $0x3  }
0x1e: {  	s16 =	sadd.s32 $0x1, s12;
	_ =	swait.ge @!p1 [sflag:s14], $0x40  }
0x1f: {  	s13 =	smov.u32 s11;
	p0 =	por !p0, !p0;
	[sflag:s14] =	ssyncset.done @!p1 $0x0  }
0x20: {  	s12 =	smov.u32 s16;
	s11 =	smov.u32 s15;
	[sflag:s14] =	ssyncadd.s32 @!p1 $0xFFFFFFC0  }
.LBB2_1:
0x21: {  	p1 =	sge.u32 s12, s8  }
0x22: {  	s14 =	sxor.u32 @!p1 $0xFFFFFFFF, s12  }
0x23: {  	s31 =	sadd.s32 $0xFFFFFFFF, s12;
	s15 =	sshrl.u32 @!p1 s11, $0x3;
	s14 =	sshll.u32 @!p1 s14, $0x6  }
0x24: {  	s16 =	sand.u32 @!p1 $0x7, s11;
	s15 =	sadd.s32 @!p1 s4, s15;
	s14 =	sand.u32 @!p1 $0x40, s14  }
0x25: {  	[tilespmem:s14], [sflag:$0x2] =	stream.linear.gather @!p1 [hbm4b:s15+s16], $0x40, $0x38;
	[tilespmem:$0x100] =	vst v63  }
0x26: {  	p1 =	sge.u32 s31, s8  }
.Ltmp2:
0x27: {  	_ = 	snop;
	(pc) =	sbr.rel @p1 .LBB2_5-.Ltmp2, $1  }
0x28: {  	_ =	sdelay $0x3  }
0x29: {  	s14 =	simm.s32 $0x1  }
0x2a: {  	_ =	swait.ge [sflag:s7], $0x40;
	s14 =	simm.s32 @!p0 $0x0  }
0x2b: {  	[sflag:s7] =	ssyncset.done $0x0;
	s14 =	sshll.u32 s14, $0x6  }
0x2c: {  	[sflag:s7] =	ssyncadd.s32 $0xFFFFFFC0;
	(ifvalue) =	ssetifvalue $0x7FFFFFFF;
	v0 =	vld.msk [tilespmem:s14+$0x0 ss:$0x1], $0xffff;
	_ =	sdelay $0x4  }
0x2d: {  	s15 =	sadd.s32 $0x10, s14;
	vm1 =	vgt.s32 v0, $0x0  }
0x2e: {  	v2 =	vld.msk [tilespmem:s15+$0x0 ss:$0x1], $0xffff;
	v1 =	vnsel vm1, $0x0, v0  }
0x2f: {  	v1 =	vmin.u32 v1, $0xFFF;
	_ =	sdelay $0x1  }
0x30: {  	s16 =	sshll.u32 s12, $0x6;
	s18 =	simm.s32 $0x20  }
0x31: {  	s16 =	sand.u32 $0x40, s16;
	s17 =	sadd.s32 $0x10, s15;
	s15 =	sor.u32 $0x80, s14  }
0x32: {  	s14 =	sor.u32 $0x80, s16;
	s16 =	sadd.s32 $0x10, s15;
	v0 =	vld.msk [tilespmem:s17+$0x0 ss:$0x1], $0xffff;
	vm1 =	vgt.s32 v2, $0x0;
	(ifvalue) =	ssetifvalue $0x7FFFFFFF  }
.LBB2_3:
0x33: {  	[tilespmem:s15], [sflag:$0x1] =	stream.indirect_vreg.gather [hbm4b:s2+s10], $0x1, v1, vm0, $0x4038;
	[tilespmem:$0x100] =	vst v63  }
0x34: {  	s18 =	sadd.s32 $0x10, s18  }
0x35: {  	v2 =	vnsel vm1, $0x0, v2;
	p1 =	slt.u32 s18, $0x30  }
.Ltmp3:
0x36: {  	s15 =	smov.u32 s16;
	v1 =	vmin.u32 v2, $0xFFF;
	(pc) =	sbr.rel @p1 .LBB2_3-.Ltmp3, $3  }
0x37: {  	_ =	sdelay $0x1  }
0x38: {  	s17 =	sadd.s32 $0x10, s17  }
0x39: {  	vm1 =	vgt.s32 v0, $0x0;
	s16 =	sadd.s32 $0x10, s16;
	v2 =	vmov v0;
	(ifvalue) =	ssetifvalue $0x7FFFFFFF;
	v0 =	vld.msk [tilespmem:s17+$0x0 ss:$0x1], $0xffff  }
.Ltmp4:
0x3a: {  	_ = 	snop;
	(pc) =	sbr.rel .LBB2_4-.Ltmp4, $1  }
0x3b: {  	_ =	sdelay $0x3  }
.LBB2_6:
0x3c: {  	_ =	sfence.sel $0x180000  }
0x3d: {  	s2 =	simm.s32 $0x2;
	[bflag:$0x0] =	sbarrier.arrive $0xFFFF  }
0x3e: {  	s30 =	simm.s32 $0x3;
	[sflag:s2] =	ssyncpa.u1 $0x1  }
0x3f: {  	s31 =	simm.s32 $0x1;
	[sflag:s30] =	ssyncpa.u1 $0x1  }
0x40: {  	[sflag:s31] =	ssyncpa.u1 $0x1  }
0x41: {  	p0 =	sne.s32 s0, $0x0;
	_ =	strace $0x9000006B  }
0x42: {  	s0 =	sadd.s32 @!p0 $0x100000, s1;
	[bflag:$0x2] =	sbarrier.arrive $0xFFFF  }
0x43: {  	[sflag:s0] =	ssyncadd.tile.s32 @!p0 $0x1;
	_ =	shalt  }
.Lfunc_end2:
_tile_overlayer_lowered:
.L_overlay_start_2:
0x44: {  	(tag) =	ssettag $0x2  }
0x45: {  	s0 =	rddreg [dreg:$0x0];
	s2 =	stileid.u32  }
0x46: {  	s1 =	rddreg [dreg:$0x1];
	p0 =	sne.s32 s2, $0x0  }
0x47: {  	s3 =	rddreg [dreg:$0x2];
	[bflag:$0x3] =	sbarrier.arrive $0xFFFF;
	s2 =	simm.s32 @!p0 $0x1C01  }
0x48: {  	[timem:s3], [sflag:s2] =	dma.local @!p0 [hbm:s0], s1  }
0x49: {  	s0 =	simm.s32 @!p0 $0x1  }
0x4a: {  	_ =	swait.ge @!p0 [sflag:s0], s1  }
0x4b: {  	s1 =	ssub.s32 @!p0 $0x0, s1;
	[sflag:s0] =	ssyncset.done @!p0 $0x0  }
0x4c: {  	[sflag:s0] =	ssyncadd.s32 @!p0 s1  }
0x4d: {  	[bflag:$0x3] =	sbarrier.arrive $0xFFFF  }
0x4e: {  	_ =	shalt  }

// kernel: kernel.12.cloned.1.call-start
scs
__scs_entry_jumppad:
0x0: {  	(pc) =	sbr.rel $0x88, $3  }
0x1: {  	(tag) =	ssettag $0x0;
	lr =	simm.s32 $0x1  }
0x2: {  	[smem:$0x3F8F] =	sst lr;
	_ =	strace $0xD0000000  }
0x3: {  	_ = 	snop  }
0x4: {  	_ = 	snop  }
0x5: {  	_ = 	snop  }
0x6: {  	_ = 	snop  }
0x7: {  	_ = 	snop  }
__scs_overlays_trampoline_lowered:
0x8: {  	[smem:$0x3F9E] =	sst s0  }
0x9: {  	[smem:$0x3F9F] =	sst s1  }
0xa: {  	[smem:$0x3FA0] =	sst s2  }
0xb: {  	[smem:$0x3FA1] =	sst s3  }
0xc: {  	[smem:$0x3FA2] =	sst s4  }
0xd: {  	[smem:$0x3FA3] =	sst s5  }
0xe: {  	[smem:$0x3FA4] =	sst s6  }
0xf: {  	[smem:$0x3FA5] =	sst s7  }
0x10: {  	[smem:$0x3FA6] =	sst s8  }
0x11: {  	[smem:$0x3FA7] =	sst s9;
	s0 =	simm.s32 @!p0 $0x0  }
0x12: {  	s1 =	sld [smem:$0x3F8D];
	s0 =	simm.s32 @p0 $0x1  }
0x13: {  	[smem:$0x3FA8] =	sst s0;
	s0 =	simm.s32 @!p1 $0x0  }
0x14: {  	s2 =	sld [smem:$0x3F8C];
	s0 =	simm.s32 @p1 $0x1  }
0x15: {  	[smem:$0x3FA9] =	sst s0;
	s0 =	simm.s32 @!p2 $0x0  }
0x16: {  	s3 =	sld [smem:$0x3FDB];
	s0 =	simm.s32 @p2 $0x1  }
0x17: {  	s4 =	simm.s32 $0x1BF5;
	[smem:$0x3FAB] =	sst s0  }
0x18: {  	s0 =	sld [smem:$0x3F8E];
	_ =	swait.ge [sflag:s4], $0x0  }
0x19: {  	s7 =	sld [smem:$0x3F8F]  }
0x1a: {  	s8 =	sadd.s32 $0xFFFFE003, lr  }
0x1b: {  	s9 =	sadd.s32 $0xFFFFFEF7, lr;
	s5 =	simm.s32 $0xFFFFFFFF;
	p2 =	slt.u32 s8, $0xFFFFF086  }
0x1c: {  	p1 =	slt.u32 s9, $0xF7A;
	s5 =	simm.s32 @!p2 $0x0  }
0x1d: {  	s5 =	simm.s32 @p1 $0x1;
	p0 =	seq.s32 s7, s2  }
0x1e: {  	s7 =	smul.u32 @!p0 $0xF7A, s2;
	p2 =	seq.s32 @!p0 s5, $0x0  }
0x1f: {  	s9 =	smul.u32 $0xF7A, s1;
	s8 =	simm.s32 @!p0 $0x1BF5;
	p2 =	por !p2, p0  }
0x20: {  	[sflag:s8] =	ssyncset.s32 @!p0 $0xFFFFF086;
	s6 =	sadd.s32 @!p0 s3, s7;
	s7 =	simm.s32 @!p0 $0x108  }
0x21: {  	s3 =	sadd.s32 s3, s9;
	s6 =	sadd.s32 @!p0 $0x88, s6;
	s7 =	simm.s32 @p2 $0x1082  }
0x22: {  	[simem:s7], [sflag:s8] =	dma.local @!p0 [hbm:s6], $0xF7A  }
0x23: {  	s9 =	sor.u32 $0xD0000000, s2;
	s6 =	simm.s32 $0x108;
	_ =	swait.ge @!p0 [sflag:s8], $0x0  }
0x24: {  	s3 =	sadd.s32 $0x88, s3;
	s6 =	simm.s32 @!p1 $0x1082;
	[sflag:s4] =	ssyncset.s32 $0xFFFFF086  }
0x25: {  	[simem:s6], [sflag:s4] =	dma.local [hbm:s3], $0xF7A  }
0x26: {  	[smem:$0x3F8F] =	sst s1;
	(tag) =	ssettag s2;
	_ =	strace s9  }
0x27: {  	s1 =	sld [smem:$0x3F9F]  }
0x28: {  	s2 =	sld [smem:$0x3FA0]  }
0x29: {  	s4 =	sld [smem:$0x3FA2]  }
0x2a: {  	p0 =	seq.s32 s5, $0x0;
	s5 =	sld [smem:$0x3FA3]  }
0x2b: {  	s6 =	sld [smem:$0x3FA4]  }
0x2c: {  	s7 =	sld [smem:$0x3FA5]  }
0x2d: {  	s3 =	simm.s32 $0x108;
	s8 =	sld [smem:$0x3FA6]  }
0x2e: {  	s3 =	simm.s32 @!p0 $0x1082;
	s9 =	sld [smem:$0x3FA7]  }
0x2f: {  	lr =	sadd.s32 s0, s3;
	s0 =	sld [smem:$0x3F9E]  }
0x30: {  	s3 =	sld [smem:$0x3FA1]  }
0x31: {  	[smem:$0x3FAA] =	sst s10  }
0x32: {  	s10 =	sld [smem:$0x3FA8];
	_ =	sdelay $0x3  }
0x33: {  	p0 =	seq.s32 s10, $0x1;
	s10 =	sld [smem:$0x3FAA];
	_ =	sdelay $0x3  }
0x34: {  	[smem:$0x3FAA] =	sst s10  }
0x35: {  	s10 =	sld [smem:$0x3FA9];
	_ =	sdelay $0x3  }
0x36: {  	p1 =	seq.s32 s10, $0x1;
	s10 =	sld [smem:$0x3FAA];
	_ =	sdelay $0x3  }
0x37: {  	[smem:$0x3FAA] =	sst s10  }
0x38: {  	s10 =	sld [smem:$0x3FAB]  }
0x39: {  	_ = 	snop;
	(pc) =	sbr.ind lr, $3  }
0x3a: {  	_ = 	snop  }
0x3b: {  	_ = 	snop  }
0x3c: {  	p2 =	seq.s32 s10, $0x1;
	s10 =	sld [smem:$0x3FAA]  }
0x3d: {  	_ =	shalt  }
0x3e: {  	_ =	shalt  }
0x3f: {  	_ =	shalt  }
0x40: {  	_ =	shalt  }
0x41: {  	_ =	shalt  }
0x42: {  	_ =	shalt  }
0x43: {  	_ =	shalt  }
0x44: {  	_ =	shalt  }
0x45: {  	_ =	shalt  }
0x46: {  	_ =	shalt  }
0x47: {  	_ =	shalt  }
0x48: {  	_ =	shalt  }
0x49: {  	_ =	shalt  }
0x4a: {  	_ =	shalt  }
0x4b: {  	_ =	shalt  }
0x4c: {  	_ =	shalt  }
0x4d: {  	_ =	shalt  }
0x4e: {  	_ =	shalt  }
0x4f: {  	_ =	shalt  }
0x50: {  	_ =	shalt  }
0x51: {  	_ =	shalt  }
0x52: {  	_ =	shalt  }
0x53: {  	_ =	shalt  }
0x54: {  	_ =	shalt  }
0x55: {  	_ =	shalt  }
0x56: {  	_ =	shalt  }
0x57: {  	_ =	shalt  }
0x58: {  	_ =	shalt  }
0x59: {  	_ =	shalt  }
0x5a: {  	_ =	shalt  }
0x5b: {  	_ =	shalt  }
0x5c: {  	_ =	shalt  }
0x5d: {  	_ =	shalt  }
0x5e: {  	_ =	shalt  }
0x5f: {  	_ =	shalt  }
0x60: {  	_ =	shalt  }
0x61: {  	_ =	shalt  }
0x62: {  	_ =	shalt  }
0x63: {  	_ =	shalt  }
0x64: {  	_ =	shalt  }
0x65: {  	_ =	shalt  }
0x66: {  	_ =	shalt  }
0x67: {  	_ =	shalt  }
0x68: {  	_ =	shalt  }
0x69: {  	_ =	shalt  }
0x6a: {  	_ =	shalt  }
0x6b: {  	_ =	shalt  }
0x6c: {  	_ =	shalt  }
0x6d: {  	_ =	shalt  }
0x6e: {  	_ =	shalt  }
0x6f: {  	_ =	shalt  }
0x70: {  	_ =	shalt  }
0x71: {  	_ =	shalt  }
0x72: {  	_ =	shalt  }
0x73: {  	_ =	shalt  }
0x74: {  	_ =	shalt  }
0x75: {  	_ =	shalt  }
0x76: {  	_ =	shalt  }
0x77: {  	_ =	shalt  }
0x78: {  	_ =	shalt  }
0x79: {  	_ =	shalt  }
0x7a: {  	_ =	shalt  }
0x7b: {  	_ =	shalt  }
0x7c: {  	_ =	shalt  }
0x7d: {  	_ =	shalt  }
0x7e: {  	_ =	shalt  }
0x7f: {  	_ =	shalt  }
0x80: {  	_ =	shalt  }
0x81: {  	_ =	shalt  }
0x82: {  	_ =	shalt  }
0x83: {  	_ =	shalt  }
0x84: {  	_ =	shalt  }
0x85: {  	_ =	shalt  }
0x86: {  	_ =	shalt  }
0x87: {  	_ =	shalt  }
.Lfunc_end0:
.L_simem_size_0:
called_computation.11_lowered:
.L_overlay_start_0:
0x88: {  	s2 =	sld [smem:$0x3FD9]  }
0x89: {  	s3 =	sld [smem:$0x3FFE];
	_ =	sdelay $0x1  }
0x8a: {  	s1 =	srdreg.scid  }
0x8b: {  	s0 =	sand.u32 $0x1, s1  }
0x8c: {  	s14 =	sshll.u32 s0, $0xA;
	s2 =	sadd.s32 s3, s2  }
0x8d: {  	s2 =	sadd.s32 s2, s14  }
0x8e: {  	[smem:$0x3FB6] =	sst s2  }
0x8f: {  	_ = 	snop  }
0x90: {  	s2 =	sld [smem:$0x3FD0];
	_ =	sdelay $0x2  }
0x91: {  	s15 =	simm.s32 $0xD;
	s4 =	simm.s32 $0x10  }
0x92: {  	[smem:s4], [sflag:s15] =	dma.local [hbm:s2], $0x1  }
0x93: {  	_ =	swait.eq [sflag:s15], $0x1  }
0x94: {  	[sflag:s15] =	ssyncset.done $0x0  }
0x95: {  	[sflag:s15] =	ssyncadd.s32 $0xFFFFFFFF  }
0x96: {  	s16 =	sld [smem:$0x10];
	(tm) =	ssettm $0x1  }
0x97: {  	s17 =	sld [smem:$0x3FFB];
	_ =	sdelay $0x3  }
0x98: {  	_ =	strace s17  }
0x99: {  	s3 =	sld [smem:$0x3FFC];
	_ =	sdelay $0x3  }
0x9a: {  	_ =	strace s3  }
0x9b: {  	s3 =	sld [smem:$0x3FFD];
	_ =	sdelay $0x3  }
0x9c: {  	_ =	strace s3  }
0x9d: {  	_ =	strace $0x8FFFFFFF  }
0x9e: {  	s18 =	sld [smem:$0x3FDB];
	_ =	sdelay $0x1  }
0x9f: {  	s19 =	simm.s32 $_scs_section_size  }
0xa0: {  	s5 =	simm.s32 $_size__tile_overlayer_lowered;
	s6 =	simm.s32 $_tile_overlayer_lowered  }
0xa1: {  	s22 =	simm.s32 $0x1BFF;
	s21 =	sshll.u32 s6, $0x1;
	s3 =	sadd.s32 s19, s18  }
0xa2: {  	s7 =	simm.s32 $0x0;
	s20 =	sshll.u32 s5, $0x1;
	s5 =	sadd.s32 s21, s3  }
0xa3: {  	[timem:s7], [sflag:s22] =	dma.local [hbm:s5], s20  }
0xa4: {  	_ =	swait.ge [sflag:s22], s20  }
0xa5: {  	s4 =	ssub.s32 $0x0, s20;
	[sflag:s22] =	ssyncset.done $0x0  }
0xa6: {  	[sflag:s22] =	ssyncadd.s32 s4;
	_ =	sdelay $0x1  }
0xa7: {  	s23 =	simm.s32 $0x1B8B  }
0xa8: {  	_ =	swait.ge [sflag:s23], $0x1  }
0xa9: {  	[sflag:s23] =	ssyncset.done $0x0  }
0xaa: {  	s25 =	simm.s32 $0x1B8E;
	s24 =	sld [smem:$0x3FFE];
	[sflag:s23] =	ssyncadd.s32 $0xFFFFFFFF  }
0xab: {  	s26 =	simm.s32 $execute0_lowered;
	[smem:$0x3FD2] =	sst s25  }
0xac: {  	s5 =	sshll.u32 s26, $0x1;
	_ =	strace $0x80000064;
	[dreg:$0x1] =	wrdreg $0xFFFFFFFF  }
0xad: {  	s28 =	simm.s32 $_size_execute0_lowered;
	s3 =	sadd.s32 s3, s5;
	[dreg:$0x0] =	wrdreg $0x0  }
0xae: {  	s5 =	sshll.u32 s28, $0x1;
	[dreg:$0x2] =	wrdreg s3  }
0xaf: {  	[dreg:$0x3] =	wrdreg s5  }
0xb0: {  	[dreg:$0x4] =	wrdreg $0xC0  }
0xb1: {  	_ =	task [dreg:s7], $0x5FFFF  }
0xb2: {  	[dreg:$0x1] =	wrdreg $0xFFFFFFFF  }
0xb3: {  	[dreg:$0x0] =	wrdreg $0x60  }
0xb4: {  	[dreg:$0x2] =	wrdreg s24  }
0xb5: {  	[dreg:$0x3] =	wrdreg s16  }
0xb6: {  	[dreg:$0x4] =	wrdreg $0xA9800  }
0xb7: {  	[dreg:$0x5] =	wrdreg $0x12D800  }
0xb8: {  	[dreg:$0x6] =	wrdreg $0x9  }
0xb9: {  	_ =	task.clear_ibuf [dreg:s7], $0x7FFFF;
	_ =	strace $0x90000064  }
0xba: {  	s29 =	simm.s32 $0x9;
	_ =	strace $0x80000066  }
0xbb: {  	_ =	swait.ge [sflag:s29], $0x1  }
0xbc: {  	[sflag:s29] =	ssyncadd.s32 $0xFFFFFFFF  }
0xbd: {  	_ =	strace $0x90000066  }
0xbe: {  	_ =	sfence  }
0xbf: {  	s30 =	sld [smem:$0x0];
	_ =	sdelay $0x2  }
0xc0: {  	s31 =	sshll.u32 s1, $0xD;
	s1 =	sshrl.u32 s1, $0x2  }
0xc1: {  	s3 =	sand.u32 $0x4000, s31;
	s1 =	sadd.s32 s1, s30  }
0xc2: {  	s0 =	sor.u32 s3, s0;
	s1 =	sshll.u32 s1, $0x11  }
0xc3: {  	s0 =	sor.u32 s1, s0  }
0xc4: {  	s0 =	sadd.s32 $0x8F2B, s0  }
0xc5: {  	[sflag:s0] =	ssyncadd.remote.s32 $0x1  }
0xc6: {  	_ =	sfence.sel $0xFFFF  }
0xc7: {  	[dreg:$0x0] =	wrdreg $0xFFFFFFFF;
	(pc) =	sbr.abs _section_cstart, $3  }
0xc8: {  	[dreg:$0x1] =	wrdreg $0xFFFFFFFF  }
0xc9: {  	_ =	task.clear_ibuf [dreg:s7], $0x2FFFF;
	_ =	strace $0x9FFFFFFF  }
0xca: {  	(tm) =	ssettm $0x7FFFFFFF  }
0xcb: {  	_ =	shalt  }
tec
execute0_lowered:
.L_overlay_start_1:
0x0: {  	(tag) =	ssettag $0x1  }
0x1: {  	s0 =	rddreg [dreg:$0x0]  }
0x2: {  	s2 =	rddreg [dreg:$0x2]  }
0x3: {  	s3 =	rddreg [dreg:$0x3];
	s1 =	simm.s32 $0x0  }
0x4: {  	s15 =	stileid.u32;
	s25 =	srdreg.scid;
	s17 =	simm.s32 $0x2  }
0x5: {  	s20 =	simm.s32 $0x1;
	s21 =	simm.s32 $0x80;
	s22 =	simm.s32 $0x40  }
0x6: {  	s23 =	simm.s32 $0x100;
	s24 =	simm.s32 $0x180;
	s28 =	simm.s32 $0x8180  }
0x7: {  	s29 =	simm.s32 $0x6180;
	s30 =	simm.s32 $0x0;
	[smem:$0x7FF] =	sst s1  }
0x8: {  	s6 =	sadd.s32 $0x3400, s0;
	s4 =	smul.u32 $0x1080, s15;
	s1 =	sand.u32 $0x1, s25  }
0x9: {  	s7 =	sadd.s32 $0xB800, s0;
	s8 =	sadd.s32 $0x49C00, s0;
	s9 =	sadd.s32 $0x22400, s0  }
0xa: {  	s10 =	sadd.s32 $0x98C00, s0;
	s14 =	smul.u32 $0x8400, s15;
	s13 =	sshll.u32 s15, $0x6  }
0xb: {  	s25 =	simm.s32 $0x2180;
	_ =	strace $0x80000065;
	s5 =	smul.u32 $0x10800, s1  }
0xc: {  	s11 =	ssub.s32 $0x2, s1;
	s13 =	sor.u32 $0x1C02, s13;
	s31 =	smul.u32 $0x2780, s1  }
0xd: {  	s19 =	smul.u32 $0x1080, s1;
	s12 =	sshrl.u32 s11, $0x1;
	s16 =	sadd.s32 s14, s2  }
0xe: {  	s18 =	sadd.s32 s14, s3;
	s5 =	sadd.s32 s4, s5;
	s4 =	sadd.s32 s4, s0  }
0xf: {  	s26 =	ssub.s32 s11, s12;
	s11 =	smul.u32 $0x1800, s15;
	s16 =	sshrl.u32 s16, $0x3  }
0x10: {  	vm0 =	vmmov $0xffff;
	s18 =	sshrl.u32 s18, $0x3;
	s0 =	sadd.s32 s5, s0;
	s12 =	sadd.s32 $0xE7C00, s4  }
0x11: {  	v0 =	vmov s1;
	v1 =	vmov s31;
	v2 =	vmov s19;
	s15 =	smax.u32 s26, $0x1;
	s26 =	simm.s32 $0x4180;
	s14 =	sadd.s32 $0xF8400, s0  }
.LBB2_1:
0x12: {  	[spmem:s16], [sflag:s13] =	dma.local [hbm:s12], $0x1080  }
0x13: {  	_ =	swait.ge [sflag:s17], $0x1080  }
0x14: {  	[sflag:s17] =	ssyncset.done $0x0  }
0x15: {  	[sflag:s17] =	ssyncadd.s32 $0xFFFFEF80  }
0x16: {  	[spmem:s18], [sflag:s13] =	dma.local [hbm:s12], $0x1080  }
0x17: {  	_ =	swait.ge [sflag:s17], $0x1080  }
0x18: {  	[sflag:s17] =	ssyncset.done $0x0  }
0x19: {  	[sflag:s17] =	ssyncadd.s32 $0xFFFFEF80  }
0x1a: {  	s1 =	simm.s32 $0x0;
	s4 =	simm.s32 $0xA180;
	s0 =	rddreg [dreg:$0x1]  }
0x1b: {  	[tilespmem:s4], [sflag:$0x1] =	stream.indirect_vreg.gather [hbm4b:s0+s1], $0x80, v0, vm0, $0xb8;
	[tilespmem:$0x1B180] =	vst v63  }
0x1c: {  	_ =	swait.ge [sflag:s20], $0x800  }
0x1d: {  	[sflag:s20] =	ssyncset.done $0x0  }
0x1e: {  	[sflag:s20] =	ssyncadd.s32 $0xFFFFF800  }
0x1f: {  	[bflag:$0x0] =	sbarrier.arrive $0xFFFF  }
0x20: {  	v3 =	vld [tilespmem:$0xA180]  }
0x21: {  	v4 =	vld [tilespmem:$0xA190]  }
0x22: {  	v5 =	vld [tilespmem:$0xA1A0]  }
0x23: {  	v6 =	vld [tilespmem:$0xA1B0]  }
0x24: {  	v7 =	vld [tilespmem:$0xA1C0]  }
0x25: {  	v8 =	vld [tilespmem:$0xA1D0]  }
0x26: {  	v9 =	vld [tilespmem:$0xA1E0]  }
0x27: {  	s31 =	simm.s32 $0x0;
	v10 =	vld [tilespmem:$0xA1F0]  }
.LBB2_2:
0x28: {  	s0 =	sshll.u32 s31, $0x6  }
0x29: {  	s0 =	sadd.s32 s11, s0  }
0x2a: {  	s0 =	sshrl.u32 s0, $0x3  }
0x2b: {  	s4 =	simm.s32 $0x0;
	s1 =	sadd.s32 s6, s0  }
0x2c: {  	[tilespmem:s4], [sflag:$0x2] =	stream.linear.gather [hbm4b:s1+s4], $0x40, $0x38;
	[tilespmem:$0x1B180] =	vst v63  }
0x2d: {  	_ =	swait.ge [sflag:s17], $0x40  }
0x2e: {  	[sflag:s17] =	ssyncset.done $0x0  }
0x2f: {  	s0 =	sadd.s32 s7, s0;
	[sflag:s17] =	ssyncadd.s32 $0xFFFFFFC0  }
0x30: {  	[tilespmem:s21], [sflag:$0x2] =	stream.linear.gather [hbm4b:s0+s4], $0x40, $0x38;
	[tilespmem:$0x1B180] =	vst v63  }
0x31: {  	_ =	swait.ge [sflag:s17], $0x40  }
0x32: {  	[sflag:s17] =	ssyncset.done $0x0  }
0x33: {  	[sflag:s17] =	ssyncadd.s32 $0xFFFFFFC0  }
0x34: {  	v11 =	vld [tilespmem:$0x0]  }
0x35: {  	v12 =	vld [tilespmem:$0x10]  }
0x36: {  	v13 =	vld [tilespmem:$0x20]  }
0x37: {  	v14 =	vld [tilespmem:$0x30];
	_ =	sdelay $0x1  }
0x38: {  	v11 =	vadd.s32 v1, v11  }
0x39: {  	[tilespmem:$0x100] =	vst v11;
	v11 =	vadd.s32 v1, v12  }
0x3a: {  	[tilespmem:$0x110] =	vst v11;
	v11 =	vadd.s32 v1, v13  }
0x3b: {  	[tilespmem:$0x120] =	vst v11;
	v11 =	vadd.s32 v1, v14  }
0x3c: {  	[tilespmem:$0x130] =	vst v11  }
0x3d: {  	[tilespmem:s24], [sflag:$0x1] =	stream.indirect.gather [hbm4b:s8+s22], $0x80, s23, s22, $0xb8;
	[tilespmem:$0x1B180] =	vst v63  }
0x3e: {  	_ =	swait.ge [sflag:s20], $0x2000  }
0x3f: {  	[sflag:s20] =	ssyncset.done $0x0  }
0x40: {  	[sflag:s20] =	ssyncadd.s32 $0xFFFFE000  }
0x41: {  	v11 =	vld [tilespmem:$0x80]  }
0x42: {  	v12 =	vld [tilespmem:$0x90]  }
0x43: {  	v13 =	vld [tilespmem:$0xA0]  }
0x44: {  	v14 =	vld [tilespmem:$0xB0];
	_ =	sdelay $0x1  }
0x45: {  	v11 =	vadd.s32 v2, v11  }
0x46: {  	[tilespmem:$0x100] =	vst v11;
	v11 =	vadd.s32 v2, v12  }
0x47: {  	[tilespmem:$0x110] =	vst v11;
	v11 =	vadd.s32 v2, v13  }
0x48: {  	[tilespmem:$0x120] =	vst v11;
	v11 =	vadd.s32 v2, v14  }
0x49: {  	[tilespmem:$0x130] =	vst v11  }
0x4a: {  	[tilespmem:s25], [sflag:$0x1] =	stream.indirect.gather [hbm4b:s9+s22], $0x80, s23, s22, $0xb8;
	[tilespmem:$0x1B180] =	vst v63  }
0x4b: {  	_ =	swait.ge [sflag:s20], $0x2000  }
0x4c: {  	[sflag:s20] =	ssyncset.done $0x0  }
0x4d: {  	s4 =	simm.s32 $0x0;
	[sflag:s20] =	ssyncadd.s32 $0xFFFFE000  }
0x4e: {  	v11 =	vld [tilespmem:s4+$0x1F0]  }
0x4f: {  	v12 =	vld [tilespmem:s4+$0x21F0]  }
0x50: {  	v13 =	vld [tilespmem:s4+$0x180]  }
0x51: {  	v14 =	vld [tilespmem:s4+$0x2180]  }
0x52: {  	v15 =	vld [tilespmem:s4+$0x190]  }
0x53: {  	v16 =	vld [tilespmem:s4+$0x2190]  }
0x54: {  	v17 =	vld [tilespmem:s4+$0x1A0];
	v11 =	vadd.f32 v12, v11  }
0x55: {  	v18 =	vld [tilespmem:s4+$0x1B0]  }
0x56: {  	v12 =	vld [tilespmem:s4+$0x21A0];
	v19 =	vmul.f32 $2.000000030e-01, v11  }
0x57: {  	v20 =	vld [tilespmem:s4+$0x21B0];
	v13 =	vadd.f32 v14, v13  }
0x58: {  	v22 =	vld [tilespmem:s4+$0x1D0];
	v11 =	vmax.f32 v11, v19  }
0x59: {  	v24 =	vld [tilespmem:s4+$0x21E0];
	v21 =	vmul.f32 $2.000000030e-01, v13;
	v11 =	vsub.f32 v11, v10  }
0x5a: {  	v14 =	vld [tilespmem:s4+$0x1C0];
	v15 =	vadd.f32 v16, v15  }
0x5b: {  	v19 =	vld [tilespmem:s4+$0x21C0];
	v13 =	vmax.f32 v13, v21;
	v12 =	vadd.f32 v12, v17;
	v11 =	vmul.f32 $1.442695020e+00, v11  }
0x5c: {  	s0 =	simm.s32 $0x80;
	v16 =	vld [tilespmem:s4+$0x21D0];
	v23 =	vmul.f32 $2.000000030e-01, v15;
	v13 =	vsub.f32 v13, v3  }
0x5d: {  	v62 =	vld [tilespmem:s0+$0x1B0];
	v17 =	vadd.f32 v20, v18;
	v20 =	vmul.f32 $2.000000030e-01, v12;
	(erf) = vpow2.f32 v11  }
0x5e: {  	v21 =	vld [tilespmem:s4+$0x1E0];
	v15 =	vmax.f32 v15, v23  }
0x5f: {  	v23 =	vld [tilespmem:s0+$0x180];
	v15 =	vsub.f32 v15, v4;
	v13 =	vmul.f32 $1.442695020e+00, v13;
	v12 =	vmax.f32 v12, v20  }
0x60: {  	v18 =	vld [tilespmem:s0+$0x21F0];
	v25 =	vmul.f32 $2.000000030e-01, v17;
	v14 =	vadd.f32 v19, v14;
	v12 =	vsub.f32 v12, v5  }
0x61: {  	v16 =	vadd.f32 v16, v22;
	v15 =	vmul.f32 $1.442695020e+00, v15;
	v11 =	vld [tilespmem:s0+$0x1F0];
	(erf) = vpow2.f32 v13  }
0x62: {  	v22 =	vld [tilespmem:s0+$0x21A0];
	v60 =	vmul.f32 $2.000000030e-01, v14;
	v12 =	vmul.f32 $1.442695020e+00, v12  }
0x63: {  	v61 =	vmul.f32 $2.000000030e-01, v16;
	v17 =	vmax.f32 v17, v25;
	v13 =	vld [tilespmem:s0+$0x2180]  }
0x64: {  	v19 =	vld [tilespmem:s0+$0x190];
	v17 =	vsub.f32 v17, v6;
	(erf) = vpow2.f32 v15;
	v14 =	vmax.f32 v14, v60  }
0x65: {  	v20 =	vld [tilespmem:s0+$0x2190];
	v21 =	vadd.f32 v24, v21;
	v16 =	vmax.f32 v16, v61;
	v14 =	vsub.f32 v14, v7  }
0x66: {  	v15 =	vld [tilespmem:s0+$0x1A0];
	v17 =	vmul.f32 $1.442695020e+00, v17;
	(erf) = vpow2.f32 v12;
	v11 =	vadd.f32 v18, v11;
	v12 =	vpop (erf)  }
0x67: {  	v26 =	vld [tilespmem:s0+$0x21B0];
	v18 =	vmul.f32 $2.000000030e-01, v21;
	[tilespmem:s4+$0x41F0] =	vst v12;
	v12 =	vmul.f32 $1.442695020e+00, v14;
	v14 =	vsub.f32 v16, v8  }
0x68: {  	(erf) = vpow2.f32 v17;
	v16 =	vadd.f32 v13, v23;
	v13 =	vmul.f32 $2.000000030e-01, v11  }
0x69: {  	v18 =	vmax.f32 v21, v18;
	(erf) = vpow2.f32 v12;
	v12 =	vmul.f32 $1.442695020e+00, v14  }
0x6a: {  	v19 =	vadd.f32 v20, v19;
	v21 =	vpop (erf);
	v17 =	vld [tilespmem:s0+$0x1C0];
	v14 =	vsub.f32 v18, v9  }
0x6b: {  	v23 =	vld [tilespmem:s0+$0x21C0];
	[tilespmem:s4+$0x4180] =	vst v21;
	v21 =	vadd.f32 v22, v15;
	v18 =	vmul.f32 $2.000000030e-01, v16;
	v13 =	vmax.f32 v11, v13  }
0x6c: {  	v20 =	vsub.f32 v13, v10;
	v14 =	vmul.f32 $1.442695020e+00, v14;
	(erf) = vpow2.f32 v12  }
0x6d: {  	v15 =	vmul.f32 $2.000000030e-01, v19;
	v11 =	vld [tilespmem:s0+$0x1D0];
	v22 =	vmul.f32 $2.000000030e-01, v21;
	v16 =	vmax.f32 v16, v18;
	v12 =	vpop (erf)  }
0x6e: {  	v13 =	vld [tilespmem:s0+$0x21D0];
	v18 =	vsub.f32 v16, v3;
	v20 =	vmul.f32 $1.442695020e+00, v20;
	(erf) = vpow2.f32 v14;
	[tilespmem:s4+$0x4190] =	vst v12  }
0x6f: {  	v16 =	vadd.f32 v26, v62;
	v14 =	vmax.f32 v19, v15;
	v63 =	vpop (erf);
	v12 =	vld [tilespmem:s0+$0x1E0]  }
0x70: {  	s1 =	simm.s32 $0x100;
	v18 =	vmul.f32 $1.442695020e+00, v18;
	v19 =	vsub.f32 v14, v4;
	(erf) = vpow2.f32 v20;
	v15 =	vld [tilespmem:s0+$0x21E0];
	[tilespmem:s4+$0x41A0] =	vst v63  }
0x71: {  	s5 =	simm.s32 $0x600;
	v21 =	vmax.f32 v21, v22;
	v17 =	vadd.f32 v23, v17;
	v20 =	vmul.f32 $2.000000030e-01, v16;
	v22 =	vpop (erf);
	v14 =	vld [tilespmem:s1+$0x1F0]  }
.LBB2_3:
0x72: {  	p0 =	sne.s32 s5, $0x7E00;
	v23 =	vld [tilespmem:s1+$0x21F0];
	v19 =	vmul.f32 $1.442695020e+00, v19;
	v21 =	vsub.f32 v21, v5;
	(erf) = vpow2.f32 v18;
	[tilespmem:s4+$0x41B0] =	vst v22  }
0x73: {  	v18 =	vld [tilespmem:s1+$0x180];
	v16 =	vmax.f32 v16, v20;
	v20 =	vmul.f32 $2.000000030e-01, v17;
	v11 =	vadd.f32 v13, v11;
	v13 =	vpop (erf)  }
0x74: {  	v22 =	vld [tilespmem:s1+$0x2180];
	v24 =	vmul.f32 $1.442695020e+00, v21;
	v16 =	vsub.f32 v16, v6;
	(erf) = vpow2.f32 v19;
	[tilespmem:s4+$0x41C0] =	vst v13  }
0x75: {  	v13 =	vld [tilespmem:s1+$0x190];
	v17 =	vmax.f32 v17, v20;
	v19 =	vmul.f32 $2.000000030e-01, v11;
	v12 =	vadd.f32 v15, v12;
	v15 =	vpop (erf)  }
0x76: {  	v20 =	vld [tilespmem:s1+$0x2190];
	v16 =	vmul.f32 $1.442695020e+00, v16;
	v17 =	vsub.f32 v17, v7;
	(erf) = vpow2.f32 v24;
	[tilespmem:s4+$0x41D0] =	vst v15  }
0x77: {  	v15 =	vld [tilespmem:s1+$0x1A0];
	v14 =	vadd.f32 v23, v14;
	v11 =	vmax.f32 v11, v19;
	v24 =	vmul.f32 $2.000000030e-01, v12;
	v21 =	vpop (erf)  }
0x78: {  	v23 =	vld [tilespmem:s1+$0x21A0];
	v17 =	vmul.f32 $1.442695020e+00, v17;
	v11 =	vsub.f32 v11, v8;
	(erf) = vpow2.f32 v16;
	[tilespmem:s4+$0x41E0] =	vst v21;
	s4 =	smov.u32 s0;
	s0 =	smov.u32 s1  }
0x79: {  	v16 =	vadd.f32 v22, v18;
	v18 =	vld [tilespmem:s0+$0x1B0];
	v21 =	vmul.f32 $2.000000030e-01, v14;
	v12 =	vmax.f32 v12, v24;
	v19 =	vpop (erf)  }
0x7a: {  	v22 =	vld [tilespmem:s0+$0x21B0];
	v11 =	vmul.f32 $1.442695020e+00, v11;
	v12 =	vsub.f32 v12, v9;
	[tilespmem:s4+$0x41F0] =	vst v19;
	(erf) = vpow2.f32 v17  }
0x7b: {  	v17 =	vmul.f32 $2.000000030e-01, v16;
	v19 =	vadd.f32 v20, v13;
	v24 =	vld [tilespmem:s0+$0x1C0];
	v13 =	vmax.f32 v14, v21;
	v14 =	vpop (erf)  }
0x7c: {  	v25 =	vld [tilespmem:s0+$0x21C0];
	v20 =	vsub.f32 v13, v10;
	[tilespmem:s4+$0x4180] =	vst v14;
	v12 =	vmul.f32 $1.442695020e+00, v12;
	(erf) = vpow2.f32 v11  }
.Ltmp0:
0x7d: {  	v13 =	vmax.f32 v16, v17;
	v14 =	vmul.f32 $2.000000030e-01, v19;
	v17 =	vadd.f32 v23, v15;
	v11 =	vld [tilespmem:s0+$0x1D0];
	v15 =	vpop (erf);
	(pc) =	sbr.rel @p0 .LBB2_3-.Ltmp0, $4  }
0x7e: {  	v21 =	vsub.f32 v13, v3;
	v13 =	vld [tilespmem:s0+$0x21D0];
	v20 =	vmul.f32 $1.442695020e+00, v20;
	[tilespmem:s4+$0x4190] =	vst v15;
	(erf) = vpow2.f32 v12  }
0x7f: {  	v14 =	vmax.f32 v19, v14;
	v23 =	vmul.f32 $2.000000030e-01, v17;
	v16 =	vadd.f32 v22, v18;
	v12 =	vld [tilespmem:s0+$0x1E0];
	v22 =	vpop (erf)  }
0x80: {  	s1 =	sshra.s32 s5, $0x2;
	v18 =	vmul.f32 $1.442695020e+00, v21;
	v19 =	vsub.f32 v14, v4;
	v15 =	vld [tilespmem:s0+$0x21E0];
	(erf) = vpow2.f32 v20;
	[tilespmem:s4+$0x41A0] =	vst v22  }
0x81: {  	s5 =	sadd.s32 $0x200, s5;
	v14 =	vld [tilespmem:s1+$0x1F0];
	v21 =	vmax.f32 v17, v23;
	v20 =	vmul.f32 $2.000000030e-01, v16;
	v17 =	vadd.f32 v25, v24;
	v22 =	vpop (erf)  }
0x82: {  	v23 =	vld [tilespmem:s1+$0x21F0];
	[tilespmem:s4+$0x41B0] =	vst v22;
	(erf) = vpow2.f32 v18;
	v19 =	vmul.f32 $1.442695020e+00, v19  }
0x83: {  	v22 =	vld [tilespmem:s1+$0x180];
	v24 =	vpop (erf)  }
0x84: {  	v21 =	vsub.f32 v21, v5;
	v25 =	vld [tilespmem:s1+$0x2180];
	[tilespmem:s4+$0x41C0] =	vst v24;
	(erf) = vpow2.f32 v19  }
0x85: {  	v16 =	vmax.f32 v16, v20;
	v31 =	vmul.f32 $2.000000030e-01, v17;
	v11 =	vadd.f32 v13, v11;
	v24 =	vld [tilespmem:s1+$0x190];
	v29 =	vpop (erf)  }
0x86: {  	v32 =	vmul.f32 $1.442695020e+00, v21;
	v16 =	vsub.f32 v16, v6;
	v26 =	vld [tilespmem:s1+$0x2190];
	[tilespmem:s4+$0x41D0] =	vst v29  }
0x87: {  	v17 =	vmax.f32 v17, v31;
	v33 =	vmul.f32 $2.000000030e-01, v11;
	v12 =	vadd.f32 v15, v12;
	v18 =	vld [tilespmem:s1+$0x1A0];
	v30 =	vpop (erf)  }
0x88: {  	(erf) = vpow2.f32 v32;
	v36 =	vmul.f32 $1.442695020e+00, v16;
	v37 =	vsub.f32 v17, v7;
	v27 =	vld [tilespmem:s1+$0x21A0];
	[tilespmem:s4+$0x41E0] =	vst v30  }
0x89: {  	v14 =	vadd.f32 v23, v14;
	v11 =	vmax.f32 v11, v33;
	v38 =	vmul.f32 $2.000000030e-01, v12;
	v19 =	vld [tilespmem:s1+$0x1B0];
	v34 =	vpop (erf)  }
0x8a: {  	v16 =	vmul.f32 $1.442695020e+00, v37;
	v11 =	vsub.f32 v11, v8;
	v22 =	vadd.f32 v25, v22;
	v35 =	vld [tilespmem:s1+$0x21B0];
	[tilespmem:s0+$0x41F0] =	vst v34  }
0x8b: {  	(erf) = vpow2.f32 v36;
	v12 =	vmax.f32 v12, v38;
	v42 =	vmul.f32 $2.000000030e-01, v14;
	v39 =	vld [tilespmem:s1+$0x1C0];
	v40 =	vpop (erf)  }
0x8c: {  	v11 =	vmul.f32 $1.442695020e+00, v11;
	v12 =	vsub.f32 v12, v9;
	(erf) = vpow2.f32 v16;
	v41 =	vld [tilespmem:s1+$0x21C0];
	[tilespmem:s0+$0x4180] =	vst v40  }
0x8d: {  	v43 =	vmul.f32 $2.000000030e-01, v22;
	v44 =	vadd.f32 v26, v24;
	v14 =	vmax.f32 v14, v42;
	v13 =	vld [tilespmem:s1+$0x1D0];
	v45 =	vpop (erf)  }
0x8e: {  	(erf) = vpow2.f32 v11;
	v11 =	vsub.f32 v14, v10;
	v12 =	vmul.f32 $1.442695020e+00, v12;
	v46 =	vld [tilespmem:s1+$0x21D0];
	[tilespmem:s0+$0x4190] =	vst v45  }
0x8f: {  	v47 =	vmax.f32 v22, v43;
	v48 =	vmul.f32 $2.000000030e-01, v44;
	v49 =	vadd.f32 v27, v18;
	v50 =	vld [tilespmem:s1+$0x1E0]  }
0x90: {  	v14 =	vsub.f32 v47, v3;
	v11 =	vmul.f32 $1.442695020e+00, v11;
	(erf) = vpow2.f32 v12;
	v51 =	vld [tilespmem:s1+$0x21E0]  }
0x91: {  	v15 =	vmax.f32 v44, v48;
	v52 =	vmul.f32 $2.000000030e-01, v49;
	v19 =	vadd.f32 v35, v19  }
0x92: {  	v14 =	vmul.f32 $1.442695020e+00, v14;
	v15 =	vsub.f32 v15, v4;
	(erf) = vpow2.f32 v11  }
0x93: {  	v11 =	vmax.f32 v49, v52;
	v53 =	vmul.f32 $2.000000030e-01, v19;
	v17 =	vadd.f32 v41, v39  }
0x94: {  	v15 =	vmul.f32 $1.442695020e+00, v15;
	v11 =	vsub.f32 v11, v5;
	v13 =	vadd.f32 v46, v13  }
0x95: {  	(erf) = vpow2.f32 v14;
	v54 =	vmul.f32 $2.000000030e-01, v17;
	v12 =	vadd.f32 v51, v50  }
0x96: {  	v16 =	vmax.f32 v19, v53;
	v11 =	vmul.f32 $1.442695020e+00, v11;
	v55 =	vmul.f32 $2.000000030e-01, v13  }
0x97: {  	v16 =	vsub.f32 v16, v6;
	v14 =	vmax.f32 v17, v54;
	v56 =	vmul.f32 $2.000000030e-01, v12  }
0x98: {  	(erf) = vpow2.f32 v15;
	v14 =	vsub.f32 v14, v7;
	v13 =	vmax.f32 v13, v55  }
0x99: {  	v57 =	vmul.f32 $1.442695020e+00, v16;
	v13 =	vsub.f32 v13, v8;
	v12 =	vmax.f32 v12, v56  }
0x9a: {  	(erf) = vpow2.f32 v11;
	v11 =	vmul.f32 $1.442695020e+00, v14;
	v12 =	vsub.f32 v12, v9  }
0x9b: {  	v58 =	vpop (erf);
	(erf) = vpow2.f32 v57;
	v13 =	vmul.f32 $1.442695020e+00, v13  }
0x9c: {  	v59 =	vpop (erf);
	(erf) = vpow2.f32 v11;
	v11 =	vmul.f32 $1.442695020e+00, v12  }
0x9d: {  	[tilespmem:s0+$0x41A0] =	vst v58  }
0x9e: {  	[tilespmem:s0+$0x41B0] =	vst v59;
	v60 =	vpop (erf);
	(erf) = vpow2.f32 v13  }
0x9f: {  	[tilespmem:s0+$0x41C0] =	vst v60;
	v61 =	vpop (erf);
	(erf) = vpow2.f32 v11  }
0xa0: {  	[tilespmem:s0+$0x41D0] =	vst v61;
	v11 =	vpop (erf)  }
0xa1: {  	v62 =	vpop (erf);
	[tilespmem:s0+$0x41E0] =	vst v11  }
0xa2: {  	v11 =	vpop (erf);
	[tilespmem:s1+$0x41F0] =	vst v62  }
0xa3: {  	v63 =	vpop (erf);
	[tilespmem:s1+$0x4180] =	vst v11  }
0xa4: {  	[tilespmem:s1+$0x4190] =	vst v63;
	v11 =	vpop (erf)  }
0xa5: {  	[tilespmem:s1+$0x41A0] =	vst v11;
	v11 =	vpop (erf)  }
0xa6: {  	[tilespmem:s1+$0x41B0] =	vst v11;
	v11 =	vpop (erf)  }
0xa7: {  	s31 =	sadd.s32 $0x1, s31;
	[tilespmem:s1+$0x41C0] =	vst v11;
	v11 =	vpop (erf)  }
0xa8: {  	p0 =	sne.s32 s31, $0x60;
	[tilespmem:s1+$0x41D0] =	vst v11;
	v11 =	vpop (erf)  }
.Ltmp1:
0xa9: {  	[tilespmem:s1+$0x41E0] =	vst v11;
	(pc) =	sbr.rel @p0 .LBB2_2-.Ltmp1, $4  }
0xaa: {  	[spmem:s2] =	stream.indirect.scatter.add.f32 [tilespmem:s26], [sflag:$0x2], $0x80, s21, s22, $0xb8;
	[tilespmem:$0x1B180] =	vst v63  }
0xab: {  	_ =	swait.ge [sflag:s17], $0x2000  }
0xac: {  	[sflag:s17] =	ssyncset.done $0x0  }
0xad: {  	[sflag:s17] =	ssyncadd.s32 $0xFFFFE000  }
0xae: {  	[bflag:$0x0] =	sbarrier.arrive $0xFFFF;
	s31 =	simm.s32 $0x0;
	s0 =	simm.s32 $0x0  }
.LBB2_6:
0xaf: {  	s1 =	sshll.u32 s0, $0x6  }
0xb0: {  	s1 =	sadd.s32 s11, s1  }
0xb1: {  	s1 =	sshrl.u32 s1, $0x3  }
0xb2: {  	s4 =	sadd.s32 s6, s1  }
0xb3: {  	[tilespmem:s31], [sflag:$0x2] =	stream.linear.gather [hbm4b:s4+s31], $0x40, $0x38;
	[tilespmem:$0x1B180] =	vst v63  }
0xb4: {  	_ =	swait.ge [sflag:s17], $0x40  }
0xb5: {  	[sflag:s17] =	ssyncset.done $0x0  }
0xb6: {  	s1 =	sadd.s32 s7, s1;
	[sflag:s17] =	ssyncadd.s32 $0xFFFFFFC0  }
0xb7: {  	[tilespmem:s21], [sflag:$0x2] =	stream.linear.gather [hbm4b:s1+s31], $0x40, $0x38;
	[tilespmem:$0x1B180] =	vst v63  }
0xb8: {  	_ =	swait.ge [sflag:s17], $0x40  }
0xb9: {  	[sflag:s17] =	ssyncset.done $0x0  }
0xba: {  	[sflag:s17] =	ssyncadd.s32 $0xFFFFFFC0  }
0xbb: {  	v11 =	vld [tilespmem:$0x0]  }
0xbc: {  	v12 =	vld [tilespmem:$0x10]  }
0xbd: {  	v13 =	vld [tilespmem:$0x20]  }
0xbe: {  	v14 =	vld [tilespmem:$0x30];
	_ =	sdelay $0x1  }
0xbf: {  	v11 =	vadd.s32 v1, v11  }
0xc0: {  	[tilespmem:$0x100] =	vst v11;
	v11 =	vadd.s32 v1, v12  }
0xc1: {  	[tilespmem:$0x110] =	vst v11;
	v11 =	vadd.s32 v1, v13  }
0xc2: {  	[tilespmem:$0x120] =	vst v11;
	v11 =	vadd.s32 v1, v14  }
0xc3: {  	[tilespmem:$0x130] =	vst v11  }
0xc4: {  	[tilespmem:s28], [sflag:$0x1] =	stream.indirect.gather [hbm4b:s10+s22], $0x80, s23, s22, $0xb8;
	[tilespmem:$0x1B180] =	vst v63  }
0xc5: {  	_ =	swait.ge [sflag:s20], $0x2000  }
0xc6: {  	[sflag:s20] =	ssyncset.done $0x0  }
0xc7: {  	[sflag:s20] =	ssyncadd.s32 $0xFFFFE000  }
0xc8: {  	[tilespmem:s24], [sflag:$0x1] =	stream.indirect.gather [hbm4b:s8+s22], $0x80, s23, s22, $0xb8;
	[tilespmem:$0x1B180] =	vst v63  }
0xc9: {  	_ =	swait.ge [sflag:s20], $0x2000  }
0xca: {  	[sflag:s20] =	ssyncset.done $0x0  }
0xcb: {  	[sflag:s20] =	ssyncadd.s32 $0xFFFFE000  }
0xcc: {  	v11 =	vld [tilespmem:$0x80]  }
0xcd: {  	v12 =	vld [tilespmem:$0x90]  }
0xce: {  	v13 =	vld [tilespmem:$0xA0]  }
0xcf: {  	v14 =	vld [tilespmem:$0xB0];
	_ =	sdelay $0x1  }
0xd0: {  	v11 =	vadd.s32 v2, v11  }
0xd1: {  	[tilespmem:$0x100] =	vst v11;
	v11 =	vadd.s32 v2, v12  }
0xd2: {  	[tilespmem:$0x110] =	vst v11;
	v11 =	vadd.s32 v2, v13  }
0xd3: {  	[tilespmem:$0x120] =	vst v11;
	v11 =	vadd.s32 v2, v14  }
0xd4: {  	[tilespmem:$0x130] =	vst v11  }
0xd5: {  	[tilespmem:s25], [sflag:$0x1] =	stream.indirect.gather [hbm4b:s9+s22], $0x80, s23, s22, $0xb8;
	[tilespmem:$0x1B180] =	vst v63  }
0xd6: {  	_ =	swait.ge [sflag:s20], $0x2000  }
0xd7: {  	[sflag:s20] =	ssyncset.done $0x0  }
0xd8: {  	[sflag:s20] =	ssyncadd.s32 $0xFFFFE000  }
0xd9: {  	[tilespmem:s29], [sflag:$0x2] =	stream.indirect.gather [spmem:s2], $0x80, s21, s22, $0xb8;
	[tilespmem:$0x1B180] =	vst v63  }
0xda: {  	_ =	swait.ge [sflag:s17], $0x2000  }
0xdb: {  	[sflag:s17] =	ssyncset.done $0x0  }
0xdc: {  	s4 =	simm.s32 $0x0;
	[sflag:s17] =	ssyncadd.s32 $0xFFFFE000  }
0xdd: {  	v11 =	vld [tilespmem:s4+$0x61B0]  }
0xde: {  	v12 =	vld [tilespmem:s4+$0x6190]  }
0xdf: {  	v13 =	vld [tilespmem:s4+$0x61E0]  }
0xe0: {  	v14 =	vld [tilespmem:s4+$0x61F0]  }
0xe1: {  	v15 =	vld [tilespmem:s4+$0x21F0]  }
0xe2: {  	v16 =	vld [tilespmem:s4+$0x1F0]  }
0xe3: {  	v17 =	vld [tilespmem:s4+$0x21D0]  }
0xe4: {  	v18 =	vld [tilespmem:s4+$0x21E0]  }
0xe5: {  	v19 =	vld [tilespmem:s4+$0x21B0]  }
0xe6: {  	v20 =	vld [tilespmem:s4+$0x1D0]  }
0xe7: {  	v21 =	vld [tilespmem:s4+$0x21C0]  }
0xe8: {  	v23 =	vld [tilespmem:s4+$0x1E0]  }
0xe9: {  	v22 =	vld [tilespmem:s4+$0x1C0]  }
0xea: {  	v24 =	vld [tilespmem:s4+$0x1B0]  }
0xeb: {  	v25 =	vld [tilespmem:s4+$0x21A0];
	v15 =	vadd.f32 v15, v16  }
0xec: {  	v27 =	vld [tilespmem:s4+$0x2180];
	v12 =	vadd.f32 $1.000000020e-16, v12  }
0xed: {  	v28 =	vld [tilespmem:s4+$0x180];
	v13 =	vadd.f32 $1.000000020e-16, v13;
	v26 =	vmul.f32 $2.000000030e-01, v15  }
0xee: {  	v16 =	vld [tilespmem:s4+$0x2190];
	(erf) = vrcp.f32 v12  }
0xef: {  	v19 =	vadd.f32 v19, v24;
	(erf) = vrcp.f32 v13;
	v13 =	vld [tilespmem:s4+$0x61A0];
	v15 =	vmax.f32 v15, v26  }
0xf0: {  	v12 =	vsub.f32 v15, v10;
	v15 =	vld [tilespmem:s4+$0x190]  }
0xf1: {  	v14 =	vadd.f32 $1.000000020e-16, v14;
	v29 =	vadd.f32 v21, v22;
	v24 =	vmul.f32 $2.000000030e-01, v19;
	v26 =	vld [tilespmem:s4+$0x1A0]  }
0xf2: {  	v31 =	vld [tilespmem:s4+$0x61D0];
	v17 =	vadd.f32 v17, v20;
	v20 =	vadd.f32 v27, v28  }
0xf3: {  	v22 =	vld [tilespmem:s4+$0x61C0];
	v23 =	vadd.f32 v18, v23;
	v19 =	vmax.f32 v19, v24;
	v12 =	vmul.f32 $1.442695020e+00, v12  }
0xf4: {  	v18 =	vld [tilespmem:s4+$0x81F0];
	(erf) = vrcp.f32 v14;
	v24 =	vsub.f32 v19, v6;
	v13 =	vadd.f32 $1.000000020e-16, v13  }
0xf5: {  	v14 =	vld [tilespmem:s4+$0x81C0];
	(erf) = vpow2.f32 v12;
	v15 =	vadd.f32 v16, v15;
	v16 =	vmul.f32 $2.000000030e-01, v17  }
0xf6: {  	v19 =	vmul.f32 $2.000000030e-01, v29;
	v21 =	vadd.f32 v25, v26;
	v26 =	vld [tilespmem:s4+$0x6180];
	v12 =	vadd.f32 $1.000000020e-16, v11  }
0xf7: {  	v31 =	vadd.f32 $1.000000020e-16, v31;
	v27 =	vmul.f32 $2.000000030e-01, v20;
	v11 =	vld [tilespmem:s4+$0x8190];
	v16 =	vmax.f32 v17, v16  }
0xf8: {  	(erf) = vrcp.f32 v13;
	v13 =	vld [tilespmem:s4+$0x81A0];
	v28 =	vsub.f32 v16, v8;
	v16 =	vmax.f32 v29, v19  }
0xf9: {  	v20 =	vmax.f32 v20, v27;
	v25 =	vmul.f32 $2.000000030e-01, v21;
	v17 =	vld [tilespmem:s4+$0x81D0];
	v27 =	vmul.f32 $2.000000030e-01, v15  }
0xfa: {  	v30 =	vsub.f32 v20, v3;
	(erf) = vrcp.f32 v12;
	v12 =	vpop (erf);
	v19 =	vld [tilespmem:s4+$0x8180];
	v29 =	vmul.f32 $2.000000030e-01, v23  }
0xfb: {  	s1 =	simm.s32 $0x200;
	v20 =	vsub.f32 v16, v7;
	v27 =	vmax.f32 v15, v27;
	v15 =	vld [tilespmem:s4+$0x81B0];
	v28 =	vmul.f32 $1.442695020e+00, v28;
	v16 =	vpop (erf)  }
.LBB2_7:
0xfc: {  	v26 =	vadd.f32 $1.000000020e-16, v26;
	s19 =	smov.u32 s1  }
0xfd: {  	s5 =	sshra.s32 s1, $0x2;
	v30 =	vmul.f32 $1.442695020e+00, v30;
	v32 =	vmul.f32 $1.442695020e+00, v20;
	v33 =	vld [tilespmem:s4+$0x81E0];
	v34 =	vpop (erf);
	s19 =	sadd.s32 $0x200, s1  }
0xfe: {  	p0 =	sne.s32 s1, $0x7E00;
	v22 =	vadd.f32 $1.000000020e-16, v22;
	v23 =	vmax.f32 v23, v29;
	v20 =	vld [tilespmem:s5+$0x61B0];
	(erf) = vrcp.f32 v31;
	v29 =	vpop (erf)  }
0xff: {  	v21 =	vmax.f32 v21, v25;
	v23 =	vsub.f32 v23, v9;
	v31 =	vld [tilespmem:s5+$0x6190];
	(erf) = vpow2.f32 v30  }
0x100: {  	v24 =	vmul.f32 $1.442695020e+00, v24;
	v21 =	vsub.f32 v21, v5;
	v25 =	vld [tilespmem:s5+$0x61E0];
	(erf) = vrcp.f32 v26  }
0x101: {  	v23 =	vmul.f32 $1.442695020e+00, v23;
	v26 =	vld [tilespmem:s5+$0x61F0];
	(erf) = vrcp.f32 v22  }
0x102: {  	v21 =	vmul.f32 $1.442695020e+00, v21;
	v22 =	vld [tilespmem:s5+$0x21F0];
	v30 =	vpop (erf);
	(erf) = vpow2.f32 v28  }
0x103: {  	v27 =	vsub.f32 v27, v4;
	v29 =	vmul.f32 v29, v34;
	v28 =	vld [tilespmem:s5+$0x1F0];
	v34 =	vpop (erf);
	(erf) = vpow2.f32 v32  }
0x104: {  	v31 =	vadd.f32 $1.000000020e-16, v31;
	v32 =	vld [tilespmem:s5+$0x21D0];
	(erf) = vpow2.f32 v23  }
0x105: {  	v35 =	vmul.f32 $1.442695020e+00, v27;
	v23 =	vld [tilespmem:s5+$0x21E0];
	v25 =	vadd.f32 $1.000000020e-16, v25;
	(erf) = vpow2.f32 v21  }
0x106: {  	v36 =	vmul.f32 v29, v18;
	v21 =	vld [tilespmem:s5+$0x21B0];
	v26 =	vadd.f32 $1.000000020e-16, v26;
	(erf) = vpow2.f32 v24  }
0x107: {  	v24 =	vld [tilespmem:s5+$0x1D0];
	(erf) = vpow2.f32 v35;
	v27 =	vpop (erf)  }
0x108: {  	v29 =	vld [tilespmem:s5+$0x21C0];
	v22 =	vadd.f32 v22, v28;
	[tilespmem:s4+$0x81F0] =	vst v36;
	v18 =	vpop (erf)  }
0x109: {  	v28 =	vld [tilespmem:s5+$0x1E0];
	v35 =	vpop (erf)  }
0x10a: {  	v36 =	vld [tilespmem:s5+$0x1C0];
	v37 =	vmul.f32 $2.000000030e-01, v22;
	v18 =	vmul.f32 v18, v35;
	v35 =	vpop (erf)  }
0x10b: {  	v38 =	vld [tilespmem:s5+$0x1B0];
	(erf) = vrcp.f32 v31;
	v31 =	vpop (erf)  }
0x10c: {  	v39 =	vld [tilespmem:s5+$0x2190];
	v22 =	vmax.f32 v22, v37;
	v37 =	vmul.f32 v18, v19;
	v19 =	vmul.f32 v31, v27;
	v27 =	vpop (erf)  }
0x10d: {  	v31 =	vld [tilespmem:s5+$0x21A0];
	v22 =	vsub.f32 v22, v10;
	(erf) = vrcp.f32 v25;
	v40 =	vmul.f32 v27, v35;
	v27 =	vpop (erf)  }
0x10e: {  	v35 =	vld [tilespmem:s5+$0x2180];
	[tilespmem:s4+$0x8180] =	vst v37;
	v37 =	vmul.f32 v19, v17;
	v16 =	vmul.f32 v27, v16;
	v18 =	vpop (erf)  }
0x10f: {  	v19 =	vld [tilespmem:s5+$0x180];
	v18 =	vmul.f32 v18, v30;
	v14 =	vmul.f32 v40, v14;
	v25 =	vpop (erf)  }
0x110: {  	v27 =	vld [tilespmem:s5+$0x1A0];
	v21 =	vadd.f32 v21, v38;
	v25 =	vmul.f32 v25, v34;
	[tilespmem:s4+$0x81D0] =	vst v37;
	v16 =	vmul.f32 v16, v33;
	v17 =	vpop (erf)  }
0x111: {  	v30 =	vld [tilespmem:s5+$0x190];
	v34 =	vmul.f32 v17, v12;
	v13 =	vmul.f32 v18, v13;
	[tilespmem:s4+$0x81C0] =	vst v14  }
0x112: {  	v29 =	vadd.f32 v29, v36;
	v14 =	vld [tilespmem:s5+$0x61A0];
	v17 =	vmul.f32 $2.000000030e-01, v21;
	v15 =	vmul.f32 v25, v15;
	[tilespmem:s4+$0x81E0] =	vst v16  }
0x113: {  	v32 =	vadd.f32 v32, v24;
	v24 =	vmul.f32 $1.442695020e+00, v22;
	v33 =	vld [tilespmem:s5+$0x61D0];
	v11 =	vmul.f32 v34, v11;
	[tilespmem:s4+$0x81A0] =	vst v13  }
0x114: {  	v13 =	vadd.f32 v35, v19;
	v17 =	vmax.f32 v21, v17;
	v22 =	vld [tilespmem:s5+$0x61C0];
	v12 =	vpop (erf);
	(erf) = vrcp.f32 v26;
	[tilespmem:s4+$0x81B0] =	vst v15  }
0x115: {  	v23 =	vadd.f32 v23, v28;
	v21 =	vadd.f32 v31, v27;
	v18 =	vld [tilespmem:s5+$0x81F0];
	(erf) = vpow2.f32 v24;
	[tilespmem:s4+$0x8190] =	vst v11;
	s4 =	smov.u32 s5  }
0x116: {  	v19 =	vadd.f32 $1.000000020e-16, v20;
	v20 =	vmul.f32 $2.000000030e-01, v32;
	v26 =	vld [tilespmem:s4+$0x6180];
	v15 =	vadd.f32 v39, v30;
	v16 =	vpop (erf)  }
0x117: {  	v27 =	vmul.f32 $2.000000030e-01, v13;
	v11 =	vld [tilespmem:s4+$0x8190];
	v25 =	vmul.f32 $2.000000030e-01, v21;
	v28 =	vadd.f32 $1.000000020e-16, v14  }
.Ltmp2:
0x118: {  	v24 =	vsub.f32 v17, v6;
	v30 =	vmul.f32 $2.000000030e-01, v29;
	v17 =	vmax.f32 v32, v20;
	v14 =	vld [tilespmem:s4+$0x81C0];
	(pc) =	sbr.rel @p0 .LBB2_7-.Ltmp2, $4  }
0x119: {  	v31 =	vsub.f32 v17, v8;
	v20 =	vmax.f32 v13, v27;
	v17 =	vld [tilespmem:s4+$0x81D0];
	(erf) = vrcp.f32 v28  }
0x11a: {  	v27 =	vmul.f32 $2.000000030e-01, v15;
	v28 =	vmax.f32 v29, v30;
	v13 =	vld [tilespmem:s4+$0x81A0];
	(erf) = vrcp.f32 v19  }
0x11b: {  	v30 =	vsub.f32 v20, v3;
	v29 =	vmul.f32 $2.000000030e-01, v23;
	v20 =	vsub.f32 v28, v7;
	v19 =	vld [tilespmem:s4+$0x8180]  }
0x11c: {  	s1 =	smov.u32 s19;
	v27 =	vmax.f32 v15, v27;
	v28 =	vmul.f32 $1.442695020e+00, v31;
	v31 =	vadd.f32 $1.000000020e-16, v33;
	v15 =	vld [tilespmem:s4+$0x81B0]  }
0x11d: {  	v30 =	vmul.f32 $1.442695020e+00, v30  }
0x11e: {  	v26 =	vadd.f32 $1.000000020e-16, v26;
	(erf) = vrcp.f32 v31  }
0x11f: {  	v22 =	vadd.f32 $1.000000020e-16, v22;
	v23 =	vmax.f32 v23, v29;
	(erf) = vpow2.f32 v30  }
0x120: {  	v21 =	vmax.f32 v21, v25;
	v23 =	vsub.f32 v23, v9;
	(erf) = vrcp.f32 v26  }
0x121: {  	v20 =	vmul.f32 $1.442695020e+00, v20;
	v21 =	vsub.f32 v21, v5;
	(erf) = vrcp.f32 v22  }
0x122: {  	v46 =	vmul.f32 $1.442695020e+00, v23;
	(erf) = vpow2.f32 v28  }
0x123: {  	v47 =	vpop (erf);
	v48 =	vsub.f32 v27, v4;
	v21 =	vmul.f32 $1.442695020e+00, v21;
	(erf) = vpow2.f32 v20  }
0x124: {  	v24 =	vmul.f32 $1.442695020e+00, v24;
	v49 =	vpop (erf);
	(erf) = vpow2.f32 v46  }
0x125: {  	v25 =	vmul.f32 $1.442695020e+00, v48;
	v50 =	vpop (erf);
	(erf) = vpow2.f32 v21  }
0x126: {  	v51 =	vpop (erf);
	(erf) = vpow2.f32 v24  }
0x127: {  	(erf) = vpow2.f32 v25;
	v52 =	vpop (erf)  }
0x128: {  	v53 =	vpop (erf)  }
0x129: {  	v26 =	vpop (erf)  }
0x12a: {  	v20 =	vmul.f32 v49, v47;
	v54 =	vpop (erf)  }
0x12b: {  	v55 =	vld [tilespmem:s4+$0x81E0];
	v25 =	vmul.f32 v53, v26;
	v56 =	vpop (erf)  }
0x12c: {  	v18 =	vmul.f32 v20, v18;
	v57 =	vmul.f32 v56, v52;
	v58 =	vpop (erf)  }
0x12d: {  	v19 =	vmul.f32 v25, v19;
	v23 =	vmul.f32 v58, v54;
	v59 =	vpop (erf)  }
0x12e: {  	[tilespmem:s4+$0x81F0] =	vst v18;
	v17 =	vmul.f32 v57, v17;
	v16 =	vmul.f32 v59, v16;
	v60 =	vpop (erf)  }
0x12f: {  	[tilespmem:s4+$0x8180] =	vst v19;
	v18 =	vmul.f32 v60, v50;
	v14 =	vmul.f32 v23, v14;
	v61 =	vpop (erf)  }
0x130: {  	v19 =	vmul.f32 v61, v51;
	[tilespmem:s4+$0x81D0] =	vst v17;
	v16 =	vmul.f32 v16, v55;
	v62 =	vpop (erf)  }
0x131: {  	v12 =	vmul.f32 v62, v12;
	v13 =	vmul.f32 v18, v13;
	[tilespmem:s4+$0x81C0] =	vst v14  }
0x132: {  	v63 =	vmul.f32 v19, v15;
	[tilespmem:s4+$0x81E0] =	vst v16  }
0x133: {  	s0 =	sadd.s32 $0x1, s0;
	v11 =	vmul.f32 v12, v11;
	[tilespmem:s4+$0x81A0] =	vst v13  }
0x134: {  	p0 =	sne.s32 s0, $0x60;
	[tilespmem:s4+$0x81B0] =	vst v63  }
.Ltmp3:
0x135: {  	[tilespmem:s4+$0x8190] =	vst v11;
	(pc) =	sbr.rel @p0 .LBB2_6-.Ltmp3, $4  }
0x136: {  	[spmem:s3] =	stream.indirect.scatter.add.f32 [tilespmem:s28], [sflag:$0x2], $0x80, s21, s22, $0xb8;
	[tilespmem:$0x1B180] =	vst v63  }
0x137: {  	_ =	swait.ge [sflag:s17], $0x2000  }
0x138: {  	[sflag:s17] =	ssyncset.done $0x0  }
0x139: {  	[sflag:s17] =	ssyncadd.s32 $0xFFFFE000  }
0x13a: {  	s30 =	sadd.s32 $0x1, s30  }
0x13b: {  	p0 =	sne.s32 s30, s15  }
.Ltmp4:
0x13c: {  	[bflag:$0x0] =	sbarrier.arrive $0xFFFF;
	(pc) =	sbr.rel @p0 .LBB2_1-.Ltmp4, $4  }
0x13d: {  	[hbm:s14], [sflag:s13] =	dma.local [spmem:s18], $0x1080  }
0x13e: {  	_ =	swait.ge [sflag:s17], $0x1080  }
0x13f: {  	[sflag:s17] =	ssyncset.done $0x0  }
0x140: {  	[sflag:s17] =	ssyncadd.s32 $0xFFFFEF80  }
0x141: {  	_ =	sfence.sel $0x180000  }
0x142: {  	[bflag:$0x0] =	sbarrier.arrive $0xFFFF  }
0x143: {  	_ =	strace $0x90000065  }
0x144: {  	s0 =	stileid.u32;
	[bflag:$0x2] =	sbarrier.arrive $0xFFFF  }
0x145: {  	p0 =	sne.s32 s0, $0x0;
	s0 =	rddreg [dreg:$0x4]  }
0x146: {  	s0 =	sadd.s32 @!p0 $0x100000, s0  }
0x147: {  	[sflag:s0] =	ssyncadd.tile.s32 @!p0 $0x1;
	_ =	shalt  }
.Lfunc_end2:
_tile_overlayer_lowered:
.L_overlay_start_2:
0x148: {  	(tag) =	ssettag $0x2  }
0x149: {  	s0 =	rddreg [dreg:$0x0];
	s2 =	stileid.u32  }
0x14a: {  	s1 =	rddreg [dreg:$0x1];
	p0 =	sne.s32 s2, $0x0  }
0x14b: {  	s3 =	rddreg [dreg:$0x2];
	[bflag:$0x3] =	sbarrier.arrive $0xFFFF;
	s2 =	simm.s32 @!p0 $0x1C02  }
0x14c: {  	[timem:s3], [sflag:s2] =	dma.local @!p0 [hbm:s0], s1  }
0x14d: {  	s0 =	simm.s32 @!p0 $0x2  }
0x14e: {  	_ =	swait.ge @!p0 [sflag:s0], s1  }
0x14f: {  	s1 =	ssub.s32 @!p0 $0x0, s1;
	[sflag:s0] =	ssyncset.done @!p0 $0x0  }
0x150: {  	[sflag:s0] =	ssyncadd.s32 @!p0 s1  }
0x151: {  	[bflag:$0x3] =	sbarrier.arrive $0xFFFF  }
0x152: {  	_ =	shalt  }

// kernel: kernel.15.cloned.1.call-start
scs
__scs_entry_jumppad:
0x0: {  	(pc) =	sbr.rel $0x88, $3  }
0x1: {  	(tag) =	ssettag $0x0;
	lr =	simm.s32 $0x1  }
0x2: {  	[smem:$0x3F8F] =	sst lr;
	_ =	strace $0xD0000000  }
0x3: {  	_ = 	snop  }
0x4: {  	_ = 	snop  }
0x5: {  	_ = 	snop  }
0x6: {  	_ = 	snop  }
0x7: {  	_ = 	snop  }
__scs_overlays_trampoline_lowered:
0x8: {  	[smem:$0x3F9E] =	sst s0  }
0x9: {  	[smem:$0x3F9F] =	sst s1  }
0xa: {  	[smem:$0x3FA0] =	sst s2  }
0xb: {  	[smem:$0x3FA1] =	sst s3  }
0xc: {  	[smem:$0x3FA2] =	sst s4  }
0xd: {  	[smem:$0x3FA3] =	sst s5  }
0xe: {  	[smem:$0x3FA4] =	sst s6  }
0xf: {  	[smem:$0x3FA5] =	sst s7  }
0x10: {  	[smem:$0x3FA6] =	sst s8  }
0x11: {  	[smem:$0x3FA7] =	sst s9;
	s0 =	simm.s32 @!p0 $0x0  }
0x12: {  	s1 =	sld [smem:$0x3F8D];
	s0 =	simm.s32 @p0 $0x1  }
0x13: {  	[smem:$0x3FA8] =	sst s0;
	s0 =	simm.s32 @!p1 $0x0  }
0x14: {  	s2 =	sld [smem:$0x3F8C];
	s0 =	simm.s32 @p1 $0x1  }
0x15: {  	[smem:$0x3FA9] =	sst s0;
	s0 =	simm.s32 @!p2 $0x0  }
0x16: {  	s3 =	sld [smem:$0x3FDB];
	s0 =	simm.s32 @p2 $0x1  }
0x17: {  	s4 =	simm.s32 $0x1BF5;
	[smem:$0x3FAB] =	sst s0  }
0x18: {  	s0 =	sld [smem:$0x3F8E];
	_ =	swait.ge [sflag:s4], $0x0  }
0x19: {  	s7 =	sld [smem:$0x3F8F]  }
0x1a: {  	s8 =	sadd.s32 $0xFFFFE003, lr  }
0x1b: {  	s9 =	sadd.s32 $0xFFFFFEF7, lr;
	s5 =	simm.s32 $0xFFFFFFFF;
	p2 =	slt.u32 s8, $0xFFFFF086  }
0x1c: {  	p1 =	slt.u32 s9, $0xF7A;
	s5 =	simm.s32 @!p2 $0x0  }
0x1d: {  	s5 =	simm.s32 @p1 $0x1;
	p0 =	seq.s32 s7, s2  }
0x1e: {  	s7 =	smul.u32 @!p0 $0xF7A, s2;
	p2 =	seq.s32 @!p0 s5, $0x0  }
0x1f: {  	s9 =	smul.u32 $0xF7A, s1;
	s8 =	simm.s32 @!p0 $0x1BF5;
	p2 =	por !p2, p0  }
0x20: {  	[sflag:s8] =	ssyncset.s32 @!p0 $0xFFFFF086;
	s6 =	sadd.s32 @!p0 s3, s7;
	s7 =	simm.s32 @!p0 $0x108  }
0x21: {  	s3 =	sadd.s32 s3, s9;
	s6 =	sadd.s32 @!p0 $0x88, s6;
	s7 =	simm.s32 @p2 $0x1082  }
0x22: {  	[simem:s7], [sflag:s8] =	dma.local @!p0 [hbm:s6], $0xF7A  }
0x23: {  	s9 =	sor.u32 $0xD0000000, s2;
	s6 =	simm.s32 $0x108;
	_ =	swait.ge @!p0 [sflag:s8], $0x0  }
0x24: {  	s3 =	sadd.s32 $0x88, s3;
	s6 =	simm.s32 @!p1 $0x1082;
	[sflag:s4] =	ssyncset.s32 $0xFFFFF086  }
0x25: {  	[simem:s6], [sflag:s4] =	dma.local [hbm:s3], $0xF7A  }
0x26: {  	[smem:$0x3F8F] =	sst s1;
	(tag) =	ssettag s2;
	_ =	strace s9  }
0x27: {  	s1 =	sld [smem:$0x3F9F]  }
0x28: {  	s2 =	sld [smem:$0x3FA0]  }
0x29: {  	s4 =	sld [smem:$0x3FA2]  }
0x2a: {  	p0 =	seq.s32 s5, $0x0;
	s5 =	sld [smem:$0x3FA3]  }
0x2b: {  	s6 =	sld [smem:$0x3FA4]  }
0x2c: {  	s7 =	sld [smem:$0x3FA5]  }
0x2d: {  	s3 =	simm.s32 $0x108;
	s8 =	sld [smem:$0x3FA6]  }
0x2e: {  	s3 =	simm.s32 @!p0 $0x1082;
	s9 =	sld [smem:$0x3FA7]  }
0x2f: {  	lr =	sadd.s32 s0, s3;
	s0 =	sld [smem:$0x3F9E]  }
0x30: {  	s3 =	sld [smem:$0x3FA1]  }
0x31: {  	[smem:$0x3FAA] =	sst s10  }
0x32: {  	s10 =	sld [smem:$0x3FA8];
	_ =	sdelay $0x3  }
0x33: {  	p0 =	seq.s32 s10, $0x1;
	s10 =	sld [smem:$0x3FAA];
	_ =	sdelay $0x3  }
0x34: {  	[smem:$0x3FAA] =	sst s10  }
0x35: {  	s10 =	sld [smem:$0x3FA9];
	_ =	sdelay $0x3  }
0x36: {  	p1 =	seq.s32 s10, $0x1;
	s10 =	sld [smem:$0x3FAA];
	_ =	sdelay $0x3  }
0x37: {  	[smem:$0x3FAA] =	sst s10  }
0x38: {  	s10 =	sld [smem:$0x3FAB]  }
0x39: {  	_ = 	snop;
	(pc) =	sbr.ind lr, $3  }
0x3a: {  	_ = 	snop  }
0x3b: {  	_ = 	snop  }
0x3c: {  	p2 =	seq.s32 s10, $0x1;
	s10 =	sld [smem:$0x3FAA]  }
0x3d: {  	_ =	shalt  }
0x3e: {  	_ =	shalt  }
0x3f: {  	_ =	shalt  }
0x40: {  	_ =	shalt  }
0x41: {  	_ =	shalt  }
0x42: {  	_ =	shalt  }
0x43: {  	_ =	shalt  }
0x44: {  	_ =	shalt  }
0x45: {  	_ =	shalt  }
0x46: {  	_ =	shalt  }
0x47: {  	_ =	shalt  }
0x48: {  	_ =	shalt  }
0x49: {  	_ =	shalt  }
0x4a: {  	_ =	shalt  }
0x4b: {  	_ =	shalt  }
0x4c: {  	_ =	shalt  }
0x4d: {  	_ =	shalt  }
0x4e: {  	_ =	shalt  }
0x4f: {  	_ =	shalt  }
0x50: {  	_ =	shalt  }
0x51: {  	_ =	shalt  }
0x52: {  	_ =	shalt  }
0x53: {  	_ =	shalt  }
0x54: {  	_ =	shalt  }
0x55: {  	_ =	shalt  }
0x56: {  	_ =	shalt  }
0x57: {  	_ =	shalt  }
0x58: {  	_ =	shalt  }
0x59: {  	_ =	shalt  }
0x5a: {  	_ =	shalt  }
0x5b: {  	_ =	shalt  }
0x5c: {  	_ =	shalt  }
0x5d: {  	_ =	shalt  }
0x5e: {  	_ =	shalt  }
0x5f: {  	_ =	shalt  }
0x60: {  	_ =	shalt  }
0x61: {  	_ =	shalt  }
0x62: {  	_ =	shalt  }
0x63: {  	_ =	shalt  }
0x64: {  	_ =	shalt  }
0x65: {  	_ =	shalt  }
0x66: {  	_ =	shalt  }
0x67: {  	_ =	shalt  }
0x68: {  	_ =	shalt  }
0x69: {  	_ =	shalt  }
0x6a: {  	_ =	shalt  }
0x6b: {  	_ =	shalt  }
0x6c: {  	_ =	shalt  }
0x6d: {  	_ =	shalt  }
0x6e: {  	_ =	shalt  }
0x6f: {  	_ =	shalt  }
0x70: {  	_ =	shalt  }
0x71: {  	_ =	shalt  }
0x72: {  	_ =	shalt  }
0x73: {  	_ =	shalt  }
0x74: {  	_ =	shalt  }
0x75: {  	_ =	shalt  }
0x76: {  	_ =	shalt  }
0x77: {  	_ =	shalt  }
0x78: {  	_ =	shalt  }
0x79: {  	_ =	shalt  }
0x7a: {  	_ =	shalt  }
0x7b: {  	_ =	shalt  }
0x7c: {  	_ =	shalt  }
0x7d: {  	_ =	shalt  }
0x7e: {  	_ =	shalt  }
0x7f: {  	_ =	shalt  }
0x80: {  	_ =	shalt  }
0x81: {  	_ =	shalt  }
0x82: {  	_ =	shalt  }
0x83: {  	_ =	shalt  }
0x84: {  	_ =	shalt  }
0x85: {  	_ =	shalt  }
0x86: {  	_ =	shalt  }
0x87: {  	_ =	shalt  }
.Lfunc_end0:
.L_simem_size_0:
called_computation.12_lowered:
.L_overlay_start_0:
0x88: {  	s2 =	sld [smem:$0x3FD9]  }
0x89: {  	s3 =	sld [smem:$0x3FFE];
	_ =	sdelay $0x1  }
0x8a: {  	s1 =	srdreg.scid  }
0x8b: {  	s0 =	sand.u32 $0x1, s1  }
0x8c: {  	s14 =	sshll.u32 s0, $0xA;
	s2 =	sadd.s32 s3, s2  }
0x8d: {  	s2 =	sadd.s32 s2, s14  }
0x8e: {  	[smem:$0x3FB6] =	sst s2  }
0x8f: {  	_ = 	snop  }
0x90: {  	s2 =	sld [smem:$0x3FD0];
	_ =	sdelay $0x2  }
0x91: {  	s15 =	simm.s32 $0xD;
	s4 =	simm.s32 $0x10  }
0x92: {  	[smem:s4], [sflag:s15] =	dma.local [hbm:s2], $0x1  }
0x93: {  	_ =	swait.eq [sflag:s15], $0x1  }
0x94: {  	[sflag:s15] =	ssyncset.done $0x0  }
0x95: {  	s16 =	sld [smem:$0x10];
	[sflag:s15] =	ssyncadd.s32 $0xFFFFFFFF  }
0x96: {  	s17 =	sld [smem:$0x14];
	(tm) =	ssettm $0x1  }
0x97: {  	s18 =	sld [smem:$0x3FFB];
	_ =	sdelay $0x3  }
0x98: {  	_ =	strace s18  }
0x99: {  	s4 =	sld [smem:$0x3FFC];
	_ =	sdelay $0x3  }
0x9a: {  	_ =	strace s4  }
0x9b: {  	s4 =	sld [smem:$0x3FFD];
	_ =	sdelay $0x3  }
0x9c: {  	_ =	strace s4  }
0x9d: {  	_ =	strace $0x8FFFFFFF  }
0x9e: {  	s19 =	sld [smem:$0x3FDB];
	_ =	sdelay $0x1  }
0x9f: {  	s5 =	simm.s32 $_scs_section_size  }
0xa0: {  	s6 =	simm.s32 $_size__tile_overlayer_lowered;
	s7 =	simm.s32 $_tile_overlayer_lowered  }
0xa1: {  	s22 =	simm.s32 $0x1BFF;
	s21 =	sshll.u32 s7, $0x1;
	s4 =	sadd.s32 s5, s19  }
0xa2: {  	s8 =	simm.s32 $0x0;
	s20 =	sshll.u32 s6, $0x1;
	s6 =	sadd.s32 s21, s4  }
0xa3: {  	[timem:s8], [sflag:s22] =	dma.local [hbm:s6], s20  }
0xa4: {  	_ =	swait.ge [sflag:s22], s20  }
0xa5: {  	s5 =	ssub.s32 $0x0, s20;
	[sflag:s22] =	ssyncset.done $0x0  }
0xa6: {  	[sflag:s22] =	ssyncadd.s32 s5;
	_ =	sdelay $0x1  }
0xa7: {  	s23 =	simm.s32 $0x1B8B  }
0xa8: {  	_ =	swait.ge [sflag:s23], $0x1  }
0xa9: {  	[sflag:s23] =	ssyncset.done $0x0  }
0xaa: {  	s25 =	simm.s32 $0x1B8E;
	s24 =	sld [smem:$0x3FFE];
	[sflag:s23] =	ssyncadd.s32 $0xFFFFFFFF  }
0xab: {  	s26 =	simm.s32 $execute0_lowered;
	[smem:$0x3FD2] =	sst s25  }
0xac: {  	s6 =	sshll.u32 s26, $0x1;
	_ =	strace $0x80000067;
	[dreg:$0x1] =	wrdreg $0xFFFFFFFF  }
0xad: {  	s28 =	simm.s32 $_size_execute0_lowered;
	s4 =	sadd.s32 s4, s6;
	[dreg:$0x0] =	wrdreg $0x0  }
0xae: {  	s6 =	sshll.u32 s28, $0x1;
	[dreg:$0x2] =	wrdreg s4  }
0xaf: {  	[dreg:$0x3] =	wrdreg s6  }
0xb0: {  	[dreg:$0x4] =	wrdreg $0xC0  }
0xb1: {  	_ =	task [dreg:s8], $0x5FFFF  }
0xb2: {  	[dreg:$0x1] =	wrdreg $0xFFFFFFFF  }
0xb3: {  	[dreg:$0x0] =	wrdreg $0x60  }
0xb4: {  	[dreg:$0x2] =	wrdreg s17  }
0xb5: {  	[dreg:$0x3] =	wrdreg s24  }
0xb6: {  	[dreg:$0x4] =	wrdreg s16  }
0xb7: {  	[dreg:$0x5] =	wrdreg $0xA9800  }
0xb8: {  	[dreg:$0x6] =	wrdreg $0xAD800  }
0xb9: {  	[dreg:$0x7] =	wrdreg $0x9  }
0xba: {  	_ =	task.clear_ibuf [dreg:s8], $0x8FFFF;
	_ =	strace $0x90000067  }
0xbb: {  	s29 =	simm.s32 $0x9;
	_ =	strace $0x80000069  }
0xbc: {  	_ =	swait.ge [sflag:s29], $0x1  }
0xbd: {  	[sflag:s29] =	ssyncadd.s32 $0xFFFFFFFF  }
0xbe: {  	_ =	strace $0x90000069  }
0xbf: {  	_ =	sfence  }
0xc0: {  	s30 =	sld [smem:$0x0];
	_ =	sdelay $0x2  }
0xc1: {  	s31 =	sshll.u32 s1, $0xD;
	s1 =	sshrl.u32 s1, $0x2  }
0xc2: {  	s3 =	sand.u32 $0x4000, s31;
	s1 =	sadd.s32 s1, s30  }
0xc3: {  	s0 =	sor.u32 s3, s0;
	s1 =	sshll.u32 s1, $0x11  }
0xc4: {  	s0 =	sor.u32 s1, s0  }
0xc5: {  	s0 =	sadd.s32 $0x8F2B, s0  }
0xc6: {  	[sflag:s0] =	ssyncadd.remote.s32 $0x1  }
0xc7: {  	_ =	sfence.sel $0xFFFF  }
0xc8: {  	[dreg:$0x0] =	wrdreg $0xFFFFFFFF;
	(pc) =	sbr.abs _section_cstart, $3  }
0xc9: {  	[dreg:$0x1] =	wrdreg $0xFFFFFFFF  }
0xca: {  	_ =	task.clear_ibuf [dreg:s8], $0x2FFFF;
	_ =	strace $0x9FFFFFFF  }
0xcb: {  	(tm) =	ssettm $0x7FFFFFFF  }
tec
execute0_lowered:
.L_overlay_start_1:
0x0: {  	(tag) =	ssettag $0x1  }
0x1: {  	s1 =	rddreg [dreg:$0x0]  }
0x2: {  	s0 =	rddreg [dreg:$0x1]  }
0x3: {  	s3 =	rddreg [dreg:$0x3]  }
0x4: {  	s4 =	rddreg [dreg:$0x4];
	s2 =	simm.s32 $0x0  }
0x5: {  	s25 =	srdreg.scid;
	s14 =	stileid.u32;
	s17 =	simm.s32 $0x2  }
0x6: {  	s20 =	simm.s32 $0x1;
	s21 =	simm.s32 $0x80;
	s22 =	simm.s32 $0x40  }
0x7: {  	s23 =	simm.s32 $0x100;
	s24 =	simm.s32 $0x180;
	s29 =	simm.s32 $0x6180  }
0x8: {  	s30 =	simm.s32 $0x0;
	[smem:$0x7FF] =	sst s2;
	s7 =	sadd.s32 $0xA200, s0  }
0x9: {  	s8 =	sadd.s32 $0x43400, s0;
	s2 =	sand.u32 $0x1, s25;
	s9 =	sadd.s32 $0xA400, s0  }
0xa: {  	s5 =	sshll.u32 s14, $0xA;
	s10 =	sadd.s32 $0x22400, s0;
	s12 =	sshll.u32 s14, $0x7  }
0xb: {  	s31 =	sshll.u32 s14, $0x6;
	s25 =	simm.s32 $0x2180;
	_ =	strace $0x80000068  }
0xc: {  	s6 =	sshll.u32 s2, $0xE;
	s11 =	ssub.s32 $0x2, s2;
	s12 =	sadd.s32 s12, s0  }
0xd: {  	s16 =	sadd.s32 s5, s3;
	s19 =	smul.u32 $0x1080, s2;
	s28 =	sshll.u32 s2, $0x7  }
0xe: {  	s6 =	sor.u32 s5, s6;
	s13 =	sshrl.u32 s11, $0x1;
	s5 =	sadd.s32 s5, s4  }
0xf: {  	s16 =	sshrl.u32 s16, $0x3;
	v2 =	vmov s28;
	s28 =	simm.s32 $0x8180;
	s6 =	sshrl.u32 s6, $0x3  }
0x10: {  	s26 =	ssub.s32 s11, s13;
	s11 =	sadd.s32 $0xB400, s12;
	s12 =	sor.u32 $0x1C02, s31  }
0x11: {  	s13 =	sshll.u32 s14, $0x8;
	s18 =	sshrl.u32 s5, $0x3;
	s0 =	sadd.s32 s6, s0  }
0x12: {  	vm0 =	vmmov $0xffff;
	v0 =	vmov s2;
	v1 =	vmov s19;
	s15 =	smax.u32 s26, $0x1;
	s26 =	simm.s32 $0x4180;
	s14 =	sadd.s32 $0xBC00, s0  }
.LBB2_1:
0x13: {  	[spmem:s16], [sflag:s12] =	dma.local [hbm:s11], $0x80  }
0x14: {  	_ =	swait.ge [sflag:s17], $0x80  }
0x15: {  	[sflag:s17] =	ssyncset.done $0x0  }
0x16: {  	[sflag:s17] =	ssyncadd.s32 $0xFFFFFF80  }
0x17: {  	[spmem:s18], [sflag:s12] =	dma.local [hbm:s11], $0x80  }
0x18: {  	_ =	swait.ge [sflag:s17], $0x80  }
0x19: {  	[sflag:s17] =	ssyncset.done $0x0  }
0x1a: {  	[sflag:s17] =	ssyncadd.s32 $0xFFFFFF80  }
0x1b: {  	s2 =	simm.s32 $0x0;
	s5 =	simm.s32 $0xA180;
	s0 =	rddreg [dreg:$0x2]  }
0x1c: {  	[tilespmem:s5], [sflag:$0x1] =	stream.indirect_vreg.gather [hbm4b:s0+s2], $0x80, v0, vm0, $0xb8;
	[tilespmem:$0xB180] =	vst v63  }
0x1d: {  	_ =	swait.ge [sflag:s20], $0x800  }
0x1e: {  	[sflag:s20] =	ssyncset.done $0x0  }
0x1f: {  	[sflag:s20] =	ssyncadd.s32 $0xFFFFF800  }
0x20: {  	[bflag:$0x0] =	sbarrier.arrive $0xFFFF  }
0x21: {  	v3 =	vld [tilespmem:$0xA180]  }
0x22: {  	v4 =	vld [tilespmem:$0xA190]  }
0x23: {  	v5 =	vld [tilespmem:$0xA1A0]  }
0x24: {  	v6 =	vld [tilespmem:$0xA1B0]  }
0x25: {  	v7 =	vld [tilespmem:$0xA1C0]  }
0x26: {  	v8 =	vld [tilespmem:$0xA1D0]  }
0x27: {  	v9 =	vld [tilespmem:$0xA1E0]  }
0x28: {  	s31 =	simm.s32 $0x0;
	v10 =	vld [tilespmem:$0xA1F0]  }
.LBB2_2:
0x29: {  	s0 =	sshll.u32 s31, $0x6  }
0x2a: {  	s0 =	sadd.s32 s13, s0  }
0x2b: {  	s0 =	sshrl.u32 s0, $0x3  }
0x2c: {  	s5 =	simm.s32 $0x0;
	s2 =	sadd.s32 s1, s0  }
0x2d: {  	[tilespmem:s5], [sflag:$0x2] =	stream.linear.gather [hbm4b:s2+s5], $0x40, $0x38;
	[tilespmem:$0xB180] =	vst v63  }
0x2e: {  	_ =	swait.ge [sflag:s17], $0x40  }
0x2f: {  	[sflag:s17] =	ssyncset.done $0x0  }
0x30: {  	s0 =	sadd.s32 s7, s0;
	[sflag:s17] =	ssyncadd.s32 $0xFFFFFFC0  }
0x31: {  	[tilespmem:s21], [sflag:$0x2] =	stream.linear.gather [hbm4b:s0+s5], $0x40, $0x38;
	[tilespmem:$0xB180] =	vst v63  }
0x32: {  	_ =	swait.ge [sflag:s17], $0x40  }
0x33: {  	[sflag:s17] =	ssyncset.done $0x0  }
0x34: {  	[sflag:s17] =	ssyncadd.s32 $0xFFFFFFC0  }
0x35: {  	v11 =	vld [tilespmem:$0x0]  }
0x36: {  	v12 =	vld [tilespmem:$0x10]  }
0x37: {  	v13 =	vld [tilespmem:$0x20]  }
0x38: {  	v14 =	vld [tilespmem:$0x30];
	_ =	sdelay $0x1  }
0x39: {  	v11 =	vadd.s32 v1, v11  }
0x3a: {  	[tilespmem:$0x100] =	vst v11;
	v11 =	vadd.s32 v1, v12  }
0x3b: {  	[tilespmem:$0x110] =	vst v11;
	v11 =	vadd.s32 v1, v13  }
0x3c: {  	[tilespmem:$0x120] =	vst v11;
	v11 =	vadd.s32 v1, v14  }
0x3d: {  	[tilespmem:$0x130] =	vst v11  }
0x3e: {  	[tilespmem:s24], [sflag:$0x1] =	stream.indirect.gather [hbm4b:s8+s22], $0x80, s23, s22, $0xb8;
	[tilespmem:$0xB180] =	vst v63  }
0x3f: {  	_ =	swait.ge [sflag:s20], $0x2000  }
0x40: {  	[sflag:s20] =	ssyncset.done $0x0  }
0x41: {  	[sflag:s20] =	ssyncadd.s32 $0xFFFFE000  }
0x42: {  	v11 =	vld [tilespmem:$0x80]  }
0x43: {  	v12 =	vld [tilespmem:$0x90]  }
0x44: {  	v13 =	vld [tilespmem:$0xA0]  }
0x45: {  	v14 =	vld [tilespmem:$0xB0];
	_ =	sdelay $0x1  }
0x46: {  	v11 =	vadd.s32 v2, v11  }
0x47: {  	[tilespmem:$0x100] =	vst v11;
	v11 =	vadd.s32 v2, v12  }
0x48: {  	[tilespmem:$0x110] =	vst v11;
	v11 =	vadd.s32 v2, v13  }
0x49: {  	[tilespmem:$0x120] =	vst v11;
	v11 =	vadd.s32 v2, v14  }
0x4a: {  	[tilespmem:$0x130] =	vst v11  }
0x4b: {  	[tilespmem:s25], [sflag:$0x1] =	stream.indirect.gather [hbm4b:s9+s22], $0x80, s23, s22, $0xb8;
	[tilespmem:$0xB180] =	vst v63  }
0x4c: {  	_ =	swait.ge [sflag:s20], $0x2000  }
0x4d: {  	[sflag:s20] =	ssyncset.done $0x0  }
0x4e: {  	s6 =	simm.s32 $0x0;
	[sflag:s20] =	ssyncadd.s32 $0xFFFFE000  }
0x4f: {  	v11 =	vld [tilespmem:s6+$0x1F0]  }
0x50: {  	v12 =	vld [tilespmem:s6+$0x21F0]  }
0x51: {  	v13 =	vld [tilespmem:s6+$0x180]  }
0x52: {  	v14 =	vld [tilespmem:s6+$0x2180]  }
0x53: {  	v15 =	vld [tilespmem:s6+$0x190]  }
0x54: {  	v16 =	vld [tilespmem:s6+$0x2190]  }
0x55: {  	v17 =	vld [tilespmem:s6+$0x1A0];
	v11 =	vadd.f32 v12, v11  }
0x56: {  	v18 =	vld [tilespmem:s6+$0x1B0]  }
0x57: {  	v12 =	vld [tilespmem:s6+$0x21A0];
	v19 =	vmul.f32 $2.000000030e-01, v11  }
0x58: {  	v20 =	vld [tilespmem:s6+$0x21B0];
	v13 =	vadd.f32 v14, v13  }
0x59: {  	v22 =	vld [tilespmem:s6+$0x1D0];
	v11 =	vmax.f32 v11, v19  }
0x5a: {  	v24 =	vld [tilespmem:s6+$0x21E0];
	v21 =	vmul.f32 $2.000000030e-01, v13;
	v11 =	vsub.f32 v11, v10  }
0x5b: {  	v14 =	vld [tilespmem:s6+$0x1C0];
	v15 =	vadd.f32 v16, v15  }
0x5c: {  	v19 =	vld [tilespmem:s6+$0x21C0];
	v13 =	vmax.f32 v13, v21;
	v12 =	vadd.f32 v12, v17;
	v11 =	vmul.f32 $1.442695020e+00, v11  }
0x5d: {  	s0 =	simm.s32 $0x80;
	v16 =	vld [tilespmem:s6+$0x21D0];
	v23 =	vmul.f32 $2.000000030e-01, v15;
	v13 =	vsub.f32 v13, v3  }
0x5e: {  	v62 =	vld [tilespmem:s0+$0x1B0];
	v17 =	vadd.f32 v20, v18;
	v20 =	vmul.f32 $2.000000030e-01, v12;
	(erf) = vpow2.f32 v11  }
0x5f: {  	v21 =	vld [tilespmem:s6+$0x1E0];
	v15 =	vmax.f32 v15, v23  }
0x60: {  	v23 =	vld [tilespmem:s0+$0x180];
	v15 =	vsub.f32 v15, v4;
	v13 =	vmul.f32 $1.442695020e+00, v13;
	v12 =	vmax.f32 v12, v20  }
0x61: {  	v18 =	vld [tilespmem:s0+$0x21F0];
	v25 =	vmul.f32 $2.000000030e-01, v17;
	v14 =	vadd.f32 v19, v14;
	v12 =	vsub.f32 v12, v5  }
0x62: {  	v16 =	vadd.f32 v16, v22;
	v15 =	vmul.f32 $1.442695020e+00, v15;
	v11 =	vld [tilespmem:s0+$0x1F0];
	(erf) = vpow2.f32 v13  }
0x63: {  	v22 =	vld [tilespmem:s0+$0x21A0];
	v60 =	vmul.f32 $2.000000030e-01, v14;
	v12 =	vmul.f32 $1.442695020e+00, v12  }
0x64: {  	v61 =	vmul.f32 $2.000000030e-01, v16;
	v17 =	vmax.f32 v17, v25;
	v13 =	vld [tilespmem:s0+$0x2180]  }
0x65: {  	v19 =	vld [tilespmem:s0+$0x190];
	v17 =	vsub.f32 v17, v6;
	(erf) = vpow2.f32 v15;
	v14 =	vmax.f32 v14, v60  }
0x66: {  	v20 =	vld [tilespmem:s0+$0x2190];
	v21 =	vadd.f32 v24, v21;
	v16 =	vmax.f32 v16, v61;
	v14 =	vsub.f32 v14, v7  }
0x67: {  	v15 =	vld [tilespmem:s0+$0x1A0];
	v17 =	vmul.f32 $1.442695020e+00, v17;
	(erf) = vpow2.f32 v12;
	v11 =	vadd.f32 v18, v11;
	v12 =	vpop (erf)  }
0x68: {  	v26 =	vld [tilespmem:s0+$0x21B0];
	v18 =	vmul.f32 $2.000000030e-01, v21;
	[tilespmem:s6+$0x41F0] =	vst v12;
	v12 =	vmul.f32 $1.442695020e+00, v14;
	v14 =	vsub.f32 v16, v8  }
0x69: {  	(erf) = vpow2.f32 v17;
	v16 =	vadd.f32 v13, v23;
	v13 =	vmul.f32 $2.000000030e-01, v11  }
0x6a: {  	v18 =	vmax.f32 v21, v18;
	(erf) = vpow2.f32 v12;
	v12 =	vmul.f32 $1.442695020e+00, v14  }
0x6b: {  	v19 =	vadd.f32 v20, v19;
	v21 =	vpop (erf);
	v17 =	vld [tilespmem:s0+$0x1C0];
	v14 =	vsub.f32 v18, v9  }
0x6c: {  	v23 =	vld [tilespmem:s0+$0x21C0];
	[tilespmem:s6+$0x4180] =	vst v21;
	v21 =	vadd.f32 v22, v15;
	v18 =	vmul.f32 $2.000000030e-01, v16;
	v13 =	vmax.f32 v11, v13  }
0x6d: {  	v20 =	vsub.f32 v13, v10;
	v14 =	vmul.f32 $1.442695020e+00, v14;
	(erf) = vpow2.f32 v12  }
0x6e: {  	v15 =	vmul.f32 $2.000000030e-01, v19;
	v11 =	vld [tilespmem:s0+$0x1D0];
	v22 =	vmul.f32 $2.000000030e-01, v21;
	v16 =	vmax.f32 v16, v18;
	v12 =	vpop (erf)  }
0x6f: {  	v13 =	vld [tilespmem:s0+$0x21D0];
	v18 =	vsub.f32 v16, v3;
	v20 =	vmul.f32 $1.442695020e+00, v20;
	(erf) = vpow2.f32 v14;
	[tilespmem:s6+$0x4190] =	vst v12  }
0x70: {  	v16 =	vadd.f32 v26, v62;
	v14 =	vmax.f32 v19, v15;
	v63 =	vpop (erf);
	v12 =	vld [tilespmem:s0+$0x1E0]  }
0x71: {  	s2 =	simm.s32 $0x100;
	v18 =	vmul.f32 $1.442695020e+00, v18;
	v19 =	vsub.f32 v14, v4;
	(erf) = vpow2.f32 v20;
	v15 =	vld [tilespmem:s0+$0x21E0];
	[tilespmem:s6+$0x41A0] =	vst v63  }
0x72: {  	s5 =	simm.s32 $0x600;
	v21 =	vmax.f32 v21, v22;
	v17 =	vadd.f32 v23, v17;
	v20 =	vmul.f32 $2.000000030e-01, v16;
	v22 =	vpop (erf);
	v14 =	vld [tilespmem:s2+$0x1F0]  }
.LBB2_3:
0x73: {  	p0 =	sne.s32 s5, $0x7E00;
	v23 =	vld [tilespmem:s2+$0x21F0];
	v19 =	vmul.f32 $1.442695020e+00, v19;
	v21 =	vsub.f32 v21, v5;
	(erf) = vpow2.f32 v18;
	[tilespmem:s6+$0x41B0] =	vst v22  }
0x74: {  	v18 =	vld [tilespmem:s2+$0x180];
	v16 =	vmax.f32 v16, v20;
	v20 =	vmul.f32 $2.000000030e-01, v17;
	v11 =	vadd.f32 v13, v11;
	v13 =	vpop (erf)  }
0x75: {  	v22 =	vld [tilespmem:s2+$0x2180];
	v24 =	vmul.f32 $1.442695020e+00, v21;
	v16 =	vsub.f32 v16, v6;
	(erf) = vpow2.f32 v19;
	[tilespmem:s6+$0x41C0] =	vst v13  }
0x76: {  	v13 =	vld [tilespmem:s2+$0x190];
	v17 =	vmax.f32 v17, v20;
	v19 =	vmul.f32 $2.000000030e-01, v11;
	v12 =	vadd.f32 v15, v12;
	v15 =	vpop (erf)  }
0x77: {  	v20 =	vld [tilespmem:s2+$0x2190];
	v16 =	vmul.f32 $1.442695020e+00, v16;
	v17 =	vsub.f32 v17, v7;
	(erf) = vpow2.f32 v24;
	[tilespmem:s6+$0x41D0] =	vst v15  }
0x78: {  	v15 =	vld [tilespmem:s2+$0x1A0];
	v14 =	vadd.f32 v23, v14;
	v11 =	vmax.f32 v11, v19;
	v24 =	vmul.f32 $2.000000030e-01, v12;
	v21 =	vpop (erf)  }
0x79: {  	v23 =	vld [tilespmem:s2+$0x21A0];
	v17 =	vmul.f32 $1.442695020e+00, v17;
	v11 =	vsub.f32 v11, v8;
	(erf) = vpow2.f32 v16;
	[tilespmem:s6+$0x41E0] =	vst v21;
	s6 =	smov.u32 s0;
	s0 =	smov.u32 s2  }
0x7a: {  	v16 =	vadd.f32 v22, v18;
	v18 =	vld [tilespmem:s0+$0x1B0];
	v21 =	vmul.f32 $2.000000030e-01, v14;
	v12 =	vmax.f32 v12, v24;
	v19 =	vpop (erf)  }
0x7b: {  	v22 =	vld [tilespmem:s0+$0x21B0];
	v11 =	vmul.f32 $1.442695020e+00, v11;
	v12 =	vsub.f32 v12, v9;
	[tilespmem:s6+$0x41F0] =	vst v19;
	(erf) = vpow2.f32 v17  }
0x7c: {  	v17 =	vmul.f32 $2.000000030e-01, v16;
	v19 =	vadd.f32 v20, v13;
	v24 =	vld [tilespmem:s0+$0x1C0];
	v13 =	vmax.f32 v14, v21;
	v14 =	vpop (erf)  }
0x7d: {  	v25 =	vld [tilespmem:s0+$0x21C0];
	v20 =	vsub.f32 v13, v10;
	[tilespmem:s6+$0x4180] =	vst v14;
	v12 =	vmul.f32 $1.442695020e+00, v12;
	(erf) = vpow2.f32 v11  }
.Ltmp0:
0x7e: {  	v13 =	vmax.f32 v16, v17;
	v14 =	vmul.f32 $2.000000030e-01, v19;
	v17 =	vadd.f32 v23, v15;
	v11 =	vld [tilespmem:s0+$0x1D0];
	v15 =	vpop (erf);
	(pc) =	sbr.rel @p0 .LBB2_3-.Ltmp0, $4  }
0x7f: {  	v21 =	vsub.f32 v13, v3;
	v13 =	vld [tilespmem:s0+$0x21D0];
	v20 =	vmul.f32 $1.442695020e+00, v20;
	[tilespmem:s6+$0x4190] =	vst v15;
	(erf) = vpow2.f32 v12  }
0x80: {  	v14 =	vmax.f32 v19, v14;
	v23 =	vmul.f32 $2.000000030e-01, v17;
	v16 =	vadd.f32 v22, v18;
	v12 =	vld [tilespmem:s0+$0x1E0];
	v22 =	vpop (erf)  }
0x81: {  	s2 =	sshra.s32 s5, $0x2;
	v18 =	vmul.f32 $1.442695020e+00, v21;
	v19 =	vsub.f32 v14, v4;
	v15 =	vld [tilespmem:s0+$0x21E0];
	(erf) = vpow2.f32 v20;
	[tilespmem:s6+$0x41A0] =	vst v22  }
0x82: {  	s5 =	sadd.s32 $0x200, s5;
	v14 =	vld [tilespmem:s2+$0x1F0];
	v21 =	vmax.f32 v17, v23;
	v20 =	vmul.f32 $2.000000030e-01, v16;
	v17 =	vadd.f32 v25, v24;
	v22 =	vpop (erf)  }
0x83: {  	v23 =	vld [tilespmem:s2+$0x21F0];
	[tilespmem:s6+$0x41B0] =	vst v22;
	(erf) = vpow2.f32 v18;
	v19 =	vmul.f32 $1.442695020e+00, v19  }
0x84: {  	v22 =	vld [tilespmem:s2+$0x180];
	v24 =	vpop (erf)  }
0x85: {  	v21 =	vsub.f32 v21, v5;
	v25 =	vld [tilespmem:s2+$0x2180];
	[tilespmem:s6+$0x41C0] =	vst v24;
	(erf) = vpow2.f32 v19  }
0x86: {  	v16 =	vmax.f32 v16, v20;
	v31 =	vmul.f32 $2.000000030e-01, v17;
	v11 =	vadd.f32 v13, v11;
	v24 =	vld [tilespmem:s2+$0x190];
	v29 =	vpop (erf)  }
0x87: {  	v32 =	vmul.f32 $1.442695020e+00, v21;
	v16 =	vsub.f32 v16, v6;
	v26 =	vld [tilespmem:s2+$0x2190];
	[tilespmem:s6+$0x41D0] =	vst v29  }
0x88: {  	v17 =	vmax.f32 v17, v31;
	v33 =	vmul.f32 $2.000000030e-01, v11;
	v12 =	vadd.f32 v15, v12;
	v18 =	vld [tilespmem:s2+$0x1A0];
	v30 =	vpop (erf)  }
0x89: {  	(erf) = vpow2.f32 v32;
	v36 =	vmul.f32 $1.442695020e+00, v16;
	v37 =	vsub.f32 v17, v7;
	v27 =	vld [tilespmem:s2+$0x21A0];
	[tilespmem:s6+$0x41E0] =	vst v30  }
0x8a: {  	v14 =	vadd.f32 v23, v14;
	v11 =	vmax.f32 v11, v33;
	v38 =	vmul.f32 $2.000000030e-01, v12;
	v19 =	vld [tilespmem:s2+$0x1B0];
	v34 =	vpop (erf)  }
0x8b: {  	v16 =	vmul.f32 $1.442695020e+00, v37;
	v11 =	vsub.f32 v11, v8;
	v22 =	vadd.f32 v25, v22;
	v35 =	vld [tilespmem:s2+$0x21B0];
	[tilespmem:s0+$0x41F0] =	vst v34  }
0x8c: {  	(erf) = vpow2.f32 v36;
	v12 =	vmax.f32 v12, v38;
	v42 =	vmul.f32 $2.000000030e-01, v14;
	v39 =	vld [tilespmem:s2+$0x1C0];
	v40 =	vpop (erf)  }
0x8d: {  	v11 =	vmul.f32 $1.442695020e+00, v11;
	v12 =	vsub.f32 v12, v9;
	(erf) = vpow2.f32 v16;
	v41 =	vld [tilespmem:s2+$0x21C0];
	[tilespmem:s0+$0x4180] =	vst v40  }
0x8e: {  	v43 =	vmul.f32 $2.000000030e-01, v22;
	v44 =	vadd.f32 v26, v24;
	v14 =	vmax.f32 v14, v42;
	v13 =	vld [tilespmem:s2+$0x1D0];
	v45 =	vpop (erf)  }
0x8f: {  	(erf) = vpow2.f32 v11;
	v11 =	vsub.f32 v14, v10;
	v12 =	vmul.f32 $1.442695020e+00, v12;
	v46 =	vld [tilespmem:s2+$0x21D0];
	[tilespmem:s0+$0x4190] =	vst v45  }
0x90: {  	v47 =	vmax.f32 v22, v43;
	v48 =	vmul.f32 $2.000000030e-01, v44;
	v49 =	vadd.f32 v27, v18;
	v50 =	vld [tilespmem:s2+$0x1E0]  }
0x91: {  	v14 =	vsub.f32 v47, v3;
	v11 =	vmul.f32 $1.442695020e+00, v11;
	(erf) = vpow2.f32 v12;
	v51 =	vld [tilespmem:s2+$0x21E0]  }
0x92: {  	v15 =	vmax.f32 v44, v48;
	v52 =	vmul.f32 $2.000000030e-01, v49;
	v19 =	vadd.f32 v35, v19  }
0x93: {  	v14 =	vmul.f32 $1.442695020e+00, v14;
	v15 =	vsub.f32 v15, v4;
	(erf) = vpow2.f32 v11  }
0x94: {  	v11 =	vmax.f32 v49, v52;
	v53 =	vmul.f32 $2.000000030e-01, v19;
	v17 =	vadd.f32 v41, v39  }
0x95: {  	v15 =	vmul.f32 $1.442695020e+00, v15;
	v11 =	vsub.f32 v11, v5;
	v13 =	vadd.f32 v46, v13  }
0x96: {  	(erf) = vpow2.f32 v14;
	v54 =	vmul.f32 $2.000000030e-01, v17;
	v12 =	vadd.f32 v51, v50  }
0x97: {  	v16 =	vmax.f32 v19, v53;
	v11 =	vmul.f32 $1.442695020e+00, v11;
	v55 =	vmul.f32 $2.000000030e-01, v13  }
0x98: {  	v16 =	vsub.f32 v16, v6;
	v14 =	vmax.f32 v17, v54;
	v56 =	vmul.f32 $2.000000030e-01, v12  }
0x99: {  	(erf) = vpow2.f32 v15;
	v14 =	vsub.f32 v14, v7;
	v13 =	vmax.f32 v13, v55  }
0x9a: {  	v57 =	vmul.f32 $1.442695020e+00, v16;
	v13 =	vsub.f32 v13, v8;
	v12 =	vmax.f32 v12, v56  }
0x9b: {  	(erf) = vpow2.f32 v11;
	v11 =	vmul.f32 $1.442695020e+00, v14;
	v12 =	vsub.f32 v12, v9  }
0x9c: {  	v58 =	vpop (erf);
	(erf) = vpow2.f32 v57;
	v13 =	vmul.f32 $1.442695020e+00, v13  }
0x9d: {  	v59 =	vpop (erf);
	(erf) = vpow2.f32 v11;
	v11 =	vmul.f32 $1.442695020e+00, v12  }
0x9e: {  	[tilespmem:s0+$0x41A0] =	vst v58  }
0x9f: {  	[tilespmem:s0+$0x41B0] =	vst v59;
	v60 =	vpop (erf);
	(erf) = vpow2.f32 v13  }
0xa0: {  	[tilespmem:s0+$0x41C0] =	vst v60;
	v61 =	vpop (erf);
	(erf) = vpow2.f32 v11  }
0xa1: {  	[tilespmem:s0+$0x41D0] =	vst v61;
	v11 =	vpop (erf)  }
0xa2: {  	v62 =	vpop (erf);
	[tilespmem:s0+$0x41E0] =	vst v11  }
0xa3: {  	v11 =	vpop (erf);
	[tilespmem:s2+$0x41F0] =	vst v62  }
0xa4: {  	v63 =	vpop (erf);
	[tilespmem:s2+$0x4180] =	vst v11  }
0xa5: {  	[tilespmem:s2+$0x4190] =	vst v63;
	v11 =	vpop (erf)  }
0xa6: {  	[tilespmem:s2+$0x41A0] =	vst v11;
	v11 =	vpop (erf)  }
0xa7: {  	[tilespmem:s2+$0x41B0] =	vst v11;
	v11 =	vpop (erf)  }
0xa8: {  	s31 =	sadd.s32 $0x1, s31;
	[tilespmem:s2+$0x41C0] =	vst v11;
	v11 =	vpop (erf)  }
0xa9: {  	p0 =	sne.s32 s31, $0x4;
	[tilespmem:s2+$0x41D0] =	vst v11;
	v11 =	vpop (erf)  }
.Ltmp1:
0xaa: {  	[tilespmem:s2+$0x41E0] =	vst v11;
	(pc) =	sbr.rel @p0 .LBB2_2-.Ltmp1, $4  }
0xab: {  	[spmem:s3] =	stream.indirect.scatter.add.f32 [tilespmem:s26], [sflag:$0x2], $0x80, s21, s22, $0xb8;
	[tilespmem:$0xB180] =	vst v63  }
0xac: {  	_ =	swait.ge [sflag:s17], $0x2000  }
0xad: {  	[sflag:s17] =	ssyncset.done $0x0  }
0xae: {  	[sflag:s17] =	ssyncadd.s32 $0xFFFFE000  }
0xaf: {  	[bflag:$0x0] =	sbarrier.arrive $0xFFFF;
	s31 =	simm.s32 $0x0;
	s0 =	simm.s32 $0x0  }
.LBB2_6:
0xb0: {  	s2 =	sshll.u32 s0, $0x6  }
0xb1: {  	s2 =	sadd.s32 s13, s2  }
0xb2: {  	s2 =	sshrl.u32 s2, $0x3  }
0xb3: {  	s5 =	sadd.s32 s1, s2  }
0xb4: {  	[tilespmem:s31], [sflag:$0x2] =	stream.linear.gather [hbm4b:s5+s31], $0x40, $0x38;
	[tilespmem:$0xB180] =	vst v63  }
0xb5: {  	_ =	swait.ge [sflag:s17], $0x40  }
0xb6: {  	[sflag:s17] =	ssyncset.done $0x0  }
0xb7: {  	s2 =	sadd.s32 s7, s2;
	[sflag:s17] =	ssyncadd.s32 $0xFFFFFFC0  }
0xb8: {  	[tilespmem:s21], [sflag:$0x2] =	stream.linear.gather [hbm4b:s2+s31], $0x40, $0x38;
	[tilespmem:$0xB180] =	vst v63  }
0xb9: {  	_ =	swait.ge [sflag:s17], $0x40  }
0xba: {  	[sflag:s17] =	ssyncset.done $0x0  }
0xbb: {  	[sflag:s17] =	ssyncadd.s32 $0xFFFFFFC0  }
0xbc: {  	v11 =	vld [tilespmem:$0x0]  }
0xbd: {  	v12 =	vld [tilespmem:$0x10]  }
0xbe: {  	v13 =	vld [tilespmem:$0x20]  }
0xbf: {  	v14 =	vld [tilespmem:$0x30];
	_ =	sdelay $0x1  }
0xc0: {  	v11 =	vadd.s32 v1, v11  }
0xc1: {  	[tilespmem:$0x100] =	vst v11;
	v11 =	vadd.s32 v1, v12  }
0xc2: {  	[tilespmem:$0x110] =	vst v11;
	v11 =	vadd.s32 v1, v13  }
0xc3: {  	[tilespmem:$0x120] =	vst v11;
	v11 =	vadd.s32 v1, v14  }
0xc4: {  	[tilespmem:$0x130] =	vst v11  }
0xc5: {  	[tilespmem:s28], [sflag:$0x1] =	stream.indirect.gather [hbm4b:s10+s22], $0x80, s23, s22, $0xb8;
	[tilespmem:$0xB180] =	vst v63  }
0xc6: {  	_ =	swait.ge [sflag:s20], $0x2000  }
0xc7: {  	[sflag:s20] =	ssyncset.done $0x0  }
0xc8: {  	[sflag:s20] =	ssyncadd.s32 $0xFFFFE000  }
0xc9: {  	[tilespmem:s24], [sflag:$0x1] =	stream.indirect.gather [hbm4b:s8+s22], $0x80, s23, s22, $0xb8;
	[tilespmem:$0xB180] =	vst v63  }
0xca: {  	_ =	swait.ge [sflag:s20], $0x2000  }
0xcb: {  	[sflag:s20] =	ssyncset.done $0x0  }
0xcc: {  	[sflag:s20] =	ssyncadd.s32 $0xFFFFE000  }
0xcd: {  	v11 =	vld [tilespmem:$0x80]  }
0xce: {  	v12 =	vld [tilespmem:$0x90]  }
0xcf: {  	v13 =	vld [tilespmem:$0xA0]  }
0xd0: {  	v14 =	vld [tilespmem:$0xB0];
	_ =	sdelay $0x1  }
0xd1: {  	v11 =	vadd.s32 v2, v11  }
0xd2: {  	[tilespmem:$0x100] =	vst v11;
	v11 =	vadd.s32 v2, v12  }
0xd3: {  	[tilespmem:$0x110] =	vst v11;
	v11 =	vadd.s32 v2, v13  }
0xd4: {  	[tilespmem:$0x120] =	vst v11;
	v11 =	vadd.s32 v2, v14  }
0xd5: {  	[tilespmem:$0x130] =	vst v11  }
0xd6: {  	[tilespmem:s25], [sflag:$0x1] =	stream.indirect.gather [hbm4b:s9+s22], $0x80, s23, s22, $0xb8;
	[tilespmem:$0xB180] =	vst v63  }
0xd7: {  	_ =	swait.ge [sflag:s20], $0x2000  }
0xd8: {  	[sflag:s20] =	ssyncset.done $0x0  }
0xd9: {  	[sflag:s20] =	ssyncadd.s32 $0xFFFFE000  }
0xda: {  	[tilespmem:s29], [sflag:$0x2] =	stream.indirect.gather [spmem:s3], $0x80, s21, s22, $0xb8;
	[tilespmem:$0xB180] =	vst v63  }
0xdb: {  	_ =	swait.ge [sflag:s17], $0x2000  }
0xdc: {  	[sflag:s17] =	ssyncset.done $0x0  }
0xdd: {  	s6 =	simm.s32 $0x0;
	[sflag:s17] =	ssyncadd.s32 $0xFFFFE000  }
0xde: {  	v11 =	vld [tilespmem:s6+$0x61B0]  }
0xdf: {  	v12 =	vld [tilespmem:s6+$0x6190]  }
0xe0: {  	v13 =	vld [tilespmem:s6+$0x61E0]  }
0xe1: {  	v14 =	vld [tilespmem:s6+$0x61F0]  }
0xe2: {  	v15 =	vld [tilespmem:s6+$0x21F0]  }
0xe3: {  	v16 =	vld [tilespmem:s6+$0x1F0]  }
0xe4: {  	v17 =	vld [tilespmem:s6+$0x21D0]  }
0xe5: {  	v18 =	vld [tilespmem:s6+$0x21E0]  }
0xe6: {  	v19 =	vld [tilespmem:s6+$0x21B0]  }
0xe7: {  	v20 =	vld [tilespmem:s6+$0x1D0]  }
0xe8: {  	v21 =	vld [tilespmem:s6+$0x21C0]  }
0xe9: {  	v23 =	vld [tilespmem:s6+$0x1E0]  }
0xea: {  	v22 =	vld [tilespmem:s6+$0x1C0]  }
0xeb: {  	v24 =	vld [tilespmem:s6+$0x1B0]  }
0xec: {  	v25 =	vld [tilespmem:s6+$0x21A0];
	v15 =	vadd.f32 v15, v16  }
0xed: {  	v27 =	vld [tilespmem:s6+$0x2180];
	v12 =	vadd.f32 $1.000000020e-16, v12  }
0xee: {  	v28 =	vld [tilespmem:s6+$0x180];
	v13 =	vadd.f32 $1.000000020e-16, v13;
	v26 =	vmul.f32 $2.000000030e-01, v15  }
0xef: {  	v16 =	vld [tilespmem:s6+$0x2190];
	(erf) = vrcp.f32 v12  }
0xf0: {  	v19 =	vadd.f32 v19, v24;
	(erf) = vrcp.f32 v13;
	v13 =	vld [tilespmem:s6+$0x61A0];
	v15 =	vmax.f32 v15, v26  }
0xf1: {  	v12 =	vsub.f32 v15, v10;
	v15 =	vld [tilespmem:s6+$0x190]  }
0xf2: {  	v14 =	vadd.f32 $1.000000020e-16, v14;
	v29 =	vadd.f32 v21, v22;
	v24 =	vmul.f32 $2.000000030e-01, v19;
	v26 =	vld [tilespmem:s6+$0x1A0]  }
0xf3: {  	v31 =	vld [tilespmem:s6+$0x61D0];
	v17 =	vadd.f32 v17, v20;
	v20 =	vadd.f32 v27, v28  }
0xf4: {  	v22 =	vld [tilespmem:s6+$0x61C0];
	v23 =	vadd.f32 v18, v23;
	v19 =	vmax.f32 v19, v24;
	v12 =	vmul.f32 $1.442695020e+00, v12  }
0xf5: {  	v18 =	vld [tilespmem:s6+$0x81F0];
	(erf) = vrcp.f32 v14;
	v24 =	vsub.f32 v19, v6;
	v13 =	vadd.f32 $1.000000020e-16, v13  }
0xf6: {  	v14 =	vld [tilespmem:s6+$0x81C0];
	(erf) = vpow2.f32 v12;
	v15 =	vadd.f32 v16, v15;
	v16 =	vmul.f32 $2.000000030e-01, v17  }
0xf7: {  	v19 =	vmul.f32 $2.000000030e-01, v29;
	v21 =	vadd.f32 v25, v26;
	v26 =	vld [tilespmem:s6+$0x6180];
	v12 =	vadd.f32 $1.000000020e-16, v11  }
0xf8: {  	v31 =	vadd.f32 $1.000000020e-16, v31;
	v27 =	vmul.f32 $2.000000030e-01, v20;
	v11 =	vld [tilespmem:s6+$0x8190];
	v16 =	vmax.f32 v17, v16  }
0xf9: {  	(erf) = vrcp.f32 v13;
	v13 =	vld [tilespmem:s6+$0x81A0];
	v28 =	vsub.f32 v16, v8;
	v16 =	vmax.f32 v29, v19  }
0xfa: {  	v20 =	vmax.f32 v20, v27;
	v25 =	vmul.f32 $2.000000030e-01, v21;
	v17 =	vld [tilespmem:s6+$0x81D0];
	v27 =	vmul.f32 $2.000000030e-01, v15  }
0xfb: {  	v30 =	vsub.f32 v20, v3;
	(erf) = vrcp.f32 v12;
	v12 =	vpop (erf);
	v19 =	vld [tilespmem:s6+$0x8180];
	v29 =	vmul.f32 $2.000000030e-01, v23  }
0xfc: {  	s2 =	simm.s32 $0x200;
	v20 =	vsub.f32 v16, v7;
	v27 =	vmax.f32 v15, v27;
	v15 =	vld [tilespmem:s6+$0x81B0];
	v28 =	vmul.f32 $1.442695020e+00, v28;
	v16 =	vpop (erf)  }
.LBB2_7:
0xfd: {  	v26 =	vadd.f32 $1.000000020e-16, v26;
	s19 =	smov.u32 s2  }
0xfe: {  	s5 =	sshra.s32 s2, $0x2;
	v30 =	vmul.f32 $1.442695020e+00, v30;
	v32 =	vmul.f32 $1.442695020e+00, v20;
	v33 =	vld [tilespmem:s6+$0x81E0];
	v34 =	vpop (erf);
	s19 =	sadd.s32 $0x200, s2  }
0xff: {  	p0 =	sne.s32 s2, $0x7E00;
	v22 =	vadd.f32 $1.000000020e-16, v22;
	v23 =	vmax.f32 v23, v29;
	v20 =	vld [tilespmem:s5+$0x61B0];
	(erf) = vrcp.f32 v31;
	v29 =	vpop (erf)  }
0x100: {  	v21 =	vmax.f32 v21, v25;
	v23 =	vsub.f32 v23, v9;
	v31 =	vld [tilespmem:s5+$0x6190];
	(erf) = vpow2.f32 v30  }
0x101: {  	v24 =	vmul.f32 $1.442695020e+00, v24;
	v21 =	vsub.f32 v21, v5;
	v25 =	vld [tilespmem:s5+$0x61E0];
	(erf) = vrcp.f32 v26  }
0x102: {  	v23 =	vmul.f32 $1.442695020e+00, v23;
	v26 =	vld [tilespmem:s5+$0x61F0];
	(erf) = vrcp.f32 v22  }
0x103: {  	v21 =	vmul.f32 $1.442695020e+00, v21;
	v22 =	vld [tilespmem:s5+$0x21F0];
	v30 =	vpop (erf);
	(erf) = vpow2.f32 v28  }
0x104: {  	v27 =	vsub.f32 v27, v4;
	v29 =	vmul.f32 v29, v34;
	v28 =	vld [tilespmem:s5+$0x1F0];
	v34 =	vpop (erf);
	(erf) = vpow2.f32 v32  }
0x105: {  	v31 =	vadd.f32 $1.000000020e-16, v31;
	v32 =	vld [tilespmem:s5+$0x21D0];
	(erf) = vpow2.f32 v23  }
0x106: {  	v35 =	vmul.f32 $1.442695020e+00, v27;
	v23 =	vld [tilespmem:s5+$0x21E0];
	v25 =	vadd.f32 $1.000000020e-16, v25;
	(erf) = vpow2.f32 v21  }
0x107: {  	v36 =	vmul.f32 v29, v18;
	v21 =	vld [tilespmem:s5+$0x21B0];
	v26 =	vadd.f32 $1.000000020e-16, v26;
	(erf) = vpow2.f32 v24  }
0x108: {  	v24 =	vld [tilespmem:s5+$0x1D0];
	(erf) = vpow2.f32 v35;
	v27 =	vpop (erf)  }
0x109: {  	v29 =	vld [tilespmem:s5+$0x21C0];
	v22 =	vadd.f32 v22, v28;
	[tilespmem:s6+$0x81F0] =	vst v36;
	v18 =	vpop (erf)  }
0x10a: {  	v28 =	vld [tilespmem:s5+$0x1E0];
	v35 =	vpop (erf)  }
0x10b: {  	v36 =	vld [tilespmem:s5+$0x1C0];
	v37 =	vmul.f32 $2.000000030e-01, v22;
	v18 =	vmul.f32 v18, v35;
	v35 =	vpop (erf)  }
0x10c: {  	v38 =	vld [tilespmem:s5+$0x1B0];
	(erf) = vrcp.f32 v31;
	v31 =	vpop (erf)  }
0x10d: {  	v39 =	vld [tilespmem:s5+$0x2190];
	v22 =	vmax.f32 v22, v37;
	v37 =	vmul.f32 v18, v19;
	v19 =	vmul.f32 v31, v27;
	v27 =	vpop (erf)  }
0x10e: {  	v31 =	vld [tilespmem:s5+$0x21A0];
	v22 =	vsub.f32 v22, v10;
	(erf) = vrcp.f32 v25;
	v40 =	vmul.f32 v27, v35;
	v27 =	vpop (erf)  }
0x10f: {  	v35 =	vld [tilespmem:s5+$0x2180];
	[tilespmem:s6+$0x8180] =	vst v37;
	v37 =	vmul.f32 v19, v17;
	v16 =	vmul.f32 v27, v16;
	v18 =	vpop (erf)  }
0x110: {  	v19 =	vld [tilespmem:s5+$0x180];
	v18 =	vmul.f32 v18, v30;
	v14 =	vmul.f32 v40, v14;
	v25 =	vpop (erf)  }
0x111: {  	v27 =	vld [tilespmem:s5+$0x1A0];
	v21 =	vadd.f32 v21, v38;
	v25 =	vmul.f32 v25, v34;
	[tilespmem:s6+$0x81D0] =	vst v37;
	v16 =	vmul.f32 v16, v33;
	v17 =	vpop (erf)  }
0x112: {  	v30 =	vld [tilespmem:s5+$0x190];
	v34 =	vmul.f32 v17, v12;
	v13 =	vmul.f32 v18, v13;
	[tilespmem:s6+$0x81C0] =	vst v14  }
0x113: {  	v29 =	vadd.f32 v29, v36;
	v14 =	vld [tilespmem:s5+$0x61A0];
	v17 =	vmul.f32 $2.000000030e-01, v21;
	v15 =	vmul.f32 v25, v15;
	[tilespmem:s6+$0x81E0] =	vst v16  }
0x114: {  	v32 =	vadd.f32 v32, v24;
	v24 =	vmul.f32 $1.442695020e+00, v22;
	v33 =	vld [tilespmem:s5+$0x61D0];
	v11 =	vmul.f32 v34, v11;
	[tilespmem:s6+$0x81A0] =	vst v13  }
0x115: {  	v13 =	vadd.f32 v35, v19;
	v17 =	vmax.f32 v21, v17;
	v22 =	vld [tilespmem:s5+$0x61C0];
	v12 =	vpop (erf);
	(erf) = vrcp.f32 v26;
	[tilespmem:s6+$0x81B0] =	vst v15  }
0x116: {  	v23 =	vadd.f32 v23, v28;
	v21 =	vadd.f32 v31, v27;
	v18 =	vld [tilespmem:s5+$0x81F0];
	(erf) = vpow2.f32 v24;
	[tilespmem:s6+$0x8190] =	vst v11;
	s6 =	smov.u32 s5  }
0x117: {  	v19 =	vadd.f32 $1.000000020e-16, v20;
	v20 =	vmul.f32 $2.000000030e-01, v32;
	v26 =	vld [tilespmem:s6+$0x6180];
	v15 =	vadd.f32 v39, v30;
	v16 =	vpop (erf)  }
0x118: {  	v27 =	vmul.f32 $2.000000030e-01, v13;
	v11 =	vld [tilespmem:s6+$0x8190];
	v25 =	vmul.f32 $2.000000030e-01, v21;
	v28 =	vadd.f32 $1.000000020e-16, v14  }
.Ltmp2:
0x119: {  	v24 =	vsub.f32 v17, v6;
	v30 =	vmul.f32 $2.000000030e-01, v29;
	v17 =	vmax.f32 v32, v20;
	v14 =	vld [tilespmem:s6+$0x81C0];
	(pc) =	sbr.rel @p0 .LBB2_7-.Ltmp2, $4  }
0x11a: {  	v31 =	vsub.f32 v17, v8;
	v20 =	vmax.f32 v13, v27;
	v17 =	vld [tilespmem:s6+$0x81D0];
	(erf) = vrcp.f32 v28  }
0x11b: {  	v27 =	vmul.f32 $2.000000030e-01, v15;
	v28 =	vmax.f32 v29, v30;
	v13 =	vld [tilespmem:s6+$0x81A0];
	(erf) = vrcp.f32 v19  }
0x11c: {  	v30 =	vsub.f32 v20, v3;
	v29 =	vmul.f32 $2.000000030e-01, v23;
	v20 =	vsub.f32 v28, v7;
	v19 =	vld [tilespmem:s6+$0x8180]  }
0x11d: {  	s2 =	smov.u32 s19;
	v27 =	vmax.f32 v15, v27;
	v28 =	vmul.f32 $1.442695020e+00, v31;
	v31 =	vadd.f32 $1.000000020e-16, v33;
	v15 =	vld [tilespmem:s6+$0x81B0]  }
0x11e: {  	v30 =	vmul.f32 $1.442695020e+00, v30  }
0x11f: {  	v26 =	vadd.f32 $1.000000020e-16, v26;
	(erf) = vrcp.f32 v31  }
0x120: {  	v22 =	vadd.f32 $1.000000020e-16, v22;
	v23 =	vmax.f32 v23, v29;
	(erf) = vpow2.f32 v30  }
0x121: {  	v21 =	vmax.f32 v21, v25;
	v23 =	vsub.f32 v23, v9;
	(erf) = vrcp.f32 v26  }
0x122: {  	v20 =	vmul.f32 $1.442695020e+00, v20;
	v21 =	vsub.f32 v21, v5;
	(erf) = vrcp.f32 v22  }
0x123: {  	v46 =	vmul.f32 $1.442695020e+00, v23;
	(erf) = vpow2.f32 v28  }
0x124: {  	v47 =	vpop (erf);
	v48 =	vsub.f32 v27, v4;
	v21 =	vmul.f32 $1.442695020e+00, v21;
	(erf) = vpow2.f32 v20  }
0x125: {  	v24 =	vmul.f32 $1.442695020e+00, v24;
	v49 =	vpop (erf);
	(erf) = vpow2.f32 v46  }
0x126: {  	v25 =	vmul.f32 $1.442695020e+00, v48;
	v50 =	vpop (erf);
	(erf) = vpow2.f32 v21  }
0x127: {  	v51 =	vpop (erf);
	(erf) = vpow2.f32 v24  }
0x128: {  	(erf) = vpow2.f32 v25;
	v52 =	vpop (erf)  }
0x129: {  	v53 =	vpop (erf)  }
0x12a: {  	v26 =	vpop (erf)  }
0x12b: {  	v20 =	vmul.f32 v49, v47;
	v54 =	vpop (erf)  }
0x12c: {  	v55 =	vld [tilespmem:s6+$0x81E0];
	v25 =	vmul.f32 v53, v26;
	v56 =	vpop (erf)  }
0x12d: {  	v18 =	vmul.f32 v20, v18;
	v57 =	vmul.f32 v56, v52;
	v58 =	vpop (erf)  }
0x12e: {  	v19 =	vmul.f32 v25, v19;
	v23 =	vmul.f32 v58, v54;
	v59 =	vpop (erf)  }
0x12f: {  	[tilespmem:s6+$0x81F0] =	vst v18;
	v17 =	vmul.f32 v57, v17;
	v16 =	vmul.f32 v59, v16;
	v60 =	vpop (erf)  }
0x130: {  	[tilespmem:s6+$0x8180] =	vst v19;
	v18 =	vmul.f32 v60, v50;
	v14 =	vmul.f32 v23, v14;
	v61 =	vpop (erf)  }
0x131: {  	v19 =	vmul.f32 v61, v51;
	[tilespmem:s6+$0x81D0] =	vst v17;
	v16 =	vmul.f32 v16, v55;
	v62 =	vpop (erf)  }
0x132: {  	v12 =	vmul.f32 v62, v12;
	v13 =	vmul.f32 v18, v13;
	[tilespmem:s6+$0x81C0] =	vst v14  }
0x133: {  	v63 =	vmul.f32 v19, v15;
	[tilespmem:s6+$0x81E0] =	vst v16  }
0x134: {  	s0 =	sadd.s32 $0x1, s0;
	v11 =	vmul.f32 v12, v11;
	[tilespmem:s6+$0x81A0] =	vst v13  }
0x135: {  	p0 =	sne.s32 s0, $0x4;
	[tilespmem:s6+$0x81B0] =	vst v63  }
.Ltmp3:
0x136: {  	[tilespmem:s6+$0x8190] =	vst v11;
	(pc) =	sbr.rel @p0 .LBB2_6-.Ltmp3, $4  }
0x137: {  	[spmem:s4] =	stream.indirect.scatter.add.f32 [tilespmem:s28], [sflag:$0x2], $0x80, s21, s22, $0xb8;
	[tilespmem:$0xB180] =	vst v63  }
0x138: {  	_ =	swait.ge [sflag:s17], $0x2000  }
0x139: {  	[sflag:s17] =	ssyncset.done $0x0  }
0x13a: {  	[sflag:s17] =	ssyncadd.s32 $0xFFFFE000  }
0x13b: {  	s30 =	sadd.s32 $0x1, s30  }
0x13c: {  	p0 =	sne.s32 s30, s15  }
.Ltmp4:
0x13d: {  	[bflag:$0x0] =	sbarrier.arrive $0xFFFF;
	(pc) =	sbr.rel @p0 .LBB2_1-.Ltmp4, $4  }
0x13e: {  	[hbm:s14], [sflag:s12] =	dma.local [spmem:s18], $0x80  }
0x13f: {  	_ =	swait.ge [sflag:s17], $0x80  }
0x140: {  	[sflag:s17] =	ssyncset.done $0x0  }
0x141: {  	[sflag:s17] =	ssyncadd.s32 $0xFFFFFF80  }
0x142: {  	_ =	sfence.sel $0x180000  }
0x143: {  	[bflag:$0x0] =	sbarrier.arrive $0xFFFF  }
0x144: {  	_ =	strace $0x90000068  }
0x145: {  	s0 =	stileid.u32;
	[bflag:$0x2] =	sbarrier.arrive $0xFFFF  }
0x146: {  	p0 =	sne.s32 s0, $0x0;
	s0 =	rddreg [dreg:$0x5]  }
0x147: {  	s0 =	sadd.s32 @!p0 $0x100000, s0  }
0x148: {  	[sflag:s0] =	ssyncadd.tile.s32 @!p0 $0x1;
	_ =	shalt  }
.Lfunc_end2:
_tile_overlayer_lowered:
.L_overlay_start_2:
0x149: {  	(tag) =	ssettag $0x2  }
0x14a: {  	s0 =	rddreg [dreg:$0x0];
	s2 =	stileid.u32  }
0x14b: {  	s1 =	rddreg [dreg:$0x1];
	p0 =	sne.s32 s2, $0x0  }
0x14c: {  	s3 =	rddreg [dreg:$0x2];
	[bflag:$0x3] =	sbarrier.arrive $0xFFFF;
	s2 =	simm.s32 @!p0 $0x1C02  }
0x14d: {  	[timem:s3], [sflag:s2] =	dma.local @!p0 [hbm:s0], s1  }
0x14e: {  	s0 =	simm.s32 @!p0 $0x2  }
0x14f: {  	_ =	swait.ge @!p0 [sflag:s0], s1  }
0x150: {  	s1 =	ssub.s32 @!p0 $0x0, s1;
	[sflag:s0] =	ssyncset.done @!p0 $0x0  }
0x151: {  	[sflag:s0] =	ssyncadd.s32 @!p0 s1  }
0x152: {  	[bflag:$0x3] =	sbarrier.arrive $0xFFFF  }
0x153: {  	_ =	shalt  }

// kernel: kernel.6.cloned.1.call-start
scs
__scs_entry_jumppad:
0x0: {  	(pc) =	sbr.rel $0x88, $3  }
0x1: {  	(tag) =	ssettag $0x0;
	lr =	simm.s32 $0x1  }
0x2: {  	[smem:$0x3F8F] =	sst lr;
	_ =	strace $0xD0000000  }
0x3: {  	_ = 	snop  }
0x4: {  	_ = 	snop  }
0x5: {  	_ = 	snop  }
0x6: {  	_ = 	snop  }
0x7: {  	_ = 	snop  }
__scs_overlays_trampoline_lowered:
0x8: {  	[smem:$0x3F9E] =	sst s0  }
0x9: {  	[smem:$0x3F9F] =	sst s1  }
0xa: {  	[smem:$0x3FA0] =	sst s2  }
0xb: {  	[smem:$0x3FA1] =	sst s3  }
0xc: {  	[smem:$0x3FA2] =	sst s4  }
0xd: {  	[smem:$0x3FA3] =	sst s5  }
0xe: {  	[smem:$0x3FA4] =	sst s6  }
0xf: {  	[smem:$0x3FA5] =	sst s7  }
0x10: {  	[smem:$0x3FA6] =	sst s8  }
0x11: {  	[smem:$0x3FA7] =	sst s9;
	s0 =	simm.s32 @!p0 $0x0  }
0x12: {  	s1 =	sld [smem:$0x3F8D];
	s0 =	simm.s32 @p0 $0x1  }
0x13: {  	[smem:$0x3FA8] =	sst s0;
	s0 =	simm.s32 @!p1 $0x0  }
0x14: {  	s2 =	sld [smem:$0x3F8C];
	s0 =	simm.s32 @p1 $0x1  }
0x15: {  	[smem:$0x3FA9] =	sst s0;
	s0 =	simm.s32 @!p2 $0x0  }
0x16: {  	s3 =	sld [smem:$0x3FDB];
	s0 =	simm.s32 @p2 $0x1  }
0x17: {  	s4 =	simm.s32 $0x1BF5;
	[smem:$0x3FAB] =	sst s0  }
0x18: {  	s0 =	sld [smem:$0x3F8E];
	_ =	swait.ge [sflag:s4], $0x0  }
0x19: {  	s7 =	sld [smem:$0x3F8F]  }
0x1a: {  	s8 =	sadd.s32 $0xFFFFE003, lr  }
0x1b: {  	s9 =	sadd.s32 $0xFFFFFEF7, lr;
	s5 =	simm.s32 $0xFFFFFFFF;
	p2 =	slt.u32 s8, $0xFFFFF086  }
0x1c: {  	p1 =	slt.u32 s9, $0xF7A;
	s5 =	simm.s32 @!p2 $0x0  }
0x1d: {  	s5 =	simm.s32 @p1 $0x1;
	p0 =	seq.s32 s7, s2  }
0x1e: {  	s7 =	smul.u32 @!p0 $0xF7A, s2;
	p2 =	seq.s32 @!p0 s5, $0x0  }
0x1f: {  	s9 =	smul.u32 $0xF7A, s1;
	s8 =	simm.s32 @!p0 $0x1BF5;
	p2 =	por !p2, p0  }
0x20: {  	[sflag:s8] =	ssyncset.s32 @!p0 $0xFFFFF086;
	s6 =	sadd.s32 @!p0 s3, s7;
	s7 =	simm.s32 @!p0 $0x108  }
0x21: {  	s3 =	sadd.s32 s3, s9;
	s6 =	sadd.s32 @!p0 $0x88, s6;
	s7 =	simm.s32 @p2 $0x1082  }
0x22: {  	[simem:s7], [sflag:s8] =	dma.local @!p0 [hbm:s6], $0xF7A  }
0x23: {  	s9 =	sor.u32 $0xD0000000, s2;
	s6 =	simm.s32 $0x108;
	_ =	swait.ge @!p0 [sflag:s8], $0x0  }
0x24: {  	s3 =	sadd.s32 $0x88, s3;
	s6 =	simm.s32 @!p1 $0x1082;
	[sflag:s4] =	ssyncset.s32 $0xFFFFF086  }
0x25: {  	[simem:s6], [sflag:s4] =	dma.local [hbm:s3], $0xF7A  }
0x26: {  	[smem:$0x3F8F] =	sst s1;
	(tag) =	ssettag s2;
	_ =	strace s9  }
0x27: {  	s1 =	sld [smem:$0x3F9F]  }
0x28: {  	s2 =	sld [smem:$0x3FA0]  }
0x29: {  	s4 =	sld [smem:$0x3FA2]  }
0x2a: {  	p0 =	seq.s32 s5, $0x0;
	s5 =	sld [smem:$0x3FA3]  }
0x2b: {  	s6 =	sld [smem:$0x3FA4]  }
0x2c: {  	s7 =	sld [smem:$0x3FA5]  }
0x2d: {  	s3 =	simm.s32 $0x108;
	s8 =	sld [smem:$0x3FA6]  }
0x2e: {  	s3 =	simm.s32 @!p0 $0x1082;
	s9 =	sld [smem:$0x3FA7]  }
0x2f: {  	lr =	sadd.s32 s0, s3;
	s0 =	sld [smem:$0x3F9E]  }
0x30: {  	s3 =	sld [smem:$0x3FA1]  }
0x31: {  	[smem:$0x3FAA] =	sst s10  }
0x32: {  	s10 =	sld [smem:$0x3FA8];
	_ =	sdelay $0x3  }
0x33: {  	p0 =	seq.s32 s10, $0x1;
	s10 =	sld [smem:$0x3FAA];
	_ =	sdelay $0x3  }
0x34: {  	[smem:$0x3FAA] =	sst s10  }
0x35: {  	s10 =	sld [smem:$0x3FA9];
	_ =	sdelay $0x3  }
0x36: {  	p1 =	seq.s32 s10, $0x1;
	s10 =	sld [smem:$0x3FAA];
	_ =	sdelay $0x3  }
0x37: {  	[smem:$0x3FAA] =	sst s10  }
0x38: {  	s10 =	sld [smem:$0x3FAB]  }
0x39: {  	_ = 	snop;
	(pc) =	sbr.ind lr, $3  }
0x3a: {  	_ = 	snop  }
0x3b: {  	_ = 	snop  }
0x3c: {  	p2 =	seq.s32 s10, $0x1;
	s10 =	sld [smem:$0x3FAA]  }
0x3d: {  	_ =	shalt  }
0x3e: {  	_ =	shalt  }
0x3f: {  	_ =	shalt  }
0x40: {  	_ =	shalt  }
0x41: {  	_ =	shalt  }
0x42: {  	_ =	shalt  }
0x43: {  	_ =	shalt  }
0x44: {  	_ =	shalt  }
0x45: {  	_ =	shalt  }
0x46: {  	_ =	shalt  }
0x47: {  	_ =	shalt  }
0x48: {  	_ =	shalt  }
0x49: {  	_ =	shalt  }
0x4a: {  	_ =	shalt  }
0x4b: {  	_ =	shalt  }
0x4c: {  	_ =	shalt  }
0x4d: {  	_ =	shalt  }
0x4e: {  	_ =	shalt  }
0x4f: {  	_ =	shalt  }
0x50: {  	_ =	shalt  }
0x51: {  	_ =	shalt  }
0x52: {  	_ =	shalt  }
0x53: {  	_ =	shalt  }
0x54: {  	_ =	shalt  }
0x55: {  	_ =	shalt  }
0x56: {  	_ =	shalt  }
0x57: {  	_ =	shalt  }
0x58: {  	_ =	shalt  }
0x59: {  	_ =	shalt  }
0x5a: {  	_ =	shalt  }
0x5b: {  	_ =	shalt  }
0x5c: {  	_ =	shalt  }
0x5d: {  	_ =	shalt  }
0x5e: {  	_ =	shalt  }
0x5f: {  	_ =	shalt  }
0x60: {  	_ =	shalt  }
0x61: {  	_ =	shalt  }
0x62: {  	_ =	shalt  }
0x63: {  	_ =	shalt  }
0x64: {  	_ =	shalt  }
0x65: {  	_ =	shalt  }
0x66: {  	_ =	shalt  }
0x67: {  	_ =	shalt  }
0x68: {  	_ =	shalt  }
0x69: {  	_ =	shalt  }
0x6a: {  	_ =	shalt  }
0x6b: {  	_ =	shalt  }
0x6c: {  	_ =	shalt  }
0x6d: {  	_ =	shalt  }
0x6e: {  	_ =	shalt  }
0x6f: {  	_ =	shalt  }
0x70: {  	_ =	shalt  }
0x71: {  	_ =	shalt  }
0x72: {  	_ =	shalt  }
0x73: {  	_ =	shalt  }
0x74: {  	_ =	shalt  }
0x75: {  	_ =	shalt  }
0x76: {  	_ =	shalt  }
0x77: {  	_ =	shalt  }
0x78: {  	_ =	shalt  }
0x79: {  	_ =	shalt  }
0x7a: {  	_ =	shalt  }
0x7b: {  	_ =	shalt  }
0x7c: {  	_ =	shalt  }
0x7d: {  	_ =	shalt  }
0x7e: {  	_ =	shalt  }
0x7f: {  	_ =	shalt  }
0x80: {  	_ =	shalt  }
0x81: {  	_ =	shalt  }
0x82: {  	_ =	shalt  }
0x83: {  	_ =	shalt  }
0x84: {  	_ =	shalt  }
0x85: {  	_ =	shalt  }
0x86: {  	_ =	shalt  }
0x87: {  	_ =	shalt  }
.Lfunc_end0:
.L_simem_size_0:
called_computation.9_lowered:
.L_overlay_start_0:
0x88: {  	s2 =	sld [smem:$0x3FD9]  }
0x89: {  	s3 =	sld [smem:$0x3FFE];
	_ =	sdelay $0x1  }
0x8a: {  	s1 =	srdreg.scid  }
0x8b: {  	s0 =	sand.u32 $0x1, s1  }
0x8c: {  	s17 =	sshll.u32 s0, $0xA;
	s2 =	sadd.s32 s3, s2  }
0x8d: {  	s2 =	sadd.s32 s2, s17  }
0x8e: {  	[smem:$0x3FB6] =	sst s2  }
0x8f: {  	_ = 	snop  }
0x90: {  	(tm) =	ssettm $0x1  }
0x91: {  	s18 =	sld [smem:$0x3FFB];
	_ =	sdelay $0x3  }
0x92: {  	_ =	strace s18  }
0x93: {  	s2 =	sld [smem:$0x3FFC];
	_ =	sdelay $0x3  }
0x94: {  	_ =	strace s2  }
0x95: {  	s2 =	sld [smem:$0x3FFD];
	_ =	sdelay $0x3  }
0x96: {  	_ =	strace s2  }
0x97: {  	_ =	strace $0x8FFFFFFF  }
0x98: {  	s19 =	sld [smem:$0x3FDB];
	_ =	sdelay $0x1  }
0x99: {  	s20 =	simm.s32 $_scs_section_size  }
0x9a: {  	s4 =	simm.s32 $_size__tile_overlayer_lowered;
	s5 =	simm.s32 $_tile_overlayer_lowered  }
0x9b: {  	s6 =	simm.s32 $0x1BFF;
	s21 =	sshll.u32 s5, $0x1;
	s3 =	sadd.s32 s20, s19  }
0x9c: {  	s22 =	simm.s32 $0x0;
	s4 =	sshll.u32 s4, $0x1;
	s5 =	sadd.s32 s21, s3  }
0x9d: {  	[timem:s22], [sflag:s6] =	dma.local [hbm:s5], s4  }
0x9e: {  	_ =	swait.ge [sflag:s6], s4  }
0x9f: {  	s4 =	ssub.s32 $0x0, s4;
	[sflag:s6] =	ssyncset.done $0x0  }
0xa0: {  	[sflag:s6] =	ssyncadd.s32 s4;
	_ =	sdelay $0x1  }
0xa1: {  	s23 =	simm.s32 $0x1B8B  }
0xa2: {  	_ =	swait.ge [sflag:s23], $0x1  }
0xa3: {  	[sflag:s23] =	ssyncset.done $0x0  }
0xa4: {  	[sflag:s23] =	ssyncadd.s32 $0xFFFFFFFF  }
0xa5: {  	s4 =	sld [smem:$0x0]  }
0xa6: {  	s5 =	sand.u32 $0xFFFFFFFE, s1  }
0xa7: {  	p0 =	sne.s32 s1, s5  }
0xa8: {  	s5 =	sshll.u32 @p0 s5, $0xE  }
0xa9: {  	s5 =	sadd.s32 @p0 $0x11B8D, s5;
	s6 =	sshll.u32 @p0 s4, $0x11  }
0xaa: {  	s5 =	sor.u32 @p0 s6, s5  }
0xab: {  	[sflag:s5] =	ssyncadd.remote.s32 @p0 $0x1;
	_ =	sdelay $0x1  }
0xac: {  	s5 =	simm.s32 @p0 $0x1B8D  }
0xad: {  	_ =	swait.eq @p0 [sflag:s5], $0x1  }
0xae: {  	[sflag:s5] =	ssyncadd.s32 @p0 $0xFFFFFFFF  }
0xaf: {  	s6 =	sshll.u32 @!p0 s1, $0xE  }
0xb0: {  	s6 =	sor.u32 @!p0 $0x4000, s6;
	s5 =	simm.s32 @!p0 $0x1B8D  }
0xb1: {  	s4 =	sshll.u32 @!p0 s4, $0x11;
	s6 =	sadd.s32 @!p0 $0x11B8D, s6;
	_ =	swait.eq @!p0 [sflag:s5], $0x1  }
0xb2: {  	s4 =	sor.u32 @!p0 s4, s6;
	[sflag:s5] =	ssyncadd.s32 @!p0 $0xFFFFFFFF  }
0xb3: {  	s25 =	simm.s32 $0x1B8E;
	s24 =	sld [smem:$0x3FFE];
	[sflag:s4] =	ssyncadd.remote.s32 @!p0 $0x1  }
0xb4: {  	s26 =	simm.s32 $execute0_lowered;
	[smem:$0x3FD2] =	sst s25  }
0xb5: {  	s5 =	sshll.u32 s26, $0x1;
	_ =	strace $0x80000052;
	[dreg:$0x1] =	wrdreg $0xFFFFFFFF  }
0xb6: {  	s28 =	simm.s32 $_size_execute0_lowered;
	s3 =	sadd.s32 s3, s5;
	[dreg:$0x0] =	wrdreg $0x0  }
0xb7: {  	s5 =	sshll.u32 s28, $0x1;
	[dreg:$0x2] =	wrdreg s3  }
0xb8: {  	[dreg:$0x3] =	wrdreg s5  }
0xb9: {  	[dreg:$0x4] =	wrdreg $0xC0  }
0xba: {  	_ =	task [dreg:s22], $0x5FFFF  }
0xbb: {  	[dreg:$0x1] =	wrdreg $0xFFFFFFFF  }
0xbc: {  	[dreg:$0x0] =	wrdreg $0x60  }
0xbd: {  	[dreg:$0x2] =	wrdreg s24  }
0xbe: {  	[dreg:$0x3] =	wrdreg $0x65000  }
0xbf: {  	[dreg:$0x4] =	wrdreg $0xA  }
0xc0: {  	_ =	task.clear_ibuf [dreg:s22], $0x5FFFF;
	_ =	strace $0x90000052  }
0xc1: {  	s29 =	simm.s32 $0xA;
	_ =	strace $0x80000054  }
0xc2: {  	_ =	swait.ge [sflag:s29], $0x1  }
0xc3: {  	[sflag:s29] =	ssyncadd.s32 $0xFFFFFFFF  }
0xc4: {  	_ =	strace $0x90000054  }
0xc5: {  	_ =	sfence  }
0xc6: {  	s30 =	sld [smem:$0x0];
	_ =	sdelay $0x2  }
0xc7: {  	s31 =	sshll.u32 s1, $0xD;
	s1 =	sshrl.u32 s1, $0x2  }
0xc8: {  	s4 =	sand.u32 $0x4000, s31;
	s1 =	sadd.s32 s1, s30  }
0xc9: {  	s0 =	sor.u32 s4, s0;
	s1 =	sshll.u32 s1, $0x11  }
0xca: {  	s0 =	sor.u32 s1, s0  }
0xcb: {  	s0 =	sadd.s32 $0x8F2B, s0  }
0xcc: {  	[sflag:s0] =	ssyncadd.remote.s32 $0x1  }
0xcd: {  	_ =	sfence.sel $0xFFFF  }
0xce: {  	[dreg:$0x0] =	wrdreg $0xFFFFFFFF;
	(pc) =	sbr.abs _section_cstart, $3  }
0xcf: {  	[dreg:$0x1] =	wrdreg $0xFFFFFFFF  }
0xd0: {  	_ =	task.clear_ibuf [dreg:s22], $0x2FFFF;
	_ =	strace $0x9FFFFFFF  }
0xd1: {  	(tm) =	ssettm $0x7FFFFFFF  }
tec
execute0_lowered:
.L_overlay_start_1:
0x0: {  	(tag) =	ssettag $0x1  }
0x1: {  	s6 =	rddreg [dreg:$0x0]  }
0x2: {  	s0 =	srdreg.scid;
	s2 =	rddreg [dreg:$0x1]  }
0x3: {  	s1 =	rddreg [dreg:$0x2];
	s5 =	sand.u32 $0x1, s0  }
0x4: {  	s0 =	stileid.u32;
	s4 =	smul.u32 $0x27100, s5  }
0x5: {  	s3 =	simm.s32 $0x0;
	s12 =	simm.s32 $0x100;
	s7 =	smul.u32 $0x2710, s0  }
0x6: {  	s13 =	simm.s32 $0xC8;
	[smem:$0x7FF] =	sst s3;
	s28 =	smul.u32 $0x2780, s0  }
0x7: {  	s14 =	simm.s32 $0x0;
	_ =	strace $0x80000053;
	s8 =	smul.u32 $0x27800, s5  }
0x8: {  	s5 =	ssub.s32 $0x2, s5;
	s10 =	smul.u32 $0x4F000, s0;
	s31 =	sshll.u32 s0, $0x6  }
0x9: {  	s29 =	sshrl.u32 s5, $0x1;
	s4 =	sadd.s32 s7, s4;
	s11 =	sadd.s32 s28, s6  }
0xa: {  	s7 =	sadd.s32 s28, s8;
	s8 =	ssub.s32 s5, s29;
	s30 =	sshrl.u32 s10, $0x2  }
0xb: {  	s4 =	sshrl.u32 s4, $0x3;
	s7 =	sadd.s32 s7, s6;
	s10 =	sadd.s32 s30, s2  }
0xc: {  	s5 =	sadd.s32 $0x31800, s11;
	s8 =	smax.u32 s8, $0x1;
	s11 =	simm.s32 $0x1  }
0xd: {  	s9 =	sadd.s32 s4, s6;
	s4 =	sadd.s32 $0xFE00, s6;
	s6 =	sor.u32 $0x1C01, s31  }
0xe: {  	s7 =	sadd.s32 $0x59000, s7;
	s10 =	sshrl.u32 s10, $0x3;
	s9 =	sadd.s32 $0x1DC00, s9  }
.LBB2_1:
0xf: {  	[spmem:s10], [sflag:s6] =	dma.local [hbm:s5], $0x2780  }
0x10: {  	_ =	swait.ge [sflag:s11], $0x2780  }
0x11: {  	[sflag:s11] =	ssyncset.done $0x0  }
0x12: {  	[sflag:s11] =	ssyncadd.s32 $0xFFFFD880  }
0x13: {  	[tilespmem:s12], [sflag:$0x1] =	stream.linear.gather [hbm4b:s4+s3], $0x6400, $0x38;
	[tilespmem:$0x1A100] =	vst v63  }
0x14: {  	_ =	swait.ge [sflag:s11], $0x6400  }
0x15: {  	[sflag:s11] =	ssyncset.done $0x0  }
0x16: {  	[sflag:s11] =	ssyncadd.s32 $0xFFFF9C00  }
0x17: {  	s15 =	sadd.s32 $0x0, s9;
	[bflag:$0x0] =	sbarrier.arrive $0xFFFF  }
0x18: {  	[tilespmem:s3], [sflag:$0x1] =	stream.linear.gather [hbm4b:s15+s3], $0xC8, $0x38;
	[tilespmem:$0x1A100] =	vst v63  }
0x19: {  	_ =	swait.ge [sflag:s11], $0xC8  }
0x1a: {  	[sflag:s11] =	ssyncset.done $0x0  }
0x1b: {  	[sflag:s11] =	ssyncadd.s32 $0xFFFFFF38  }
0x1c: {  	[spmem:s2] =	stream.indirect.scatter.add.f32 [tilespmem:s12], [sflag:$0x1], $0x80, s3, s13, $0xb8;
	[tilespmem:$0x1A100] =	vst v63  }
0x1d: {  	_ =	swait.ge [sflag:s11], $0x6400  }
0x1e: {  	s16 =	simm.s32 $0x32;
	s15 =	simm.s32 $0x19;
	[sflag:s11] =	ssyncset.done $0x0  }
.LBB2_2:
0x1f: {  	s17 =	sadd.s32 s15, s9  }
0x20: {  	[sflag:s11] =	ssyncadd.s32 $0xFFFF9C00;
	s15 =	smov.u32 s16;
	s18 =	sadd.s32 $0x19, s16  }
0x21: {  	[tilespmem:s3], [sflag:$0x1] =	stream.linear.gather [hbm4b:s17+s3], $0xC8, $0x38;
	[tilespmem:$0x1A100] =	vst v63  }
0x22: {  	p0 =	sne.s32 s16, $0x4C9;
	_ =	swait.ge [sflag:s11], $0xC8  }
.Ltmp0:
0x23: {  	[sflag:s11] =	ssyncset.done $0x0;
	(pc) =	sbr.rel @p0 .LBB2_2-.Ltmp0, $4  }
0x24: {  	[sflag:s11] =	ssyncadd.s32 $0xFFFFFF38  }
0x25: {  	[spmem:s2] =	stream.indirect.scatter.add.f32 [tilespmem:s12], [sflag:$0x1], $0x80, s3, s13, $0xb8;
	[tilespmem:$0x1A100] =	vst v63  }
0x26: {  	_ =	swait.ge [sflag:s11], $0x6400  }
0x27: {  	s16 =	smov.u32 s18;
	[sflag:s11] =	ssyncset.done $0x0  }
0x28: {  	s15 =	sadd.s32 s15, s9;
	[sflag:s11] =	ssyncadd.s32 $0xFFFF9C00  }
0x29: {  	[tilespmem:s3], [sflag:$0x1] =	stream.linear.gather [hbm4b:s15+s3], $0xC8, $0x38;
	[tilespmem:$0x1A100] =	vst v63  }
0x2a: {  	_ =	swait.ge [sflag:s11], $0xC8  }
0x2b: {  	[sflag:s11] =	ssyncset.done $0x0  }
0x2c: {  	[sflag:s11] =	ssyncadd.s32 $0xFFFFFF38  }
0x2d: {  	[spmem:s2] =	stream.indirect.scatter.add.f32 [tilespmem:s12], [sflag:$0x1], $0x80, s3, s13, $0xb8;
	[tilespmem:$0x1A100] =	vst v63  }
0x2e: {  	_ =	swait.ge [sflag:s11], $0x6400  }
0x2f: {  	s14 =	sadd.s32 $0x1, s14;
	[sflag:s11] =	ssyncset.done $0x0  }
0x30: {  	p0 =	sne.s32 s14, s8;
	[sflag:s11] =	ssyncadd.s32 $0xFFFF9C00  }
.Ltmp1:
0x31: {  	[bflag:$0x0] =	sbarrier.arrive $0xFFFF;
	(pc) =	sbr.rel @p0 .LBB2_1-.Ltmp1, $4  }
0x32: {  	[hbm:s7], [sflag:s6] =	dma.local [spmem:s10], $0x2780  }
0x33: {  	_ =	swait.ge [sflag:s11], $0x2780  }
0x34: {  	[sflag:s11] =	ssyncset.done $0x0  }
0x35: {  	[sflag:s11] =	ssyncadd.s32 $0xFFFFD880  }
0x36: {  	_ =	sfence.sel $0x180000  }
0x37: {  	[bflag:$0x0] =	sbarrier.arrive $0xFFFF  }
0x38: {  	p0 =	sne.s32 s0, $0x0;
	_ =	strace $0x90000053  }
0x39: {  	s0 =	sadd.s32 @!p0 $0x100000, s1;
	[bflag:$0x2] =	sbarrier.arrive $0xFFFF  }
0x3a: {  	[sflag:s0] =	ssyncadd.tile.s32 @!p0 $0x1;
	_ =	shalt  }
.Lfunc_end2:
_tile_overlayer_lowered:
.L_overlay_start_2:
0x3b: {  	(tag) =	ssettag $0x2  }
0x3c: {  	s0 =	rddreg [dreg:$0x0];
	s2 =	stileid.u32  }
0x3d: {  	s1 =	rddreg [dreg:$0x1];
	p0 =	sne.s32 s2, $0x0  }
0x3e: {  	s3 =	rddreg [dreg:$0x2];
	[bflag:$0x3] =	sbarrier.arrive $0xFFFF;
	s2 =	simm.s32 @!p0 $0x1C01  }
0x3f: {  	[timem:s3], [sflag:s2] =	dma.local @!p0 [hbm:s0], s1  }
0x40: {  	s0 =	simm.s32 @!p0 $0x1  }
0x41: {  	_ =	swait.ge @!p0 [sflag:s0], s1  }
0x42: {  	s1 =	ssub.s32 @!p0 $0x0, s1;
	[sflag:s0] =	ssyncset.done @!p0 $0x0  }
0x43: {  	[sflag:s0] =	ssyncadd.s32 @!p0 s1  }
0x44: {  	[bflag:$0x3] =	sbarrier.arrive $0xFFFF  }
0x45: {  	_ =	shalt  }

// kernel: kernel.9.cloned.1.call-start
scs
__scs_entry_jumppad:
0x0: {  	(pc) =	sbr.rel $0x88, $3  }
0x1: {  	(tag) =	ssettag $0x0;
	lr =	simm.s32 $0x1  }
0x2: {  	[smem:$0x3F8F] =	sst lr;
	_ =	strace $0xD0000000  }
0x3: {  	_ = 	snop  }
0x4: {  	_ = 	snop  }
0x5: {  	_ = 	snop  }
0x6: {  	_ = 	snop  }
0x7: {  	_ = 	snop  }
__scs_overlays_trampoline_lowered:
0x8: {  	[smem:$0x3F9E] =	sst s0  }
0x9: {  	[smem:$0x3F9F] =	sst s1  }
0xa: {  	[smem:$0x3FA0] =	sst s2  }
0xb: {  	[smem:$0x3FA1] =	sst s3  }
0xc: {  	[smem:$0x3FA2] =	sst s4  }
0xd: {  	[smem:$0x3FA3] =	sst s5  }
0xe: {  	[smem:$0x3FA4] =	sst s6  }
0xf: {  	[smem:$0x3FA5] =	sst s7  }
0x10: {  	[smem:$0x3FA6] =	sst s8  }
0x11: {  	[smem:$0x3FA7] =	sst s9;
	s0 =	simm.s32 @!p0 $0x0  }
0x12: {  	s1 =	sld [smem:$0x3F8D];
	s0 =	simm.s32 @p0 $0x1  }
0x13: {  	[smem:$0x3FA8] =	sst s0;
	s0 =	simm.s32 @!p1 $0x0  }
0x14: {  	s2 =	sld [smem:$0x3F8C];
	s0 =	simm.s32 @p1 $0x1  }
0x15: {  	[smem:$0x3FA9] =	sst s0;
	s0 =	simm.s32 @!p2 $0x0  }
0x16: {  	s3 =	sld [smem:$0x3FDB];
	s0 =	simm.s32 @p2 $0x1  }
0x17: {  	s4 =	simm.s32 $0x1BF5;
	[smem:$0x3FAB] =	sst s0  }
0x18: {  	s0 =	sld [smem:$0x3F8E];
	_ =	swait.ge [sflag:s4], $0x0  }
0x19: {  	s7 =	sld [smem:$0x3F8F]  }
0x1a: {  	s8 =	sadd.s32 $0xFFFFE003, lr  }
0x1b: {  	s9 =	sadd.s32 $0xFFFFFEF7, lr;
	s5 =	simm.s32 $0xFFFFFFFF;
	p2 =	slt.u32 s8, $0xFFFFF086  }
0x1c: {  	p1 =	slt.u32 s9, $0xF7A;
	s5 =	simm.s32 @!p2 $0x0  }
0x1d: {  	s5 =	simm.s32 @p1 $0x1;
	p0 =	seq.s32 s7, s2  }
0x1e: {  	s7 =	smul.u32 @!p0 $0xF7A, s2;
	p2 =	seq.s32 @!p0 s5, $0x0  }
0x1f: {  	s9 =	smul.u32 $0xF7A, s1;
	s8 =	simm.s32 @!p0 $0x1BF5;
	p2 =	por !p2, p0  }
0x20: {  	[sflag:s8] =	ssyncset.s32 @!p0 $0xFFFFF086;
	s6 =	sadd.s32 @!p0 s3, s7;
	s7 =	simm.s32 @!p0 $0x108  }
0x21: {  	s3 =	sadd.s32 s3, s9;
	s6 =	sadd.s32 @!p0 $0x88, s6;
	s7 =	simm.s32 @p2 $0x1082  }
0x22: {  	[simem:s7], [sflag:s8] =	dma.local @!p0 [hbm:s6], $0xF7A  }
0x23: {  	s9 =	sor.u32 $0xD0000000, s2;
	s6 =	simm.s32 $0x108;
	_ =	swait.ge @!p0 [sflag:s8], $0x0  }
0x24: {  	s3 =	sadd.s32 $0x88, s3;
	s6 =	simm.s32 @!p1 $0x1082;
	[sflag:s4] =	ssyncset.s32 $0xFFFFF086  }
0x25: {  	[simem:s6], [sflag:s4] =	dma.local [hbm:s3], $0xF7A  }
0x26: {  	[smem:$0x3F8F] =	sst s1;
	(tag) =	ssettag s2;
	_ =	strace s9  }
0x27: {  	s1 =	sld [smem:$0x3F9F]  }
0x28: {  	s2 =	sld [smem:$0x3FA0]  }
0x29: {  	s4 =	sld [smem:$0x3FA2]  }
0x2a: {  	p0 =	seq.s32 s5, $0x0;
	s5 =	sld [smem:$0x3FA3]  }
0x2b: {  	s6 =	sld [smem:$0x3FA4]  }
0x2c: {  	s7 =	sld [smem:$0x3FA5]  }
0x2d: {  	s3 =	simm.s32 $0x108;
	s8 =	sld [smem:$0x3FA6]  }
0x2e: {  	s3 =	simm.s32 @!p0 $0x1082;
	s9 =	sld [smem:$0x3FA7]  }
0x2f: {  	lr =	sadd.s32 s0, s3;
	s0 =	sld [smem:$0x3F9E]  }
0x30: {  	s3 =	sld [smem:$0x3FA1]  }
0x31: {  	[smem:$0x3FAA] =	sst s10  }
0x32: {  	s10 =	sld [smem:$0x3FA8];
	_ =	sdelay $0x3  }
0x33: {  	p0 =	seq.s32 s10, $0x1;
	s10 =	sld [smem:$0x3FAA];
	_ =	sdelay $0x3  }
0x34: {  	[smem:$0x3FAA] =	sst s10  }
0x35: {  	s10 =	sld [smem:$0x3FA9];
	_ =	sdelay $0x3  }
0x36: {  	p1 =	seq.s32 s10, $0x1;
	s10 =	sld [smem:$0x3FAA];
	_ =	sdelay $0x3  }
0x37: {  	[smem:$0x3FAA] =	sst s10  }
0x38: {  	s10 =	sld [smem:$0x3FAB]  }
0x39: {  	_ = 	snop;
	(pc) =	sbr.ind lr, $3  }
0x3a: {  	_ = 	snop  }
0x3b: {  	_ = 	snop  }
0x3c: {  	p2 =	seq.s32 s10, $0x1;
	s10 =	sld [smem:$0x3FAA]  }
0x3d: {  	_ =	shalt  }
0x3e: {  	_ =	shalt  }
0x3f: {  	_ =	shalt  }
0x40: {  	_ =	shalt  }
0x41: {  	_ =	shalt  }
0x42: {  	_ =	shalt  }
0x43: {  	_ =	shalt  }
0x44: {  	_ =	shalt  }
0x45: {  	_ =	shalt  }
0x46: {  	_ =	shalt  }
0x47: {  	_ =	shalt  }
0x48: {  	_ =	shalt  }
0x49: {  	_ =	shalt  }
0x4a: {  	_ =	shalt  }
0x4b: {  	_ =	shalt  }
0x4c: {  	_ =	shalt  }
0x4d: {  	_ =	shalt  }
0x4e: {  	_ =	shalt  }
0x4f: {  	_ =	shalt  }
0x50: {  	_ =	shalt  }
0x51: {  	_ =	shalt  }
0x52: {  	_ =	shalt  }
0x53: {  	_ =	shalt  }
0x54: {  	_ =	shalt  }
0x55: {  	_ =	shalt  }
0x56: {  	_ =	shalt  }
0x57: {  	_ =	shalt  }
0x58: {  	_ =	shalt  }
0x59: {  	_ =	shalt  }
0x5a: {  	_ =	shalt  }
0x5b: {  	_ =	shalt  }
0x5c: {  	_ =	shalt  }
0x5d: {  	_ =	shalt  }
0x5e: {  	_ =	shalt  }
0x5f: {  	_ =	shalt  }
0x60: {  	_ =	shalt  }
0x61: {  	_ =	shalt  }
0x62: {  	_ =	shalt  }
0x63: {  	_ =	shalt  }
0x64: {  	_ =	shalt  }
0x65: {  	_ =	shalt  }
0x66: {  	_ =	shalt  }
0x67: {  	_ =	shalt  }
0x68: {  	_ =	shalt  }
0x69: {  	_ =	shalt  }
0x6a: {  	_ =	shalt  }
0x6b: {  	_ =	shalt  }
0x6c: {  	_ =	shalt  }
0x6d: {  	_ =	shalt  }
0x6e: {  	_ =	shalt  }
0x6f: {  	_ =	shalt  }
0x70: {  	_ =	shalt  }
0x71: {  	_ =	shalt  }
0x72: {  	_ =	shalt  }
0x73: {  	_ =	shalt  }
0x74: {  	_ =	shalt  }
0x75: {  	_ =	shalt  }
0x76: {  	_ =	shalt  }
0x77: {  	_ =	shalt  }
0x78: {  	_ =	shalt  }
0x79: {  	_ =	shalt  }
0x7a: {  	_ =	shalt  }
0x7b: {  	_ =	shalt  }
0x7c: {  	_ =	shalt  }
0x7d: {  	_ =	shalt  }
0x7e: {  	_ =	shalt  }
0x7f: {  	_ =	shalt  }
0x80: {  	_ =	shalt  }
0x81: {  	_ =	shalt  }
0x82: {  	_ =	shalt  }
0x83: {  	_ =	shalt  }
0x84: {  	_ =	shalt  }
0x85: {  	_ =	shalt  }
0x86: {  	_ =	shalt  }
0x87: {  	_ =	shalt  }
.Lfunc_end0:
.L_simem_size_0:
called_computation.10_lowered:
.L_overlay_start_0:
0x88: {  	s2 =	sld [smem:$0x3FD9]  }
0x89: {  	s3 =	sld [smem:$0x3FFE];
	_ =	sdelay $0x1  }
0x8a: {  	s1 =	srdreg.scid  }
0x8b: {  	s0 =	sand.u32 $0x1, s1  }
0x8c: {  	s17 =	sshll.u32 s0, $0xA;
	s2 =	sadd.s32 s3, s2  }
0x8d: {  	s2 =	sadd.s32 s2, s17  }
0x8e: {  	[smem:$0x3FB6] =	sst s2  }
0x8f: {  	_ = 	snop  }
0x90: {  	(tm) =	ssettm $0x1  }
0x91: {  	s18 =	sld [smem:$0x3FFB];
	_ =	sdelay $0x3  }
0x92: {  	_ =	strace s18  }
0x93: {  	s2 =	sld [smem:$0x3FFC];
	_ =	sdelay $0x3  }
0x94: {  	_ =	strace s2  }
0x95: {  	s2 =	sld [smem:$0x3FFD];
	_ =	sdelay $0x3  }
0x96: {  	_ =	strace s2  }
0x97: {  	_ =	strace $0x8FFFFFFF  }
0x98: {  	s19 =	sld [smem:$0x3FDB];
	_ =	sdelay $0x1  }
0x99: {  	s20 =	simm.s32 $_scs_section_size  }
0x9a: {  	s4 =	simm.s32 $_size__tile_overlayer_lowered;
	s5 =	simm.s32 $_tile_overlayer_lowered  }
0x9b: {  	s6 =	simm.s32 $0x1BFF;
	s21 =	sshll.u32 s5, $0x1;
	s3 =	sadd.s32 s20, s19  }
0x9c: {  	s22 =	simm.s32 $0x0;
	s4 =	sshll.u32 s4, $0x1;
	s5 =	sadd.s32 s21, s3  }
0x9d: {  	[timem:s22], [sflag:s6] =	dma.local [hbm:s5], s4  }
0x9e: {  	_ =	swait.ge [sflag:s6], s4  }
0x9f: {  	s4 =	ssub.s32 $0x0, s4;
	[sflag:s6] =	ssyncset.done $0x0  }
0xa0: {  	[sflag:s6] =	ssyncadd.s32 s4;
	_ =	sdelay $0x1  }
0xa1: {  	s23 =	simm.s32 $0x1B8B  }
0xa2: {  	_ =	swait.ge [sflag:s23], $0x1  }
0xa3: {  	[sflag:s23] =	ssyncset.done $0x0  }
0xa4: {  	[sflag:s23] =	ssyncadd.s32 $0xFFFFFFFF  }
0xa5: {  	s4 =	sld [smem:$0x0]  }
0xa6: {  	s5 =	sand.u32 $0xFFFFFFFE, s1  }
0xa7: {  	p0 =	sne.s32 s1, s5  }
0xa8: {  	s5 =	sshll.u32 @p0 s5, $0xE  }
0xa9: {  	s5 =	sadd.s32 @p0 $0x11B8D, s5;
	s6 =	sshll.u32 @p0 s4, $0x11  }
0xaa: {  	s5 =	sor.u32 @p0 s6, s5  }
0xab: {  	[sflag:s5] =	ssyncadd.remote.s32 @p0 $0x1;
	_ =	sdelay $0x1  }
0xac: {  	s5 =	simm.s32 @p0 $0x1B8D  }
0xad: {  	_ =	swait.eq @p0 [sflag:s5], $0x1  }
0xae: {  	[sflag:s5] =	ssyncadd.s32 @p0 $0xFFFFFFFF  }
0xaf: {  	s6 =	sshll.u32 @!p0 s1, $0xE  }
0xb0: {  	s6 =	sor.u32 @!p0 $0x4000, s6;
	s5 =	simm.s32 @!p0 $0x1B8D  }
0xb1: {  	s4 =	sshll.u32 @!p0 s4, $0x11;
	s6 =	sadd.s32 @!p0 $0x11B8D, s6;
	_ =	swait.eq @!p0 [sflag:s5], $0x1  }
0xb2: {  	s4 =	sor.u32 @!p0 s4, s6;
	[sflag:s5] =	ssyncadd.s32 @!p0 $0xFFFFFFFF  }
0xb3: {  	s25 =	simm.s32 $0x1B8E;
	s24 =	sld [smem:$0x3FFE];
	[sflag:s4] =	ssyncadd.remote.s32 @!p0 $0x1  }
0xb4: {  	s26 =	simm.s32 $execute0_lowered;
	[smem:$0x3FD2] =	sst s25  }
0xb5: {  	s5 =	sshll.u32 s26, $0x1;
	_ =	strace $0x8000005E;
	[dreg:$0x1] =	wrdreg $0xFFFFFFFF  }
0xb6: {  	s28 =	simm.s32 $_size_execute0_lowered;
	s3 =	sadd.s32 s3, s5;
	[dreg:$0x0] =	wrdreg $0x0  }
0xb7: {  	s5 =	sshll.u32 s28, $0x1;
	[dreg:$0x2] =	wrdreg s3  }
0xb8: {  	[dreg:$0x3] =	wrdreg s5  }
0xb9: {  	[dreg:$0x4] =	wrdreg $0xC0  }
0xba: {  	_ =	task [dreg:s22], $0x5FFFF  }
0xbb: {  	[dreg:$0x1] =	wrdreg $0xFFFFFFFF  }
0xbc: {  	[dreg:$0x0] =	wrdreg $0x60  }
0xbd: {  	[dreg:$0x2] =	wrdreg s24  }
0xbe: {  	[dreg:$0x3] =	wrdreg $0x66000  }
0xbf: {  	[dreg:$0x4] =	wrdreg $0xC  }
0xc0: {  	_ =	task.clear_ibuf [dreg:s22], $0x5FFFF;
	_ =	strace $0x9000005E  }
0xc1: {  	s29 =	simm.s32 $0xC;
	_ =	strace $0x80000060  }
0xc2: {  	_ =	swait.ge [sflag:s29], $0x1  }
0xc3: {  	[sflag:s29] =	ssyncadd.s32 $0xFFFFFFFF  }
0xc4: {  	_ =	strace $0x90000060  }
0xc5: {  	_ =	sfence  }
0xc6: {  	s30 =	sld [smem:$0x0];
	_ =	sdelay $0x2  }
0xc7: {  	s31 =	sshll.u32 s1, $0xD;
	s1 =	sshrl.u32 s1, $0x2  }
0xc8: {  	s4 =	sand.u32 $0x4000, s31;
	s1 =	sadd.s32 s1, s30  }
0xc9: {  	s0 =	sor.u32 s4, s0;
	s1 =	sshll.u32 s1, $0x11  }
0xca: {  	s0 =	sor.u32 s1, s0  }
0xcb: {  	s0 =	sadd.s32 $0x8F2B, s0  }
0xcc: {  	[sflag:s0] =	ssyncadd.remote.s32 $0x1  }
0xcd: {  	_ =	sfence.sel $0xFFFF  }
0xce: {  	[dreg:$0x0] =	wrdreg $0xFFFFFFFF;
	(pc) =	sbr.abs _section_cstart, $3  }
0xcf: {  	[dreg:$0x1] =	wrdreg $0xFFFFFFFF  }
0xd0: {  	_ =	task.clear_ibuf [dreg:s22], $0x2FFFF;
	_ =	strace $0x9FFFFFFF  }
0xd1: {  	(tm) =	ssettm $0x7FFFFFFF  }
tec
execute0_lowered:
.L_overlay_start_1:
0x0: {  	(tag) =	ssettag $0x1  }
0x1: {  	s6 =	rddreg [dreg:$0x0]  }
0x2: {  	s2 =	rddreg [dreg:$0x1]  }
0x3: {  	s0 =	srdreg.scid;
	s1 =	rddreg [dreg:$0x2]  }
0x4: {  	s3 =	simm.s32 $0x0;
	s13 =	simm.s32 $0xC8;
	s5 =	sand.u32 $0x1, s0  }
0x5: {  	s14 =	simm.s32 $0x200;
	s0 =	stileid.u32;
	s4 =	smul.u32 $0x27100, s5  }
0x6: {  	s15 =	simm.s32 $0x1;
	s16 =	simm.s32 $0x100;
	s7 =	smul.u32 $0x2710, s0  }
0x7: {  	s17 =	simm.s32 $0x0;
	[smem:$0x7FF] =	sst s3;
	s28 =	smul.u32 $0x2780, s0  }
0x8: {  	_ =	strace $0x8000005F;
	s8 =	smul.u32 $0x27800, s5;
	s5 =	ssub.s32 $0x2, s5  }
0x9: {  	s9 =	smul.u32 $0x4F000, s0;
	s31 =	sshll.u32 s0, $0x6;
	s29 =	sshrl.u32 s5, $0x1  }
0xa: {  	s4 =	sadd.s32 s7, s4;
	s11 =	sadd.s32 s28, s6;
	s7 =	sadd.s32 s28, s8  }
0xb: {  	s8 =	ssub.s32 s5, s29;
	s30 =	sshrl.u32 s9, $0x2;
	s4 =	sshrl.u32 s4, $0x3  }
0xc: {  	s7 =	sadd.s32 s7, s6;
	s12 =	sadd.s32 s30, s2;
	s5 =	sadd.s32 $0x31800, s11  }
0xd: {  	s8 =	smax.u32 s8, $0x1;
	s10 =	sadd.s32 s4, s6;
	s4 =	sadd.s32 $0x80800, s6  }
0xe: {  	s6 =	sor.u32 $0x1C02, s31;
	s7 =	sadd.s32 $0xCF200, s7;
	s11 =	sshrl.u32 s12, $0x3  }
0xf: {  	s12 =	simm.s32 $0x2;
	s9 =	sadd.s32 $0x1DC00, s10;
	s10 =	sadd.s32 $0x27A00, s10  }
.LBB2_1:
0x10: {  	[spmem:s11], [sflag:s6] =	dma.local [hbm:s5], $0x2780  }
0x11: {  	_ =	swait.ge [sflag:s12], $0x2780  }
0x12: {  	[sflag:s12] =	ssyncset.done $0x0  }
0x13: {  	[sflag:s12] =	ssyncadd.s32 $0xFFFFD880  }
0x14: {  	s18 =	sadd.s32 $0x0, s10;
	[bflag:$0x0] =	sbarrier.arrive $0xFFFF  }
0x15: {  	[tilespmem:s3], [sflag:$0x2] =	stream.linear.gather [hbm4b:s18+s3], $0xC8, $0x38;
	[tilespmem:$0x1A200] =	vst v63  }
0x16: {  	_ =	swait.ge [sflag:s12], $0xC8  }
0x17: {  	[sflag:s12] =	ssyncset.done $0x0  }
0x18: {  	[sflag:s12] =	ssyncadd.s32 $0xFFFFFF38  }
0x19: {  	[tilespmem:s14], [sflag:$0x1] =	stream.indirect.gather [hbm4b:s4+s13], $0x80, s3, s13, $0xb8;
	[tilespmem:$0x1A200] =	vst v63  }
0x1a: {  	_ =	swait.ge [sflag:s15], $0x6400  }
0x1b: {  	[sflag:s15] =	ssyncset.done $0x0  }
0x1c: {  	s31 =	sadd.s32 $0x0, s9;
	[sflag:s15] =	ssyncadd.s32 $0xFFFF9C00  }
0x1d: {  	[tilespmem:s16], [sflag:$0x2] =	stream.linear.gather [hbm4b:s31+s3], $0xC8, $0x38;
	[tilespmem:$0x1A200] =	vst v63  }
0x1e: {  	_ =	swait.ge [sflag:s12], $0xC8  }
0x1f: {  	[sflag:s12] =	ssyncset.done $0x0  }
0x20: {  	[sflag:s12] =	ssyncadd.s32 $0xFFFFFF38  }
0x21: {  	[spmem:s2] =	stream.indirect.scatter.add.f32 [tilespmem:s14], [sflag:$0x2], $0x80, s16, s13, $0xb8;
	[tilespmem:$0x1A200] =	vst v63  }
0x22: {  	_ =	swait.ge [sflag:s12], $0x6400  }
0x23: {  	s19 =	simm.s32 $0x32;
	s18 =	simm.s32 $0x19;
	[sflag:s12] =	ssyncset.done $0x0  }
.LBB2_2:
0x24: {  	s20 =	sadd.s32 s18, s10  }
0x25: {  	[sflag:s12] =	ssyncadd.s32 $0xFFFF9C00;
	s21 =	smov.u32 s19;
	s22 =	sadd.s32 $0x19, s19  }
0x26: {  	[tilespmem:s3], [sflag:$0x2] =	stream.linear.gather [hbm4b:s20+s3], $0xC8, $0x38;
	[tilespmem:$0x1A200] =	vst v63  }
0x27: {  	p0 =	sne.s32 s19, $0x4C9;
	_ =	swait.ge [sflag:s12], $0xC8  }
0x28: {  	[sflag:s12] =	ssyncset.done $0x0  }
0x29: {  	[sflag:s12] =	ssyncadd.s32 $0xFFFFFF38  }
0x2a: {  	[tilespmem:s14], [sflag:$0x1] =	stream.indirect.gather [hbm4b:s4+s13], $0x80, s3, s13, $0xb8;
	[tilespmem:$0x1A200] =	vst v63  }
0x2b: {  	_ =	swait.ge [sflag:s15], $0x6400  }
0x2c: {  	[sflag:s15] =	ssyncset.done $0x0  }
0x2d: {  	s19 =	sadd.s32 s18, s9;
	s18 =	smov.u32 s21;
	[sflag:s15] =	ssyncadd.s32 $0xFFFF9C00  }
0x2e: {  	[tilespmem:s16], [sflag:$0x2] =	stream.linear.gather [hbm4b:s19+s3], $0xC8, $0x38;
	[tilespmem:$0x1A200] =	vst v63  }
0x2f: {  	_ =	swait.ge [sflag:s12], $0xC8  }
.Ltmp0:
0x30: {  	[sflag:s12] =	ssyncset.done $0x0;
	(pc) =	sbr.rel @p0 .LBB2_2-.Ltmp0, $4  }
0x31: {  	[sflag:s12] =	ssyncadd.s32 $0xFFFFFF38  }
0x32: {  	[spmem:s2] =	stream.indirect.scatter.add.f32 [tilespmem:s14], [sflag:$0x2], $0x80, s16, s13, $0xb8;
	[tilespmem:$0x1A200] =	vst v63  }
0x33: {  	_ =	swait.ge [sflag:s12], $0x6400  }
0x34: {  	s19 =	smov.u32 s22;
	[sflag:s12] =	ssyncset.done $0x0  }
0x35: {  	s19 =	sadd.s32 s18, s10;
	[sflag:s12] =	ssyncadd.s32 $0xFFFF9C00  }
0x36: {  	[tilespmem:s3], [sflag:$0x2] =	stream.linear.gather [hbm4b:s19+s3], $0xC8, $0x38;
	[tilespmem:$0x1A200] =	vst v63  }
0x37: {  	_ =	swait.ge [sflag:s12], $0xC8  }
0x38: {  	[sflag:s12] =	ssyncset.done $0x0  }
0x39: {  	[sflag:s12] =	ssyncadd.s32 $0xFFFFFF38  }
0x3a: {  	[tilespmem:s14], [sflag:$0x1] =	stream.indirect.gather [hbm4b:s4+s13], $0x80, s3, s13, $0xb8;
	[tilespmem:$0x1A200] =	vst v63  }
0x3b: {  	_ =	swait.ge [sflag:s15], $0x6400  }
0x3c: {  	[sflag:s15] =	ssyncset.done $0x0  }
0x3d: {  	s31 =	sadd.s32 s18, s9;
	[sflag:s15] =	ssyncadd.s32 $0xFFFF9C00  }
0x3e: {  	[tilespmem:s16], [sflag:$0x2] =	stream.linear.gather [hbm4b:s31+s3], $0xC8, $0x38;
	[tilespmem:$0x1A200] =	vst v63  }
0x3f: {  	_ =	swait.ge [sflag:s12], $0xC8  }
0x40: {  	[sflag:s12] =	ssyncset.done $0x0  }
0x41: {  	[sflag:s12] =	ssyncadd.s32 $0xFFFFFF38  }
0x42: {  	[spmem:s2] =	stream.indirect.scatter.add.f32 [tilespmem:s14], [sflag:$0x2], $0x80, s16, s13, $0xb8;
	[tilespmem:$0x1A200] =	vst v63  }
0x43: {  	_ =	swait.ge [sflag:s12], $0x6400  }
0x44: {  	s17 =	sadd.s32 $0x1, s17;
	[sflag:s12] =	ssyncset.done $0x0  }
0x45: {  	p0 =	sne.s32 s17, s8;
	[sflag:s12] =	ssyncadd.s32 $0xFFFF9C00  }
.Ltmp1:
0x46: {  	[bflag:$0x0] =	sbarrier.arrive $0xFFFF;
	(pc) =	sbr.rel @p0 .LBB2_1-.Ltmp1, $4  }
0x47: {  	[hbm:s7], [sflag:s6] =	dma.local [spmem:s11], $0x2780  }
0x48: {  	_ =	swait.ge [sflag:s12], $0x2780  }
0x49: {  	[sflag:s12] =	ssyncset.done $0x0  }
0x4a: {  	[sflag:s12] =	ssyncadd.s32 $0xFFFFD880  }
0x4b: {  	_ =	sfence.sel $0x180000  }
0x4c: {  	[bflag:$0x0] =	sbarrier.arrive $0xFFFF  }
0x4d: {  	p0 =	sne.s32 s0, $0x0;
	_ =	strace $0x9000005F  }
0x4e: {  	s0 =	sadd.s32 @!p0 $0x100000, s1;
	[bflag:$0x2] =	sbarrier.arrive $0xFFFF  }
0x4f: {  	[sflag:s0] =	ssyncadd.tile.s32 @!p0 $0x1;
	_ =	shalt  }
.Lfunc_end2:
_tile_overlayer_lowered:
.L_overlay_start_2:
0x50: {  	(tag) =	ssettag $0x2  }
0x51: {  	s0 =	rddreg [dreg:$0x0];
	s2 =	stileid.u32  }
0x52: {  	s1 =	rddreg [dreg:$0x1];
	p0 =	sne.s32 s2, $0x0  }
0x53: {  	s3 =	rddreg [dreg:$0x2];
	[bflag:$0x3] =	sbarrier.arrive $0xFFFF;
	s2 =	simm.s32 @!p0 $0x1C02  }
0x54: {  	[timem:s3], [sflag:s2] =	dma.local @!p0 [hbm:s0], s1  }
0x55: {  	s0 =	simm.s32 @!p0 $0x2  }
0x56: {  	_ =	swait.ge @!p0 [sflag:s0], s1  }
0x57: {  	s1 =	ssub.s32 @!p0 $0x0, s1;
	[sflag:s0] =	ssyncset.done @!p0 $0x0  }
0x58: {  	[sflag:s0] =	ssyncadd.s32 @!p0 s1  }
0x59: {  	[bflag:$0x3] =	sbarrier.arrive $0xFFFF  }
0x5a: {  	_ =	shalt  }

// kernel: scatter_offload_async_start.1
scs
__scs_entry_jumppad:
0x0: {  	(pc) =	sbr.rel $0x88, $3  }
0x1: {  	(tag) =	ssettag $0x0;
	lr =	simm.s32 $0x1  }
0x2: {  	[smem:$0x3F8F] =	sst lr;
	_ =	strace $0xD0000000  }
0x3: {  	_ = 	snop  }
0x4: {  	_ = 	snop  }
0x5: {  	_ = 	snop  }
0x6: {  	_ = 	snop  }
0x7: {  	_ = 	snop  }
__scs_overlays_trampoline_lowered:
0x8: {  	[smem:$0x3F9E] =	sst s0  }
0x9: {  	[smem:$0x3F9F] =	sst s1  }
0xa: {  	[smem:$0x3FA0] =	sst s2  }
0xb: {  	[smem:$0x3FA1] =	sst s3  }
0xc: {  	[smem:$0x3FA2] =	sst s4  }
0xd: {  	[smem:$0x3FA3] =	sst s5  }
0xe: {  	[smem:$0x3FA4] =	sst s6  }
0xf: {  	[smem:$0x3FA5] =	sst s7  }
0x10: {  	[smem:$0x3FA6] =	sst s8  }
0x11: {  	[smem:$0x3FA7] =	sst s9;
	s0 =	simm.s32 @!p0 $0x0  }
0x12: {  	s1 =	sld [smem:$0x3F8D];
	s0 =	simm.s32 @p0 $0x1  }
0x13: {  	[smem:$0x3FA8] =	sst s0;
	s0 =	simm.s32 @!p1 $0x0  }
0x14: {  	s2 =	sld [smem:$0x3F8C];
	s0 =	simm.s32 @p1 $0x1  }
0x15: {  	[smem:$0x3FA9] =	sst s0;
	s0 =	simm.s32 @!p2 $0x0  }
0x16: {  	s3 =	sld [smem:$0x3FDB];
	s0 =	simm.s32 @p2 $0x1  }
0x17: {  	s4 =	simm.s32 $0x1BF5;
	[smem:$0x3FAB] =	sst s0  }
0x18: {  	s0 =	sld [smem:$0x3F8E];
	_ =	swait.ge [sflag:s4], $0x0  }
0x19: {  	s7 =	sld [smem:$0x3F8F]  }
0x1a: {  	s8 =	sadd.s32 $0xFFFFE003, lr  }
0x1b: {  	s9 =	sadd.s32 $0xFFFFFEF7, lr;
	s5 =	simm.s32 $0xFFFFFFFF;
	p2 =	slt.u32 s8, $0xFFFFF086  }
0x1c: {  	p1 =	slt.u32 s9, $0xF7A;
	s5 =	simm.s32 @!p2 $0x0  }
0x1d: {  	s5 =	simm.s32 @p1 $0x1;
	p0 =	seq.s32 s7, s2  }
0x1e: {  	s7 =	smul.u32 @!p0 $0xF7A, s2;
	p2 =	seq.s32 @!p0 s5, $0x0  }
0x1f: {  	s9 =	smul.u32 $0xF7A, s1;
	s8 =	simm.s32 @!p0 $0x1BF5;
	p2 =	por !p2, p0  }
0x20: {  	[sflag:s8] =	ssyncset.s32 @!p0 $0xFFFFF086;
	s6 =	sadd.s32 @!p0 s3, s7;
	s7 =	simm.s32 @!p0 $0x108  }
0x21: {  	s3 =	sadd.s32 s3, s9;
	s6 =	sadd.s32 @!p0 $0x88, s6;
	s7 =	simm.s32 @p2 $0x1082  }
0x22: {  	[simem:s7], [sflag:s8] =	dma.local @!p0 [hbm:s6], $0xF7A  }
0x23: {  	s9 =	sor.u32 $0xD0000000, s2;
	s6 =	simm.s32 $0x108;
	_ =	swait.ge @!p0 [sflag:s8], $0x0  }
0x24: {  	s3 =	sadd.s32 $0x88, s3;
	s6 =	simm.s32 @!p1 $0x1082;
	[sflag:s4] =	ssyncset.s32 $0xFFFFF086  }
0x25: {  	[simem:s6], [sflag:s4] =	dma.local [hbm:s3], $0xF7A  }
0x26: {  	[smem:$0x3F8F] =	sst s1;
	(tag) =	ssettag s2;
	_ =	strace s9  }
0x27: {  	s1 =	sld [smem:$0x3F9F]  }
0x28: {  	s2 =	sld [smem:$0x3FA0]  }
0x29: {  	s4 =	sld [smem:$0x3FA2]  }
0x2a: {  	p0 =	seq.s32 s5, $0x0;
	s5 =	sld [smem:$0x3FA3]  }
0x2b: {  	s6 =	sld [smem:$0x3FA4]  }
0x2c: {  	s7 =	sld [smem:$0x3FA5]  }
0x2d: {  	s3 =	simm.s32 $0x108;
	s8 =	sld [smem:$0x3FA6]  }
0x2e: {  	s3 =	simm.s32 @!p0 $0x1082;
	s9 =	sld [smem:$0x3FA7]  }
0x2f: {  	lr =	sadd.s32 s0, s3;
	s0 =	sld [smem:$0x3F9E]  }
0x30: {  	s3 =	sld [smem:$0x3FA1]  }
0x31: {  	[smem:$0x3FAA] =	sst s10  }
0x32: {  	s10 =	sld [smem:$0x3FA8];
	_ =	sdelay $0x3  }
0x33: {  	p0 =	seq.s32 s10, $0x1;
	s10 =	sld [smem:$0x3FAA];
	_ =	sdelay $0x3  }
0x34: {  	[smem:$0x3FAA] =	sst s10  }
0x35: {  	s10 =	sld [smem:$0x3FA9];
	_ =	sdelay $0x3  }
0x36: {  	p1 =	seq.s32 s10, $0x1;
	s10 =	sld [smem:$0x3FAA];
	_ =	sdelay $0x3  }
0x37: {  	[smem:$0x3FAA] =	sst s10  }
0x38: {  	s10 =	sld [smem:$0x3FAB]  }
0x39: {  	_ = 	snop;
	(pc) =	sbr.ind lr, $3  }
0x3a: {  	_ = 	snop  }
0x3b: {  	_ = 	snop  }
0x3c: {  	p2 =	seq.s32 s10, $0x1;
	s10 =	sld [smem:$0x3FAA]  }
0x3d: {  	_ =	shalt  }
0x3e: {  	_ =	shalt  }
0x3f: {  	_ =	shalt  }
0x40: {  	_ =	shalt  }
0x41: {  	_ =	shalt  }
0x42: {  	_ =	shalt  }
0x43: {  	_ =	shalt  }
0x44: {  	_ =	shalt  }
0x45: {  	_ =	shalt  }
0x46: {  	_ =	shalt  }
0x47: {  	_ =	shalt  }
0x48: {  	_ =	shalt  }
0x49: {  	_ =	shalt  }
0x4a: {  	_ =	shalt  }
0x4b: {  	_ =	shalt  }
0x4c: {  	_ =	shalt  }
0x4d: {  	_ =	shalt  }
0x4e: {  	_ =	shalt  }
0x4f: {  	_ =	shalt  }
0x50: {  	_ =	shalt  }
0x51: {  	_ =	shalt  }
0x52: {  	_ =	shalt  }
0x53: {  	_ =	shalt  }
0x54: {  	_ =	shalt  }
0x55: {  	_ =	shalt  }
0x56: {  	_ =	shalt  }
0x57: {  	_ =	shalt  }
0x58: {  	_ =	shalt  }
0x59: {  	_ =	shalt  }
0x5a: {  	_ =	shalt  }
0x5b: {  	_ =	shalt  }
0x5c: {  	_ =	shalt  }
0x5d: {  	_ =	shalt  }
0x5e: {  	_ =	shalt  }
0x5f: {  	_ =	shalt  }
0x60: {  	_ =	shalt  }
0x61: {  	_ =	shalt  }
0x62: {  	_ =	shalt  }
0x63: {  	_ =	shalt  }
0x64: {  	_ =	shalt  }
0x65: {  	_ =	shalt  }
0x66: {  	_ =	shalt  }
0x67: {  	_ =	shalt  }
0x68: {  	_ =	shalt  }
0x69: {  	_ =	shalt  }
0x6a: {  	_ =	shalt  }
0x6b: {  	_ =	shalt  }
0x6c: {  	_ =	shalt  }
0x6d: {  	_ =	shalt  }
0x6e: {  	_ =	shalt  }
0x6f: {  	_ =	shalt  }
0x70: {  	_ =	shalt  }
0x71: {  	_ =	shalt  }
0x72: {  	_ =	shalt  }
0x73: {  	_ =	shalt  }
0x74: {  	_ =	shalt  }
0x75: {  	_ =	shalt  }
0x76: {  	_ =	shalt  }
0x77: {  	_ =	shalt  }
0x78: {  	_ =	shalt  }
0x79: {  	_ =	shalt  }
0x7a: {  	_ =	shalt  }
0x7b: {  	_ =	shalt  }
0x7c: {  	_ =	shalt  }
0x7d: {  	_ =	shalt  }
0x7e: {  	_ =	shalt  }
0x7f: {  	_ =	shalt  }
0x80: {  	_ =	shalt  }
0x81: {  	_ =	shalt  }
0x82: {  	_ =	shalt  }
0x83: {  	_ =	shalt  }
0x84: {  	_ =	shalt  }
0x85: {  	_ =	shalt  }
0x86: {  	_ =	shalt  }
0x87: {  	_ =	shalt  }
.Lfunc_end0:
.L_simem_size_0:
called_computation.1_lowered:
.L_overlay_start_0:
0x88: {  	s0 =	sld [smem:$0x3FD9]  }
0x89: {  	s1 =	sld [smem:$0x3FFE];
	_ =	sdelay $0x3  }
0x8a: {  	s0 =	sadd.s32 s1, s0  }
0x8b: {  	[smem:$0x3FB6] =	sst s0  }
0x8c: {  	_ = 	snop  }
0x8d: {  	(tm) =	ssettm $0x1  }
0x8e: {  	s15 =	sld [smem:$0x3FFB];
	_ =	sdelay $0x3  }
0x8f: {  	_ =	strace s15  }
0x90: {  	s0 =	sld [smem:$0x3FFC];
	_ =	sdelay $0x3  }
0x91: {  	_ =	strace s0  }
0x92: {  	s0 =	sld [smem:$0x3FFD];
	_ =	sdelay $0x3  }
0x93: {  	_ =	strace s0  }
0x94: {  	_ =	strace $0x8FFFFFFF  }
0x95: {  	s16 =	sld [smem:$0x3FDB];
	_ =	sdelay $0x1  }
0x96: {  	s17 =	simm.s32 $_scs_section_size  }
0x97: {  	s2 =	simm.s32 $_size__tile_overlayer_lowered;
	s3 =	simm.s32 $_tile_overlayer_lowered  }
0x98: {  	s20 =	simm.s32 $0x1BFF;
	s19 =	sshll.u32 s3, $0x1;
	s0 =	sadd.s32 s17, s16  }
0x99: {  	s4 =	simm.s32 $0x0;
	s18 =	sshll.u32 s2, $0x1;
	s2 =	sadd.s32 s19, s0  }
0x9a: {  	[timem:s4], [sflag:s20] =	dma.local [hbm:s2], s18  }
0x9b: {  	_ =	swait.ge [sflag:s20], s18  }
0x9c: {  	s1 =	ssub.s32 $0x0, s18;
	[sflag:s20] =	ssyncset.done $0x0  }
0x9d: {  	[sflag:s20] =	ssyncadd.s32 s1;
	_ =	sdelay $0x1  }
0x9e: {  	s21 =	simm.s32 $0x1B8B  }
0x9f: {  	_ =	swait.ge [sflag:s21], $0x1  }
0xa0: {  	[sflag:s21] =	ssyncset.done $0x0  }
0xa1: {  	s23 =	simm.s32 $0x1B8E;
	s22 =	sld [smem:$0x3FFE];
	[sflag:s21] =	ssyncadd.s32 $0xFFFFFFFF  }
0xa2: {  	s24 =	simm.s32 $execute0_lowered;
	[smem:$0x3FD2] =	sst s23  }
0xa3: {  	s2 =	sshll.u32 s24, $0x1;
	_ =	strace $0x8000004F;
	[dreg:$0x1] =	wrdreg $0xFFFFFFFF  }
0xa4: {  	s25 =	simm.s32 $_size_execute0_lowered;
	s0 =	sadd.s32 s0, s2;
	[dreg:$0x0] =	wrdreg $0x0  }
0xa5: {  	s2 =	sshll.u32 s25, $0x1;
	[dreg:$0x2] =	wrdreg s0  }
0xa6: {  	[dreg:$0x3] =	wrdreg s2  }
0xa7: {  	[dreg:$0x4] =	wrdreg $0xC0  }
0xa8: {  	_ =	task [dreg:s4], $0x5FFFF  }
0xa9: {  	[dreg:$0x1] =	wrdreg $0xFFFFFFFF  }
0xaa: {  	[dreg:$0x0] =	wrdreg $0x60  }
0xab: {  	[dreg:$0x2] =	wrdreg s22  }
0xac: {  	[dreg:$0x3] =	wrdreg $0x9  }
0xad: {  	_ =	task.clear_ibuf [dreg:s4], $0x4FFFF;
	_ =	strace $0x9000004F  }
0xae: {  	s26 =	simm.s32 $0x9;
	_ =	strace $0x80000051  }
0xaf: {  	_ =	swait.ge [sflag:s26], $0x1  }
0xb0: {  	[sflag:s26] =	ssyncadd.s32 $0xFFFFFFFF  }
0xb1: {  	_ =	strace $0x90000051  }
0xb2: {  	_ =	sfence  }
0xb3: {  	s28 =	sld [smem:$0x0];
	_ =	sdelay $0x1  }
0xb4: {  	s29 =	srdreg.scid  }
0xb5: {  	s30 =	sshll.u32 s29, $0xD;
	s31 =	sshrl.u32 s29, $0x2  }
0xb6: {  	s1 =	sand.u32 $0x1, s29;
	s2 =	sand.u32 $0x4000, s30;
	s0 =	sadd.s32 s31, s28  }
0xb7: {  	s1 =	sor.u32 s2, s1;
	s0 =	sshll.u32 s0, $0x11  }
0xb8: {  	s0 =	sor.u32 s0, s1  }
0xb9: {  	s0 =	sadd.s32 $0x8F2B, s0  }
0xba: {  	[sflag:s0] =	ssyncadd.remote.s32 $0x1  }
0xbb: {  	_ =	sfence.sel $0xFFFF  }
0xbc: {  	[dreg:$0x0] =	wrdreg $0xFFFFFFFF;
	(pc) =	sbr.abs _section_cstart, $3  }
0xbd: {  	[dreg:$0x1] =	wrdreg $0xFFFFFFFF  }
0xbe: {  	_ =	task.clear_ibuf [dreg:s4], $0x2FFFF;
	_ =	strace $0x9FFFFFFF  }
0xbf: {  	(tm) =	ssettm $0x7FFFFFFF  }
tec
execute0_lowered:
.L_overlay_start_1:
0x0: {  	(tag) =	ssettag $0x1  }
0x1: {  	s2 =	rddreg [dreg:$0x0]  }
0x2: {  	s0 =	rddreg [dreg:$0x1];
	_ =	strace $0x80000050  }
0x3: {  	s4 =	stileid.u32;
	s5 =	simm.s32 $0x3E;
	s1 =	sadd.s32 $0xD000, s2  }
0x4: {  	p0 =	sne.s32 s4, $0x0;
	[sflag:s5] =	ssyncpa.u1 $0x0;
	s29 =	smin.u32 s4, $0x8  }
0x5: {  	s30 =	sshll.u32 s4, $0x1;
	s3 =	simm.s32 @!p0 $0x1C3E;
	s6 =	simm.s32 @!p0 $0x0  }
0x6: {  	[spmem:s6], [sflag:s3] =	dma.local @!p0 [hbm:s1], $0x2E00  }
0x7: {  	s3 =	sadd.s32 s29, s30  }
0x8: {  	p1 =	slt.u32 s4, $0x8;
	s4 =	simm.s32 $0x5DC0;
	s3 =	smul.u32 $0x1F40, s3  }
0x9: {  	s4 =	simm.s32 @!p1 $0x3E80  }
0xa: {  	s4 =	sadd.s32 s4, s3  }
0xb: {  	s4 =	smin.u32 s4, $0x4E200  }
0xc: {  	s7 =	ssub.s32 s4, s3  }
0xd: {  	p1 =	sgt.s32 s7, $0x0  }
0xe: {  	s7 =	simm.s32 @!p1 $0x0  }
0xf: {  	s6 =	simm.s32 @!p0 $0x3E;
	s31 =	smulhi.u32 $0x10624DD3, s7  }
0x10: {  	_ =	swait.ge @!p0 [sflag:s6], $0x2E00  }
0x11: {  	[sflag:s6] =	ssyncset.done @!p0 $0x0;
	s8 =	sshrl.u32 s31, $0x9  }
0x12: {  	s11 =	simm.s32 $0x0;
	[sflag:s6] =	ssyncadd.s32 @!p0 $0xFFFFD200;
	s9 =	smul.u32 $0x1F40, s8  }
.Ltmp0:
0x13: {  	s6 =	simm.s32 $0x2;
	[bflag:$0x0] =	sbarrier.arrive $0xFFFF;
	(pc) =	sbr.rel .LBB2_1-.Ltmp0, $4  }
0x14: {  	s10 =	smov.u32 s3;
	[sflag:s5] =	ssyncpa.u1 $0x1;
	s5 =	simm.s32 $0x1  }
0x15: {  	[sflag:s5] =	ssyncpa.u1 $0x0;
	p1 =	sne.s32 s7, s9;
	s9 =	simm.s32 $0x1  }
0x16: {  	(ifvalue) =	ssetifvalue $0x17000;
	[sflag:s6] =	ssyncpa.u1 $0x0;
	s9 =	simm.s32 @!p1 $0x0  }
0x17: {  	vm0 =	vmmov $0xffff;
	s7 =	sadd.s32 $0x13E00, s2;
	s8 =	sadd.s32 s9, s8;
	s9 =	simm.s32 $0x0  }
.LBB2_5:
0x18: {  	p2 =	sne.s32 s11, s8  }
.Ltmp1:
0x19: {  	_ = 	snop;
	(pc) =	sbr.rel @!p2 .LBB2_6-.Ltmp1, $4  }
0x1a: {  	_ = 	snop  }
0x1b: {  	s12 =	sadd.s32 $0x1F40, s10  }
0x1c: {  	s10 =	smov.u32 s3;
	s13 =	sadd.s32 $0x1, s11;
	p1 =	slt.s32 s12, s4  }
0x1d: {  	s11 =	smov.u32 s13;
	s10 =	smov.u32 @p1 s12  }
.LBB2_1:
0x1e: {  	p1 =	sge.u32 s11, s8  }
0x1f: {  	s12 =	sxor.u32 @!p1 $0xFFFFFFFF, s11  }
0x20: {  	s12 =	sand.u32 @!p1 $0x1, s12  }
0x21: {  	s12 =	smul.u32 @!p1 $0x1F40, s12  }
0x22: {  	s13 =	sshrl.u32 @!p1 s10, $0x3  }
0x23: {  	s16 =	sand.u32 @!p1 $0x7, s10;
	s14 =	sadd.s32 @!p1 s2, s13;
	s15 =	sadd.s32 @!p1 $0x1700, s12  }
0x24: {  	[tilespmem:s15], [sflag:$0x2] =	stream.linear.gather @!p1 [hbm4b:s14+s16], $0x1F40, $0x38;
	[tilespmem:$0x9400] =	vst v63  }
0x25: {  	s13 =	sadd.s32 @!p1 s7, s13;
	s12 =	sadd.s32 @!p1 $0x5580, s12  }
0x26: {  	[tilespmem:s12], [sflag:$0x2] =	stream.linear.gather @!p1 [hbm4b:s13+s16], $0x1F40, $0x38;
	[tilespmem:$0x9400] =	vst v63  }
0x27: {  	p1 =	seq.s32 s11, $0x0  }
.Ltmp2:
0x28: {  	_ = 	snop;
	(pc) =	sbr.rel @p1 .LBB2_5-.Ltmp2, $1  }
0x29: {  	_ =	sdelay $0x3  }
0x2a: {  	s12 =	sand.u32 $0x1, s11  }
0x2b: {  	_ =	swait.ge [sflag:s6], $0x3E80;
	p1 =	seq.s32 s12, $0x1;
	s12 =	simm.s32 $0x1F40  }
0x2c: {  	[sflag:s6] =	ssyncset.done $0x0;
	s12 =	simm.s32 @!p1 $0x0  }
0x2d: {  	[sflag:s6] =	ssyncadd.s32 $0xFFFFC180;
	s14 =	sadd.s32 $0x1700, s12  }
0x2e: {  	v0 =	vld.msk [tilespmem:s14+$0x0 ss:$0x1], $0xffff;
	_ =	sdelay $0x4  }
0x2f: {  	v0 =	vmin.u32 v0, $0x17000;
	_ =	sdelay $0x3  }
0x30: {  	s13 =	simm.s32 $0x0;
	s12 =	sadd.s32 $0x5580, s12;
	s14 =	sadd.s32 $0x10, s14  }
0x31: {  	[spmem:s9] =	stream.indirect_vreg.scatter.add.s32 [tilespmem:s12], [sflag:$0x1], $0x1, v0, vm0, $0x4038;
	[tilespmem:$0x9400] =	vst v63  }
.LBB2_3:
0x32: {  	v0 =	vld.msk [tilespmem:s14+$0x0 ss:$0x1], $0xffff;
	s13 =	sadd.s32 $0x10, s13  }
0x33: {  	p1 =	slt.u32 s13, $0x1F30;
	_ =	sdelay $0x4  }
0x34: {  	v0 =	vmin.u32 v0, $0x17000  }
.Ltmp3:
0x35: {  	(pc) =	sbr.rel @p1 .LBB2_3-.Ltmp3, $3  }
0x36: {  	_ =	sdelay $0x1  }
0x37: {  	s14 =	sadd.s32 $0x10, s14;
	s12 =	sadd.s32 $0x10, s12  }
0x38: {  	[spmem:s9] =	stream.indirect_vreg.scatter.add.s32 [tilespmem:s12], [sflag:$0x1], $0x1, v0, vm0, $0x4038;
	[tilespmem:$0x9400] =	vst v63  }
.Ltmp4:
0x39: {  	(pc) =	sbr.rel .LBB2_5-.Ltmp4, $4  }
0x3a: {  	_ = 	snop  }
0x3b: {  	_ =	swait.ge [sflag:s5], $0x1F40  }
0x3c: {  	[sflag:s5] =	ssyncset.done $0x0  }
0x3d: {  	[sflag:s5] =	ssyncadd.s32 $0xFFFFE0C0  }
.LBB2_6:
0x3e: {  	_ =	sfence.sel $0x180000  }
0x3f: {  	s2 =	simm.s32 $0x2;
	[bflag:$0x0] =	sbarrier.arrive $0xFFFF  }
0x40: {  	s30 =	simm.s32 $0x1;
	[sflag:s2] =	ssyncpa.u1 $0x1  }
0x41: {  	[sflag:s30] =	ssyncpa.u1 $0x1  }
0x42: {  	_ =	sfence.stream.spmem  }
0x43: {  	s31 =	simm.s32 $0x3D;
	[bflag:$0x0] =	sbarrier.arrive $0xFFFF  }
0x44: {  	s2 =	simm.s32 @p0 $0x3D;
	[sflag:s31] =	ssyncpa.u1 $0x0  }
0x45: {  	[sflag:s2] =	ssyncpa.u1 @p0 $0x1  }
0x46: {  	[bflag:$0x0] =	sbarrier.arrive @p0 $0xFFFF  }
0x47: {  	_ =	strace @p0 $0x90000050  }
0x48: {  	s3 =	simm.s32 @!p0 $0x1C3D;
	s2 =	simm.s32 @!p0 $0x0;
	[bflag:$0x2] =	sbarrier.arrive @p0 $0xFFFF  }
0x49: {  	[hbm:s1], [sflag:s3] =	dma.local @!p0 [spmem:s2], $0x2E00  }
0x4a: {  	s1 =	simm.s32 @!p0 $0x3D  }
0x4b: {  	_ =	swait.ge @!p0 [sflag:s1], $0x2E00  }
0x4c: {  	[sflag:s1] =	ssyncset.done @!p0 $0x0  }
0x4d: {  	[sflag:s1] =	ssyncadd.s32 @!p0 $0xFFFFD200  }
0x4e: {  	[sflag:s1] =	ssyncpa.u1 @!p0 $0x1  }
0x4f: {  	[bflag:$0x0] =	sbarrier.arrive @!p0 $0xFFFF  }
0x50: {  	_ =	strace @!p0 $0x90000050  }
0x51: {  	s0 =	sadd.s32 @!p0 $0x100000, s0;
	[bflag:$0x2] =	sbarrier.arrive @!p0 $0xFFFF  }
0x52: {  	[sflag:s0] =	ssyncadd.tile.s32 @!p0 $0x1;
	_ =	shalt  }
.Lfunc_end2:
_tile_overlayer_lowered:
.L_overlay_start_2:
0x53: {  	(tag) =	ssettag $0x2  }
0x54: {  	s0 =	rddreg [dreg:$0x0];
	s2 =	stileid.u32  }
0x55: {  	s1 =	rddreg [dreg:$0x1];
	p0 =	sne.s32 s2, $0x0  }
0x56: {  	s3 =	rddreg [dreg:$0x2];
	[bflag:$0x3] =	sbarrier.arrive $0xFFFF;
	s2 =	simm.s32 @!p0 $0x1C01  }
0x57: {  	[timem:s3], [sflag:s2] =	dma.local @!p0 [hbm:s0], s1  }
0x58: {  	s0 =	simm.s32 @!p0 $0x1  }
0x59: {  	_ =	swait.ge @!p0 [sflag:s0], s1  }
0x5a: {  	s1 =	ssub.s32 @!p0 $0x0, s1;
	[sflag:s0] =	ssyncset.done @!p0 $0x0  }
0x5b: {  	[sflag:s0] =	ssyncadd.s32 @!p0 s1  }
0x5c: {  	[bflag:$0x3] =	sbarrier.arrive $0xFFFF  }
0x5d: {  	_ =	shalt  }

// kernel: scatter_offload_async_start.2
scs
__scs_entry_jumppad:
0x0: {  	(pc) =	sbr.rel $0x88, $3  }
0x1: {  	(tag) =	ssettag $0x0;
	lr =	simm.s32 $0x1  }
0x2: {  	[smem:$0x3F8F] =	sst lr;
	_ =	strace $0xD0000000  }
0x3: {  	_ = 	snop  }
0x4: {  	_ = 	snop  }
0x5: {  	_ = 	snop  }
0x6: {  	_ = 	snop  }
0x7: {  	_ = 	snop  }
__scs_overlays_trampoline_lowered:
0x8: {  	[smem:$0x3F9E] =	sst s0  }
0x9: {  	[smem:$0x3F9F] =	sst s1  }
0xa: {  	[smem:$0x3FA0] =	sst s2  }
0xb: {  	[smem:$0x3FA1] =	sst s3  }
0xc: {  	[smem:$0x3FA2] =	sst s4  }
0xd: {  	[smem:$0x3FA3] =	sst s5  }
0xe: {  	[smem:$0x3FA4] =	sst s6  }
0xf: {  	[smem:$0x3FA5] =	sst s7  }
0x10: {  	[smem:$0x3FA6] =	sst s8  }
0x11: {  	[smem:$0x3FA7] =	sst s9;
	s0 =	simm.s32 @!p0 $0x0  }
0x12: {  	s1 =	sld [smem:$0x3F8D];
	s0 =	simm.s32 @p0 $0x1  }
0x13: {  	[smem:$0x3FA8] =	sst s0;
	s0 =	simm.s32 @!p1 $0x0  }
0x14: {  	s2 =	sld [smem:$0x3F8C];
	s0 =	simm.s32 @p1 $0x1  }
0x15: {  	[smem:$0x3FA9] =	sst s0;
	s0 =	simm.s32 @!p2 $0x0  }
0x16: {  	s3 =	sld [smem:$0x3FDB];
	s0 =	simm.s32 @p2 $0x1  }
0x17: {  	s4 =	simm.s32 $0x1BF5;
	[smem:$0x3FAB] =	sst s0  }
0x18: {  	s0 =	sld [smem:$0x3F8E];
	_ =	swait.ge [sflag:s4], $0x0  }
0x19: {  	s7 =	sld [smem:$0x3F8F]  }
0x1a: {  	s8 =	sadd.s32 $0xFFFFE003, lr  }
0x1b: {  	s9 =	sadd.s32 $0xFFFFFEF7, lr;
	s5 =	simm.s32 $0xFFFFFFFF;
	p2 =	slt.u32 s8, $0xFFFFF086  }
0x1c: {  	p1 =	slt.u32 s9, $0xF7A;
	s5 =	simm.s32 @!p2 $0x0  }
0x1d: {  	s5 =	simm.s32 @p1 $0x1;
	p0 =	seq.s32 s7, s2  }
0x1e: {  	s7 =	smul.u32 @!p0 $0xF7A, s2;
	p2 =	seq.s32 @!p0 s5, $0x0  }
0x1f: {  	s9 =	smul.u32 $0xF7A, s1;
	s8 =	simm.s32 @!p0 $0x1BF5;
	p2 =	por !p2, p0  }
0x20: {  	[sflag:s8] =	ssyncset.s32 @!p0 $0xFFFFF086;
	s6 =	sadd.s32 @!p0 s3, s7;
	s7 =	simm.s32 @!p0 $0x108  }
0x21: {  	s3 =	sadd.s32 s3, s9;
	s6 =	sadd.s32 @!p0 $0x88, s6;
	s7 =	simm.s32 @p2 $0x1082  }
0x22: {  	[simem:s7], [sflag:s8] =	dma.local @!p0 [hbm:s6], $0xF7A  }
0x23: {  	s9 =	sor.u32 $0xD0000000, s2;
	s6 =	simm.s32 $0x108;
	_ =	swait.ge @!p0 [sflag:s8], $0x0  }
0x24: {  	s3 =	sadd.s32 $0x88, s3;
	s6 =	simm.s32 @!p1 $0x1082;
	[sflag:s4] =	ssyncset.s32 $0xFFFFF086  }
0x25: {  	[simem:s6], [sflag:s4] =	dma.local [hbm:s3], $0xF7A  }
0x26: {  	[smem:$0x3F8F] =	sst s1;
	(tag) =	ssettag s2;
	_ =	strace s9  }
0x27: {  	s1 =	sld [smem:$0x3F9F]  }
0x28: {  	s2 =	sld [smem:$0x3FA0]  }
0x29: {  	s4 =	sld [smem:$0x3FA2]  }
0x2a: {  	p0 =	seq.s32 s5, $0x0;
	s5 =	sld [smem:$0x3FA3]  }
0x2b: {  	s6 =	sld [smem:$0x3FA4]  }
0x2c: {  	s7 =	sld [smem:$0x3FA5]  }
0x2d: {  	s3 =	simm.s32 $0x108;
	s8 =	sld [smem:$0x3FA6]  }
0x2e: {  	s3 =	simm.s32 @!p0 $0x1082;
	s9 =	sld [smem:$0x3FA7]  }
0x2f: {  	lr =	sadd.s32 s0, s3;
	s0 =	sld [smem:$0x3F9E]  }
0x30: {  	s3 =	sld [smem:$0x3FA1]  }
0x31: {  	[smem:$0x3FAA] =	sst s10  }
0x32: {  	s10 =	sld [smem:$0x3FA8];
	_ =	sdelay $0x3  }
0x33: {  	p0 =	seq.s32 s10, $0x1;
	s10 =	sld [smem:$0x3FAA];
	_ =	sdelay $0x3  }
0x34: {  	[smem:$0x3FAA] =	sst s10  }
0x35: {  	s10 =	sld [smem:$0x3FA9];
	_ =	sdelay $0x3  }
0x36: {  	p1 =	seq.s32 s10, $0x1;
	s10 =	sld [smem:$0x3FAA];
	_ =	sdelay $0x3  }
0x37: {  	[smem:$0x3FAA] =	sst s10  }
0x38: {  	s10 =	sld [smem:$0x3FAB]  }
0x39: {  	_ = 	snop;
	(pc) =	sbr.ind lr, $3  }
0x3a: {  	_ = 	snop  }
0x3b: {  	_ = 	snop  }
0x3c: {  	p2 =	seq.s32 s10, $0x1;
	s10 =	sld [smem:$0x3FAA]  }
0x3d: {  	_ =	shalt  }
0x3e: {  	_ =	shalt  }
0x3f: {  	_ =	shalt  }
0x40: {  	_ =	shalt  }
0x41: {  	_ =	shalt  }
0x42: {  	_ =	shalt  }
0x43: {  	_ =	shalt  }
0x44: {  	_ =	shalt  }
0x45: {  	_ =	shalt  }
0x46: {  	_ =	shalt  }
0x47: {  	_ =	shalt  }
0x48: {  	_ =	shalt  }
0x49: {  	_ =	shalt  }
0x4a: {  	_ =	shalt  }
0x4b: {  	_ =	shalt  }
0x4c: {  	_ =	shalt  }
0x4d: {  	_ =	shalt  }
0x4e: {  	_ =	shalt  }
0x4f: {  	_ =	shalt  }
0x50: {  	_ =	shalt  }
0x51: {  	_ =	shalt  }
0x52: {  	_ =	shalt  }
0x53: {  	_ =	shalt  }
0x54: {  	_ =	shalt  }
0x55: {  	_ =	shalt  }
0x56: {  	_ =	shalt  }
0x57: {  	_ =	shalt  }
0x58: {  	_ =	shalt  }
0x59: {  	_ =	shalt  }
0x5a: {  	_ =	shalt  }
0x5b: {  	_ =	shalt  }
0x5c: {  	_ =	shalt  }
0x5d: {  	_ =	shalt  }
0x5e: {  	_ =	shalt  }
0x5f: {  	_ =	shalt  }
0x60: {  	_ =	shalt  }
0x61: {  	_ =	shalt  }
0x62: {  	_ =	shalt  }
0x63: {  	_ =	shalt  }
0x64: {  	_ =	shalt  }
0x65: {  	_ =	shalt  }
0x66: {  	_ =	shalt  }
0x67: {  	_ =	shalt  }
0x68: {  	_ =	shalt  }
0x69: {  	_ =	shalt  }
0x6a: {  	_ =	shalt  }
0x6b: {  	_ =	shalt  }
0x6c: {  	_ =	shalt  }
0x6d: {  	_ =	shalt  }
0x6e: {  	_ =	shalt  }
0x6f: {  	_ =	shalt  }
0x70: {  	_ =	shalt  }
0x71: {  	_ =	shalt  }
0x72: {  	_ =	shalt  }
0x73: {  	_ =	shalt  }
0x74: {  	_ =	shalt  }
0x75: {  	_ =	shalt  }
0x76: {  	_ =	shalt  }
0x77: {  	_ =	shalt  }
0x78: {  	_ =	shalt  }
0x79: {  	_ =	shalt  }
0x7a: {  	_ =	shalt  }
0x7b: {  	_ =	shalt  }
0x7c: {  	_ =	shalt  }
0x7d: {  	_ =	shalt  }
0x7e: {  	_ =	shalt  }
0x7f: {  	_ =	shalt  }
0x80: {  	_ =	shalt  }
0x81: {  	_ =	shalt  }
0x82: {  	_ =	shalt  }
0x83: {  	_ =	shalt  }
0x84: {  	_ =	shalt  }
0x85: {  	_ =	shalt  }
0x86: {  	_ =	shalt  }
0x87: {  	_ =	shalt  }
.Lfunc_end0:
.L_simem_size_0:
called_computation.2_lowered:
.L_overlay_start_0:
0x88: {  	s0 =	sld [smem:$0x3FD9]  }
0x89: {  	s1 =	sld [smem:$0x3FFE];
	_ =	sdelay $0x3  }
0x8a: {  	s0 =	sadd.s32 s1, s0  }
0x8b: {  	[smem:$0x3FB6] =	sst s0  }
0x8c: {  	_ = 	snop  }
0x8d: {  	(tm) =	ssettm $0x1  }
0x8e: {  	s15 =	sld [smem:$0x3FFB];
	_ =	sdelay $0x3  }
0x8f: {  	_ =	strace s15  }
0x90: {  	s0 =	sld [smem:$0x3FFC];
	_ =	sdelay $0x3  }
0x91: {  	_ =	strace s0  }
0x92: {  	s0 =	sld [smem:$0x3FFD];
	_ =	sdelay $0x3  }
0x93: {  	_ =	strace s0  }
0x94: {  	_ =	strace $0x8FFFFFFF  }
0x95: {  	s16 =	sld [smem:$0x3FDB];
	_ =	sdelay $0x1  }
0x96: {  	s17 =	simm.s32 $_scs_section_size  }
0x97: {  	s2 =	simm.s32 $_size__tile_overlayer_lowered;
	s3 =	simm.s32 $_tile_overlayer_lowered  }
0x98: {  	s20 =	simm.s32 $0x1BFF;
	s19 =	sshll.u32 s3, $0x1;
	s0 =	sadd.s32 s17, s16  }
0x99: {  	s4 =	simm.s32 $0x0;
	s18 =	sshll.u32 s2, $0x1;
	s2 =	sadd.s32 s19, s0  }
0x9a: {  	[timem:s4], [sflag:s20] =	dma.local [hbm:s2], s18  }
0x9b: {  	_ =	swait.ge [sflag:s20], s18  }
0x9c: {  	s1 =	ssub.s32 $0x0, s18;
	[sflag:s20] =	ssyncset.done $0x0  }
0x9d: {  	[sflag:s20] =	ssyncadd.s32 s1;
	_ =	sdelay $0x1  }
0x9e: {  	s21 =	simm.s32 $0x1B8B  }
0x9f: {  	_ =	swait.ge [sflag:s21], $0x1  }
0xa0: {  	[sflag:s21] =	ssyncset.done $0x0  }
0xa1: {  	s23 =	simm.s32 $0x1B8E;
	s22 =	sld [smem:$0x3FFE];
	[sflag:s21] =	ssyncadd.s32 $0xFFFFFFFF  }
0xa2: {  	s24 =	simm.s32 $execute0_lowered;
	[smem:$0x3FD2] =	sst s23  }
0xa3: {  	s2 =	sshll.u32 s24, $0x1;
	_ =	strace $0x80000055;
	[dreg:$0x1] =	wrdreg $0xFFFFFFFF  }
0xa4: {  	s25 =	simm.s32 $_size_execute0_lowered;
	s0 =	sadd.s32 s0, s2;
	[dreg:$0x0] =	wrdreg $0x0  }
0xa5: {  	s2 =	sshll.u32 s25, $0x1;
	[dreg:$0x2] =	wrdreg s0  }
0xa6: {  	[dreg:$0x3] =	wrdreg s2  }
0xa7: {  	[dreg:$0x4] =	wrdreg $0xC0  }
0xa8: {  	_ =	task [dreg:s4], $0x5FFFF  }
0xa9: {  	[dreg:$0x1] =	wrdreg $0xFFFFFFFF  }
0xaa: {  	[dreg:$0x0] =	wrdreg $0x60  }
0xab: {  	[dreg:$0x2] =	wrdreg s22  }
0xac: {  	[dreg:$0x3] =	wrdreg $0x9  }
0xad: {  	_ =	task.clear_ibuf [dreg:s4], $0x4FFFF;
	_ =	strace $0x90000055  }
0xae: {  	s26 =	simm.s32 $0x9;
	_ =	strace $0x80000057  }
0xaf: {  	_ =	swait.ge [sflag:s26], $0x1  }
0xb0: {  	[sflag:s26] =	ssyncadd.s32 $0xFFFFFFFF  }
0xb1: {  	_ =	strace $0x90000057  }
0xb2: {  	_ =	sfence  }
0xb3: {  	s28 =	sld [smem:$0x0];
	_ =	sdelay $0x1  }
0xb4: {  	s29 =	srdreg.scid  }
0xb5: {  	s30 =	sshll.u32 s29, $0xD;
	s31 =	sshrl.u32 s29, $0x2  }
0xb6: {  	s1 =	sand.u32 $0x1, s29;
	s2 =	sand.u32 $0x4000, s30;
	s0 =	sadd.s32 s31, s28  }
0xb7: {  	s1 =	sor.u32 s2, s1;
	s0 =	sshll.u32 s0, $0x11  }
0xb8: {  	s0 =	sor.u32 s0, s1  }
0xb9: {  	s0 =	sadd.s32 $0x8F2B, s0  }
0xba: {  	[sflag:s0] =	ssyncadd.remote.s32 $0x1  }
0xbb: {  	_ =	sfence.sel $0xFFFF  }
0xbc: {  	[dreg:$0x0] =	wrdreg $0xFFFFFFFF;
	(pc) =	sbr.abs _section_cstart, $3  }
0xbd: {  	[dreg:$0x1] =	wrdreg $0xFFFFFFFF  }
0xbe: {  	_ =	task.clear_ibuf [dreg:s4], $0x2FFFF;
	_ =	strace $0x9FFFFFFF  }
0xbf: {  	(tm) =	ssettm $0x7FFFFFFF  }
tec
execute0_lowered:
.L_overlay_start_1:
0x0: {  	(tag) =	ssettag $0x1  }
0x1: {  	s7 =	rddreg [dreg:$0x0]  }
0x2: {  	s0 =	rddreg [dreg:$0x1]  }
0x3: {  	_ =	strace $0x80000056;
	s3 =	stileid.u32;
	s4 =	simm.s32 $0x3E  }
0x4: {  	s1 =	sadd.s32 $0xA000, s7;
	p0 =	sne.s32 s3, $0x0;
	[sflag:s4] =	ssyncpa.u1 $0x0  }
0x5: {  	s30 =	smin.u32 s3, $0x9;
	s2 =	simm.s32 @!p0 $0x1C3E;
	s5 =	simm.s32 @!p0 $0x0  }
0x6: {  	[spmem:s5], [sflag:s2] =	dma.local @!p0 [hbm:s1], $0x200  }
0x7: {  	s2 =	sadd.s32 s3, s30  }
0x8: {  	p1 =	slt.u32 s3, $0x9;
	s3 =	simm.s32 $0x320;
	s2 =	smul.u32 $0x190, s2  }
0x9: {  	s3 =	simm.s32 @!p1 $0x190  }
0xa: {  	s3 =	sadd.s32 s3, s2  }
0xb: {  	s3 =	smin.u32 s3, $0x2710  }
0xc: {  	s8 =	ssub.s32 s3, s2  }
0xd: {  	p1 =	sgt.s32 s8, $0x0  }
0xe: {  	s8 =	simm.s32 @!p1 $0x0  }
0xf: {  	s6 =	sand.u32 $0xFFF0, s8  }
0x10: {  	s5 =	simm.s32 @!p0 $0x3E;
	s6 =	sshrl.u32 s6, $0x4  }
0x11: {  	_ =	swait.ge @!p0 [sflag:s5], $0x200;
	s31 =	smul.u32 $0xA3E, s6  }
0x12: {  	[sflag:s5] =	ssyncset.done @!p0 $0x0  }
0x13: {  	[sflag:s5] =	ssyncadd.s32 @!p0 $0xFFFFFE00;
	s9 =	sshrl.u32 s31, $0x10  }
0x14: {  	s11 =	simm.s32 $0x0;
	[bflag:$0x0] =	sbarrier.arrive $0xFFFF;
	s10 =	smul.u32 $0x190, s9  }
.Ltmp0:
0x15: {  	[sflag:s4] =	ssyncpa.u1 $0x1;
	s4 =	simm.s32 $0x1;
	(pc) =	sbr.rel .LBB2_1-.Ltmp0, $4  }
0x16: {  	s5 =	sadd.s32 $0xA800, s7;
	s7 =	sadd.s32 $0xDC00, s7;
	[sflag:s4] =	ssyncpa.u1 $0x0  }
0x17: {  	s6 =	simm.s32 $0x2;
	p1 =	sne.s32 s8, s10;
	s8 =	simm.s32 $0x1  }
0x18: {  	(ifvalue) =	ssetifvalue $0x1000;
	[sflag:s6] =	ssyncpa.u1 $0x0;
	s8 =	simm.s32 @!p1 $0x0  }
0x19: {  	vm0 =	vmmov $0xffff;
	s10 =	smov.u32 s2;
	s8 =	sadd.s32 s9, s8;
	s9 =	simm.s32 $0x0  }
.LBB2_5:
0x1a: {  	p2 =	sne.s32 s11, s8  }
.Ltmp1:
0x1b: {  	_ = 	snop;
	(pc) =	sbr.rel @!p2 .LBB2_6-.Ltmp1, $4  }
0x1c: {  	_ = 	snop  }
0x1d: {  	s12 =	sadd.s32 $0x190, s10  }
0x1e: {  	s10 =	smov.u32 s2;
	s13 =	sadd.s32 $0x1, s11;
	p1 =	slt.s32 s12, s3  }
0x1f: {  	s11 =	smov.u32 s13;
	s10 =	smov.u32 @p1 s12  }
.LBB2_1:
0x20: {  	p1 =	sge.u32 s11, s8  }
0x21: {  	s12 =	sxor.u32 @!p1 $0xFFFFFFFF, s11  }
0x22: {  	s12 =	sand.u32 @!p1 $0x1, s12  }
0x23: {  	s12 =	smul.u32 @!p1 $0x190, s12  }
0x24: {  	s13 =	sshrl.u32 @!p1 s10, $0x3  }
0x25: {  	s16 =	sand.u32 @!p1 $0x7, s10;
	s14 =	sadd.s32 @!p1 s5, s13;
	s15 =	sadd.s32 @!p1 $0x100, s12  }
0x26: {  	[tilespmem:s15], [sflag:$0x2] =	stream.linear.gather @!p1 [hbm4b:s14+s16], $0x190, $0x38;
	[tilespmem:$0x740] =	vst v63  }
0x27: {  	s13 =	sadd.s32 @!p1 s7, s13;
	s12 =	sadd.s32 @!p1 $0x420, s12  }
0x28: {  	[tilespmem:s12], [sflag:$0x2] =	stream.linear.gather @!p1 [hbm4b:s13+s16], $0x190, $0x38;
	[tilespmem:$0x740] =	vst v63  }
0x29: {  	p1 =	seq.s32 s11, $0x0  }
.Ltmp2:
0x2a: {  	_ = 	snop;
	(pc) =	sbr.rel @p1 .LBB2_5-.Ltmp2, $1  }
0x2b: {  	_ =	sdelay $0x3  }
0x2c: {  	s12 =	sand.u32 $0x1, s11  }
0x2d: {  	_ =	swait.ge [sflag:s6], $0x320;
	p1 =	seq.s32 s12, $0x1;
	s12 =	simm.s32 $0x190  }
0x2e: {  	[sflag:s6] =	ssyncset.done $0x0;
	s12 =	simm.s32 @!p1 $0x0  }
0x2f: {  	[sflag:s6] =	ssyncadd.s32 $0xFFFFFCE0;
	s14 =	sadd.s32 $0x100, s12  }
0x30: {  	v0 =	vld.msk [tilespmem:s14+$0x0 ss:$0x1], $0xffff;
	_ =	sdelay $0x4  }
0x31: {  	v0 =	vmin.u32 v0, $0x1000;
	_ =	sdelay $0x3  }
0x32: {  	s13 =	simm.s32 $0x0;
	s12 =	sor.u32 $0x420, s12;
	s14 =	sadd.s32 $0x10, s14  }
0x33: {  	[spmem:s9] =	stream.indirect_vreg.scatter.add.s32 [tilespmem:s12], [sflag:$0x1], $0x1, v0, vm0, $0x4038;
	[tilespmem:$0x740] =	vst v63  }
.LBB2_3:
0x34: {  	v0 =	vld.msk [tilespmem:s14+$0x0 ss:$0x1], $0xffff;
	s13 =	sadd.s32 $0x10, s13  }
0x35: {  	p1 =	slt.u32 s13, $0x180;
	_ =	sdelay $0x4  }
0x36: {  	v0 =	vmin.u32 v0, $0x1000  }
.Ltmp3:
0x37: {  	(pc) =	sbr.rel @p1 .LBB2_3-.Ltmp3, $3  }
0x38: {  	_ =	sdelay $0x1  }
0x39: {  	s14 =	sadd.s32 $0x10, s14;
	s12 =	sadd.s32 $0x10, s12  }
0x3a: {  	[spmem:s9] =	stream.indirect_vreg.scatter.add.s32 [tilespmem:s12], [sflag:$0x1], $0x1, v0, vm0, $0x4038;
	[tilespmem:$0x740] =	vst v63  }
.Ltmp4:
0x3b: {  	(pc) =	sbr.rel .LBB2_5-.Ltmp4, $4  }
0x3c: {  	_ = 	snop  }
0x3d: {  	_ =	swait.ge [sflag:s4], $0x190  }
0x3e: {  	[sflag:s4] =	ssyncset.done $0x0  }
0x3f: {  	[sflag:s4] =	ssyncadd.s32 $0xFFFFFE70  }
.LBB2_6:
0x40: {  	_ =	sfence.sel $0x180000  }
0x41: {  	s2 =	simm.s32 $0x2;
	[bflag:$0x0] =	sbarrier.arrive $0xFFFF  }
0x42: {  	s30 =	simm.s32 $0x1;
	[sflag:s2] =	ssyncpa.u1 $0x1  }
0x43: {  	[sflag:s30] =	ssyncpa.u1 $0x1  }
0x44: {  	_ =	sfence.stream.spmem  }
0x45: {  	s31 =	simm.s32 $0x3D;
	[bflag:$0x0] =	sbarrier.arrive $0xFFFF  }
0x46: {  	s2 =	simm.s32 @p0 $0x3D;
	[sflag:s31] =	ssyncpa.u1 $0x0  }
0x47: {  	[sflag:s2] =	ssyncpa.u1 @p0 $0x1  }
0x48: {  	[bflag:$0x0] =	sbarrier.arrive @p0 $0xFFFF  }
0x49: {  	_ =	strace @p0 $0x90000056  }
0x4a: {  	s3 =	simm.s32 @!p0 $0x1C3D;
	s2 =	simm.s32 @!p0 $0x0;
	[bflag:$0x2] =	sbarrier.arrive @p0 $0xFFFF  }
0x4b: {  	[hbm:s1], [sflag:s3] =	dma.local @!p0 [spmem:s2], $0x200  }
0x4c: {  	s1 =	simm.s32 @!p0 $0x3D  }
0x4d: {  	_ =	swait.ge @!p0 [sflag:s1], $0x200  }
0x4e: {  	[sflag:s1] =	ssyncset.done @!p0 $0x0  }
0x4f: {  	[sflag:s1] =	ssyncadd.s32 @!p0 $0xFFFFFE00  }
0x50: {  	[sflag:s1] =	ssyncpa.u1 @!p0 $0x1  }
0x51: {  	[bflag:$0x0] =	sbarrier.arrive @!p0 $0xFFFF  }
0x52: {  	_ =	strace @!p0 $0x90000056  }
0x53: {  	s0 =	sadd.s32 @!p0 $0x100000, s0;
	[bflag:$0x2] =	sbarrier.arrive @!p0 $0xFFFF  }
0x54: {  	[sflag:s0] =	ssyncadd.tile.s32 @!p0 $0x1;
	_ =	shalt  }
.Lfunc_end2:
_tile_overlayer_lowered:
.L_overlay_start_2:
0x55: {  	(tag) =	ssettag $0x2  }
0x56: {  	s0 =	rddreg [dreg:$0x0];
	s2 =	stileid.u32  }
0x57: {  	s1 =	rddreg [dreg:$0x1];
	p0 =	sne.s32 s2, $0x0  }
0x58: {  	s3 =	rddreg [dreg:$0x2];
	[bflag:$0x3] =	sbarrier.arrive $0xFFFF;
	s2 =	simm.s32 @!p0 $0x1C01  }
0x59: {  	[timem:s3], [sflag:s2] =	dma.local @!p0 [hbm:s0], s1  }
0x5a: {  	s0 =	simm.s32 @!p0 $0x1  }
0x5b: {  	_ =	swait.ge @!p0 [sflag:s0], s1  }
0x5c: {  	s1 =	ssub.s32 @!p0 $0x0, s1;
	[sflag:s0] =	ssyncset.done @!p0 $0x0  }
0x5d: {  	[sflag:s0] =	ssyncadd.s32 @!p0 s1  }
0x5e: {  	[bflag:$0x3] =	sbarrier.arrive $0xFFFF  }
0x5f: {  	_ =	shalt  }

// kernel: scatter_offload_async_start
scs
__scs_entry_jumppad:
0x0: {  	(pc) =	sbr.rel $0x88, $3  }
0x1: {  	(tag) =	ssettag $0x0;
	lr =	simm.s32 $0x1  }
0x2: {  	[smem:$0x3F8F] =	sst lr;
	_ =	strace $0xD0000000  }
0x3: {  	_ = 	snop  }
0x4: {  	_ = 	snop  }
0x5: {  	_ = 	snop  }
0x6: {  	_ = 	snop  }
0x7: {  	_ = 	snop  }
__scs_overlays_trampoline_lowered:
0x8: {  	[smem:$0x3F9E] =	sst s0  }
0x9: {  	[smem:$0x3F9F] =	sst s1  }
0xa: {  	[smem:$0x3FA0] =	sst s2  }
0xb: {  	[smem:$0x3FA1] =	sst s3  }
0xc: {  	[smem:$0x3FA2] =	sst s4  }
0xd: {  	[smem:$0x3FA3] =	sst s5  }
0xe: {  	[smem:$0x3FA4] =	sst s6  }
0xf: {  	[smem:$0x3FA5] =	sst s7  }
0x10: {  	[smem:$0x3FA6] =	sst s8  }
0x11: {  	[smem:$0x3FA7] =	sst s9;
	s0 =	simm.s32 @!p0 $0x0  }
0x12: {  	s1 =	sld [smem:$0x3F8D];
	s0 =	simm.s32 @p0 $0x1  }
0x13: {  	[smem:$0x3FA8] =	sst s0;
	s0 =	simm.s32 @!p1 $0x0  }
0x14: {  	s2 =	sld [smem:$0x3F8C];
	s0 =	simm.s32 @p1 $0x1  }
0x15: {  	[smem:$0x3FA9] =	sst s0;
	s0 =	simm.s32 @!p2 $0x0  }
0x16: {  	s3 =	sld [smem:$0x3FDB];
	s0 =	simm.s32 @p2 $0x1  }
0x17: {  	s4 =	simm.s32 $0x1BF5;
	[smem:$0x3FAB] =	sst s0  }
0x18: {  	s0 =	sld [smem:$0x3F8E];
	_ =	swait.ge [sflag:s4], $0x0  }
0x19: {  	s7 =	sld [smem:$0x3F8F]  }
0x1a: {  	s8 =	sadd.s32 $0xFFFFE003, lr  }
0x1b: {  	s9 =	sadd.s32 $0xFFFFFEF7, lr;
	s5 =	simm.s32 $0xFFFFFFFF;
	p2 =	slt.u32 s8, $0xFFFFF086  }
0x1c: {  	p1 =	slt.u32 s9, $0xF7A;
	s5 =	simm.s32 @!p2 $0x0  }
0x1d: {  	s5 =	simm.s32 @p1 $0x1;
	p0 =	seq.s32 s7, s2  }
0x1e: {  	s7 =	smul.u32 @!p0 $0xF7A, s2;
	p2 =	seq.s32 @!p0 s5, $0x0  }
0x1f: {  	s9 =	smul.u32 $0xF7A, s1;
	s8 =	simm.s32 @!p0 $0x1BF5;
	p2 =	por !p2, p0  }
0x20: {  	[sflag:s8] =	ssyncset.s32 @!p0 $0xFFFFF086;
	s6 =	sadd.s32 @!p0 s3, s7;
	s7 =	simm.s32 @!p0 $0x108  }
0x21: {  	s3 =	sadd.s32 s3, s9;
	s6 =	sadd.s32 @!p0 $0x88, s6;
	s7 =	simm.s32 @p2 $0x1082  }
0x22: {  	[simem:s7], [sflag:s8] =	dma.local @!p0 [hbm:s6], $0xF7A  }
0x23: {  	s9 =	sor.u32 $0xD0000000, s2;
	s6 =	simm.s32 $0x108;
	_ =	swait.ge @!p0 [sflag:s8], $0x0  }
0x24: {  	s3 =	sadd.s32 $0x88, s3;
	s6 =	simm.s32 @!p1 $0x1082;
	[sflag:s4] =	ssyncset.s32 $0xFFFFF086  }
0x25: {  	[simem:s6], [sflag:s4] =	dma.local [hbm:s3], $0xF7A  }
0x26: {  	[smem:$0x3F8F] =	sst s1;
	(tag) =	ssettag s2;
	_ =	strace s9  }
0x27: {  	s1 =	sld [smem:$0x3F9F]  }
0x28: {  	s2 =	sld [smem:$0x3FA0]  }
0x29: {  	s4 =	sld [smem:$0x3FA2]  }
0x2a: {  	p0 =	seq.s32 s5, $0x0;
	s5 =	sld [smem:$0x3FA3]  }
0x2b: {  	s6 =	sld [smem:$0x3FA4]  }
0x2c: {  	s7 =	sld [smem:$0x3FA5]  }
0x2d: {  	s3 =	simm.s32 $0x108;
	s8 =	sld [smem:$0x3FA6]  }
0x2e: {  	s3 =	simm.s32 @!p0 $0x1082;
	s9 =	sld [smem:$0x3FA7]  }
0x2f: {  	lr =	sadd.s32 s0, s3;
	s0 =	sld [smem:$0x3F9E]  }
0x30: {  	s3 =	sld [smem:$0x3FA1]  }
0x31: {  	[smem:$0x3FAA] =	sst s10  }
0x32: {  	s10 =	sld [smem:$0x3FA8];
	_ =	sdelay $0x3  }
0x33: {  	p0 =	seq.s32 s10, $0x1;
	s10 =	sld [smem:$0x3FAA];
	_ =	sdelay $0x3  }
0x34: {  	[smem:$0x3FAA] =	sst s10  }
0x35: {  	s10 =	sld [smem:$0x3FA9];
	_ =	sdelay $0x3  }
0x36: {  	p1 =	seq.s32 s10, $0x1;
	s10 =	sld [smem:$0x3FAA];
	_ =	sdelay $0x3  }
0x37: {  	[smem:$0x3FAA] =	sst s10  }
0x38: {  	s10 =	sld [smem:$0x3FAB]  }
0x39: {  	_ = 	snop;
	(pc) =	sbr.ind lr, $3  }
0x3a: {  	_ = 	snop  }
0x3b: {  	_ = 	snop  }
0x3c: {  	p2 =	seq.s32 s10, $0x1;
	s10 =	sld [smem:$0x3FAA]  }
0x3d: {  	_ =	shalt  }
0x3e: {  	_ =	shalt  }
0x3f: {  	_ =	shalt  }
0x40: {  	_ =	shalt  }
0x41: {  	_ =	shalt  }
0x42: {  	_ =	shalt  }
0x43: {  	_ =	shalt  }
0x44: {  	_ =	shalt  }
0x45: {  	_ =	shalt  }
0x46: {  	_ =	shalt  }
0x47: {  	_ =	shalt  }
0x48: {  	_ =	shalt  }
0x49: {  	_ =	shalt  }
0x4a: {  	_ =	shalt  }
0x4b: {  	_ =	shalt  }
0x4c: {  	_ =	shalt  }
0x4d: {  	_ =	shalt  }
0x4e: {  	_ =	shalt  }
0x4f: {  	_ =	shalt  }
0x50: {  	_ =	shalt  }
0x51: {  	_ =	shalt  }
0x52: {  	_ =	shalt  }
0x53: {  	_ =	shalt  }
0x54: {  	_ =	shalt  }
0x55: {  	_ =	shalt  }
0x56: {  	_ =	shalt  }
0x57: {  	_ =	shalt  }
0x58: {  	_ =	shalt  }
0x59: {  	_ =	shalt  }
0x5a: {  	_ =	shalt  }
0x5b: {  	_ =	shalt  }
0x5c: {  	_ =	shalt  }
0x5d: {  	_ =	shalt  }
0x5e: {  	_ =	shalt  }
0x5f: {  	_ =	shalt  }
0x60: {  	_ =	shalt  }
0x61: {  	_ =	shalt  }
0x62: {  	_ =	shalt  }
0x63: {  	_ =	shalt  }
0x64: {  	_ =	shalt  }
0x65: {  	_ =	shalt  }
0x66: {  	_ =	shalt  }
0x67: {  	_ =	shalt  }
0x68: {  	_ =	shalt  }
0x69: {  	_ =	shalt  }
0x6a: {  	_ =	shalt  }
0x6b: {  	_ =	shalt  }
0x6c: {  	_ =	shalt  }
0x6d: {  	_ =	shalt  }
0x6e: {  	_ =	shalt  }
0x6f: {  	_ =	shalt  }
0x70: {  	_ =	shalt  }
0x71: {  	_ =	shalt  }
0x72: {  	_ =	shalt  }
0x73: {  	_ =	shalt  }
0x74: {  	_ =	shalt  }
0x75: {  	_ =	shalt  }
0x76: {  	_ =	shalt  }
0x77: {  	_ =	shalt  }
0x78: {  	_ =	shalt  }
0x79: {  	_ =	shalt  }
0x7a: {  	_ =	shalt  }
0x7b: {  	_ =	shalt  }
0x7c: {  	_ =	shalt  }
0x7d: {  	_ =	shalt  }
0x7e: {  	_ =	shalt  }
0x7f: {  	_ =	shalt  }
0x80: {  	_ =	shalt  }
0x81: {  	_ =	shalt  }
0x82: {  	_ =	shalt  }
0x83: {  	_ =	shalt  }
0x84: {  	_ =	shalt  }
0x85: {  	_ =	shalt  }
0x86: {  	_ =	shalt  }
0x87: {  	_ =	shalt  }
.Lfunc_end0:
.L_simem_size_0:
called_computation_lowered:
.L_overlay_start_0:
0x88: {  	s0 =	sld [smem:$0x3FD9]  }
0x89: {  	s1 =	sld [smem:$0x3FFE];
	_ =	sdelay $0x3  }
0x8a: {  	s0 =	sadd.s32 s1, s0  }
0x8b: {  	[smem:$0x3FB6] =	sst s0  }
0x8c: {  	_ = 	snop  }
0x8d: {  	s0 =	sld [smem:$0x3FD0];
	_ =	sdelay $0x2  }
0x8e: {  	s13 =	simm.s32 $0xD;
	s2 =	simm.s32 $0x10  }
0x8f: {  	[smem:s2], [sflag:s13] =	dma.local [hbm:s0], $0x1  }
0x90: {  	_ =	swait.eq [sflag:s13], $0x1  }
0x91: {  	[sflag:s13] =	ssyncset.done $0x0  }
0x92: {  	[sflag:s13] =	ssyncadd.s32 $0xFFFFFFFF  }
0x93: {  	s14 =	sld [smem:$0x14];
	(tm) =	ssettm $0x1  }
0x94: {  	s15 =	sld [smem:$0x3FFB];
	_ =	sdelay $0x3  }
0x95: {  	_ =	strace s15  }
0x96: {  	s1 =	sld [smem:$0x3FFC];
	_ =	sdelay $0x3  }
0x97: {  	_ =	strace s1  }
0x98: {  	s1 =	sld [smem:$0x3FFD];
	_ =	sdelay $0x3  }
0x99: {  	_ =	strace s1  }
0x9a: {  	_ =	strace $0x8FFFFFFF  }
0x9b: {  	s16 =	sld [smem:$0x3FDB];
	_ =	sdelay $0x1  }
0x9c: {  	s17 =	simm.s32 $_scs_section_size  }
0x9d: {  	s3 =	simm.s32 $_size__tile_overlayer_lowered;
	s4 =	simm.s32 $_tile_overlayer_lowered  }
0x9e: {  	s20 =	simm.s32 $0x1BFF;
	s19 =	sshll.u32 s4, $0x1;
	s1 =	sadd.s32 s17, s16  }
0x9f: {  	s5 =	simm.s32 $0x0;
	s18 =	sshll.u32 s3, $0x1;
	s3 =	sadd.s32 s19, s1  }
0xa0: {  	[timem:s5], [sflag:s20] =	dma.local [hbm:s3], s18  }
0xa1: {  	_ =	swait.ge [sflag:s20], s18  }
0xa2: {  	s2 =	ssub.s32 $0x0, s18;
	[sflag:s20] =	ssyncset.done $0x0  }
0xa3: {  	[sflag:s20] =	ssyncadd.s32 s2;
	_ =	sdelay $0x1  }
0xa4: {  	s21 =	simm.s32 $0x1B8B  }
0xa5: {  	_ =	swait.ge [sflag:s21], $0x1  }
0xa6: {  	[sflag:s21] =	ssyncset.done $0x0  }
0xa7: {  	s23 =	simm.s32 $0x1B8E;
	s22 =	sld [smem:$0x3FFE];
	[sflag:s21] =	ssyncadd.s32 $0xFFFFFFFF  }
0xa8: {  	s24 =	simm.s32 $execute0_lowered;
	[smem:$0x3FD2] =	sst s23  }
0xa9: {  	s3 =	sshll.u32 s24, $0x1;
	_ =	strace $0x80000046;
	[dreg:$0x1] =	wrdreg $0xFFFFFFFF  }
0xaa: {  	s25 =	simm.s32 $_size_execute0_lowered;
	s1 =	sadd.s32 s1, s3;
	[dreg:$0x0] =	wrdreg $0x0  }
0xab: {  	s3 =	sshll.u32 s25, $0x1;
	[dreg:$0x2] =	wrdreg s1  }
0xac: {  	[dreg:$0x3] =	wrdreg s3  }
0xad: {  	[dreg:$0x4] =	wrdreg $0xC0  }
0xae: {  	_ =	task [dreg:s5], $0x5FFFF  }
0xaf: {  	[dreg:$0x1] =	wrdreg $0xFFFFFFFF  }
0xb0: {  	[dreg:$0x0] =	wrdreg $0x60  }
0xb1: {  	[dreg:$0x2] =	wrdreg s14  }
0xb2: {  	[dreg:$0x3] =	wrdreg s22  }
0xb3: {  	[dreg:$0x4] =	wrdreg $0x9  }
0xb4: {  	_ =	task.clear_ibuf [dreg:s5], $0x5FFFF;
	_ =	strace $0x90000046  }
0xb5: {  	s26 =	simm.s32 $0x9;
	_ =	strace $0x80000048  }
0xb6: {  	_ =	swait.ge [sflag:s26], $0x1  }
0xb7: {  	[sflag:s26] =	ssyncadd.s32 $0xFFFFFFFF  }
0xb8: {  	_ =	strace $0x90000048  }
0xb9: {  	_ =	sfence  }
0xba: {  	s28 =	sld [smem:$0x0];
	_ =	sdelay $0x1  }
0xbb: {  	s29 =	srdreg.scid  }
0xbc: {  	s30 =	sshll.u32 s29, $0xD;
	s31 =	sshrl.u32 s29, $0x2  }
0xbd: {  	s2 =	sand.u32 $0x4000, s30;
	s1 =	sand.u32 $0x1, s29;
	s0 =	sadd.s32 s31, s28  }
0xbe: {  	s1 =	sor.u32 s2, s1;
	s0 =	sshll.u32 s0, $0x11  }
0xbf: {  	s0 =	sor.u32 s0, s1  }
0xc0: {  	s0 =	sadd.s32 $0x8F2B, s0  }
0xc1: {  	[sflag:s0] =	ssyncadd.remote.s32 $0x1  }
0xc2: {  	_ =	sfence.sel $0xFFFF  }
0xc3: {  	[dreg:$0x0] =	wrdreg $0xFFFFFFFF;
	(pc) =	sbr.abs _section_cstart, $3  }
0xc4: {  	[dreg:$0x1] =	wrdreg $0xFFFFFFFF  }
0xc5: {  	_ =	task.clear_ibuf [dreg:s5], $0x2FFFF;
	_ =	strace $0x9FFFFFFF  }
0xc6: {  	(tm) =	ssettm $0x7FFFFFFF  }
0xc7: {  	_ =	shalt  }
tec
execute0_lowered:
.L_overlay_start_1:
0x0: {  	(tag) =	ssettag $0x1  }
0x1: {  	s1 =	rddreg [dreg:$0x0]  }
0x2: {  	s7 =	rddreg [dreg:$0x1]  }
0x3: {  	s0 =	rddreg [dreg:$0x2]  }
0x4: {  	s3 =	stileid.u32;
	_ =	strace $0x80000047;
	s4 =	simm.s32 $0x3E  }
0x5: {  	p0 =	sne.s32 s3, $0x0;
	[sflag:s4] =	ssyncpa.u1 $0x0;
	s29 =	smin.u32 s3, $0x8  }
0x6: {  	s30 =	sshll.u32 s3, $0x1;
	s2 =	simm.s32 @!p0 $0x1C3E;
	s5 =	simm.s32 @!p0 $0x0  }
0x7: {  	[spmem:s5], [sflag:s2] =	dma.local @!p0 [hbm:s1], $0x200  }
0x8: {  	s2 =	sadd.s32 s29, s30  }
0x9: {  	p1 =	slt.u32 s3, $0x8;
	s3 =	simm.s32 $0x5DC0;
	s2 =	smul.u32 $0x1F40, s2  }
0xa: {  	s3 =	simm.s32 @!p1 $0x3E80  }
0xb: {  	s3 =	sadd.s32 s3, s2  }
0xc: {  	s3 =	smin.u32 s3, $0x4E200  }
0xd: {  	s8 =	ssub.s32 s3, s2  }
0xe: {  	p1 =	sgt.s32 s8, $0x0  }
0xf: {  	s8 =	simm.s32 @!p1 $0x0  }
0x10: {  	s5 =	simm.s32 @!p0 $0x3E;
	s31 =	smulhi.u32 $0x10624DD3, s8  }
0x11: {  	_ =	swait.ge @!p0 [sflag:s5], $0x200  }
0x12: {  	s6 =	simm.s32 $0x2;
	[sflag:s5] =	ssyncset.done @!p0 $0x0;
	s9 =	sshrl.u32 s31, $0x9  }
0x13: {  	s11 =	simm.s32 $0x0;
	[sflag:s5] =	ssyncadd.s32 @!p0 $0xFFFFFE00;
	s10 =	smul.u32 $0x1F40, s9  }
.Ltmp0:
0x14: {  	s5 =	sadd.s32 $0xA000, s7;
	[bflag:$0x0] =	sbarrier.arrive $0xFFFF;
	(pc) =	sbr.rel .LBB2_1-.Ltmp0, $4  }
0x15: {  	s7 =	sadd.s32 $0x13E00, s7;
	[sflag:s4] =	ssyncpa.u1 $0x1;
	s4 =	simm.s32 $0x1  }
0x16: {  	[sflag:s4] =	ssyncpa.u1 $0x0;
	p1 =	sne.s32 s8, s10;
	s8 =	simm.s32 $0x1  }
0x17: {  	(ifvalue) =	ssetifvalue $0x1000;
	[sflag:s6] =	ssyncpa.u1 $0x0;
	s8 =	simm.s32 @!p1 $0x0  }
0x18: {  	vm0 =	vmmov $0xffff;
	s10 =	smov.u32 s2;
	s8 =	sadd.s32 s8, s9;
	s9 =	simm.s32 $0x0  }
.LBB2_5:
0x19: {  	p2 =	sne.s32 s11, s8  }
.Ltmp1:
0x1a: {  	_ = 	snop;
	(pc) =	sbr.rel @!p2 .LBB2_6-.Ltmp1, $4  }
0x1b: {  	_ = 	snop  }
0x1c: {  	s12 =	sadd.s32 $0x1F40, s10  }
0x1d: {  	s10 =	smov.u32 s2;
	s13 =	sadd.s32 $0x1, s11;
	p1 =	slt.s32 s12, s3  }
0x1e: {  	s11 =	smov.u32 s13;
	s10 =	smov.u32 @p1 s12  }
.LBB2_1:
0x1f: {  	p1 =	sge.u32 s11, s8  }
0x20: {  	s12 =	sxor.u32 @!p1 $0xFFFFFFFF, s11  }
0x21: {  	s12 =	sand.u32 @!p1 $0x1, s12  }
0x22: {  	s12 =	smul.u32 @!p1 $0x1F40, s12  }
0x23: {  	s13 =	sshrl.u32 @!p1 s10, $0x3  }
0x24: {  	s16 =	sand.u32 @!p1 $0x7, s10;
	s14 =	sadd.s32 @!p1 s5, s13;
	s15 =	sadd.s32 @!p1 $0x100, s12  }
0x25: {  	[tilespmem:s15], [sflag:$0x2] =	stream.linear.gather @!p1 [hbm4b:s14+s16], $0x1F40, $0x38;
	[tilespmem:$0x7E00] =	vst v63  }
0x26: {  	s13 =	sadd.s32 @!p1 s7, s13;
	s12 =	sadd.s32 @!p1 $0x3F80, s12  }
0x27: {  	[tilespmem:s12], [sflag:$0x2] =	stream.linear.gather @!p1 [hbm4b:s13+s16], $0x1F40, $0x38;
	[tilespmem:$0x7E00] =	vst v63  }
0x28: {  	p1 =	seq.s32 s11, $0x0  }
.Ltmp2:
0x29: {  	_ = 	snop;
	(pc) =	sbr.rel @p1 .LBB2_5-.Ltmp2, $1  }
0x2a: {  	_ =	sdelay $0x3  }
0x2b: {  	s12 =	sand.u32 $0x1, s11  }
0x2c: {  	_ =	swait.ge [sflag:s6], $0x3E80;
	p1 =	seq.s32 s12, $0x1;
	s12 =	simm.s32 $0x1F40  }
0x2d: {  	[sflag:s6] =	ssyncset.done $0x0;
	s12 =	simm.s32 @!p1 $0x0  }
0x2e: {  	[sflag:s6] =	ssyncadd.s32 $0xFFFFC180;
	s14 =	sadd.s32 $0x100, s12  }
0x2f: {  	v0 =	vld.msk [tilespmem:s14+$0x0 ss:$0x1], $0xffff;
	_ =	sdelay $0x4  }
0x30: {  	v0 =	vmin.u32 v0, $0x1000;
	_ =	sdelay $0x3  }
0x31: {  	s13 =	simm.s32 $0x0;
	s12 =	sadd.s32 $0x3F80, s12;
	s14 =	sadd.s32 $0x10, s14  }
0x32: {  	[spmem:s9] =	stream.indirect_vreg.scatter.add.s32 [tilespmem:s12], [sflag:$0x1], $0x1, v0, vm0, $0x4038;
	[tilespmem:$0x7E00] =	vst v63  }
.LBB2_3:
0x33: {  	v0 =	vld.msk [tilespmem:s14+$0x0 ss:$0x1], $0xffff;
	s13 =	sadd.s32 $0x10, s13  }
0x34: {  	p1 =	slt.u32 s13, $0x1F30;
	_ =	sdelay $0x4  }
0x35: {  	v0 =	vmin.u32 v0, $0x1000  }
.Ltmp3:
0x36: {  	(pc) =	sbr.rel @p1 .LBB2_3-.Ltmp3, $3  }
0x37: {  	_ =	sdelay $0x1  }
0x38: {  	s14 =	sadd.s32 $0x10, s14;
	s12 =	sadd.s32 $0x10, s12  }
0x39: {  	[spmem:s9] =	stream.indirect_vreg.scatter.add.s32 [tilespmem:s12], [sflag:$0x1], $0x1, v0, vm0, $0x4038;
	[tilespmem:$0x7E00] =	vst v63  }
.Ltmp4:
0x3a: {  	(pc) =	sbr.rel .LBB2_5-.Ltmp4, $4  }
0x3b: {  	_ = 	snop  }
0x3c: {  	_ =	swait.ge [sflag:s4], $0x1F40  }
0x3d: {  	[sflag:s4] =	ssyncset.done $0x0  }
0x3e: {  	[sflag:s4] =	ssyncadd.s32 $0xFFFFE0C0  }
.LBB2_6:
0x3f: {  	_ =	sfence.sel $0x180000  }
0x40: {  	s2 =	simm.s32 $0x2;
	[bflag:$0x0] =	sbarrier.arrive $0xFFFF  }
0x41: {  	s30 =	simm.s32 $0x1;
	[sflag:s2] =	ssyncpa.u1 $0x1  }
0x42: {  	[sflag:s30] =	ssyncpa.u1 $0x1  }
0x43: {  	_ =	sfence.stream.spmem  }
0x44: {  	s31 =	simm.s32 $0x3D;
	[bflag:$0x0] =	sbarrier.arrive $0xFFFF  }
0x45: {  	s2 =	simm.s32 @p0 $0x3D;
	[sflag:s31] =	ssyncpa.u1 $0x0  }
0x46: {  	[sflag:s2] =	ssyncpa.u1 @p0 $0x1  }
0x47: {  	[bflag:$0x0] =	sbarrier.arrive @p0 $0xFFFF  }
0x48: {  	_ =	strace @p0 $0x90000047  }
0x49: {  	s3 =	simm.s32 @!p0 $0x1C3D;
	s2 =	simm.s32 @!p0 $0x0;
	[bflag:$0x2] =	sbarrier.arrive @p0 $0xFFFF  }
0x4a: {  	[hbm:s1], [sflag:s3] =	dma.local @!p0 [spmem:s2], $0x200  }
0x4b: {  	s1 =	simm.s32 @!p0 $0x3D  }
0x4c: {  	_ =	swait.ge @!p0 [sflag:s1], $0x200  }
0x4d: {  	[sflag:s1] =	ssyncset.done @!p0 $0x0  }
0x4e: {  	[sflag:s1] =	ssyncadd.s32 @!p0 $0xFFFFFE00  }
0x4f: {  	[sflag:s1] =	ssyncpa.u1 @!p0 $0x1  }
0x50: {  	[bflag:$0x0] =	sbarrier.arrive @!p0 $0xFFFF  }
0x51: {  	_ =	strace @!p0 $0x90000047  }
0x52: {  	s0 =	sadd.s32 @!p0 $0x100000, s0;
	[bflag:$0x2] =	sbarrier.arrive @!p0 $0xFFFF  }
0x53: {  	[sflag:s0] =	ssyncadd.tile.s32 @!p0 $0x1;
	_ =	shalt  }
.Lfunc_end2:
_tile_overlayer_lowered:
.L_overlay_start_2:
0x54: {  	(tag) =	ssettag $0x2  }
0x55: {  	s0 =	rddreg [dreg:$0x0];
	s2 =	stileid.u32  }
0x56: {  	s1 =	rddreg [dreg:$0x1];
	p0 =	sne.s32 s2, $0x0  }
0x57: {  	s3 =	rddreg [dreg:$0x2];
	[bflag:$0x3] =	sbarrier.arrive $0xFFFF;
	s2 =	simm.s32 @!p0 $0x1C01  }
0x58: {  	[timem:s3], [sflag:s2] =	dma.local @!p0 [hbm:s0], s1  }
0x59: {  	s0 =	simm.s32 @!p0 $0x1  }
0x5a: {  	_ =	swait.ge @!p0 [sflag:s0], s1  }
0x5b: {  	s1 =	ssub.s32 @!p0 $0x0, s1;
	[sflag:s0] =	ssyncset.done @!p0 $0x0  }
0x5c: {  	[sflag:s0] =	ssyncadd.s32 @!p0 s1  }
0x5d: {  	[bflag:$0x3] =	sbarrier.arrive $0xFFFF  }
0x5e: {  	_ =	shalt  }

</sc_bundles>
